<compile_context>
chip_gen: v7x
topology: tpu7x:2x2x1
jax: 0.10.2.dev20260603
libtpu: 0.0.44.dev20260713+nightly
codegen_flags: <defaults>
</compile_context>

<pallas_src>
import functools

import jax
import jax.numpy as jnp
from jax import lax
from jax.experimental import pallas as pl
from jax.experimental.pallas import tpu as pltpu
from jax.experimental.pallas import tpu_sc as plsc

N = 100000
E = 1600000
EP = 1638400
C = 13568
NCH = 8
CH0 = 4
NPAD = NCH * C
SHIFT = 14
DMASK = (1 << SHIFT) - 1
SP = (C + 128) // 16
WS = C // 16
ET = EP // 16
B = 2048
NBLK = ET // B
NV = B // 16

_MESH = plsc.VectorSubcoreMesh(core_axis_name="c", subcore_axis_name="s")
_DN = lax.GatherDimensionNumbers(
    offset_dims=(), collapsed_slice_dims=(0,), start_index_map=(0,))


def _lane_gather(x, idx):
    return lax.gather(x, idx[:, None], _DN, slice_sizes=(1,),
                      mode=lax.GatherScatterMode.PROMISE_IN_BOUNDS)


def _prefix_incl(x, io16):
    for k in (1, 2, 4, 8):
        sh = _lane_gather(x, jnp.maximum(io16 - k, 0))
        x = x + jnp.where(io16 >= k, sh, 0)
    return x


def _compact(vals, mi, io16):
    pref = _prefix_incl(mi, io16)
    total = pref[15]
    pos = jnp.zeros((16,), jnp.int32)
    r = io16 + 1
    for b in (8, 4, 2, 1):
        npos = pos + b
        pv = _lane_gather(pref, npos - 1)
        pos = jnp.where(pv < r, npos, pos)
    return _lane_gather(vals, jnp.minimum(pos, 15)), total


def _zero_stripe(zeros_hbm, acc, base, rows):
    for j in range(rows // 128):
        pltpu.sync_copy(zeros_hbm, acc.at[pl.ds(base + j * 128, 128)])
    rem = rows % 128
    if rem:
        pltpu.sync_copy(zeros_hbm.at[pl.ds(0, rem)],
                        acc.at[pl.ds(base + (rows // 128) * 128, rem)])


def _writeback(acc, out_hbm, s, lo):
    wbase = s * WS
    for j in range(WS // 128):
        pltpu.sync_copy(acc.at[pl.ds(wbase + j * 128, 128)],
                        out_hbm.at[pl.ds(lo + wbase + j * 128, 128)])
    wrem = WS % 128
    if wrem:
        woff = wbase + (WS // 128) * 128
        pltpu.sync_copy(acc.at[pl.ds(woff, wrem)],
                        out_hbm.at[pl.ds(lo + woff, wrem)])


@functools.partial(
    pl.kernel,
    mesh=_MESH,
    out_type=jax.ShapeDtypeStruct((NPAD, 128), jnp.float32),
    scratch_types=[
        pltpu.VMEM((2 * B,), jnp.int32),
        pltpu.VMEM((128,), jnp.int32),
        pltpu.VMEM((128,), jnp.int32),
        pltpu.VMEM((128,), jnp.int32),
        pltpu.VMEM((128, 128), jnp.float32),
        pltpu.VMEM_SHARED((C + 128, 128), jnp.float32),
        pltpu.SemaphoreType.DMA,
    ],
)
def _prop(z_hbm, epk_hbm, zeros_hbm, out_hbm,
          eblk, cbuf, csrc, cdst, rowbuf, acc, sem):
    c = lax.axis_index("c")
    s = lax.axis_index("s")
    nmy = jnp.where(c == 0, CH0, NCH - CH0)
    io16 = lax.iota(jnp.int32, 16)

    def flush(n):
        for j in range(8):
            v = cbuf[pl.ds(j * 16, 16)]
            valid = (io16 + (j * 16)) < n
            csrc[pl.ds(j * 16, 16)] = jnp.where(
                valid, (v >> SHIFT) & 0x1FFFF, 0)
            cdst[pl.ds(j * 16, 16)] = jnp.where(valid, v & DMASK, C)
        pltpu.async_copy(z_hbm.at[csrc], rowbuf, sem).wait()
        pltpu.sync_copy(rowbuf, acc.at[cdst], add=True)

    def chunk_body(kk, carry):
        @pl.when(kk < nmy)
        def _():
            chunk = 2 * kk + c
            lo = chunk * C
            _zero_stripe(zeros_hbm, acc, s * SP, SP)
            plsc.subcore_barrier()

            def blk_body(b, cur):
                poff = (s * NBLK + b) * (2 * B)
                pltpu.sync_copy(epk_hbm.at[pl.ds(poff, 2 * B)], eblk)

                def v_body(v, cur2):
                    sv = eblk[pl.ds(v * 16, 16)]
                    dv = eblk[pl.ds(B + v * 16, 16)]
                    dl = dv - lo
                    m = (dl >= 0) & (dl < C)
                    packed = (sv << SHIFT) | (dl & DMASK)
                    comp, total = _compact(packed, jnp.where(m, 1, 0), io16)
                    cbuf[pl.ds(cur2, 16)] = comp
                    cur3 = cur2 + total
                    fl = cur3 > 112

                    @pl.when(fl)
                    def _():
                        flush(cur3)

                    return jnp.where(fl, 0, cur3)

                return lax.fori_loop(0, NV, v_body, cur)

            cur = lax.fori_loop(0, NBLK, blk_body, 0)

            @pl.when(cur > 0)
            def _():
                flush(cur)

            plsc.subcore_barrier()
            _writeback(acc, out_hbm, s, lo)
            plsc.subcore_barrier()
        return carry

    lax.fori_loop(0, CH0, chunk_body, 0)


@functools.partial(
    pl.kernel,
    mesh=_MESH,
    out_type=jax.ShapeDtypeStruct((NPAD, 128), jnp.float32),
    scratch_types=[
        pltpu.VMEM((B,), jnp.int32),
        pltpu.VMEM((128,), jnp.int32),
        pltpu.VMEM((128,), jnp.int32),
        pltpu.VMEM((128, 128), jnp.float32),
        pltpu.VMEM_SHARED((C + 128, 128), jnp.float32),
    ],
)
def _degree(ones_hbm, epk_hbm, zeros_hbm, out_hbm,
            dstblk, cbuf, cdst, onesbuf, acc):
    c = lax.axis_index("c")
    s = lax.axis_index("s")
    nmy = jnp.where(c == 0, CH0, NCH - CH0)
    io16 = lax.iota(jnp.int32, 16)

    pltpu.sync_copy(ones_hbm, onesbuf)

    def flush(n):
        for j in range(8):
            v = cbuf[pl.ds(j * 16, 16)]
            valid = (io16 + (j * 16)) < n
            cdst[pl.ds(j * 16, 16)] = jnp.where(valid, v, C)
        pltpu.sync_copy(onesbuf, acc.at[cdst], add=True)

    def chunk_body(kk, carry):
        @pl.when(kk < nmy)
        def _():
            chunk = 2 * kk + c
            lo = chunk * C
            _zero_stripe(zeros_hbm, acc, s * SP, SP)
            plsc.subcore_barrier()

            def blk_body(b, cur):
                poff = (s * NBLK + b) * (2 * B) + B
                pltpu.sync_copy(epk_hbm.at[pl.ds(poff, B)], dstblk)

                def v_body(v, cur2):
                    dv = dstblk[pl.ds(v * 16, 16)]
                    dl = dv - lo
                    m = (dl >= 0) & (dl < C)
                    comp, total = _compact(dl, jnp.where(m, 1, 0), io16)
                    cbuf[pl.ds(cur2, 16)] = comp
                    cur3 = cur2 + total
                    fl = cur3 > 112

                    @pl.when(fl)
                    def _():
                        flush(cur3)

                    return jnp.where(fl, 0, cur3)

                return lax.fori_loop(0, NV, v_body, cur)

            cur = lax.fori_loop(0, NBLK, blk_body, 0)

            @pl.when(cur > 0)
            def _():
                flush(cur)

            plsc.subcore_barrier()
            _writeback(acc, out_hbm, s, lo)
            plsc.subcore_barrier()
        return carry

    lax.fori_loop(0, CH0, chunk_body, 0)


_R = 2048
_G = (N + _R - 1) // _R


def _tc_encode(x, dp, wih_t, whh_t, b_ih, b_hh, sW, sb):
    def body(x_ref, dp_ref, wih_ref, whh_ref, bih_ref, bhh_ref,
             sW_ref, sb_ref, z1_ref, dinv_ref):
        xb = x_ref[...]
        deg = dp_ref[...][:, 0] + 1.0
        dinv = lax.rsqrt(deg)
        pre = xb[:, :16] @ sW_ref[...] + sb_ref[...]
        s_enc = 0.5 * pre * (1.0 + lax.erf(pre * 0.7071067811865476))
        h = jnp.zeros((_R, 64), jnp.float32)
        for t in range(6):
            xt = xb[:, 16 + t:17 + t]
            gi = xt * wih_ref[...] + bih_ref[...]
            gh = h @ whh_ref[...] + bhh_ref[...]
            r = jax.nn.sigmoid(gi[:, :64] + gh[:, :64])
            z = jax.nn.sigmoid(gi[:, 64:128] + gh[:, 64:128])
            nn_ = jnp.tanh(gi[:, 128:] + r * gh[:, 128:])
            h = (1.0 - z) * nn_ + z * h
        hcat = jnp.concatenate(
            [h, s_enc, jnp.zeros((_R, 32), jnp.float32)], axis=1)
        z1_ref[...] = dinv[:, None] * hcat
        dinv_ref[...] = dinv[:, None]

    return pl.pallas_call(
        body,
        grid=(_G,),
        out_shape=(jax.ShapeDtypeStruct((N, 128), jnp.float32),
                   jax.ShapeDtypeStruct((N, 1), jnp.float32)),
        in_specs=[
            pl.BlockSpec((_R, 34), lambda i: (i, 0)),
            pl.BlockSpec((_R, 128), lambda i: (i, 0)),
            pl.BlockSpec((1, 192), lambda i: (0, 0)),
            pl.BlockSpec((64, 192), lambda i: (0, 0)),
            pl.BlockSpec((1, 192), lambda i: (0, 0)),
            pl.BlockSpec((1, 192), lambda i: (0, 0)),
            pl.BlockSpec((16, 32), lambda i: (0, 0)),
            pl.BlockSpec((1, 32), lambda i: (0, 0)),
        ],
        out_specs=(pl.BlockSpec((_R, 128), lambda i: (i, 0)),
                   pl.BlockSpec((_R, 1), lambda i: (i, 0))),
    )(x, dp, wih_t, whh_t, b_ih, b_hh, sW, sb)


def _tc_mid(acc1, z1, dinv, W1, b1, W2):
    def body(acc_ref, z1_ref, dinv_ref, W1_ref, b1_ref, W2_ref, z2_ref):
        p1 = dinv_ref[...] * (acc_ref[...][:, :96] + z1_ref[...][:, :96])
        h1 = jnp.maximum(p1 @ W1_ref[...] + b1_ref[...], 0.0)
        z2 = dinv_ref[...] * (h1 @ W2_ref[...])
        z2_ref[...] = jnp.concatenate(
            [z2, jnp.zeros((_R, 64), jnp.float32)], axis=1)

    return pl.pallas_call(
        body,
        grid=(_G,),
        out_shape=jax.ShapeDtypeStruct((N, 128), jnp.float32),
        in_specs=[
            pl.BlockSpec((_R, 128), lambda i: (i, 0)),
            pl.BlockSpec((_R, 128), lambda i: (i, 0)),
            pl.BlockSpec((_R, 1), lambda i: (i, 0)),
            pl.BlockSpec((96, 128), lambda i: (0, 0)),
            pl.BlockSpec((1, 128), lambda i: (0, 0)),
            pl.BlockSpec((128, 64), lambda i: (0, 0)),
        ],
        out_specs=pl.BlockSpec((_R, 128), lambda i: (i, 0)),
    )(acc1, z1, dinv, W1, b1, W2)


def _tc_head(acc2, z2, dinv, b2, head_W, head_b):
    def body(acc_ref, z2_ref, dinv_ref, b2_ref, hw_ref, hb_ref, out_ref):
        h2 = jnp.maximum(
            dinv_ref[...] * (acc_ref[...][:, :64] + z2_ref[...][:, :64])
            + b2_ref[...], 0.0)
        out_ref[...] = jax.nn.sigmoid(h2 @ hw_ref[...] + hb_ref[0, 0])

    return pl.pallas_call(
        body,
        grid=(_G,),
        out_shape=jax.ShapeDtypeStruct((N, 1), jnp.float32),
        in_specs=[
            pl.BlockSpec((_R, 128), lambda i: (i, 0)),
            pl.BlockSpec((_R, 128), lambda i: (i, 0)),
            pl.BlockSpec((_R, 1), lambda i: (i, 0)),
            pl.BlockSpec((1, 64), lambda i: (0, 0)),
            pl.BlockSpec((64, 1), lambda i: (0, 0)),
            pl.BlockSpec((1, 1), lambda i: (0, 0)),
        ],
        out_specs=pl.BlockSpec((_R, 1), lambda i: (i, 0)),
    )(acc2, z2, dinv, b2, head_W, head_b)


def kernel(x, edge_index, gru_W_ih, gru_W_hh, gru_b_ih, gru_b_hh, static_W,
           static_b, gcn1_W, gcn1_b, gcn2_W, gcn2_b, head_W, head_b):
    pad = EP - E
    src = jnp.concatenate([edge_index[0], jnp.zeros((pad,), jnp.int32)])
    dst = jnp.concatenate([edge_index[1], jnp.full((pad,), NPAD, jnp.int32)])
    epk = jnp.stack([src.reshape(16, NBLK, B), dst.reshape(16, NBLK, B)],
                    axis=2).reshape(-1)

    zeros128 = jnp.zeros((128, 128), jnp.float32)
    ones128 = zeros128.at[:, 0].set(1.0)
    dp = _degree(ones128, epk, zeros128)
    z1, dinv = _tc_encode(
        x, dp,
        gru_W_ih.reshape(1, 192), gru_W_hh.T,
        gru_b_ih.reshape(1, 192), gru_b_hh.reshape(1, 192),
        static_W, static_b.reshape(1, 32))

    acc1 = _prop(z1, epk, zeros128)
    z2 = _tc_mid(acc1, z1, dinv, gcn1_W, gcn1_b.reshape(1, 128), gcn2_W)

    acc2 = _prop(z2, epk, zeros128)
    out = _tc_head(acc2, z2, dinv, gcn2_b.reshape(1, 64), head_W,
                   head_b.reshape(1, 1))
    return out[:, 0]

# --- scband reference (transcript-rebuilt; emitter-appended) ---
"""Pipeline reference for scband-gcnbaseline-model-7533372637874 (READ-ONLY COPY).

The authoritative reference and input builder live on the scoring server;
editing this copy changes nothing except your own understanding.
"""

import jax, jax.numpy as jnp
import numpy as np

N = 100000
E = 1600000

def _gcn_conv(x, src, dst, W, b, n_nodes):
    loop = jnp.arange(n_nodes, dtype=src.dtype)
    s = jnp.concatenate([src, loop])
    d = jnp.concatenate([dst, loop])
    deg = jnp.zeros((n_nodes,), dtype=x.dtype).at[d].add(1.0)
    dinv = jnp.where(deg > 0, deg ** -0.5, 0.0)
    norm = dinv[s] * dinv[d]
    xw = x @ W
    msg = xw[s] * norm[:, None]
    out = jnp.zeros((n_nodes, W.shape[1]), dtype=x.dtype).at[d].add(msg)
    return out + b

def _gru(x_seq, W_ih, W_hh, b_ih, b_hh):
    h = jnp.zeros((x_seq.shape[0], 64), dtype=x_seq.dtype)
    for t in range(x_seq.shape[1]):
        xt = x_seq[:, t, :]
        gi = xt @ W_ih.T + b_ih
        gh = h @ W_hh.T + b_hh
        r = jax.nn.sigmoid(gi[:, :64] + gh[:, :64])
        z = jax.nn.sigmoid(gi[:, 64:128] + gh[:, 64:128])
        n = jnp.tanh(gi[:, 128:] + r * gh[:, 128:])
        h = (1.0 - z) * n + z * h
    return h

def _forward(x, gru_W_ih, gru_W_hh, gru_b_ih, gru_b_hh, static_W, static_b, gcn1_W, gcn1_b, gcn2_W, gcn2_b, head_W, head_b, edge_index):
    x_static = x[:, :16]
    x_rain = x[:, 16:22][:, :, None]
    s_enc = jax.nn.gelu(x_static @ static_W + static_b, approximate=False)
    h_n = _gru(x_rain, gru_W_ih, gru_W_hh, gru_b_ih, gru_b_hh)
    h = jnp.concatenate([h_n, s_enc], axis=-1)
    src = edge_index[0]
    dst = edge_index[1]
    h = jax.nn.relu(_gcn_conv(h, src, dst, gcn1_W, gcn1_b, x.shape[0]))
    h = jax.nn.relu(_gcn_conv(h, src, dst, gcn2_W, gcn2_b, x.shape[0]))
    out = jax.nn.sigmoid(h @ head_W + head_b)
    return out[:, 0]

def setup_inputs(seed: int = 0):
    key = jax.random.key(seed)
    ks = jax.random.split(key, 14)
    def w(k, shape, fan_in):
        return jax.random.uniform(k, shape, jnp.float32, -1.0, 1.0) / np.sqrt(fan_in)
    return {
        'x': jax.random.normal(ks[0], (N, 34), dtype=jnp.float32),
        'edge_index': jax.random.randint(ks[1], (2, E), 0, N, dtype=jnp.int32),
        'gru_W_ih': w(ks[2], (192, 1), 64),
        'gru_W_hh': w(ks[3], (192, 64), 64),
        'gru_b_ih': w(ks[4], (192,), 64),
        'gru_b_hh': w(ks[5], (192,), 64),
        'static_W': w(ks[6], (16, 32), 16),
        'static_b': w(ks[7], (32,), 16),
        'gcn1_W': w(ks[8], (96, 128), 96),
        'gcn1_b': w(ks[9], (128,), 96),
        'gcn2_W': w(ks[10], (128, 64), 128),
        'gcn2_b': w(ks[11], (64,), 128),
        'head_W': w(ks[12], (64, 1), 64),
        'head_b': w(ks[13], (1,), 64),
    }

def reference(x, edge_index, gru_W_ih, gru_W_hh, gru_b_ih, gru_b_hh, static_W, static_b, gcn1_W, gcn1_b, gcn2_W, gcn2_b, head_W, head_b):
    return _forward(x, gru_W_ih, gru_W_hh, gru_b_ih, gru_b_hh, static_W, static_b, gcn1_W, gcn1_b, gcn2_W, gcn2_b, head_W, head_b, edge_index)

if __name__ == "__main__":
    import jax
    _d = setup_inputs()
    print(jax.jit(kernel)(*tuple(_d.values())))

</pallas_src>

<mosaic_0001>
#map = affine_map<(d0, d1) -> (0, 0)>
#map1 = affine_map<(d0, d1) -> (0)>
module attributes {stable_mosaic.version = 14 : i64} {
  func.func @_prop(%arg0: i32, %arg1: i32, %arg2: memref<100000x128xf32, #tpu.memory_space<hbm>>, %arg3: memref<3276800xi32, #tpu.memory_space<hbm>>, %arg4: memref<128x128xf32, #tpu.memory_space<hbm>>, %arg5: memref<108544x128xf32, #tpu.memory_space<hbm>>, %arg6: memref<4096xi32, #tpu.memory_space<vmem>>, %arg7: memref<128xi32, #tpu.memory_space<vmem>>, %arg8: memref<128xi32, #tpu.memory_space<vmem>>, %arg9: memref<128xi32, #tpu.memory_space<vmem>>, %arg10: memref<128x128xf32, #tpu.memory_space<vmem>>, %arg11: memref<13696x128xf32, #tpu.memory_space<vmem_shared>>, %arg12: memref<!tpu.dma_semaphore, #tpu.memory_space<semaphore_mem>>) attributes {dimension_semantics = [#tpu.dimension_semantics<core_parallel>, #tpu.dimension_semantics<subcore_parallel>], iteration_bounds = array<i64: 2, 16>, scalar_prefetch = 0 : i64, scratch_operands = 7 : i64, tpu.core_type = #tpu.core_type<sc_vector_subcore>, window_params = [{transform_indices = #map}, {transform_indices = #map1}, {transform_indices = #map}, {transform_indices = #map}]} {
    %eq3A = arith.constant 0 : i32
    %eq3A_0 = arith.cmpi eq, %arg0, %eq3A : i32
    %jit3A = arith.constant 4 : i32
    %jit3A_1 = arith.constant 4 : i32
    %select_n3A = arith.select %eq3A_0, %jit3A, %jit3A_1 : i32
    %iota3A = tpu.iota {dimensions = array<i32: 0>} : vector<16xi32>
    %scan3A = arith.constant 0 : i32
    %scan3A_2 = arith.constant 0 : i32
    %scan3A_3 = arith.constant 4 : i32
    %scan3A_4 = arith.addi %scan3A_2, %scan3A_3 : i32
    %scan3A_5 = arith.constant 1 : i32
    scf.for %scan3A_7 = %scan3A_2 to %scan3A_4 step %scan3A_5  : i32 {
      %lt3A = arith.cmpi slt, %scan3A_7, %select_n3A : i32
      %convert_element_type3A = arith.extui %lt3A : i1 to i32
      %cond3A = arith.constant 0 : i32
      %cond3A_8 = arith.cmpi ne, %convert_element_type3A, %cond3A : i32
      scf.if %cond3A_8 {
        %mul3A = arith.constant 2 : i32
        %mul3A_9 = arith.muli %mul3A, %scan3A_7 : i32
        %add3A = arith.addi %mul3A_9, %arg0 : i32
        %mul3A_10 = arith.constant 13568 : i32
        %mul3A_11 = arith.muli %add3A, %mul3A_10 : i32
        %mul3A_12 = arith.constant 856 : i32
        %mul3A_13 = arith.muli %arg1, %mul3A_12 : i32
        %add3A_14 = arith.constant 0 : i32
        %add3A_15 = arith.addi %mul3A_13, %add3A_14 : i32
        "tpu.region"() ({
          %run_scoped3A = tpu.sem_alloc : memref<!tpu.dma_semaphore, #tpu.memory_space<semaphore_mem>>
          %dma_start3A = arith.constant 0 : i32
          %dma_start3A_76 = tpu.memref_slice %arg11[%add3A_15, %dma_start3A] : memref<13696x128xf32, #tpu.memory_space<vmem_shared>> -> memref<128x128xf32, #tpu.memory_space<vmem_shared>>
          tpu.enqueue_dma source(%arg4 : memref<128x128xf32, #tpu.memory_space<hbm>>) target(%dma_start3A_76 : memref<128x128xf32, #tpu.memory_space<vmem_shared>>) target_semaphore(%run_scoped3A : memref<!tpu.dma_semaphore, #tpu.memory_space<semaphore_mem>>)
          %dma_wait3A = arith.constant 0 : i32
          %dma_wait3A_77 = tpu.memref_slice %arg11[%add3A_15, %dma_wait3A] : memref<13696x128xf32, #tpu.memory_space<vmem_shared>> -> memref<128x128xf32, #tpu.memory_space<vmem_shared>>
          tpu.wait_dma2 semaphore(%run_scoped3A : memref<!tpu.dma_semaphore, #tpu.memory_space<semaphore_mem>>) src(%arg4 : memref<128x128xf32, #tpu.memory_space<hbm>>) dst(%dma_wait3A_77 : memref<128x128xf32, #tpu.memory_space<vmem_shared>>)
          tpu.yield
        }) : () -> ()
        %add3A_16 = arith.constant 128 : i32
        %add3A_17 = arith.addi %mul3A_13, %add3A_16 : i32
        "tpu.region"() ({
          %run_scoped3A = tpu.sem_alloc : memref<!tpu.dma_semaphore, #tpu.memory_space<semaphore_mem>>
          %dma_start3A = arith.constant 0 : i32
          %dma_start3A_76 = tpu.memref_slice %arg11[%add3A_17, %dma_start3A] : memref<13696x128xf32, #tpu.memory_space<vmem_shared>> -> memref<128x128xf32, #tpu.memory_space<vmem_shared>>
          tpu.enqueue_dma source(%arg4 : memref<128x128xf32, #tpu.memory_space<hbm>>) target(%dma_start3A_76 : memref<128x128xf32, #tpu.memory_space<vmem_shared>>) target_semaphore(%run_scoped3A : memref<!tpu.dma_semaphore, #tpu.memory_space<semaphore_mem>>)
          %dma_wait3A = arith.constant 0 : i32
          %dma_wait3A_77 = tpu.memref_slice %arg11[%add3A_17, %dma_wait3A] : memref<13696x128xf32, #tpu.memory_space<vmem_shared>> -> memref<128x128xf32, #tpu.memory_space<vmem_shared>>
          tpu.wait_dma2 semaphore(%run_scoped3A : memref<!tpu.dma_semaphore, #tpu.memory_space<semaphore_mem>>) src(%arg4 : memref<128x128xf32, #tpu.memory_space<hbm>>) dst(%dma_wait3A_77 : memref<128x128xf32, #tpu.memory_space<vmem_shared>>)
          tpu.yield
        }) : () -> ()
        %add3A_18 = arith.constant 256 : i32
        %add3A_19 = arith.addi %mul3A_13, %add3A_18 : i32
        "tpu.region"() ({
          %run_scoped3A = tpu.sem_alloc : memref<!tpu.dma_semaphore, #tpu.memory_space<semaphore_mem>>
          %dma_start3A = arith.constant 0 : i32
          %dma_start3A_76 = tpu.memref_slice %arg11[%add3A_19, %dma_start3A] : memref<13696x128xf32, #tpu.memory_space<vmem_shared>> -> memref<128x128xf32, #tpu.memory_space<vmem_shared>>
          tpu.enqueue_dma source(%arg4 : memref<128x128xf32, #tpu.memory_space<hbm>>) target(%dma_start3A_76 : memref<128x128xf32, #tpu.memory_space<vmem_shared>>) target_semaphore(%run_scoped3A : memref<!tpu.dma_semaphore, #tpu.memory_space<semaphore_mem>>)
          %dma_wait3A = arith.constant 0 : i32
          %dma_wait3A_77 = tpu.memref_slice %arg11[%add3A_19, %dma_wait3A] : memref<13696x128xf32, #tpu.memory_space<vmem_shared>> -> memref<128x128xf32, #tpu.memory_space<vmem_shared>>
          tpu.wait_dma2 semaphore(%run_scoped3A : memref<!tpu.dma_semaphore, #tpu.memory_space<semaphore_mem>>) src(%arg4 : memref<128x128xf32, #tpu.memory_space<hbm>>) dst(%dma_wait3A_77 : memref<128x128xf32, #tpu.memory_space<vmem_shared>>)
          tpu.yield
        }) : () -> ()
        %add3A_20 = arith.constant 384 : i32
        %add3A_21 = arith.addi %mul3A_13, %add3A_20 : i32
        "tpu.region"() ({
          %run_scoped3A = tpu.sem_alloc : memref<!tpu.dma_semaphore, #tpu.memory_space<semaphore_mem>>
          %dma_start3A = arith.constant 0 : i32
          %dma_start3A_76 = tpu.memref_slice %arg11[%add3A_21, %dma_start3A] : memref<13696x128xf32, #tpu.memory_space<vmem_shared>> -> memref<128x128xf32, #tpu.memory_space<vmem_shared>>
          tpu.enqueue_dma source(%arg4 : memref<128x128xf32, #tpu.memory_space<hbm>>) target(%dma_start3A_76 : memref<128x128xf32, #tpu.memory_space<vmem_shared>>) target_semaphore(%run_scoped3A : memref<!tpu.dma_semaphore, #tpu.memory_space<semaphore_mem>>)
          %dma_wait3A = arith.constant 0 : i32
          %dma_wait3A_77 = tpu.memref_slice %arg11[%add3A_21, %dma_wait3A] : memref<13696x128xf32, #tpu.memory_space<vmem_shared>> -> memref<128x128xf32, #tpu.memory_space<vmem_shared>>
          tpu.wait_dma2 semaphore(%run_scoped3A : memref<!tpu.dma_semaphore, #tpu.memory_space<semaphore_mem>>) src(%arg4 : memref<128x128xf32, #tpu.memory_space<hbm>>) dst(%dma_wait3A_77 : memref<128x128xf32, #tpu.memory_space<vmem_shared>>)
          tpu.yield
        }) : () -> ()
        %add3A_22 = arith.constant 512 : i32
        %add3A_23 = arith.addi %mul3A_13, %add3A_22 : i32
        "tpu.region"() ({
          %run_scoped3A = tpu.sem_alloc : memref<!tpu.dma_semaphore, #tpu.memory_space<semaphore_mem>>
          %dma_start3A = arith.constant 0 : i32
          %dma_start3A_76 = tpu.memref_slice %arg11[%add3A_23, %dma_start3A] : memref<13696x128xf32, #tpu.memory_space<vmem_shared>> -> memref<128x128xf32, #tpu.memory_space<vmem_shared>>
          tpu.enqueue_dma source(%arg4 : memref<128x128xf32, #tpu.memory_space<hbm>>) target(%dma_start3A_76 : memref<128x128xf32, #tpu.memory_space<vmem_shared>>) target_semaphore(%run_scoped3A : memref<!tpu.dma_semaphore, #tpu.memory_space<semaphore_mem>>)
          %dma_wait3A = arith.constant 0 : i32
          %dma_wait3A_77 = tpu.memref_slice %arg11[%add3A_23, %dma_wait3A] : memref<13696x128xf32, #tpu.memory_space<vmem_shared>> -> memref<128x128xf32, #tpu.memory_space<vmem_shared>>
          tpu.wait_dma2 semaphore(%run_scoped3A : memref<!tpu.dma_semaphore, #tpu.memory_space<semaphore_mem>>) src(%arg4 : memref<128x128xf32, #tpu.memory_space<hbm>>) dst(%dma_wait3A_77 : memref<128x128xf32, #tpu.memory_space<vmem_shared>>)
          tpu.yield
        }) : () -> ()
        %add3A_24 = arith.constant 640 : i32
        %add3A_25 = arith.addi %mul3A_13, %add3A_24 : i32
        "tpu.region"() ({
          %run_scoped3A = tpu.sem_alloc : memref<!tpu.dma_semaphore, #tpu.memory_space<semaphore_mem>>
          %dma_start3A = arith.constant 0 : i32
          %dma_start3A_76 = tpu.memref_slice %arg11[%add3A_25, %dma_start3A] : memref<13696x128xf32, #tpu.memory_space<vmem_shared>> -> memref<128x128xf32, #tpu.memory_space<vmem_shared>>
          tpu.enqueue_dma source(%arg4 : memref<128x128xf32, #tpu.memory_space<hbm>>) target(%dma_start3A_76 : memref<128x128xf32, #tpu.memory_space<vmem_shared>>) target_semaphore(%run_scoped3A : memref<!tpu.dma_semaphore, #tpu.memory_space<semaphore_mem>>)
          %dma_wait3A = arith.constant 0 : i32
          %dma_wait3A_77 = tpu.memref_slice %arg11[%add3A_25, %dma_wait3A] : memref<13696x128xf32, #tpu.memory_space<vmem_shared>> -> memref<128x128xf32, #tpu.memory_space<vmem_shared>>
          tpu.wait_dma2 semaphore(%run_scoped3A : memref<!tpu.dma_semaphore, #tpu.memory_space<semaphore_mem>>) src(%arg4 : memref<128x128xf32, #tpu.memory_space<hbm>>) dst(%dma_wait3A_77 : memref<128x128xf32, #tpu.memory_space<vmem_shared>>)
          tpu.yield
        }) : () -> ()
        %add3A_26 = arith.constant 768 : i32
        %add3A_27 = arith.addi %mul3A_13, %add3A_26 : i32
        "tpu.region"() ({
          %run_scoped3A = tpu.sem_alloc : memref<!tpu.dma_semaphore, #tpu.memory_space<semaphore_mem>>
          %dma_start3A = arith.constant 0 : i32
          %dma_start3A_76 = tpu.memref_slice %arg11[%add3A_27, %dma_start3A] : memref<13696x128xf32, #tpu.memory_space<vmem_shared>> -> memref<88x128xf32, #tpu.memory_space<vmem_shared>>
          %dma_start3A_77 = arith.constant 0 : i32
          %dma_start3A_78 = arith.constant 0 : i32
          %dma_start3A_79 = tpu.memref_slice %arg4[%dma_start3A_77, %dma_start3A_78] : memref<128x128xf32, #tpu.memory_space<hbm>> -> memref<88x128xf32, #tpu.memory_space<hbm>>
          tpu.enqueue_dma source(%dma_start3A_79 : memref<88x128xf32, #tpu.memory_space<hbm>>) target(%dma_start3A_76 : memref<88x128xf32, #tpu.memory_space<vmem_shared>>) target_semaphore(%run_scoped3A : memref<!tpu.dma_semaphore, #tpu.memory_space<semaphore_mem>>)
          %dma_wait3A = arith.constant 0 : i32
          %dma_wait3A_80 = tpu.memref_slice %arg11[%add3A_27, %dma_wait3A] : memref<13696x128xf32, #tpu.memory_space<vmem_shared>> -> memref<88x128xf32, #tpu.memory_space<vmem_shared>>
          %dma_wait3A_81 = arith.constant 0 : i32
          %dma_wait3A_82 = arith.constant 0 : i32
          %dma_wait3A_83 = tpu.memref_slice %arg4[%dma_wait3A_81, %dma_wait3A_82] : memref<128x128xf32, #tpu.memory_space<hbm>> -> memref<88x128xf32, #tpu.memory_space<hbm>>
          tpu.wait_dma2 semaphore(%run_scoped3A : memref<!tpu.dma_semaphore, #tpu.memory_space<semaphore_mem>>) src(%dma_wait3A_83 : memref<88x128xf32, #tpu.memory_space<hbm>>) dst(%dma_wait3A_80 : memref<88x128xf32, #tpu.memory_space<vmem_shared>>)
          tpu.yield
        }) : () -> ()
        %barrier3A = arith.constant 0 : index
        tpu.barrier barrier_id(%barrier3A)
        %scan3A_28 = arith.constant 0 : i32
        %scan3A_29 = arith.constant 0 : i32
        %scan3A_30 = arith.constant 50 : i32
        %scan3A_31 = arith.addi %scan3A_29, %scan3A_30 : i32
        %scan3A_32 = arith.constant 1 : i32
        %scan3A_33 = scf.for %scan3A_76 = %scan3A_29 to %scan3A_31 step %scan3A_32 iter_args(%scan3A_77 = %scan3A_28) -> (i32)  : i32 {
          %mul3A_78 = arith.constant 50 : i32
          %mul3A_79 = arith.muli %arg1, %mul3A_78 : i32
          %add3A_80 = arith.addi %mul3A_79, %scan3A_76 : i32
          %mul3A_81 = arith.constant 4096 : i32
          %mul3A_82 = arith.muli %add3A_80, %mul3A_81 : i32
          "tpu.region"() ({
            %run_scoped3A = tpu.sem_alloc : memref<!tpu.dma_semaphore, #tpu.memory_space<semaphore_mem>>
            %dma_start3A = tpu.memref_slice %arg3[%mul3A_82] : memref<3276800xi32, #tpu.memory_space<hbm>> -> memref<4096xi32, #tpu.memory_space<hbm>>
            %dma_start3A_89 = tpu.memref_slice %arg3[%mul3A_82] : memref<3276800xi32, #tpu.memory_space<hbm>> -> memref<4096xi32, #tpu.memory_space<hbm>>
            tpu.enqueue_dma source(%dma_start3A_89 : memref<4096xi32, #tpu.memory_space<hbm>>) target(%arg6 : memref<4096xi32, #tpu.memory_space<vmem>>) target_semaphore(%run_scoped3A : memref<!tpu.dma_semaphore, #tpu.memory_space<semaphore_mem>>)
            %dma_wait3A = tpu.memref_slice %arg3[%mul3A_82] : memref<3276800xi32, #tpu.memory_space<hbm>> -> memref<4096xi32, #tpu.memory_space<hbm>>
            %dma_wait3A_90 = tpu.memref_slice %arg3[%mul3A_82] : memref<3276800xi32, #tpu.memory_space<hbm>> -> memref<4096xi32, #tpu.memory_space<hbm>>
            tpu.wait_dma2 semaphore(%run_scoped3A : memref<!tpu.dma_semaphore, #tpu.memory_space<semaphore_mem>>) src(%dma_wait3A_90 : memref<4096xi32, #tpu.memory_space<hbm>>) dst(%arg6 : memref<4096xi32, #tpu.memory_space<vmem>>)
            tpu.yield
          }) : () -> ()
          %scan3A_83 = arith.constant 0 : i32
          %scan3A_84 = arith.constant 128 : i32
          %scan3A_85 = arith.addi %scan3A_83, %scan3A_84 : i32
          %scan3A_86 = arith.constant 1 : i32
          %scan3A_87 = scf.for %scan3A_89 = %scan3A_83 to %scan3A_85 step %scan3A_86 iter_args(%scan3A_90 = %scan3A_77) -> (i32)  : i32 {
            %mul3A_91 = arith.constant 16 : i32
            %mul3A_92 = arith.muli %scan3A_89, %mul3A_91 : i32
            %get3A = arith.index_cast %mul3A_92 : i32 to index
            %get3A_93 = tpu.vector_load %arg6[%get3A] {strides = array<i32>} : memref<4096xi32, #tpu.memory_space<vmem>>, vector<16xi32>,
            %get3A_94 = vector.shape_cast %get3A_93 : vector<16xi32> to vector<16xi32>
            %mul3A_95 = arith.constant 16 : i32
            %mul3A_96 = arith.muli %scan3A_89, %mul3A_95 : i32
            %add3A_97 = arith.constant 2048 : i32
            %add3A_98 = arith.addi %add3A_97, %mul3A_96 : i32
            %get3A_99 = arith.index_cast %add3A_98 : i32 to index
            %get3A_100 = tpu.vector_load %arg6[%get3A_99] {strides = array<i32>} : memref<4096xi32, #tpu.memory_space<vmem>>, vector<16xi32>,
            %get3A_101 = vector.shape_cast %get3A_100 : vector<16xi32> to vector<16xi32>
            %sub3A = vector.broadcast %mul3A_11 : i32 to vector<16xi32>
            %sub3A_102 = arith.subi %get3A_101, %sub3A : vector<16xi32>
            %ge3A = arith.constant 0 : i32
            %ge3A_103 = vector.broadcast %ge3A : i32 to vector<16xi32>
            %ge3A_104 = arith.cmpi sge, %sub3A_102, %ge3A_103 : vector<16xi32>
            %lt3A_105 = arith.constant 13568 : i32
            %lt3A_106 = vector.broadcast %lt3A_105 : i32 to vector<16xi32>
            %lt3A_107 = arith.cmpi slt, %sub3A_102, %lt3A_106 : vector<16xi32>
            %and3A = arith.andi %ge3A_104, %lt3A_107 : vector<16xi1>
            %shift_left3A = arith.constant 14 : i32
            %shift_left3A_108 = vector.broadcast %shift_left3A : i32 to vector<16xi32>
            %shift_left3A_109 = arith.shli %get3A_94, %shift_left3A_108 : vector<16xi32>
            %and3A_110 = arith.constant 16383 : i32
            %and3A_111 = vector.broadcast %and3A_110 : i32 to vector<16xi32>
            %and3A_112 = arith.andi %sub3A_102, %and3A_111 : vector<16xi32>
            %or3A = arith.ori %shift_left3A_109, %and3A_112 : vector<16xi32>
            %jit3A_113 = arith.constant 1 : i32
            %jit3A_114 = arith.constant 0 : i32
            %broadcast_in_dim3A = vector.broadcast %jit3A_113 : i32 to vector<16xi32>
            %broadcast_in_dim3A_115 = vector.broadcast %jit3A_114 : i32 to vector<16xi32>
            %select_n3A_116 = arith.select %and3A, %broadcast_in_dim3A, %broadcast_in_dim3A_115 : vector<16xi1>, vector<16xi32>
            %sub3A_117 = arith.constant 1 : i32
            %sub3A_118 = vector.broadcast %sub3A_117 : i32 to vector<16xi32>
            %sub3A_119 = arith.subi %iota3A, %sub3A_118 : vector<16xi32>
            %max3A = arith.constant 0 : i32
            %max3A_120 = vector.broadcast %max3A : i32 to vector<16xi32>
            %max3A_121 = arith.maxsi %sub3A_119, %max3A_120 : vector<16xi32>
            %broadcast_in_dim3A_122 = vector.shape_cast %max3A_121 : vector<16xi32> to vector<16x1xi32>
            %gather3A = vector.shape_cast %broadcast_in_dim3A_122 : vector<16x1xi32> to vector<16xi32>
            %gather3A_123 = tpu.dynamic_gather %select_n3A_116[%gather3A] in [0] : vector<16xi32>, vector<16xi32> -> vector<16xi32>
            %ge3A_124 = arith.constant 1 : i32
            %ge3A_125 = vector.broadcast %ge3A_124 : i32 to vector<16xi32>
            %ge3A_126 = arith.cmpi sge, %iota3A, %ge3A_125 : vector<16xi32>
            %jit3A_127 = arith.constant 0 : i32
            %broadcast_in_dim3A_128 = vector.broadcast %jit3A_127 : i32 to vector<16xi32>
            %select_n3A_129 = arith.select %ge3A_126, %gather3A_123, %broadcast_in_dim3A_128 : vector<16xi1>, vector<16xi32>
            %add3A_130 = arith.addi %select_n3A_116, %select_n3A_129 : vector<16xi32>
            %sub3A_131 = arith.constant 2 : i32
            %sub3A_132 = vector.broadcast %sub3A_131 : i32 to vector<16xi32>
            %sub3A_133 = arith.subi %iota3A, %sub3A_132 : vector<16xi32>
            %max3A_134 = arith.constant 0 : i32
            %max3A_135 = vector.broadcast %max3A_134 : i32 to vector<16xi32>
            %max3A_136 = arith.maxsi %sub3A_133, %max3A_135 : vector<16xi32>
            %broadcast_in_dim3A_137 = vector.shape_cast %max3A_136 : vector<16xi32> to vector<16x1xi32>
            %gather3A_138 = vector.shape_cast %broadcast_in_dim3A_137 : vector<16x1xi32> to vector<16xi32>
            %gather3A_139 = tpu.dynamic_gather %add3A_130[%gather3A_138] in [0] : vector<16xi32>, vector<16xi32> -> vector<16xi32>
            %ge3A_140 = arith.constant 2 : i32
            %ge3A_141 = vector.broadcast %ge3A_140 : i32 to vector<16xi32>
            %ge3A_142 = arith.cmpi sge, %iota3A, %ge3A_141 : vector<16xi32>
            %jit3A_143 = arith.constant 0 : i32
            %broadcast_in_dim3A_144 = vector.broadcast %jit3A_143 : i32 to vector<16xi32>
            %select_n3A_145 = arith.select %ge3A_142, %gather3A_139, %broadcast_in_dim3A_144 : vector<16xi1>, vector<16xi32>
            %add3A_146 = arith.addi %add3A_130, %select_n3A_145 : vector<16xi32>
            %sub3A_147 = arith.constant 4 : i32
            %sub3A_148 = vector.broadcast %sub3A_147 : i32 to vector<16xi32>
            %sub3A_149 = arith.subi %iota3A, %sub3A_148 : vector<16xi32>
            %max3A_150 = arith.constant 0 : i32
            %max3A_151 = vector.broadcast %max3A_150 : i32 to vector<16xi32>
            %max3A_152 = arith.maxsi %sub3A_149, %max3A_151 : vector<16xi32>
            %broadcast_in_dim3A_153 = vector.shape_cast %max3A_152 : vector<16xi32> to vector<16x1xi32>
            %gather3A_154 = vector.shape_cast %broadcast_in_dim3A_153 : vector<16x1xi32> to vector<16xi32>
            %gather3A_155 = tpu.dynamic_gather %add3A_146[%gather3A_154] in [0] : vector<16xi32>, vector<16xi32> -> vector<16xi32>
            %ge3A_156 = arith.constant 4 : i32
            %ge3A_157 = vector.broadcast %ge3A_156 : i32 to vector<16xi32>
            %ge3A_158 = arith.cmpi sge, %iota3A, %ge3A_157 : vector<16xi32>
            %jit3A_159 = arith.constant 0 : i32
            %broadcast_in_dim3A_160 = vector.broadcast %jit3A_159 : i32 to vector<16xi32>
            %select_n3A_161 = arith.select %ge3A_158, %gather3A_155, %broadcast_in_dim3A_160 : vector<16xi1>, vector<16xi32>
            %add3A_162 = arith.addi %add3A_146, %select_n3A_161 : vector<16xi32>
            %sub3A_163 = arith.constant 8 : i32
            %sub3A_164 = vector.broadcast %sub3A_163 : i32 to vector<16xi32>
            %sub3A_165 = arith.subi %iota3A, %sub3A_164 : vector<16xi32>
            %max3A_166 = arith.constant 0 : i32
            %max3A_167 = vector.broadcast %max3A_166 : i32 to vector<16xi32>
            %max3A_168 = arith.maxsi %sub3A_165, %max3A_167 : vector<16xi32>
            %broadcast_in_dim3A_169 = vector.shape_cast %max3A_168 : vector<16xi32> to vector<16x1xi32>
            %gather3A_170 = vector.shape_cast %broadcast_in_dim3A_169 : vector<16x1xi32> to vector<16xi32>
            %gather3A_171 = tpu.dynamic_gather %add3A_162[%gather3A_170] in [0] : vector<16xi32>, vector<16xi32> -> vector<16xi32>
            %ge3A_172 = arith.constant 8 : i32
            %ge3A_173 = vector.broadcast %ge3A_172 : i32 to vector<16xi32>
            %ge3A_174 = arith.cmpi sge, %iota3A, %ge3A_173 : vector<16xi32>
            %jit3A_175 = arith.constant 0 : i32
            %broadcast_in_dim3A_176 = vector.broadcast %jit3A_175 : i32 to vector<16xi32>
            %select_n3A_177 = arith.select %ge3A_174, %gather3A_171, %broadcast_in_dim3A_176 : vector<16xi1>, vector<16xi32>
            %add3A_178 = arith.addi %add3A_162, %select_n3A_177 : vector<16xi32>
            %slice3A = vector.extract_strided_slice %add3A_178 {offsets = [15], sizes = [1], strides = [1]} : vector<16xi32> to vector<1xi32>
            %squeeze3A = vector.extract %slice3A[0] : i32 from vector<1xi32>
            %broadcast_in_dim3A_179 = arith.constant 0 : i32
            %broadcast_in_dim3A_180 = vector.broadcast %broadcast_in_dim3A_179 : i32 to vector<16xi32>
            %add3A_181 = arith.constant 1 : i32
            %add3A_182 = vector.broadcast %add3A_181 : i32 to vector<16xi32>
            %add3A_183 = arith.addi %iota3A, %add3A_182 : vector<16xi32>
            %add3A_184 = arith.constant 8 : i32
            %add3A_185 = vector.broadcast %add3A_184 : i32 to vector<16xi32>
            %add3A_186 = arith.addi %broadcast_in_dim3A_180, %add3A_185 : vector<16xi32>
            %sub3A_187 = arith.constant 1 : i32
            %sub3A_188 = vector.broadcast %sub3A_187 : i32 to vector<16xi32>
            %sub3A_189 = arith.subi %add3A_186, %sub3A_188 : vector<16xi32>
            %broadcast_in_dim3A_190 = vector.shape_cast %sub3A_189 : vector<16xi32> to vector<16x1xi32>
            %gather3A_191 = vector.shape_cast %broadcast_in_dim3A_190 : vector<16x1xi32> to vector<16xi32>
            %gather3A_192 = tpu.dynamic_gather %add3A_178[%gather3A_191] in [0] : vector<16xi32>, vector<16xi32> -> vector<16xi32>
            %lt3A_193 = arith.cmpi slt, %gather3A_192, %add3A_183 : vector<16xi32>
            %select_n3A_194 = arith.select %lt3A_193, %add3A_186, %broadcast_in_dim3A_180 : vector<16xi1>, vector<16xi32>
            %add3A_195 = arith.constant 4 : i32
            %add3A_196 = vector.broadcast %add3A_195 : i32 to vector<16xi32>
            %add3A_197 = arith.addi %select_n3A_194, %add3A_196 : vector<16xi32>
            %sub3A_198 = arith.constant 1 : i32
            %sub3A_199 = vector.broadcast %sub3A_198 : i32 to vector<16xi32>
            %sub3A_200 = arith.subi %add3A_197, %sub3A_199 : vector<16xi32>
            %broadcast_in_dim3A_201 = vector.shape_cast %sub3A_200 : vector<16xi32> to vector<16x1xi32>
            %gather3A_202 = vector.shape_cast %broadcast_in_dim3A_201 : vector<16x1xi32> to vector<16xi32>
            %gather3A_203 = tpu.dynamic_gather %add3A_178[%gather3A_202] in [0] : vector<16xi32>, vector<16xi32> -> vector<16xi32>
            %lt3A_204 = arith.cmpi slt, %gather3A_203, %add3A_183 : vector<16xi32>
            %select_n3A_205 = arith.select %lt3A_204, %add3A_197, %select_n3A_194 : vector<16xi1>, vector<16xi32>
            %add3A_206 = arith.constant 2 : i32
            %add3A_207 = vector.broadcast %add3A_206 : i32 to vector<16xi32>
            %add3A_208 = arith.addi %select_n3A_205, %add3A_207 : vector<16xi32>
            %sub3A_209 = arith.constant 1 : i32
            %sub3A_210 = vector.broadcast %sub3A_209 : i32 to vector<16xi32>
            %sub3A_211 = arith.subi %add3A_208, %sub3A_210 : vector<16xi32>
            %broadcast_in_dim3A_212 = vector.shape_cast %sub3A_211 : vector<16xi32> to vector<16x1xi32>
            %gather3A_213 = vector.shape_cast %broadcast_in_dim3A_212 : vector<16x1xi32> to vector<16xi32>
            %gather3A_214 = tpu.dynamic_gather %add3A_178[%gather3A_213] in [0] : vector<16xi32>, vector<16xi32> -> vector<16xi32>
            %lt3A_215 = arith.cmpi slt, %gather3A_214, %add3A_183 : vector<16xi32>
            %select_n3A_216 = arith.select %lt3A_215, %add3A_208, %select_n3A_205 : vector<16xi1>, vector<16xi32>
            %add3A_217 = arith.constant 1 : i32
            %add3A_218 = vector.broadcast %add3A_217 : i32 to vector<16xi32>
            %add3A_219 = arith.addi %select_n3A_216, %add3A_218 : vector<16xi32>
            %sub3A_220 = arith.constant 1 : i32
            %sub3A_221 = vector.broadcast %sub3A_220 : i32 to vector<16xi32>
            %sub3A_222 = arith.subi %add3A_219, %sub3A_221 : vector<16xi32>
            %broadcast_in_dim3A_223 = vector.shape_cast %sub3A_222 : vector<16xi32> to vector<16x1xi32>
            %gather3A_224 = vector.shape_cast %broadcast_in_dim3A_223 : vector<16x1xi32> to vector<16xi32>
            %gather3A_225 = tpu.dynamic_gather %add3A_178[%gather3A_224] in [0] : vector<16xi32>, vector<16xi32> -> vector<16xi32>
            %lt3A_226 = arith.cmpi slt, %gather3A_225, %add3A_183 : vector<16xi32>
            %select_n3A_227 = arith.select %lt3A_226, %add3A_219, %select_n3A_216 : vector<16xi1>, vector<16xi32>
            %min3A = arith.constant 15 : i32
            %min3A_228 = vector.broadcast %min3A : i32 to vector<16xi32>
            %min3A_229 = arith.minsi %select_n3A_227, %min3A_228 : vector<16xi32>
            %broadcast_in_dim3A_230 = vector.shape_cast %min3A_229 : vector<16xi32> to vector<16x1xi32>
            %gather3A_231 = vector.shape_cast %broadcast_in_dim3A_230 : vector<16x1xi32> to vector<16xi32>
            %gather3A_232 = tpu.dynamic_gather %or3A[%gather3A_231] in [0] : vector<16xi32>, vector<16xi32> -> vector<16xi32>
            %swap3A = arith.index_cast %scan3A_90 : i32 to index
            %swap3A_233 = tpu.vector_load %arg7[%swap3A] {strides = array<i32>} : memref<128xi32, #tpu.memory_space<vmem>>, vector<16xi32>,
            %swap3A_234 = vector.shape_cast %swap3A_233 : vector<16xi32> to vector<16xi32>
            %swap3A_235 = vector.shape_cast %gather3A_232 : vector<16xi32> to vector<16xi32>
            tpu.vector_store %arg7[%swap3A], %swap3A_235 {strides = array<i32>} : memref<128xi32, #tpu.memory_space<vmem>>, vector<16xi32>,
            %add3A_236 = arith.addi %scan3A_90, %squeeze3A : i32
            %gt3A_237 = arith.constant 112 : i32
            %gt3A_238 = arith.cmpi sgt, %add3A_236, %gt3A_237 : i32
            %convert_element_type3A_239 = arith.extui %gt3A_238 : i1 to i32
            %cond3A_240 = arith.constant 0 : i32
            %cond3A_241 = arith.cmpi ne, %convert_element_type3A_239, %cond3A_240 : i32
            scf.if %cond3A_241 {
              %get3A_244 = arith.constant 0 : index
              %get3A_245 = tpu.vector_load %arg7[%get3A_244] {strides = array<i32>} : memref<128xi32, #tpu.memory_space<vmem>>, vector<16xi32>,
              %get3A_246 = vector.shape_cast %get3A_245 : vector<16xi32> to vector<16xi32>
              %add3A_247 = arith.constant 0 : i32
              %add3A_248 = vector.broadcast %add3A_247 : i32 to vector<16xi32>
              %add3A_249 = arith.addi %iota3A, %add3A_248 : vector<16xi32>
              %lt3A_250 = vector.broadcast %add3A_236 : i32 to vector<16xi32>
              %lt3A_251 = arith.cmpi slt, %add3A_249, %lt3A_250 : vector<16xi32>
              %shift_right_arithmetic3A = arith.constant 14 : i32
              %shift_right_arithmetic3A_252 = vector.broadcast %shift_right_arithmetic3A : i32 to vector<16xi32>
              %shift_right_arithmetic3A_253 = arith.shrsi %get3A_246, %shift_right_arithmetic3A_252 : vector<16xi32>
              %and3A_254 = arith.constant 131071 : i32
              %and3A_255 = vector.broadcast %and3A_254 : i32 to vector<16xi32>
              %and3A_256 = arith.andi %shift_right_arithmetic3A_253, %and3A_255 : vector<16xi32>
              %jit3A_257 = arith.constant 0 : i32
              %broadcast_in_dim3A_258 = vector.broadcast %jit3A_257 : i32 to vector<16xi32>
              %select_n3A_259 = arith.select %lt3A_251, %and3A_256, %broadcast_in_dim3A_258 : vector<16xi1>, vector<16xi32>
              %swap3A_260 = arith.constant 0 : index
              %swap3A_261 = tpu.vector_load %arg8[%swap3A_260] {strides = array<i32>} : memref<128xi32, #tpu.memory_space<vmem>>, vector<16xi32>,
              %swap3A_262 = vector.shape_cast %swap3A_261 : vector<16xi32> to vector<16xi32>
              %swap3A_263 = vector.shape_cast %select_n3A_259 : vector<16xi32> to vector<16xi32>
              tpu.vector_store %arg8[%swap3A_260], %swap3A_263 {strides = array<i32>} : memref<128xi32, #tpu.memory_space<vmem>>, vector<16xi32>,
              %and3A_264 = arith.constant 16383 : i32
              %and3A_265 = vector.broadcast %and3A_264 : i32 to vector<16xi32>
              %and3A_266 = arith.andi %get3A_246, %and3A_265 : vector<16xi32>
              %jit3A_267 = arith.constant 13568 : i32
              %broadcast_in_dim3A_268 = vector.broadcast %jit3A_267 : i32 to vector<16xi32>
              %select_n3A_269 = arith.select %lt3A_251, %and3A_266, %broadcast_in_dim3A_268 : vector<16xi1>, vector<16xi32>
              %swap3A_270 = arith.constant 0 : index
              %swap3A_271 = tpu.vector_load %arg9[%swap3A_270] {strides = array<i32>} : memref<128xi32, #tpu.memory_space<vmem>>, vector<16xi32>,
              %swap3A_272 = vector.shape_cast %swap3A_271 : vector<16xi32> to vector<16xi32>
              %swap3A_273 = vector.shape_cast %select_n3A_269 : vector<16xi32> to vector<16xi32>
              tpu.vector_store %arg9[%swap3A_270], %swap3A_273 {strides = array<i32>} : memref<128xi32, #tpu.memory_space<vmem>>, vector<16xi32>,
              %get3A_274 = arith.constant 16 : index
              %get3A_275 = tpu.vector_load %arg7[%get3A_274] {strides = array<i32>} : memref<128xi32, #tpu.memory_space<vmem>>, vector<16xi32>,
              %get3A_276 = vector.shape_cast %get3A_275 : vector<16xi32> to vector<16xi32>
              %add3A_277 = arith.constant 16 : i32
              %add3A_278 = vector.broadcast %add3A_277 : i32 to vector<16xi32>
              %add3A_279 = arith.addi %iota3A, %add3A_278 : vector<16xi32>
              %lt3A_280 = vector.broadcast %add3A_236 : i32 to vector<16xi32>
              %lt3A_281 = arith.cmpi slt, %add3A_279, %lt3A_280 : vector<16xi32>
              %shift_right_arithmetic3A_282 = arith.constant 14 : i32
              %shift_right_arithmetic3A_283 = vector.broadcast %shift_right_arithmetic3A_282 : i32 to vector<16xi32>
              %shift_right_arithmetic3A_284 = arith.shrsi %get3A_276, %shift_right_arithmetic3A_283 : vector<16xi32>
              %and3A_285 = arith.constant 131071 : i32
              %and3A_286 = vector.broadcast %and3A_285 : i32 to vector<16xi32>
              %and3A_287 = arith.andi %shift_right_arithmetic3A_284, %and3A_286 : vector<16xi32>
              %jit3A_288 = arith.constant 0 : i32
              %broadcast_in_dim3A_289 = vector.broadcast %jit3A_288 : i32 to vector<16xi32>
              %select_n3A_290 = arith.select %lt3A_281, %and3A_287, %broadcast_in_dim3A_289 : vector<16xi1>, vector<16xi32>
              %swap3A_291 = arith.constant 16 : index
              %swap3A_292 = tpu.vector_load %arg8[%swap3A_291] {strides = array<i32>} : memref<128xi32, #tpu.memory_space<vmem>>, vector<16xi32>,
              %swap3A_293 = vector.shape_cast %swap3A_292 : vector<16xi32> to vector<16xi32>
              %swap3A_294 = vector.shape_cast %select_n3A_290 : vector<16xi32> to vector<16xi32>
              tpu.vector_store %arg8[%swap3A_291], %swap3A_294 {strides = array<i32>} : memref<128xi32, #tpu.memory_space<vmem>>, vector<16xi32>,
              %and3A_295 = arith.constant 16383 : i32
              %and3A_296 = vector.broadcast %and3A_295 : i32 to vector<16xi32>
              %and3A_297 = arith.andi %get3A_276, %and3A_296 : vector<16xi32>
              %jit3A_298 = arith.constant 13568 : i32
              %broadcast_in_dim3A_299 = vector.broadcast %jit3A_298 : i32 to vector<16xi32>
              %select_n3A_300 = arith.select %lt3A_281, %and3A_297, %broadcast_in_dim3A_299 : vector<16xi1>, vector<16xi32>
              %swap3A_301 = arith.constant 16 : index
              %swap3A_302 = tpu.vector_load %arg9[%swap3A_301] {strides = array<i32>} : memref<128xi32, #tpu.memory_space<vmem>>, vector<16xi32>,
              %swap3A_303 = vector.shape_cast %swap3A_302 : vector<16xi32> to vector<16xi32>
              %swap3A_304 = vector.shape_cast %select_n3A_300 : vector<16xi32> to vector<16xi32>
              tpu.vector_store %arg9[%swap3A_301], %swap3A_304 {strides = array<i32>} : memref<128xi32, #tpu.memory_space<vmem>>, vector<16xi32>,
              %get3A_305 = arith.constant 32 : index
              %get3A_306 = tpu.vector_load %arg7[%get3A_305] {strides = array<i32>} : memref<128xi32, #tpu.memory_space<vmem>>, vector<16xi32>,
              %get3A_307 = vector.shape_cast %get3A_306 : vector<16xi32> to vector<16xi32>
              %add3A_308 = arith.constant 32 : i32
              %add3A_309 = vector.broadcast %add3A_308 : i32 to vector<16xi32>
              %add3A_310 = arith.addi %iota3A, %add3A_309 : vector<16xi32>
              %lt3A_311 = vector.broadcast %add3A_236 : i32 to vector<16xi32>
              %lt3A_312 = arith.cmpi slt, %add3A_310, %lt3A_311 : vector<16xi32>
              %shift_right_arithmetic3A_313 = arith.constant 14 : i32
              %shift_right_arithmetic3A_314 = vector.broadcast %shift_right_arithmetic3A_313 : i32 to vector<16xi32>
              %shift_right_arithmetic3A_315 = arith.shrsi %get3A_307, %shift_right_arithmetic3A_314 : vector<16xi32>
              %and3A_316 = arith.constant 131071 : i32
              %and3A_317 = vector.broadcast %and3A_316 : i32 to vector<16xi32>
              %and3A_318 = arith.andi %shift_right_arithmetic3A_315, %and3A_317 : vector<16xi32>
              %jit3A_319 = arith.constant 0 : i32
              %broadcast_in_dim3A_320 = vector.broadcast %jit3A_319 : i32 to vector<16xi32>
              %select_n3A_321 = arith.select %lt3A_312, %and3A_318, %broadcast_in_dim3A_320 : vector<16xi1>, vector<16xi32>
              %swap3A_322 = arith.constant 32 : index
              %swap3A_323 = tpu.vector_load %arg8[%swap3A_322] {strides = array<i32>} : memref<128xi32, #tpu.memory_space<vmem>>, vector<16xi32>,
              %swap3A_324 = vector.shape_cast %swap3A_323 : vector<16xi32> to vector<16xi32>
              %swap3A_325 = vector.shape_cast %select_n3A_321 : vector<16xi32> to vector<16xi32>
              tpu.vector_store %arg8[%swap3A_322], %swap3A_325 {strides = array<i32>} : memref<128xi32, #tpu.memory_space<vmem>>, vector<16xi32>,
              %and3A_326 = arith.constant 16383 : i32
              %and3A_327 = vector.broadcast %and3A_326 : i32 to vector<16xi32>
              %and3A_328 = arith.andi %get3A_307, %and3A_327 : vector<16xi32>
              %jit3A_329 = arith.constant 13568 : i32
              %broadcast_in_dim3A_330 = vector.broadcast %jit3A_329 : i32 to vector<16xi32>
              %select_n3A_331 = arith.select %lt3A_312, %and3A_328, %broadcast_in_dim3A_330 : vector<16xi1>, vector<16xi32>
              %swap3A_332 = arith.constant 32 : index
              %swap3A_333 = tpu.vector_load %arg9[%swap3A_332] {strides = array<i32>} : memref<128xi32, #tpu.memory_space<vmem>>, vector<16xi32>,
              %swap3A_334 = vector.shape_cast %swap3A_333 : vector<16xi32> to vector<16xi32>
              %swap3A_335 = vector.shape_cast %select_n3A_331 : vector<16xi32> to vector<16xi32>
              tpu.vector_store %arg9[%swap3A_332], %swap3A_335 {strides = array<i32>} : memref<128xi32, #tpu.memory_space<vmem>>, vector<16xi32>,
              %get3A_336 = arith.constant 48 : index
              %get3A_337 = tpu.vector_load %arg7[%get3A_336] {strides = array<i32>} : memref<128xi32, #tpu.memory_space<vmem>>, vector<16xi32>,
              %get3A_338 = vector.shape_cast %get3A_337 : vector<16xi32> to vector<16xi32>
              %add3A_339 = arith.constant 48 : i32
              %add3A_340 = vector.broadcast %add3A_339 : i32 to vector<16xi32>
              %add3A_341 = arith.addi %iota3A, %add3A_340 : vector<16xi32>
              %lt3A_342 = vector.broadcast %add3A_236 : i32 to vector<16xi32>
              %lt3A_343 = arith.cmpi slt, %add3A_341, %lt3A_342 : vector<16xi32>
              %shift_right_arithmetic3A_344 = arith.constant 14 : i32
              %shift_right_arithmetic3A_345 = vector.broadcast %shift_right_arithmetic3A_344 : i32 to vector<16xi32>
              %shift_right_arithmetic3A_346 = arith.shrsi %get3A_338, %shift_right_arithmetic3A_345 : vector<16xi32>
              %and3A_347 = arith.constant 131071 : i32
              %and3A_348 = vector.broadcast %and3A_347 : i32 to vector<16xi32>
              %and3A_349 = arith.andi %shift_right_arithmetic3A_346, %and3A_348 : vector<16xi32>
              %jit3A_350 = arith.constant 0 : i32
              %broadcast_in_dim3A_351 = vector.broadcast %jit3A_350 : i32 to vector<16xi32>
              %select_n3A_352 = arith.select %lt3A_343, %and3A_349, %broadcast_in_dim3A_351 : vector<16xi1>, vector<16xi32>
              %swap3A_353 = arith.constant 48 : index
              %swap3A_354 = tpu.vector_load %arg8[%swap3A_353] {strides = array<i32>} : memref<128xi32, #tpu.memory_space<vmem>>, vector<16xi32>,
              %swap3A_355 = vector.shape_cast %swap3A_354 : vector<16xi32> to vector<16xi32>
              %swap3A_356 = vector.shape_cast %select_n3A_352 : vector<16xi32> to vector<16xi32>
              tpu.vector_store %arg8[%swap3A_353], %swap3A_356 {strides = array<i32>} : memref<128xi32, #tpu.memory_space<vmem>>, vector<16xi32>,
              %and3A_357 = arith.constant 16383 : i32
              %and3A_358 = vector.broadcast %and3A_357 : i32 to vector<16xi32>
              %and3A_359 = arith.andi %get3A_338, %and3A_358 : vector<16xi32>
              %jit3A_360 = arith.constant 13568 : i32
              %broadcast_in_dim3A_361 = vector.broadcast %jit3A_360 : i32 to vector<16xi32>
              %select_n3A_362 = arith.select %lt3A_343, %and3A_359, %broadcast_in_dim3A_361 : vector<16xi1>, vector<16xi32>
              %swap3A_363 = arith.constant 48 : index
              %swap3A_364 = tpu.vector_load %arg9[%swap3A_363] {strides = array<i32>} : memref<128xi32, #tpu.memory_space<vmem>>, vector<16xi32>,
              %swap3A_365 = vector.shape_cast %swap3A_364 : vector<16xi32> to vector<16xi32>
              %swap3A_366 = vector.shape_cast %select_n3A_362 : vector<16xi32> to vector<16xi32>
              tpu.vector_store %arg9[%swap3A_363], %swap3A_366 {strides = array<i32>} : memref<128xi32, #tpu.memory_space<vmem>>, vector<16xi32>,
              %get3A_367 = arith.constant 64 : index
              %get3A_368 = tpu.vector_load %arg7[%get3A_367] {strides = array<i32>} : memref<128xi32, #tpu.memory_space<vmem>>, vector<16xi32>,
              %get3A_369 = vector.shape_cast %get3A_368 : vector<16xi32> to vector<16xi32>
              %add3A_370 = arith.constant 64 : i32
              %add3A_371 = vector.broadcast %add3A_370 : i32 to vector<16xi32>
              %add3A_372 = arith.addi %iota3A, %add3A_371 : vector<16xi32>
              %lt3A_373 = vector.broadcast %add3A_236 : i32 to vector<16xi32>
              %lt3A_374 = arith.cmpi slt, %add3A_372, %lt3A_373 : vector<16xi32>
              %shift_right_arithmetic3A_375 = arith.constant 14 : i32
              %shift_right_arithmetic3A_376 = vector.broadcast %shift_right_arithmetic3A_375 : i32 to vector<16xi32>
              %shift_right_arithmetic3A_377 = arith.shrsi %get3A_369, %shift_right_arithmetic3A_376 : vector<16xi32>
              %and3A_378 = arith.constant 131071 : i32
              %and3A_379 = vector.broadcast %and3A_378 : i32 to vector<16xi32>
              %and3A_380 = arith.andi %shift_right_arithmetic3A_377, %and3A_379 : vector<16xi32>
              %jit3A_381 = arith.constant 0 : i32
              %broadcast_in_dim3A_382 = vector.broadcast %jit3A_381 : i32 to vector<16xi32>
              %select_n3A_383 = arith.select %lt3A_374, %and3A_380, %broadcast_in_dim3A_382 : vector<16xi1>, vector<16xi32>
              %swap3A_384 = arith.constant 64 : index
              %swap3A_385 = tpu.vector_load %arg8[%swap3A_384] {strides = array<i32>} : memref<128xi32, #tpu.memory_space<vmem>>, vector<16xi32>,
              %swap3A_386 = vector.shape_cast %swap3A_385 : vector<16xi32> to vector<16xi32>
              %swap3A_387 = vector.shape_cast %select_n3A_383 : vector<16xi32> to vector<16xi32>
              tpu.vector_store %arg8[%swap3A_384], %swap3A_387 {strides = array<i32>} : memref<128xi32, #tpu.memory_space<vmem>>, vector<16xi32>,
              %and3A_388 = arith.constant 16383 : i32
              %and3A_389 = vector.broadcast %and3A_388 : i32 to vector<16xi32>
              %and3A_390 = arith.andi %get3A_369, %and3A_389 : vector<16xi32>
              %jit3A_391 = arith.constant 13568 : i32
              %broadcast_in_dim3A_392 = vector.broadcast %jit3A_391 : i32 to vector<16xi32>
              %select_n3A_393 = arith.select %lt3A_374, %and3A_390, %broadcast_in_dim3A_392 : vector<16xi1>, vector<16xi32>
              %swap3A_394 = arith.constant 64 : index
              %swap3A_395 = tpu.vector_load %arg9[%swap3A_394] {strides = array<i32>} : memref<128xi32, #tpu.memory_space<vmem>>, vector<16xi32>,
              %swap3A_396 = vector.shape_cast %swap3A_395 : vector<16xi32> to vector<16xi32>
              %swap3A_397 = vector.shape_cast %select_n3A_393 : vector<16xi32> to vector<16xi32>
              tpu.vector_store %arg9[%swap3A_394], %swap3A_397 {strides = array<i32>} : memref<128xi32, #tpu.memory_space<vmem>>, vector<16xi32>,
              %get3A_398 = arith.constant 80 : index
              %get3A_399 = tpu.vector_load %arg7[%get3A_398] {strides = array<i32>} : memref<128xi32, #tpu.memory_space<vmem>>, vector<16xi32>,
              %get3A_400 = vector.shape_cast %get3A_399 : vector<16xi32> to vector<16xi32>
              %add3A_401 = arith.constant 80 : i32
              %add3A_402 = vector.broadcast %add3A_401 : i32 to vector<16xi32>
              %add3A_403 = arith.addi %iota3A, %add3A_402 : vector<16xi32>
              %lt3A_404 = vector.broadcast %add3A_236 : i32 to vector<16xi32>
              %lt3A_405 = arith.cmpi slt, %add3A_403, %lt3A_404 : vector<16xi32>
              %shift_right_arithmetic3A_406 = arith.constant 14 : i32
              %shift_right_arithmetic3A_407 = vector.broadcast %shift_right_arithmetic3A_406 : i32 to vector<16xi32>
              %shift_right_arithmetic3A_408 = arith.shrsi %get3A_400, %shift_right_arithmetic3A_407 : vector<16xi32>
              %and3A_409 = arith.constant 131071 : i32
              %and3A_410 = vector.broadcast %and3A_409 : i32 to vector<16xi32>
              %and3A_411 = arith.andi %shift_right_arithmetic3A_408, %and3A_410 : vector<16xi32>
              %jit3A_412 = arith.constant 0 : i32
              %broadcast_in_dim3A_413 = vector.broadcast %jit3A_412 : i32 to vector<16xi32>
              %select_n3A_414 = arith.select %lt3A_405, %and3A_411, %broadcast_in_dim3A_413 : vector<16xi1>, vector<16xi32>
              %swap3A_415 = arith.constant 80 : index
              %swap3A_416 = tpu.vector_load %arg8[%swap3A_415] {strides = array<i32>} : memref<128xi32, #tpu.memory_space<vmem>>, vector<16xi32>,
              %swap3A_417 = vector.shape_cast %swap3A_416 : vector<16xi32> to vector<16xi32>
              %swap3A_418 = vector.shape_cast %select_n3A_414 : vector<16xi32> to vector<16xi32>
              tpu.vector_store %arg8[%swap3A_415], %swap3A_418 {strides = array<i32>} : memref<128xi32, #tpu.memory_space<vmem>>, vector<16xi32>,
              %and3A_419 = arith.constant 16383 : i32
              %and3A_420 = vector.broadcast %and3A_419 : i32 to vector<16xi32>
              %and3A_421 = arith.andi %get3A_400, %and3A_420 : vector<16xi32>
              %jit3A_422 = arith.constant 13568 : i32
              %broadcast_in_dim3A_423 = vector.broadcast %jit3A_422 : i32 to vector<16xi32>
              %select_n3A_424 = arith.select %lt3A_405, %and3A_421, %broadcast_in_dim3A_423 : vector<16xi1>, vector<16xi32>
              %swap3A_425 = arith.constant 80 : index
              %swap3A_426 = tpu.vector_load %arg9[%swap3A_425] {strides = array<i32>} : memref<128xi32, #tpu.memory_space<vmem>>, vector<16xi32>,
              %swap3A_427 = vector.shape_cast %swap3A_426 : vector<16xi32> to vector<16xi32>
              %swap3A_428 = vector.shape_cast %select_n3A_424 : vector<16xi32> to vector<16xi32>
              tpu.vector_store %arg9[%swap3A_425], %swap3A_428 {strides = array<i32>} : memref<128xi32, #tpu.memory_space<vmem>>, vector<16xi32>,
              %get3A_429 = arith.constant 96 : index
              %get3A_430 = tpu.vector_load %arg7[%get3A_429] {strides = array<i32>} : memref<128xi32, #tpu.memory_space<vmem>>, vector<16xi32>,
              %get3A_431 = vector.shape_cast %get3A_430 : vector<16xi32> to vector<16xi32>
              %add3A_432 = arith.constant 96 : i32
              %add3A_433 = vector.broadcast %add3A_432 : i32 to vector<16xi32>
              %add3A_434 = arith.addi %iota3A, %add3A_433 : vector<16xi32>
              %lt3A_435 = vector.broadcast %add3A_236 : i32 to vector<16xi32>
              %lt3A_436 = arith.cmpi slt, %add3A_434, %lt3A_435 : vector<16xi32>
              %shift_right_arithmetic3A_437 = arith.constant 14 : i32
              %shift_right_arithmetic3A_438 = vector.broadcast %shift_right_arithmetic3A_437 : i32 to vector<16xi32>
              %shift_right_arithmetic3A_439 = arith.shrsi %get3A_431, %shift_right_arithmetic3A_438 : vector<16xi32>
              %and3A_440 = arith.constant 131071 : i32
              %and3A_441 = vector.broadcast %and3A_440 : i32 to vector<16xi32>
              %and3A_442 = arith.andi %shift_right_arithmetic3A_439, %and3A_441 : vector<16xi32>
              %jit3A_443 = arith.constant 0 : i32
              %broadcast_in_dim3A_444 = vector.broadcast %jit3A_443 : i32 to vector<16xi32>
              %select_n3A_445 = arith.select %lt3A_436, %and3A_442, %broadcast_in_dim3A_444 : vector<16xi1>, vector<16xi32>
              %swap3A_446 = arith.constant 96 : index
              %swap3A_447 = tpu.vector_load %arg8[%swap3A_446] {strides = array<i32>} : memref<128xi32, #tpu.memory_space<vmem>>, vector<16xi32>,
              %swap3A_448 = vector.shape_cast %swap3A_447 : vector<16xi32> to vector<16xi32>
              %swap3A_449 = vector.shape_cast %select_n3A_445 : vector<16xi32> to vector<16xi32>
              tpu.vector_store %arg8[%swap3A_446], %swap3A_449 {strides = array<i32>} : memref<128xi32, #tpu.memory_space<vmem>>, vector<16xi32>,
              %and3A_450 = arith.constant 16383 : i32
              %and3A_451 = vector.broadcast %and3A_450 : i32 to vector<16xi32>
              %and3A_452 = arith.andi %get3A_431, %and3A_451 : vector<16xi32>
              %jit3A_453 = arith.constant 13568 : i32
              %broadcast_in_dim3A_454 = vector.broadcast %jit3A_453 : i32 to vector<16xi32>
              %select_n3A_455 = arith.select %lt3A_436, %and3A_452, %broadcast_in_dim3A_454 : vector<16xi1>, vector<16xi32>
              %swap3A_456 = arith.constant 96 : index
              %swap3A_457 = tpu.vector_load %arg9[%swap3A_456] {strides = array<i32>} : memref<128xi32, #tpu.memory_space<vmem>>, vector<16xi32>,
              %swap3A_458 = vector.shape_cast %swap3A_457 : vector<16xi32> to vector<16xi32>
              %swap3A_459 = vector.shape_cast %select_n3A_455 : vector<16xi32> to vector<16xi32>
              tpu.vector_store %arg9[%swap3A_456], %swap3A_459 {strides = array<i32>} : memref<128xi32, #tpu.memory_space<vmem>>, vector<16xi32>,
              %get3A_460 = arith.constant 112 : index
              %get3A_461 = tpu.vector_load %arg7[%get3A_460] {strides = array<i32>} : memref<128xi32, #tpu.memory_space<vmem>>, vector<16xi32>,
              %get3A_462 = vector.shape_cast %get3A_461 : vector<16xi32> to vector<16xi32>
              %add3A_463 = arith.constant 112 : i32
              %add3A_464 = vector.broadcast %add3A_463 : i32 to vector<16xi32>
              %add3A_465 = arith.addi %iota3A, %add3A_464 : vector<16xi32>
              %lt3A_466 = vector.broadcast %add3A_236 : i32 to vector<16xi32>
              %lt3A_467 = arith.cmpi slt, %add3A_465, %lt3A_466 : vector<16xi32>
              %shift_right_arithmetic3A_468 = arith.constant 14 : i32
              %shift_right_arithmetic3A_469 = vector.broadcast %shift_right_arithmetic3A_468 : i32 to vector<16xi32>
              %shift_right_arithmetic3A_470 = arith.shrsi %get3A_462, %shift_right_arithmetic3A_469 : vector<16xi32>
              %and3A_471 = arith.constant 131071 : i32
              %and3A_472 = vector.broadcast %and3A_471 : i32 to vector<16xi32>
              %and3A_473 = arith.andi %shift_right_arithmetic3A_470, %and3A_472 : vector<16xi32>
              %jit3A_474 = arith.constant 0 : i32
              %broadcast_in_dim3A_475 = vector.broadcast %jit3A_474 : i32 to vector<16xi32>
              %select_n3A_476 = arith.select %lt3A_467, %and3A_473, %broadcast_in_dim3A_475 : vector<16xi1>, vector<16xi32>
              %swap3A_477 = arith.constant 112 : index
              %swap3A_478 = tpu.vector_load %arg8[%swap3A_477] {strides = array<i32>} : memref<128xi32, #tpu.memory_space<vmem>>, vector<16xi32>,
              %swap3A_479 = vector.shape_cast %swap3A_478 : vector<16xi32> to vector<16xi32>
              %swap3A_480 = vector.shape_cast %select_n3A_476 : vector<16xi32> to vector<16xi32>
              tpu.vector_store %arg8[%swap3A_477], %swap3A_480 {strides = array<i32>} : memref<128xi32, #tpu.memory_space<vmem>>, vector<16xi32>,
              %and3A_481 = arith.constant 16383 : i32
              %and3A_482 = vector.broadcast %and3A_481 : i32 to vector<16xi32>
              %and3A_483 = arith.andi %get3A_462, %and3A_482 : vector<16xi32>
              %jit3A_484 = arith.constant 13568 : i32
              %broadcast_in_dim3A_485 = vector.broadcast %jit3A_484 : i32 to vector<16xi32>
              %select_n3A_486 = arith.select %lt3A_467, %and3A_483, %broadcast_in_dim3A_485 : vector<16xi1>, vector<16xi32>
              %swap3A_487 = arith.constant 112 : index
              %swap3A_488 = tpu.vector_load %arg9[%swap3A_487] {strides = array<i32>} : memref<128xi32, #tpu.memory_space<vmem>>, vector<16xi32>,
              %swap3A_489 = vector.shape_cast %swap3A_488 : vector<16xi32> to vector<16xi32>
              %swap3A_490 = vector.shape_cast %select_n3A_486 : vector<16xi32> to vector<16xi32>
              tpu.vector_store %arg9[%swap3A_487], %swap3A_490 {strides = array<i32>} : memref<128xi32, #tpu.memory_space<vmem>>, vector<16xi32>,
              %dma_start3A = arith.constant 0 : i32
              %dma_start3A_491 = arith.constant 0 : i32
              %dma_start3A_492 = tpu.memref_slice %arg2[%dma_start3A, %dma_start3A_491] : memref<100000x128xf32, #tpu.memory_space<hbm>> -> memref<100000x128xf32, #tpu.memory_space<hbm>>
              tpu.enqueue_indirect_dma source(%dma_start3A_492 : memref<100000x128xf32, #tpu.memory_space<hbm>>) target(%arg10 : memref<128x128xf32, #tpu.memory_space<vmem>>) offsets(%arg8 : memref<128xi32, #tpu.memory_space<vmem>>) semaphore(%arg12 : memref<!tpu.dma_semaphore, #tpu.memory_space<semaphore_mem>>)
              %dma_wait3A = arith.constant 0 : i32
              %dma_wait3A_493 = arith.constant 0 : i32
              %dma_wait3A_494 = tpu.memref_slice %arg2[%dma_wait3A, %dma_wait3A_493] : memref<100000x128xf32, #tpu.memory_space<hbm>> -> memref<100000x128xf32, #tpu.memory_space<hbm>>
              tpu.wait_indirect_dma semaphore(%arg12 : memref<!tpu.dma_semaphore, #tpu.memory_space<semaphore_mem>>) src(%dma_wait3A_494 : memref<100000x128xf32, #tpu.memory_space<hbm>>) dst(%arg10 : memref<128x128xf32, #tpu.memory_space<vmem>>)
              "tpu.region"() ({
                %run_scoped3A = tpu.sem_alloc : memref<!tpu.dma_semaphore, #tpu.memory_space<semaphore_mem>>
                %dma_start3A_495 = arith.constant 0 : i32
                %dma_start3A_496 = arith.constant 0 : i32
                %dma_start3A_497 = tpu.memref_slice %arg11[%dma_start3A_495, %dma_start3A_496] : memref<13696x128xf32, #tpu.memory_space<vmem_shared>> -> memref<13696x128xf32, #tpu.memory_space<vmem_shared>>
                tpu.enqueue_indirect_dma source(%arg10 : memref<128x128xf32, #tpu.memory_space<vmem>>) target(%dma_start3A_497 : memref<13696x128xf32, #tpu.memory_space<vmem_shared>>) offsets(%arg9 : memref<128xi32, #tpu.memory_space<vmem>>) semaphore(%run_scoped3A : memref<!tpu.dma_semaphore, #tpu.memory_space<semaphore_mem>>) {add = true}
                %dma_wait3A_498 = arith.constant 0 : i32
                %dma_wait3A_499 = arith.constant 0 : i32
                %dma_wait3A_500 = tpu.memref_slice %arg11[%dma_wait3A_498, %dma_wait3A_499] : memref<13696x128xf32, #tpu.memory_space<vmem_shared>> -> memref<13696x128xf32, #tpu.memory_space<vmem_shared>>
                tpu.wait_indirect_dma semaphore(%run_scoped3A : memref<!tpu.dma_semaphore, #tpu.memory_space<semaphore_mem>>) src(%arg10 : memref<128x128xf32, #tpu.memory_space<vmem>>) dst(%dma_wait3A_500 : memref<13696x128xf32, #tpu.memory_space<vmem_shared>>)
                tpu.yield
              }) : () -> ()
            } else {
            }
            %jit3A_242 = arith.constant 0 : i32
            %select_n3A_243 = arith.select %gt3A_238, %jit3A_242, %add3A_236 : i32
            scf.yield %select_n3A_243 : i32
          }
          %scan3A_88 = arith.constant 128 : i32
          scf.yield %scan3A_87 : i32
        }
        %scan3A_34 = arith.constant 50 : i32
        %gt3A = arith.constant 0 : i32
        %gt3A_35 = arith.cmpi sgt, %scan3A_33, %gt3A : i32
        %convert_element_type3A_36 = arith.extui %gt3A_35 : i1 to i32
        %cond3A_37 = arith.constant 0 : i32
        %cond3A_38 = arith.cmpi ne, %convert_element_type3A_36, %cond3A_37 : i32
        scf.if %cond3A_38 {
          %get3A = arith.constant 0 : index
          %get3A_76 = tpu.vector_load %arg7[%get3A] {strides = array<i32>} : memref<128xi32, #tpu.memory_space<vmem>>, vector<16xi32>,
          %get3A_77 = vector.shape_cast %get3A_76 : vector<16xi32> to vector<16xi32>
          %add3A_78 = arith.constant 0 : i32
          %add3A_79 = vector.broadcast %add3A_78 : i32 to vector<16xi32>
          %add3A_80 = arith.addi %iota3A, %add3A_79 : vector<16xi32>
          %lt3A_81 = vector.broadcast %scan3A_33 : i32 to vector<16xi32>
          %lt3A_82 = arith.cmpi slt, %add3A_80, %lt3A_81 : vector<16xi32>
          %shift_right_arithmetic3A = arith.constant 14 : i32
          %shift_right_arithmetic3A_83 = vector.broadcast %shift_right_arithmetic3A : i32 to vector<16xi32>
          %shift_right_arithmetic3A_84 = arith.shrsi %get3A_77, %shift_right_arithmetic3A_83 : vector<16xi32>
          %and3A = arith.constant 131071 : i32
          %and3A_85 = vector.broadcast %and3A : i32 to vector<16xi32>
          %and3A_86 = arith.andi %shift_right_arithmetic3A_84, %and3A_85 : vector<16xi32>
          %jit3A_87 = arith.constant 0 : i32
          %broadcast_in_dim3A = vector.broadcast %jit3A_87 : i32 to vector<16xi32>
          %select_n3A_88 = arith.select %lt3A_82, %and3A_86, %broadcast_in_dim3A : vector<16xi1>, vector<16xi32>
          %swap3A = arith.constant 0 : index
          %swap3A_89 = tpu.vector_load %arg8[%swap3A] {strides = array<i32>} : memref<128xi32, #tpu.memory_space<vmem>>, vector<16xi32>,
          %swap3A_90 = vector.shape_cast %swap3A_89 : vector<16xi32> to vector<16xi32>
          %swap3A_91 = vector.shape_cast %select_n3A_88 : vector<16xi32> to vector<16xi32>
          tpu.vector_store %arg8[%swap3A], %swap3A_91 {strides = array<i32>} : memref<128xi32, #tpu.memory_space<vmem>>, vector<16xi32>,
          %and3A_92 = arith.constant 16383 : i32
          %and3A_93 = vector.broadcast %and3A_92 : i32 to vector<16xi32>
          %and3A_94 = arith.andi %get3A_77, %and3A_93 : vector<16xi32>
          %jit3A_95 = arith.constant 13568 : i32
          %broadcast_in_dim3A_96 = vector.broadcast %jit3A_95 : i32 to vector<16xi32>
          %select_n3A_97 = arith.select %lt3A_82, %and3A_94, %broadcast_in_dim3A_96 : vector<16xi1>, vector<16xi32>
          %swap3A_98 = arith.constant 0 : index
          %swap3A_99 = tpu.vector_load %arg9[%swap3A_98] {strides = array<i32>} : memref<128xi32, #tpu.memory_space<vmem>>, vector<16xi32>,
          %swap3A_100 = vector.shape_cast %swap3A_99 : vector<16xi32> to vector<16xi32>
          %swap3A_101 = vector.shape_cast %select_n3A_97 : vector<16xi32> to vector<16xi32>
          tpu.vector_store %arg9[%swap3A_98], %swap3A_101 {strides = array<i32>} : memref<128xi32, #tpu.memory_space<vmem>>, vector<16xi32>,
          %get3A_102 = arith.constant 16 : index
          %get3A_103 = tpu.vector_load %arg7[%get3A_102] {strides = array<i32>} : memref<128xi32, #tpu.memory_space<vmem>>, vector<16xi32>,
          %get3A_104 = vector.shape_cast %get3A_103 : vector<16xi32> to vector<16xi32>
          %add3A_105 = arith.constant 16 : i32
          %add3A_106 = vector.broadcast %add3A_105 : i32 to vector<16xi32>
          %add3A_107 = arith.addi %iota3A, %add3A_106 : vector<16xi32>
          %lt3A_108 = vector.broadcast %scan3A_33 : i32 to vector<16xi32>
          %lt3A_109 = arith.cmpi slt, %add3A_107, %lt3A_108 : vector<16xi32>
          %shift_right_arithmetic3A_110 = arith.constant 14 : i32
          %shift_right_arithmetic3A_111 = vector.broadcast %shift_right_arithmetic3A_110 : i32 to vector<16xi32>
          %shift_right_arithmetic3A_112 = arith.shrsi %get3A_104, %shift_right_arithmetic3A_111 : vector<16xi32>
          %and3A_113 = arith.constant 131071 : i32
          %and3A_114 = vector.broadcast %and3A_113 : i32 to vector<16xi32>
          %and3A_115 = arith.andi %shift_right_arithmetic3A_112, %and3A_114 : vector<16xi32>
          %jit3A_116 = arith.constant 0 : i32
          %broadcast_in_dim3A_117 = vector.broadcast %jit3A_116 : i32 to vector<16xi32>
          %select_n3A_118 = arith.select %lt3A_109, %and3A_115, %broadcast_in_dim3A_117 : vector<16xi1>, vector<16xi32>
          %swap3A_119 = arith.constant 16 : index
          %swap3A_120 = tpu.vector_load %arg8[%swap3A_119] {strides = array<i32>} : memref<128xi32, #tpu.memory_space<vmem>>, vector<16xi32>,
          %swap3A_121 = vector.shape_cast %swap3A_120 : vector<16xi32> to vector<16xi32>
          %swap3A_122 = vector.shape_cast %select_n3A_118 : vector<16xi32> to vector<16xi32>
          tpu.vector_store %arg8[%swap3A_119], %swap3A_122 {strides = array<i32>} : memref<128xi32, #tpu.memory_space<vmem>>, vector<16xi32>,
          %and3A_123 = arith.constant 16383 : i32
          %and3A_124 = vector.broadcast %and3A_123 : i32 to vector<16xi32>
          %and3A_125 = arith.andi %get3A_104, %and3A_124 : vector<16xi32>
          %jit3A_126 = arith.constant 13568 : i32
          %broadcast_in_dim3A_127 = vector.broadcast %jit3A_126 : i32 to vector<16xi32>
          %select_n3A_128 = arith.select %lt3A_109, %and3A_125, %broadcast_in_dim3A_127 : vector<16xi1>, vector<16xi32>
          %swap3A_129 = arith.constant 16 : index
          %swap3A_130 = tpu.vector_load %arg9[%swap3A_129] {strides = array<i32>} : memref<128xi32, #tpu.memory_space<vmem>>, vector<16xi32>,
          %swap3A_131 = vector.shape_cast %swap3A_130 : vector<16xi32> to vector<16xi32>
          %swap3A_132 = vector.shape_cast %select_n3A_128 : vector<16xi32> to vector<16xi32>
          tpu.vector_store %arg9[%swap3A_129], %swap3A_132 {strides = array<i32>} : memref<128xi32, #tpu.memory_space<vmem>>, vector<16xi32>,
          %get3A_133 = arith.constant 32 : index
          %get3A_134 = tpu.vector_load %arg7[%get3A_133] {strides = array<i32>} : memref<128xi32, #tpu.memory_space<vmem>>, vector<16xi32>,
          %get3A_135 = vector.shape_cast %get3A_134 : vector<16xi32> to vector<16xi32>
          %add3A_136 = arith.constant 32 : i32
          %add3A_137 = vector.broadcast %add3A_136 : i32 to vector<16xi32>
          %add3A_138 = arith.addi %iota3A, %add3A_137 : vector<16xi32>
          %lt3A_139 = vector.broadcast %scan3A_33 : i32 to vector<16xi32>
          %lt3A_140 = arith.cmpi slt, %add3A_138, %lt3A_139 : vector<16xi32>
          %shift_right_arithmetic3A_141 = arith.constant 14 : i32
          %shift_right_arithmetic3A_142 = vector.broadcast %shift_right_arithmetic3A_141 : i32 to vector<16xi32>
          %shift_right_arithmetic3A_143 = arith.shrsi %get3A_135, %shift_right_arithmetic3A_142 : vector<16xi32>
          %and3A_144 = arith.constant 131071 : i32
          %and3A_145 = vector.broadcast %and3A_144 : i32 to vector<16xi32>
          %and3A_146 = arith.andi %shift_right_arithmetic3A_143, %and3A_145 : vector<16xi32>
          %jit3A_147 = arith.constant 0 : i32
          %broadcast_in_dim3A_148 = vector.broadcast %jit3A_147 : i32 to vector<16xi32>
          %select_n3A_149 = arith.select %lt3A_140, %and3A_146, %broadcast_in_dim3A_148 : vector<16xi1>, vector<16xi32>
          %swap3A_150 = arith.constant 32 : index
          %swap3A_151 = tpu.vector_load %arg8[%swap3A_150] {strides = array<i32>} : memref<128xi32, #tpu.memory_space<vmem>>, vector<16xi32>,
          %swap3A_152 = vector.shape_cast %swap3A_151 : vector<16xi32> to vector<16xi32>
          %swap3A_153 = vector.shape_cast %select_n3A_149 : vector<16xi32> to vector<16xi32>
          tpu.vector_store %arg8[%swap3A_150], %swap3A_153 {strides = array<i32>} : memref<128xi32, #tpu.memory_space<vmem>>, vector<16xi32>,
          %and3A_154 = arith.constant 16383 : i32
          %and3A_155 = vector.broadcast %and3A_154 : i32 to vector<16xi32>
          %and3A_156 = arith.andi %get3A_135, %and3A_155 : vector<16xi32>
          %jit3A_157 = arith.constant 13568 : i32
          %broadcast_in_dim3A_158 = vector.broadcast %jit3A_157 : i32 to vector<16xi32>
          %select_n3A_159 = arith.select %lt3A_140, %and3A_156, %broadcast_in_dim3A_158 : vector<16xi1>, vector<16xi32>
          %swap3A_160 = arith.constant 32 : index
          %swap3A_161 = tpu.vector_load %arg9[%swap3A_160] {strides = array<i32>} : memref<128xi32, #tpu.memory_space<vmem>>, vector<16xi32>,
          %swap3A_162 = vector.shape_cast %swap3A_161 : vector<16xi32> to vector<16xi32>
          %swap3A_163 = vector.shape_cast %select_n3A_159 : vector<16xi32> to vector<16xi32>
          tpu.vector_store %arg9[%swap3A_160], %swap3A_163 {strides = array<i32>} : memref<128xi32, #tpu.memory_space<vmem>>, vector<16xi32>,
          %get3A_164 = arith.constant 48 : index
          %get3A_165 = tpu.vector_load %arg7[%get3A_164] {strides = array<i32>} : memref<128xi32, #tpu.memory_space<vmem>>, vector<16xi32>,
          %get3A_166 = vector.shape_cast %get3A_165 : vector<16xi32> to vector<16xi32>
          %add3A_167 = arith.constant 48 : i32
          %add3A_168 = vector.broadcast %add3A_167 : i32 to vector<16xi32>
          %add3A_169 = arith.addi %iota3A, %add3A_168 : vector<16xi32>
          %lt3A_170 = vector.broadcast %scan3A_33 : i32 to vector<16xi32>
          %lt3A_171 = arith.cmpi slt, %add3A_169, %lt3A_170 : vector<16xi32>
          %shift_right_arithmetic3A_172 = arith.constant 14 : i32
          %shift_right_arithmetic3A_173 = vector.broadcast %shift_right_arithmetic3A_172 : i32 to vector<16xi32>
          %shift_right_arithmetic3A_174 = arith.shrsi %get3A_166, %shift_right_arithmetic3A_173 : vector<16xi32>
          %and3A_175 = arith.constant 131071 : i32
          %and3A_176 = vector.broadcast %and3A_175 : i32 to vector<16xi32>
          %and3A_177 = arith.andi %shift_right_arithmetic3A_174, %and3A_176 : vector<16xi32>
          %jit3A_178 = arith.constant 0 : i32
          %broadcast_in_dim3A_179 = vector.broadcast %jit3A_178 : i32 to vector<16xi32>
          %select_n3A_180 = arith.select %lt3A_171, %and3A_177, %broadcast_in_dim3A_179 : vector<16xi1>, vector<16xi32>
          %swap3A_181 = arith.constant 48 : index
          %swap3A_182 = tpu.vector_load %arg8[%swap3A_181] {strides = array<i32>} : memref<128xi32, #tpu.memory_space<vmem>>, vector<16xi32>,
          %swap3A_183 = vector.shape_cast %swap3A_182 : vector<16xi32> to vector<16xi32>
          %swap3A_184 = vector.shape_cast %select_n3A_180 : vector<16xi32> to vector<16xi32>
          tpu.vector_store %arg8[%swap3A_181], %swap3A_184 {strides = array<i32>} : memref<128xi32, #tpu.memory_space<vmem>>, vector<16xi32>,
          %and3A_185 = arith.constant 16383 : i32
          %and3A_186 = vector.broadcast %and3A_185 : i32 to vector<16xi32>
          %and3A_187 = arith.andi %get3A_166, %and3A_186 : vector<16xi32>
          %jit3A_188 = arith.constant 13568 : i32
          %broadcast_in_dim3A_189 = vector.broadcast %jit3A_188 : i32 to vector<16xi32>
          %select_n3A_190 = arith.select %lt3A_171, %and3A_187, %broadcast_in_dim3A_189 : vector<16xi1>, vector<16xi32>
          %swap3A_191 = arith.constant 48 : index
          %swap3A_192 = tpu.vector_load %arg9[%swap3A_191] {strides = array<i32>} : memref<128xi32, #tpu.memory_space<vmem>>, vector<16xi32>,
          %swap3A_193 = vector.shape_cast %swap3A_192 : vector<16xi32> to vector<16xi32>
          %swap3A_194 = vector.shape_cast %select_n3A_190 : vector<16xi32> to vector<16xi32>
          tpu.vector_store %arg9[%swap3A_191], %swap3A_194 {strides = array<i32>} : memref<128xi32, #tpu.memory_space<vmem>>, vector<16xi32>,
          %get3A_195 = arith.constant 64 : index
          %get3A_196 = tpu.vector_load %arg7[%get3A_195] {strides = array<i32>} : memref<128xi32, #tpu.memory_space<vmem>>, vector<16xi32>,
          %get3A_197 = vector.shape_cast %get3A_196 : vector<16xi32> to vector<16xi32>
          %add3A_198 = arith.constant 64 : i32
          %add3A_199 = vector.broadcast %add3A_198 : i32 to vector<16xi32>
          %add3A_200 = arith.addi %iota3A, %add3A_199 : vector<16xi32>
          %lt3A_201 = vector.broadcast %scan3A_33 : i32 to vector<16xi32>
          %lt3A_202 = arith.cmpi slt, %add3A_200, %lt3A_201 : vector<16xi32>
          %shift_right_arithmetic3A_203 = arith.constant 14 : i32
          %shift_right_arithmetic3A_204 = vector.broadcast %shift_right_arithmetic3A_203 : i32 to vector<16xi32>
          %shift_right_arithmetic3A_205 = arith.shrsi %get3A_197, %shift_right_arithmetic3A_204 : vector<16xi32>
          %and3A_206 = arith.constant 131071 : i32
          %and3A_207 = vector.broadcast %and3A_206 : i32 to vector<16xi32>
          %and3A_208 = arith.andi %shift_right_arithmetic3A_205, %and3A_207 : vector<16xi32>
          %jit3A_209 = arith.constant 0 : i32
          %broadcast_in_dim3A_210 = vector.broadcast %jit3A_209 : i32 to vector<16xi32>
          %select_n3A_211 = arith.select %lt3A_202, %and3A_208, %broadcast_in_dim3A_210 : vector<16xi1>, vector<16xi32>
          %swap3A_212 = arith.constant 64 : index
          %swap3A_213 = tpu.vector_load %arg8[%swap3A_212] {strides = array<i32>} : memref<128xi32, #tpu.memory_space<vmem>>, vector<16xi32>,
          %swap3A_214 = vector.shape_cast %swap3A_213 : vector<16xi32> to vector<16xi32>
          %swap3A_215 = vector.shape_cast %select_n3A_211 : vector<16xi32> to vector<16xi32>
          tpu.vector_store %arg8[%swap3A_212], %swap3A_215 {strides = array<i32>} : memref<128xi32, #tpu.memory_space<vmem>>, vector<16xi32>,
          %and3A_216 = arith.constant 16383 : i32
          %and3A_217 = vector.broadcast %and3A_216 : i32 to vector<16xi32>
          %and3A_218 = arith.andi %get3A_197, %and3A_217 : vector<16xi32>
          %jit3A_219 = arith.constant 13568 : i32
          %broadcast_in_dim3A_220 = vector.broadcast %jit3A_219 : i32 to vector<16xi32>
          %select_n3A_221 = arith.select %lt3A_202, %and3A_218, %broadcast_in_dim3A_220 : vector<16xi1>, vector<16xi32>
          %swap3A_222 = arith.constant 64 : index
          %swap3A_223 = tpu.vector_load %arg9[%swap3A_222] {strides = array<i32>} : memref<128xi32, #tpu.memory_space<vmem>>, vector<16xi32>,
          %swap3A_224 = vector.shape_cast %swap3A_223 : vector<16xi32> to vector<16xi32>
          %swap3A_225 = vector.shape_cast %select_n3A_221 : vector<16xi32> to vector<16xi32>
          tpu.vector_store %arg9[%swap3A_222], %swap3A_225 {strides = array<i32>} : memref<128xi32, #tpu.memory_space<vmem>>, vector<16xi32>,
          %get3A_226 = arith.constant 80 : index
          %get3A_227 = tpu.vector_load %arg7[%get3A_226] {strides = array<i32>} : memref<128xi32, #tpu.memory_space<vmem>>, vector<16xi32>,
          %get3A_228 = vector.shape_cast %get3A_227 : vector<16xi32> to vector<16xi32>
          %add3A_229 = arith.constant 80 : i32
          %add3A_230 = vector.broadcast %add3A_229 : i32 to vector<16xi32>
          %add3A_231 = arith.addi %iota3A, %add3A_230 : vector<16xi32>
          %lt3A_232 = vector.broadcast %scan3A_33 : i32 to vector<16xi32>
          %lt3A_233 = arith.cmpi slt, %add3A_231, %lt3A_232 : vector<16xi32>
          %shift_right_arithmetic3A_234 = arith.constant 14 : i32
          %shift_right_arithmetic3A_235 = vector.broadcast %shift_right_arithmetic3A_234 : i32 to vector<16xi32>
          %shift_right_arithmetic3A_236 = arith.shrsi %get3A_228, %shift_right_arithmetic3A_235 : vector<16xi32>
          %and3A_237 = arith.constant 131071 : i32
          %and3A_238 = vector.broadcast %and3A_237 : i32 to vector<16xi32>
          %and3A_239 = arith.andi %shift_right_arithmetic3A_236, %and3A_238 : vector<16xi32>
          %jit3A_240 = arith.constant 0 : i32
          %broadcast_in_dim3A_241 = vector.broadcast %jit3A_240 : i32 to vector<16xi32>
          %select_n3A_242 = arith.select %lt3A_233, %and3A_239, %broadcast_in_dim3A_241 : vector<16xi1>, vector<16xi32>
          %swap3A_243 = arith.constant 80 : index
          %swap3A_244 = tpu.vector_load %arg8[%swap3A_243] {strides = array<i32>} : memref<128xi32, #tpu.memory_space<vmem>>, vector<16xi32>,
          %swap3A_245 = vector.shape_cast %swap3A_244 : vector<16xi32> to vector<16xi32>
          %swap3A_246 = vector.shape_cast %select_n3A_242 : vector<16xi32> to vector<16xi32>
          tpu.vector_store %arg8[%swap3A_243], %swap3A_246 {strides = array<i32>} : memref<128xi32, #tpu.memory_space<vmem>>, vector<16xi32>,
          %and3A_247 = arith.constant 16383 : i32
          %and3A_248 = vector.broadcast %and3A_247 : i32 to vector<16xi32>
          %and3A_249 = arith.andi %get3A_228, %and3A_248 : vector<16xi32>
          %jit3A_250 = arith.constant 13568 : i32
          %broadcast_in_dim3A_251 = vector.broadcast %jit3A_250 : i32 to vector<16xi32>
          %select_n3A_252 = arith.select %lt3A_233, %and3A_249, %broadcast_in_dim3A_251 : vector<16xi1>, vector<16xi32>
          %swap3A_253 = arith.constant 80 : index
          %swap3A_254 = tpu.vector_load %arg9[%swap3A_253] {strides = array<i32>} : memref<128xi32, #tpu.memory_space<vmem>>, vector<16xi32>,
          %swap3A_255 = vector.shape_cast %swap3A_254 : vector<16xi32> to vector<16xi32>
          %swap3A_256 = vector.shape_cast %select_n3A_252 : vector<16xi32> to vector<16xi32>
          tpu.vector_store %arg9[%swap3A_253], %swap3A_256 {strides = array<i32>} : memref<128xi32, #tpu.memory_space<vmem>>, vector<16xi32>,
          %get3A_257 = arith.constant 96 : index
          %get3A_258 = tpu.vector_load %arg7[%get3A_257] {strides = array<i32>} : memref<128xi32, #tpu.memory_space<vmem>>, vector<16xi32>,
          %get3A_259 = vector.shape_cast %get3A_258 : vector<16xi32> to vector<16xi32>
          %add3A_260 = arith.constant 96 : i32
          %add3A_261 = vector.broadcast %add3A_260 : i32 to vector<16xi32>
          %add3A_262 = arith.addi %iota3A, %add3A_261 : vector<16xi32>
          %lt3A_263 = vector.broadcast %scan3A_33 : i32 to vector<16xi32>
          %lt3A_264 = arith.cmpi slt, %add3A_262, %lt3A_263 : vector<16xi32>
          %shift_right_arithmetic3A_265 = arith.constant 14 : i32
          %shift_right_arithmetic3A_266 = vector.broadcast %shift_right_arithmetic3A_265 : i32 to vector<16xi32>
          %shift_right_arithmetic3A_267 = arith.shrsi %get3A_259, %shift_right_arithmetic3A_266 : vector<16xi32>
          %and3A_268 = arith.constant 131071 : i32
          %and3A_269 = vector.broadcast %and3A_268 : i32 to vector<16xi32>
          %and3A_270 = arith.andi %shift_right_arithmetic3A_267, %and3A_269 : vector<16xi32>
          %jit3A_271 = arith.constant 0 : i32
          %broadcast_in_dim3A_272 = vector.broadcast %jit3A_271 : i32 to vector<16xi32>
          %select_n3A_273 = arith.select %lt3A_264, %and3A_270, %broadcast_in_dim3A_272 : vector<16xi1>, vector<16xi32>
          %swap3A_274 = arith.constant 96 : index
          %swap3A_275 = tpu.vector_load %arg8[%swap3A_274] {strides = array<i32>} : memref<128xi32, #tpu.memory_space<vmem>>, vector<16xi32>,
          %swap3A_276 = vector.shape_cast %swap3A_275 : vector<16xi32> to vector<16xi32>
          %swap3A_277 = vector.shape_cast %select_n3A_273 : vector<16xi32> to vector<16xi32>
          tpu.vector_store %arg8[%swap3A_274], %swap3A_277 {strides = array<i32>} : memref<128xi32, #tpu.memory_space<vmem>>, vector<16xi32>,
          %and3A_278 = arith.constant 16383 : i32
          %and3A_279 = vector.broadcast %and3A_278 : i32 to vector<16xi32>
          %and3A_280 = arith.andi %get3A_259, %and3A_279 : vector<16xi32>
          %jit3A_281 = arith.constant 13568 : i32
          %broadcast_in_dim3A_282 = vector.broadcast %jit3A_281 : i32 to vector<16xi32>
          %select_n3A_283 = arith.select %lt3A_264, %and3A_280, %broadcast_in_dim3A_282 : vector<16xi1>, vector<16xi32>
          %swap3A_284 = arith.constant 96 : index
          %swap3A_285 = tpu.vector_load %arg9[%swap3A_284] {strides = array<i32>} : memref<128xi32, #tpu.memory_space<vmem>>, vector<16xi32>,
          %swap3A_286 = vector.shape_cast %swap3A_285 : vector<16xi32> to vector<16xi32>
          %swap3A_287 = vector.shape_cast %select_n3A_283 : vector<16xi32> to vector<16xi32>
          tpu.vector_store %arg9[%swap3A_284], %swap3A_287 {strides = array<i32>} : memref<128xi32, #tpu.memory_space<vmem>>, vector<16xi32>,
          %get3A_288 = arith.constant 112 : index
          %get3A_289 = tpu.vector_load %arg7[%get3A_288] {strides = array<i32>} : memref<128xi32, #tpu.memory_space<vmem>>, vector<16xi32>,
          %get3A_290 = vector.shape_cast %get3A_289 : vector<16xi32> to vector<16xi32>
          %add3A_291 = arith.constant 112 : i32
          %add3A_292 = vector.broadcast %add3A_291 : i32 to vector<16xi32>
          %add3A_293 = arith.addi %iota3A, %add3A_292 : vector<16xi32>
          %lt3A_294 = vector.broadcast %scan3A_33 : i32 to vector<16xi32>
          %lt3A_295 = arith.cmpi slt, %add3A_293, %lt3A_294 : vector<16xi32>
          %shift_right_arithmetic3A_296 = arith.constant 14 : i32
          %shift_right_arithmetic3A_297 = vector.broadcast %shift_right_arithmetic3A_296 : i32 to vector<16xi32>
          %shift_right_arithmetic3A_298 = arith.shrsi %get3A_290, %shift_right_arithmetic3A_297 : vector<16xi32>
          %and3A_299 = arith.constant 131071 : i32
          %and3A_300 = vector.broadcast %and3A_299 : i32 to vector<16xi32>
          %and3A_301 = arith.andi %shift_right_arithmetic3A_298, %and3A_300 : vector<16xi32>
          %jit3A_302 = arith.constant 0 : i32
          %broadcast_in_dim3A_303 = vector.broadcast %jit3A_302 : i32 to vector<16xi32>
          %select_n3A_304 = arith.select %lt3A_295, %and3A_301, %broadcast_in_dim3A_303 : vector<16xi1>, vector<16xi32>
          %swap3A_305 = arith.constant 112 : index
          %swap3A_306 = tpu.vector_load %arg8[%swap3A_305] {strides = array<i32>} : memref<128xi32, #tpu.memory_space<vmem>>, vector<16xi32>,
          %swap3A_307 = vector.shape_cast %swap3A_306 : vector<16xi32> to vector<16xi32>
          %swap3A_308 = vector.shape_cast %select_n3A_304 : vector<16xi32> to vector<16xi32>
          tpu.vector_store %arg8[%swap3A_305], %swap3A_308 {strides = array<i32>} : memref<128xi32, #tpu.memory_space<vmem>>, vector<16xi32>,
          %and3A_309 = arith.constant 16383 : i32
          %and3A_310 = vector.broadcast %and3A_309 : i32 to vector<16xi32>
          %and3A_311 = arith.andi %get3A_290, %and3A_310 : vector<16xi32>
          %jit3A_312 = arith.constant 13568 : i32
          %broadcast_in_dim3A_313 = vector.broadcast %jit3A_312 : i32 to vector<16xi32>
          %select_n3A_314 = arith.select %lt3A_295, %and3A_311, %broadcast_in_dim3A_313 : vector<16xi1>, vector<16xi32>
          %swap3A_315 = arith.constant 112 : index
          %swap3A_316 = tpu.vector_load %arg9[%swap3A_315] {strides = array<i32>} : memref<128xi32, #tpu.memory_space<vmem>>, vector<16xi32>,
          %swap3A_317 = vector.shape_cast %swap3A_316 : vector<16xi32> to vector<16xi32>
          %swap3A_318 = vector.shape_cast %select_n3A_314 : vector<16xi32> to vector<16xi32>
          tpu.vector_store %arg9[%swap3A_315], %swap3A_318 {strides = array<i32>} : memref<128xi32, #tpu.memory_space<vmem>>, vector<16xi32>,
          %dma_start3A = arith.constant 0 : i32
          %dma_start3A_319 = arith.constant 0 : i32
          %dma_start3A_320 = tpu.memref_slice %arg2[%dma_start3A, %dma_start3A_319] : memref<100000x128xf32, #tpu.memory_space<hbm>> -> memref<100000x128xf32, #tpu.memory_space<hbm>>
          tpu.enqueue_indirect_dma source(%dma_start3A_320 : memref<100000x128xf32, #tpu.memory_space<hbm>>) target(%arg10 : memref<128x128xf32, #tpu.memory_space<vmem>>) offsets(%arg8 : memref<128xi32, #tpu.memory_space<vmem>>) semaphore(%arg12 : memref<!tpu.dma_semaphore, #tpu.memory_space<semaphore_mem>>)
          %dma_wait3A = arith.constant 0 : i32
          %dma_wait3A_321 = arith.constant 0 : i32
          %dma_wait3A_322 = tpu.memref_slice %arg2[%dma_wait3A, %dma_wait3A_321] : memref<100000x128xf32, #tpu.memory_space<hbm>> -> memref<100000x128xf32, #tpu.memory_space<hbm>>
          tpu.wait_indirect_dma semaphore(%arg12 : memref<!tpu.dma_semaphore, #tpu.memory_space<semaphore_mem>>) src(%dma_wait3A_322 : memref<100000x128xf32, #tpu.memory_space<hbm>>) dst(%arg10 : memref<128x128xf32, #tpu.memory_space<vmem>>)
          "tpu.region"() ({
            %run_scoped3A = tpu.sem_alloc : memref<!tpu.dma_semaphore, #tpu.memory_space<semaphore_mem>>
            %dma_start3A_323 = arith.constant 0 : i32
            %dma_start3A_324 = arith.constant 0 : i32
            %dma_start3A_325 = tpu.memref_slice %arg11[%dma_start3A_323, %dma_start3A_324] : memref<13696x128xf32, #tpu.memory_space<vmem_shared>> -> memref<13696x128xf32, #tpu.memory_space<vmem_shared>>
            tpu.enqueue_indirect_dma source(%arg10 : memref<128x128xf32, #tpu.memory_space<vmem>>) target(%dma_start3A_325 : memref<13696x128xf32, #tpu.memory_space<vmem_shared>>) offsets(%arg9 : memref<128xi32, #tpu.memory_space<vmem>>) semaphore(%run_scoped3A : memref<!tpu.dma_semaphore, #tpu.memory_space<semaphore_mem>>) {add = true}
            %dma_wait3A_326 = arith.constant 0 : i32
            %dma_wait3A_327 = arith.constant 0 : i32
            %dma_wait3A_328 = tpu.memref_slice %arg11[%dma_wait3A_326, %dma_wait3A_327] : memref<13696x128xf32, #tpu.memory_space<vmem_shared>> -> memref<13696x128xf32, #tpu.memory_space<vmem_shared>>
            tpu.wait_indirect_dma semaphore(%run_scoped3A : memref<!tpu.dma_semaphore, #tpu.memory_space<semaphore_mem>>) src(%arg10 : memref<128x128xf32, #tpu.memory_space<vmem>>) dst(%dma_wait3A_328 : memref<13696x128xf32, #tpu.memory_space<vmem_shared>>)
            tpu.yield
          }) : () -> ()
        } else {
        }
        %barrier3A_39 = arith.constant 0 : index
        tpu.barrier barrier_id(%barrier3A_39)
        %mul3A_40 = arith.constant 848 : i32
        %mul3A_41 = arith.muli %arg1, %mul3A_40 : i32
        %add3A_42 = arith.constant 0 : i32
        %add3A_43 = arith.addi %mul3A_41, %add3A_42 : i32
        %add3A_44 = arith.addi %mul3A_11, %mul3A_41 : i32
        %add3A_45 = arith.constant 0 : i32
        %add3A_46 = arith.addi %add3A_44, %add3A_45 : i32
        "tpu.region"() ({
          %run_scoped3A = tpu.sem_alloc : memref<!tpu.dma_semaphore, #tpu.memory_space<semaphore_mem>>
          %dma_start3A = arith.constant 0 : i32
          %dma_start3A_76 = tpu.memref_slice %arg5[%add3A_46, %dma_start3A] : memref<108544x128xf32, #tpu.memory_space<hbm>> -> memref<128x128xf32, #tpu.memory_space<hbm>>
          %dma_start3A_77 = arith.constant 0 : i32
          %dma_start3A_78 = tpu.memref_slice %arg11[%add3A_43, %dma_start3A_77] : memref<13696x128xf32, #tpu.memory_space<vmem_shared>> -> memref<128x128xf32, #tpu.memory_space<vmem_shared>>
          tpu.enqueue_dma source(%dma_start3A_78 : memref<128x128xf32, #tpu.memory_space<vmem_shared>>) target(%dma_start3A_76 : memref<128x128xf32, #tpu.memory_space<hbm>>) target_semaphore(%run_scoped3A : memref<!tpu.dma_semaphore, #tpu.memory_space<semaphore_mem>>)
          %dma_wait3A = arith.constant 0 : i32
          %dma_wait3A_79 = tpu.memref_slice %arg5[%add3A_46, %dma_wait3A] : memref<108544x128xf32, #tpu.memory_space<hbm>> -> memref<128x128xf32, #tpu.memory_space<hbm>>
          %dma_wait3A_80 = arith.constant 0 : i32
          %dma_wait3A_81 = tpu.memref_slice %arg11[%add3A_43, %dma_wait3A_80] : memref<13696x128xf32, #tpu.memory_space<vmem_shared>> -> memref<128x128xf32, #tpu.memory_space<vmem_shared>>
          tpu.wait_dma2 semaphore(%run_scoped3A : memref<!tpu.dma_semaphore, #tpu.memory_space<semaphore_mem>>) src(%dma_wait3A_81 : memref<128x128xf32, #tpu.memory_space<vmem_shared>>) dst(%dma_wait3A_79 : memref<128x128xf32, #tpu.memory_space<hbm>>)
          tpu.yield
        }) : () -> ()
        %add3A_47 = arith.constant 128 : i32
        %add3A_48 = arith.addi %mul3A_41, %add3A_47 : i32
        %add3A_49 = arith.addi %mul3A_11, %mul3A_41 : i32
        %add3A_50 = arith.constant 128 : i32
        %add3A_51 = arith.addi %add3A_49, %add3A_50 : i32
        "tpu.region"() ({
          %run_scoped3A = tpu.sem_alloc : memref<!tpu.dma_semaphore, #tpu.memory_space<semaphore_mem>>
          %dma_start3A = arith.constant 0 : i32
          %dma_start3A_76 = tpu.memref_slice %arg5[%add3A_51, %dma_start3A] : memref<108544x128xf32, #tpu.memory_space<hbm>> -> memref<128x128xf32, #tpu.memory_space<hbm>>
          %dma_start3A_77 = arith.constant 0 : i32
          %dma_start3A_78 = tpu.memref_slice %arg11[%add3A_48, %dma_start3A_77] : memref<13696x128xf32, #tpu.memory_space<vmem_shared>> -> memref<128x128xf32, #tpu.memory_space<vmem_shared>>
          tpu.enqueue_dma source(%dma_start3A_78 : memref<128x128xf32, #tpu.memory_space<vmem_shared>>) target(%dma_start3A_76 : memref<128x128xf32, #tpu.memory_space<hbm>>) target_semaphore(%run_scoped3A : memref<!tpu.dma_semaphore, #tpu.memory_space<semaphore_mem>>)
          %dma_wait3A = arith.constant 0 : i32
          %dma_wait3A_79 = tpu.memref_slice %arg5[%add3A_51, %dma_wait3A] : memref<108544x128xf32, #tpu.memory_space<hbm>> -> memref<128x128xf32, #tpu.memory_space<hbm>>
          %dma_wait3A_80 = arith.constant 0 : i32
          %dma_wait3A_81 = tpu.memref_slice %arg11[%add3A_48, %dma_wait3A_80] : memref<13696x128xf32, #tpu.memory_space<vmem_shared>> -> memref<128x128xf32, #tpu.memory_space<vmem_shared>>
          tpu.wait_dma2 semaphore(%run_scoped3A : memref<!tpu.dma_semaphore, #tpu.memory_space<semaphore_mem>>) src(%dma_wait3A_81 : memref<128x128xf32, #tpu.memory_space<vmem_shared>>) dst(%dma_wait3A_79 : memref<128x128xf32, #tpu.memory_space<hbm>>)
          tpu.yield
        }) : () -> ()
        %add3A_52 = arith.constant 256 : i32
        %add3A_53 = arith.addi %mul3A_41, %add3A_52 : i32
        %add3A_54 = arith.addi %mul3A_11, %mul3A_41 : i32
        %add3A_55 = arith.constant 256 : i32
        %add3A_56 = arith.addi %add3A_54, %add3A_55 : i32
        "tpu.region"() ({
          %run_scoped3A = tpu.sem_alloc : memref<!tpu.dma_semaphore, #tpu.memory_space<semaphore_mem>>
          %dma_start3A = arith.constant 0 : i32
          %dma_start3A_76 = tpu.memref_slice %arg5[%add3A_56, %dma_start3A] : memref<108544x128xf32, #tpu.memory_space<hbm>> -> memref<128x128xf32, #tpu.memory_space<hbm>>
          %dma_start3A_77 = arith.constant 0 : i32
          %dma_start3A_78 = tpu.memref_slice %arg11[%add3A_53, %dma_start3A_77] : memref<13696x128xf32, #tpu.memory_space<vmem_shared>> -> memref<128x128xf32, #tpu.memory_space<vmem_shared>>
          tpu.enqueue_dma source(%dma_start3A_78 : memref<128x128xf32, #tpu.memory_space<vmem_shared>>) target(%dma_start3A_76 : memref<128x128xf32, #tpu.memory_space<hbm>>) target_semaphore(%run_scoped3A : memref<!tpu.dma_semaphore, #tpu.memory_space<semaphore_mem>>)
          %dma_wait3A = arith.constant 0 : i32
          %dma_wait3A_79 = tpu.memref_slice %arg5[%add3A_56, %dma_wait3A] : memref<108544x128xf32, #tpu.memory_space<hbm>> -> memref<128x128xf32, #tpu.memory_space<hbm>>
          %dma_wait3A_80 = arith.constant 0 : i32
          %dma_wait3A_81 = tpu.memref_slice %arg11[%add3A_53, %dma_wait3A_80] : memref<13696x128xf32, #tpu.memory_space<vmem_shared>> -> memref<128x128xf32, #tpu.memory_space<vmem_shared>>
          tpu.wait_dma2 semaphore(%run_scoped3A : memref<!tpu.dma_semaphore, #tpu.memory_space<semaphore_mem>>) src(%dma_wait3A_81 : memref<128x128xf32, #tpu.memory_space<vmem_shared>>) dst(%dma_wait3A_79 : memref<128x128xf32, #tpu.memory_space<hbm>>)
          tpu.yield
        }) : () -> ()
        %add3A_57 = arith.constant 384 : i32
        %add3A_58 = arith.addi %mul3A_41, %add3A_57 : i32
        %add3A_59 = arith.addi %mul3A_11, %mul3A_41 : i32
        %add3A_60 = arith.constant 384 : i32
        %add3A_61 = arith.addi %add3A_59, %add3A_60 : i32
        "tpu.region"() ({
          %run_scoped3A = tpu.sem_alloc : memref<!tpu.dma_semaphore, #tpu.memory_space<semaphore_mem>>
          %dma_start3A = arith.constant 0 : i32
          %dma_start3A_76 = tpu.memref_slice %arg5[%add3A_61, %dma_start3A] : memref<108544x128xf32, #tpu.memory_space<hbm>> -> memref<128x128xf32, #tpu.memory_space<hbm>>
          %dma_start3A_77 = arith.constant 0 : i32
          %dma_start3A_78 = tpu.memref_slice %arg11[%add3A_58, %dma_start3A_77] : memref<13696x128xf32, #tpu.memory_space<vmem_shared>> -> memref<128x128xf32, #tpu.memory_space<vmem_shared>>
          tpu.enqueue_dma source(%dma_start3A_78 : memref<128x128xf32, #tpu.memory_space<vmem_shared>>) target(%dma_start3A_76 : memref<128x128xf32, #tpu.memory_space<hbm>>) target_semaphore(%run_scoped3A : memref<!tpu.dma_semaphore, #tpu.memory_space<semaphore_mem>>)
          %dma_wait3A = arith.constant 0 : i32
          %dma_wait3A_79 = tpu.memref_slice %arg5[%add3A_61, %dma_wait3A] : memref<108544x128xf32, #tpu.memory_space<hbm>> -> memref<128x128xf32, #tpu.memory_space<hbm>>
          %dma_wait3A_80 = arith.constant 0 : i32
          %dma_wait3A_81 = tpu.memref_slice %arg11[%add3A_58, %dma_wait3A_80] : memref<13696x128xf32, #tpu.memory_space<vmem_shared>> -> memref<128x128xf32, #tpu.memory_space<vmem_shared>>
          tpu.wait_dma2 semaphore(%run_scoped3A : memref<!tpu.dma_semaphore, #tpu.memory_space<semaphore_mem>>) src(%dma_wait3A_81 : memref<128x128xf32, #tpu.memory_space<vmem_shared>>) dst(%dma_wait3A_79 : memref<128x128xf32, #tpu.memory_space<hbm>>)
          tpu.yield
        }) : () -> ()
        %add3A_62 = arith.constant 512 : i32
        %add3A_63 = arith.addi %mul3A_41, %add3A_62 : i32
        %add3A_64 = arith.addi %mul3A_11, %mul3A_41 : i32
        %add3A_65 = arith.constant 512 : i32
        %add3A_66 = arith.addi %add3A_64, %add3A_65 : i32
        "tpu.region"() ({
          %run_scoped3A = tpu.sem_alloc : memref<!tpu.dma_semaphore, #tpu.memory_space<semaphore_mem>>
          %dma_start3A = arith.constant 0 : i32
          %dma_start3A_76 = tpu.memref_slice %arg5[%add3A_66, %dma_start3A] : memref<108544x128xf32, #tpu.memory_space<hbm>> -> memref<128x128xf32, #tpu.memory_space<hbm>>
          %dma_start3A_77 = arith.constant 0 : i32
          %dma_start3A_78 = tpu.memref_slice %arg11[%add3A_63, %dma_start3A_77] : memref<13696x128xf32, #tpu.memory_space<vmem_shared>> -> memref<128x128xf32, #tpu.memory_space<vmem_shared>>
          tpu.enqueue_dma source(%dma_start3A_78 : memref<128x128xf32, #tpu.memory_space<vmem_shared>>) target(%dma_start3A_76 : memref<128x128xf32, #tpu.memory_space<hbm>>) target_semaphore(%run_scoped3A : memref<!tpu.dma_semaphore, #tpu.memory_space<semaphore_mem>>)
          %dma_wait3A = arith.constant 0 : i32
          %dma_wait3A_79 = tpu.memref_slice %arg5[%add3A_66, %dma_wait3A] : memref<108544x128xf32, #tpu.memory_space<hbm>> -> memref<128x128xf32, #tpu.memory_space<hbm>>
          %dma_wait3A_80 = arith.constant 0 : i32
          %dma_wait3A_81 = tpu.memref_slice %arg11[%add3A_63, %dma_wait3A_80] : memref<13696x128xf32, #tpu.memory_space<vmem_shared>> -> memref<128x128xf32, #tpu.memory_space<vmem_shared>>
          tpu.wait_dma2 semaphore(%run_scoped3A : memref<!tpu.dma_semaphore, #tpu.memory_space<semaphore_mem>>) src(%dma_wait3A_81 : memref<128x128xf32, #tpu.memory_space<vmem_shared>>) dst(%dma_wait3A_79 : memref<128x128xf32, #tpu.memory_space<hbm>>)
          tpu.yield
        }) : () -> ()
        %add3A_67 = arith.constant 640 : i32
        %add3A_68 = arith.addi %mul3A_41, %add3A_67 : i32
        %add3A_69 = arith.addi %mul3A_11, %mul3A_41 : i32
        %add3A_70 = arith.constant 640 : i32
        %add3A_71 = arith.addi %add3A_69, %add3A_70 : i32
        "tpu.region"() ({
          %run_scoped3A = tpu.sem_alloc : memref<!tpu.dma_semaphore, #tpu.memory_space<semaphore_mem>>
          %dma_start3A = arith.constant 0 : i32
          %dma_start3A_76 = tpu.memref_slice %arg5[%add3A_71, %dma_start3A] : memref<108544x128xf32, #tpu.memory_space<hbm>> -> memref<128x128xf32, #tpu.memory_space<hbm>>
          %dma_start3A_77 = arith.constant 0 : i32
          %dma_start3A_78 = tpu.memref_slice %arg11[%add3A_68, %dma_start3A_77] : memref<13696x128xf32, #tpu.memory_space<vmem_shared>> -> memref<128x128xf32, #tpu.memory_space<vmem_shared>>
          tpu.enqueue_dma source(%dma_start3A_78 : memref<128x128xf32, #tpu.memory_space<vmem_shared>>) target(%dma_start3A_76 : memref<128x128xf32, #tpu.memory_space<hbm>>) target_semaphore(%run_scoped3A : memref<!tpu.dma_semaphore, #tpu.memory_space<semaphore_mem>>)
          %dma_wait3A = arith.constant 0 : i32
          %dma_wait3A_79 = tpu.memref_slice %arg5[%add3A_71, %dma_wait3A] : memref<108544x128xf32, #tpu.memory_space<hbm>> -> memref<128x128xf32, #tpu.memory_space<hbm>>
          %dma_wait3A_80 = arith.constant 0 : i32
          %dma_wait3A_81 = tpu.memref_slice %arg11[%add3A_68, %dma_wait3A_80] : memref<13696x128xf32, #tpu.memory_space<vmem_shared>> -> memref<128x128xf32, #tpu.memory_space<vmem_shared>>
          tpu.wait_dma2 semaphore(%run_scoped3A : memref<!tpu.dma_semaphore, #tpu.memory_space<semaphore_mem>>) src(%dma_wait3A_81 : memref<128x128xf32, #tpu.memory_space<vmem_shared>>) dst(%dma_wait3A_79 : memref<128x128xf32, #tpu.memory_space<hbm>>)
          tpu.yield
        }) : () -> ()
        %add3A_72 = arith.constant 768 : i32
        %add3A_73 = arith.addi %mul3A_41, %add3A_72 : i32
        %add3A_74 = arith.addi %mul3A_11, %add3A_73 : i32
        "tpu.region"() ({
          %run_scoped3A = tpu.sem_alloc : memref<!tpu.dma_semaphore, #tpu.memory_space<semaphore_mem>>
          %dma_start3A = arith.constant 0 : i32
          %dma_start3A_76 = tpu.memref_slice %arg5[%add3A_74, %dma_start3A] : memref<108544x128xf32, #tpu.memory_space<hbm>> -> memref<80x128xf32, #tpu.memory_space<hbm>>
          %dma_start3A_77 = arith.constant 0 : i32
          %dma_start3A_78 = tpu.memref_slice %arg11[%add3A_73, %dma_start3A_77] : memref<13696x128xf32, #tpu.memory_space<vmem_shared>> -> memref<80x128xf32, #tpu.memory_space<vmem_shared>>
          tpu.enqueue_dma source(%dma_start3A_78 : memref<80x128xf32, #tpu.memory_space<vmem_shared>>) target(%dma_start3A_76 : memref<80x128xf32, #tpu.memory_space<hbm>>) target_semaphore(%run_scoped3A : memref<!tpu.dma_semaphore, #tpu.memory_space<semaphore_mem>>)
          %dma_wait3A = arith.constant 0 : i32
          %dma_wait3A_79 = tpu.memref_slice %arg5[%add3A_74, %dma_wait3A] : memref<108544x128xf32, #tpu.memory_space<hbm>> -> memref<80x128xf32, #tpu.memory_space<hbm>>
          %dma_wait3A_80 = arith.constant 0 : i32
          %dma_wait3A_81 = tpu.memref_slice %arg11[%add3A_73, %dma_wait3A_80] : memref<13696x128xf32, #tpu.memory_space<vmem_shared>> -> memref<80x128xf32, #tpu.memory_space<vmem_shared>>
          tpu.wait_dma2 semaphore(%run_scoped3A : memref<!tpu.dma_semaphore, #tpu.memory_space<semaphore_mem>>) src(%dma_wait3A_81 : memref<80x128xf32, #tpu.memory_space<vmem_shared>>) dst(%dma_wait3A_79 : memref<80x128xf32, #tpu.memory_space<hbm>>)
          tpu.yield
        }) : () -> ()
        %barrier3A_75 = arith.constant 0 : index
        tpu.barrier barrier_id(%barrier3A_75)
      } else {
      }
    }
    %scan3A_6 = arith.constant 4 : i32
    return
  }
}

#map = affine_map<(d0, d1) -> (0, 0)>
#map1 = affine_map<(d0, d1) -> (0)>
module attributes {stable_mosaic.version = 14 : i64} {
  func.func @_prop(%arg0: i32, %arg1: i32, %arg2: memref<100000x128xf32, #tpu.memory_space<hbm>>, %arg3: memref<3276800xi32, #tpu.memory_space<hbm>>, %arg4: memref<128x128xf32, #tpu.memory_space<hbm>>, %arg5: memref<108544x128xf32, #tpu.memory_space<hbm>>, %arg6: memref<4096xi32, #tpu.memory_space<vmem>>, %arg7: memref<128xi32, #tpu.memory_space<vmem>>, %arg8: memref<128xi32, #tpu.memory_space<vmem>>, %arg9: memref<128xi32, #tpu.memory_space<vmem>>, %arg10: memref<128x128xf32, #tpu.memory_space<vmem>>, %arg11: memref<13696x128xf32, #tpu.memory_space<vmem_shared>>, %arg12: memref<!tpu.dma_semaphore, #tpu.memory_space<semaphore_mem>>) attributes {dimension_semantics = [#tpu.dimension_semantics<core_parallel>, #tpu.dimension_semantics<subcore_parallel>], iteration_bounds = array<i64: 2, 16>, scalar_prefetch = 0 : i64, scratch_operands = 7 : i64, tpu.core_type = #tpu.core_type<sc_vector_subcore>, window_params = [{transform_indices = #map}, {transform_indices = #map1}, {transform_indices = #map}, {transform_indices = #map}]} {
    %eq3A = arith.constant 0 : i32
    %eq3A_0 = arith.cmpi eq, %arg0, %eq3A : i32
    %jit3A = arith.constant 4 : i32
    %jit3A_1 = arith.constant 4 : i32
    %select_n3A = arith.select %eq3A_0, %jit3A, %jit3A_1 : i32
    %iota3A = tpu.iota {dimensions = array<i32: 0>} : vector<16xi32>
    %scan3A = arith.constant 0 : i32
    %scan3A_2 = arith.constant 0 : i32
    %scan3A_3 = arith.constant 4 : i32
    %scan3A_4 = arith.addi %scan3A_2, %scan3A_3 : i32
    %scan3A_5 = arith.constant 1 : i32
    scf.for %scan3A_7 = %scan3A_2 to %scan3A_4 step %scan3A_5  : i32 {
      %lt3A = arith.cmpi slt, %scan3A_7, %select_n3A : i32
      %convert_element_type3A = arith.extui %lt3A : i1 to i32
      %cond3A = arith.constant 0 : i32
      %cond3A_8 = arith.cmpi ne, %convert_element_type3A, %cond3A : i32
      scf.if %cond3A_8 {
        %mul3A = arith.constant 2 : i32
        %mul3A_9 = arith.muli %mul3A, %scan3A_7 : i32
        %add3A = arith.addi %mul3A_9, %arg0 : i32
        %mul3A_10 = arith.constant 13568 : i32
        %mul3A_11 = arith.muli %add3A, %mul3A_10 : i32
        %mul3A_12 = arith.constant 856 : i32
        %mul3A_13 = arith.muli %arg1, %mul3A_12 : i32
        %add3A_14 = arith.constant 0 : i32
        %add3A_15 = arith.addi %mul3A_13, %add3A_14 : i32
        "tpu.region"() ({
          %run_scoped3A = tpu.sem_alloc : memref<!tpu.dma_semaphore, #tpu.memory_space<semaphore_mem>>
          %dma_start3A = arith.constant 0 : i32
          %dma_start3A_76 = tpu.memref_slice %arg11[%add3A_15, %dma_start3A] : memref<13696x128xf32, #tpu.memory_space<vmem_shared>> -> memref<128x128xf32, #tpu.memory_space<vmem_shared>>
          tpu.enqueue_dma source(%arg4 : memref<128x128xf32, #tpu.memory_space<hbm>>) target(%dma_start3A_76 : memref<128x128xf32, #tpu.memory_space<vmem_shared>>) target_semaphore(%run_scoped3A : memref<!tpu.dma_semaphore, #tpu.memory_space<semaphore_mem>>)
          %dma_wait3A = arith.constant 0 : i32
          %dma_wait3A_77 = tpu.memref_slice %arg11[%add3A_15, %dma_wait3A] : memref<13696x128xf32, #tpu.memory_space<vmem_shared>> -> memref<128x128xf32, #tpu.memory_space<vmem_shared>>
          tpu.wait_dma2 semaphore(%run_scoped3A : memref<!tpu.dma_semaphore, #tpu.memory_space<semaphore_mem>>) src(%arg4 : memref<128x128xf32, #tpu.memory_space<hbm>>) dst(%dma_wait3A_77 : memref<128x128xf32, #tpu.memory_space<vmem_shared>>)
          tpu.yield
        }) : () -> ()
        %add3A_16 = arith.constant 128 : i32
        %add3A_17 = arith.addi %mul3A_13, %add3A_16 : i32
        "tpu.region"() ({
          %run_scoped3A = tpu.sem_alloc : memref<!tpu.dma_semaphore, #tpu.memory_space<semaphore_mem>>
          %dma_start3A = arith.constant 0 : i32
          %dma_start3A_76 = tpu.memref_slice %arg11[%add3A_17, %dma_start3A] : memref<13696x128xf32, #tpu.memory_space<vmem_shared>> -> memref<128x128xf32, #tpu.memory_space<vmem_shared>>
          tpu.enqueue_dma source(%arg4 : memref<128x128xf32, #tpu.memory_space<hbm>>) target(%dma_start3A_76 : memref<128x128xf32, #tpu.memory_space<vmem_shared>>) target_semaphore(%run_scoped3A : memref<!tpu.dma_semaphore, #tpu.memory_space<semaphore_mem>>)
          %dma_wait3A = arith.constant 0 : i32
          %dma_wait3A_77 = tpu.memref_slice %arg11[%add3A_17, %dma_wait3A] : memref<13696x128xf32, #tpu.memory_space<vmem_shared>> -> memref<128x128xf32, #tpu.memory_space<vmem_shared>>
          tpu.wait_dma2 semaphore(%run_scoped3A : memref<!tpu.dma_semaphore, #tpu.memory_space<semaphore_mem>>) src(%arg4 : memref<128x128xf32, #tpu.memory_space<hbm>>) dst(%dma_wait3A_77 : memref<128x128xf32, #tpu.memory_space<vmem_shared>>)
          tpu.yield
        }) : () -> ()
        %add3A_18 = arith.constant 256 : i32
        %add3A_19 = arith.addi %mul3A_13, %add3A_18 : i32
        "tpu.region"() ({
          %run_scoped3A = tpu.sem_alloc : memref<!tpu.dma_semaphore, #tpu.memory_space<semaphore_mem>>
          %dma_start3A = arith.constant 0 : i32
          %dma_start3A_76 = tpu.memref_slice %arg11[%add3A_19, %dma_start3A] : memref<13696x128xf32, #tpu.memory_space<vmem_shared>> -> memref<128x128xf32, #tpu.memory_space<vmem_shared>>
          tpu.enqueue_dma source(%arg4 : memref<128x128xf32, #tpu.memory_space<hbm>>) target(%dma_start3A_76 : memref<128x128xf32, #tpu.memory_space<vmem_shared>>) target_semaphore(%run_scoped3A : memref<!tpu.dma_semaphore, #tpu.memory_space<semaphore_mem>>)
          %dma_wait3A = arith.constant 0 : i32
          %dma_wait3A_77 = tpu.memref_slice %arg11[%add3A_19, %dma_wait3A] : memref<13696x128xf32, #tpu.memory_space<vmem_shared>> -> memref<128x128xf32, #tpu.memory_space<vmem_shared>>
          tpu.wait_dma2 semaphore(%run_scoped3A : memref<!tpu.dma_semaphore, #tpu.memory_space<semaphore_mem>>) src(%arg4 : memref<128x128xf32, #tpu.memory_space<hbm>>) dst(%dma_wait3A_77 : memref<128x128xf32, #tpu.memory_space<vmem_shared>>)
          tpu.yield
        }) : () -> ()
        %add3A_20 = arith.constant 384 : i32
        %add3A_21 = arith.addi %mul3A_13, %add3A_20 : i32
        "tpu.region"() ({
          %run_scoped3A = tpu.sem_alloc : memref<!tpu.dma_semaphore, #tpu.memory_space<semaphore_mem>>
          %dma_start3A = arith.constant 0 : i32
          %dma_start3A_76 = tpu.memref_slice %arg11[%add3A_21, %dma_start3A] : memref<13696x128xf32, #tpu.memory_space<vmem_shared>> -> memref<128x128xf32, #tpu.memory_space<vmem_shared>>
          tpu.enqueue_dma source(%arg4 : memref<128x128xf32, #tpu.memory_space<hbm>>) target(%dma_start3A_76 : memref<128x128xf32, #tpu.memory_space<vmem_shared>>) target_semaphore(%run_scoped3A : memref<!tpu.dma_semaphore, #tpu.memory_space<semaphore_mem>>)
          %dma_wait3A = arith.constant 0 : i32
          %dma_wait3A_77 = tpu.memref_slice %arg11[%add3A_21, %dma_wait3A] : memref<13696x128xf32, #tpu.memory_space<vmem_shared>> -> memref<128x128xf32, #tpu.memory_space<vmem_shared>>
          tpu.wait_dma2 semaphore(%run_scoped3A : memref<!tpu.dma_semaphore, #tpu.memory_space<semaphore_mem>>) src(%arg4 : memref<128x128xf32, #tpu.memory_space<hbm>>) dst(%dma_wait3A_77 : memref<128x128xf32, #tpu.memory_space<vmem_shared>>)
          tpu.yield
        }) : () -> ()
        %add3A_22 = arith.constant 512 : i32
        %add3A_23 = arith.addi %mul3A_13, %add3A_22 : i32
        "tpu.region"() ({
          %run_scoped3A = tpu.sem_alloc : memref<!tpu.dma_semaphore, #tpu.memory_space<semaphore_mem>>
          %dma_start3A = arith.constant 0 : i32
          %dma_start3A_76 = tpu.memref_slice %arg11[%add3A_23, %dma_start3A] : memref<13696x128xf32, #tpu.memory_space<vmem_shared>> -> memref<128x128xf32, #tpu.memory_space<vmem_shared>>
          tpu.enqueue_dma source(%arg4 : memref<128x128xf32, #tpu.memory_space<hbm>>) target(%dma_start3A_76 : memref<128x128xf32, #tpu.memory_space<vmem_shared>>) target_semaphore(%run_scoped3A : memref<!tpu.dma_semaphore, #tpu.memory_space<semaphore_mem>>)
          %dma_wait3A = arith.constant 0 : i32
          %dma_wait3A_77 = tpu.memref_slice %arg11[%add3A_23, %dma_wait3A] : memref<13696x128xf32, #tpu.memory_space<vmem_shared>> -> memref<128x128xf32, #tpu.memory_space<vmem_shared>>
          tpu.wait_dma2 semaphore(%run_scoped3A : memref<!tpu.dma_semaphore, #tpu.memory_space<semaphore_mem>>) src(%arg4 : memref<128x128xf32, #tpu.memory_space<hbm>>) dst(%dma_wait3A_77 : memref<128x128xf32, #tpu.memory_space<vmem_shared>>)
          tpu.yield
        }) : () -> ()
        %add3A_24 = arith.constant 640 : i32
        %add3A_25 = arith.addi %mul3A_13, %add3A_24 : i32
        "tpu.region"() ({
          %run_scoped3A = tpu.sem_alloc : memref<!tpu.dma_semaphore, #tpu.memory_space<semaphore_mem>>
          %dma_start3A = arith.constant 0 : i32
          %dma_start3A_76 = tpu.memref_slice %arg11[%add3A_25, %dma_start3A] : memref<13696x128xf32, #tpu.memory_space<vmem_shared>> -> memref<128x128xf32, #tpu.memory_space<vmem_shared>>
          tpu.enqueue_dma source(%arg4 : memref<128x128xf32, #tpu.memory_space<hbm>>) target(%dma_start3A_76 : memref<128x128xf32, #tpu.memory_space<vmem_shared>>) target_semaphore(%run_scoped3A : memref<!tpu.dma_semaphore, #tpu.memory_space<semaphore_mem>>)
          %dma_wait3A = arith.constant 0 : i32
          %dma_wait3A_77 = tpu.memref_slice %arg11[%add3A_25, %dma_wait3A] : memref<13696x128xf32, #tpu.memory_space<vmem_shared>> -> memref<128x128xf32, #tpu.memory_space<vmem_shared>>
          tpu.wait_dma2 semaphore(%run_scoped3A : memref<!tpu.dma_semaphore, #tpu.memory_space<semaphore_mem>>) src(%arg4 : memref<128x128xf32, #tpu.memory_space<hbm>>) dst(%dma_wait3A_77 : memref<128x128xf32, #tpu.memory_space<vmem_shared>>)
          tpu.yield
        }) : () -> ()
        %add3A_26 = arith.constant 768 : i32
        %add3A_27 = arith.addi %mul3A_13, %add3A_26 : i32
        "tpu.region"() ({
          %run_scoped3A = tpu.sem_alloc : memref<!tpu.dma_semaphore, #tpu.memory_space<semaphore_mem>>
          %dma_start3A = arith.constant 0 : i32
          %dma_start3A_76 = tpu.memref_slice %arg11[%add3A_27, %dma_start3A] : memref<13696x128xf32, #tpu.memory_space<vmem_shared>> -> memref<88x128xf32, #tpu.memory_space<vmem_shared>>
          %dma_start3A_77 = arith.constant 0 : i32
          %dma_start3A_78 = arith.constant 0 : i32
          %dma_start3A_79 = tpu.memref_slice %arg4[%dma_start3A_77, %dma_start3A_78] : memref<128x128xf32, #tpu.memory_space<hbm>> -> memref<88x128xf32, #tpu.memory_space<hbm>>
          tpu.enqueue_dma source(%dma_start3A_79 : memref<88x128xf32, #tpu.memory_space<hbm>>) target(%dma_start3A_76 : memref<88x128xf32, #tpu.memory_space<vmem_shared>>) target_semaphore(%run_scoped3A : memref<!tpu.dma_semaphore, #tpu.memory_space<semaphore_mem>>)
          %dma_wait3A = arith.constant 0 : i32
          %dma_wait3A_80 = tpu.memref_slice %arg11[%add3A_27, %dma_wait3A] : memref<13696x128xf32, #tpu.memory_space<vmem_shared>> -> memref<88x128xf32, #tpu.memory_space<vmem_shared>>
          %dma_wait3A_81 = arith.constant 0 : i32
          %dma_wait3A_82 = arith.constant 0 : i32
          %dma_wait3A_83 = tpu.memref_slice %arg4[%dma_wait3A_81, %dma_wait3A_82] : memref<128x128xf32, #tpu.memory_space<hbm>> -> memref<88x128xf32, #tpu.memory_space<hbm>>
          tpu.wait_dma2 semaphore(%run_scoped3A : memref<!tpu.dma_semaphore, #tpu.memory_space<semaphore_mem>>) src(%dma_wait3A_83 : memref<88x128xf32, #tpu.memory_space<hbm>>) dst(%dma_wait3A_80 : memref<88x128xf32, #tpu.memory_space<vmem_shared>>)
          tpu.yield
        }) : () -> ()
        %barrier3A = arith.constant 0 : index
        tpu.barrier barrier_id(%barrier3A)
        %scan3A_28 = arith.constant 0 : i32
        %scan3A_29 = arith.constant 0 : i32
        %scan3A_30 = arith.constant 50 : i32
        %scan3A_31 = arith.addi %scan3A_29, %scan3A_30 : i32
        %scan3A_32 = arith.constant 1 : i32
        %scan3A_33 = scf.for %scan3A_76 = %scan3A_29 to %scan3A_31 step %scan3A_32 iter_args(%scan3A_77 = %scan3A_28) -> (i32)  : i32 {
          %mul3A_78 = arith.constant 50 : i32
          %mul3A_79 = arith.muli %arg1, %mul3A_78 : i32
          %add3A_80 = arith.addi %mul3A_79, %scan3A_76 : i32
          %mul3A_81 = arith.constant 4096 : i32
          %mul3A_82 = arith.muli %add3A_80, %mul3A_81 : i32
          "tpu.region"() ({
            %run_scoped3A = tpu.sem_alloc : memref<!tpu.dma_semaphore, #tpu.memory_space<semaphore_mem>>
            %dma_start3A = tpu.memref_slice %arg3[%mul3A_82] : memref<3276800xi32, #tpu.memory_space<hbm>> -> memref<4096xi32, #tpu.memory_space<hbm>>
            %dma_start3A_89 = tpu.memref_slice %arg3[%mul3A_82] : memref<3276800xi32, #tpu.memory_space<hbm>> -> memref<4096xi32, #tpu.memory_space<hbm>>
            tpu.enqueue_dma source(%dma_start3A_89 : memref<4096xi32, #tpu.memory_space<hbm>>) target(%arg6 : memref<4096xi32, #tpu.memory_space<vmem>>) target_semaphore(%run_scoped3A : memref<!tpu.dma_semaphore, #tpu.memory_space<semaphore_mem>>)
            %dma_wait3A = tpu.memref_slice %arg3[%mul3A_82] : memref<3276800xi32, #tpu.memory_space<hbm>> -> memref<4096xi32, #tpu.memory_space<hbm>>
            %dma_wait3A_90 = tpu.memref_slice %arg3[%mul3A_82] : memref<3276800xi32, #tpu.memory_space<hbm>> -> memref<4096xi32, #tpu.memory_space<hbm>>
            tpu.wait_dma2 semaphore(%run_scoped3A : memref<!tpu.dma_semaphore, #tpu.memory_space<semaphore_mem>>) src(%dma_wait3A_90 : memref<4096xi32, #tpu.memory_space<hbm>>) dst(%arg6 : memref<4096xi32, #tpu.memory_space<vmem>>)
            tpu.yield
          }) : () -> ()
          %scan3A_83 = arith.constant 0 : i32
          %scan3A_84 = arith.constant 128 : i32
          %scan3A_85 = arith.addi %scan3A_83, %scan3A_84 : i32
          %scan3A_86 = arith.constant 1 : i32
          %scan3A_87 = scf.for %scan3A_89 = %scan3A_83 to %scan3A_85 step %scan3A_86 iter_args(%scan3A_90 = %scan3A_77) -> (i32)  : i32 {
            %mul3A_91 = arith.constant 16 : i32
            %mul3A_92 = arith.muli %scan3A_89, %mul3A_91 : i32
            %get3A = arith.index_cast %mul3A_92 : i32 to index
            %get3A_93 = tpu.vector_load %arg6[%get3A] {strides = array<i32>} : memref<4096xi32, #tpu.memory_space<vmem>>, vector<16xi32>,
            %get3A_94 = vector.shape_cast %get3A_93 : vector<16xi32> to vector<16xi32>
            %mul3A_95 = arith.constant 16 : i32
            %mul3A_96 = arith.muli %scan3A_89, %mul3A_95 : i32
            %add3A_97 = arith.constant 2048 : i32
            %add3A_98 = arith.addi %add3A_97, %mul3A_96 : i32
            %get3A_99 = arith.index_cast %add3A_98 : i32 to index
            %get3A_100 = tpu.vector_load %arg6[%get3A_99] {strides = array<i32>} : memref<4096xi32, #tpu.memory_space<vmem>>, vector<16xi32>,
            %get3A_101 = vector.shape_cast %get3A_100 : vector<16xi32> to vector<16xi32>
            %sub3A = vector.broadcast %mul3A_11 : i32 to vector<16xi32>
            %sub3A_102 = arith.subi %get3A_101, %sub3A : vector<16xi32>
            %ge3A = arith.constant 0 : i32
            %ge3A_103 = vector.broadcast %ge3A : i32 to vector<16xi32>
            %ge3A_104 = arith.cmpi sge, %sub3A_102, %ge3A_103 : vector<16xi32>
            %lt3A_105 = arith.constant 13568 : i32
            %lt3A_106 = vector.broadcast %lt3A_105 : i32 to vector<16xi32>
            %lt3A_107 = arith.cmpi slt, %sub3A_102, %lt3A_106 : vector<16xi32>
            %and3A = arith.andi %ge3A_104, %lt3A_107 : vector<16xi1>
            %shift_left3A = arith.constant 14 : i32
            %shift_left3A_108 = vector.broadcast %shift_left3A : i32 to vector<16xi32>
            %shift_left3A_109 = arith.shli %get3A_94, %shift_left3A_108 : vector<16xi32>
            %and3A_110 = arith.constant 16383 : i32
            %and3A_111 = vector.broadcast %and3A_110 : i32 to vector<16xi32>
            %and3A_112 = arith.andi %sub3A_102, %and3A_111 : vector<16xi32>
            %or3A = arith.ori %shift_left3A_109, %and3A_112 : vector<16xi32>
            %jit3A_113 = arith.constant 1 : i32
            %jit3A_114 = arith.constant 0 : i32
            %broadcast_in_dim3A = vector.broadcast %jit3A_113 : i32 to vector<16xi32>
            %broadcast_in_dim3A_115 = vector.broadcast %jit3A_114 : i32 to vector<16xi32>
            %select_n3A_116 = arith.select %and3A, %broadcast_in_dim3A, %broadcast_in_dim3A_115 : vector<16xi1>, vector<16xi32>
            %sub3A_117 = arith.constant 1 : i32
            %sub3A_118 = vector.broadcast %sub3A_117 : i32 to vector<16xi32>
            %sub3A_119 = arith.subi %iota3A, %sub3A_118 : vector<16xi32>
            %max3A = arith.constant 0 : i32
            %max3A_120 = vector.broadcast %max3A : i32 to vector<16xi32>
            %max3A_121 = arith.maxsi %sub3A_119, %max3A_120 : vector<16xi32>
            %broadcast_in_dim3A_122 = vector.shape_cast %max3A_121 : vector<16xi32> to vector<16x1xi32>
            %gather3A = vector.shape_cast %broadcast_in_dim3A_122 : vector<16x1xi32> to vector<16xi32>
            %gather3A_123 = tpu.dynamic_gather %select_n3A_116[%gather3A] in [0] : vector<16xi32>, vector<16xi32> -> vector<16xi32>
            %ge3A_124 = arith.constant 1 : i32
            %ge3A_125 = vector.broadcast %ge3A_124 : i32 to vector<16xi32>
            %ge3A_126 = arith.cmpi sge, %iota3A, %ge3A_125 : vector<16xi32>
            %jit3A_127 = arith.constant 0 : i32
            %broadcast_in_dim3A_128 = vector.broadcast %jit3A_127 : i32 to vector<16xi32>
            %select_n3A_129 = arith.select %ge3A_126, %gather3A_123, %broadcast_in_dim3A_128 : vector<16xi1>, vector<16xi32>
            %add3A_130 = arith.addi %select_n3A_116, %select_n3A_129 : vector<16xi32>
            %sub3A_131 = arith.constant 2 : i32
            %sub3A_132 = vector.broadcast %sub3A_131 : i32 to vector<16xi32>
            %sub3A_133 = arith.subi %iota3A, %sub3A_132 : vector<16xi32>
            %max3A_134 = arith.constant 0 : i32
            %max3A_135 = vector.broadcast %max3A_134 : i32 to vector<16xi32>
            %max3A_136 = arith.maxsi %sub3A_133, %max3A_135 : vector<16xi32>
            %broadcast_in_dim3A_137 = vector.shape_cast %max3A_136 : vector<16xi32> to vector<16x1xi32>
            %gather3A_138 = vector.shape_cast %broadcast_in_dim3A_137 : vector<16x1xi32> to vector<16xi32>
            %gather3A_139 = tpu.dynamic_gather %add3A_130[%gather3A_138] in [0] : vector<16xi32>, vector<16xi32> -> vector<16xi32>
            %ge3A_140 = arith.constant 2 : i32
            %ge3A_141 = vector.broadcast %ge3A_140 : i32 to vector<16xi32>
            %ge3A_142 = arith.cmpi sge, %iota3A, %ge3A_141 : vector<16xi32>
            %jit3A_143 = arith.constant 0 : i32
            %broadcast_in_dim3A_144 = vector.broadcast %jit3A_143 : i32 to vector<16xi32>
            %select_n3A_145 = arith.select %ge3A_142, %gather3A_139, %broadcast_in_dim3A_144 : vector<16xi1>, vector<16xi32>
            %add3A_146 = arith.addi %add3A_130, %select_n3A_145 : vector<16xi32>
            %sub3A_147 = arith.constant 4 : i32
            %sub3A_148 = vector.broadcast %sub3A_147 : i32 to vector<16xi32>
            %sub3A_149 = arith.subi %iota3A, %sub3A_148 : vector<16xi32>
            %max3A_150 = arith.constant 0 : i32
            %max3A_151 = vector.broadcast %max3A_150 : i32 to vector<16xi32>
            %max3A_152 = arith.maxsi %sub3A_149, %max3A_151 : vector<16xi32>
            %broadcast_in_dim3A_153 = vector.shape_cast %max3A_152 : vector<16xi32> to vector<16x1xi32>
            %gather3A_154 = vector.shape_cast %broadcast_in_dim3A_153 : vector<16x1xi32> to vector<16xi32>
            %gather3A_155 = tpu.dynamic_gather %add3A_146[%gather3A_154] in [0] : vector<16xi32>, vector<16xi32> -> vector<16xi32>
            %ge3A_156 = arith.constant 4 : i32
            %ge3A_157 = vector.broadcast %ge3A_156 : i32 to vector<16xi32>
            %ge3A_158 = arith.cmpi sge, %iota3A, %ge3A_157 : vector<16xi32>
            %jit3A_159 = arith.constant 0 : i32
            %broadcast_in_dim3A_160 = vector.broadcast %jit3A_159 : i32 to vector<16xi32>
            %select_n3A_161 = arith.select %ge3A_158, %gather3A_155, %broadcast_in_dim3A_160 : vector<16xi1>, vector<16xi32>
            %add3A_162 = arith.addi %add3A_146, %select_n3A_161 : vector<16xi32>
            %sub3A_163 = arith.constant 8 : i32
            %sub3A_164 = vector.broadcast %sub3A_163 : i32 to vector<16xi32>
            %sub3A_165 = arith.subi %iota3A, %sub3A_164 : vector<16xi32>
            %max3A_166 = arith.constant 0 : i32
            %max3A_167 = vector.broadcast %max3A_166 : i32 to vector<16xi32>
            %max3A_168 = arith.maxsi %sub3A_165, %max3A_167 : vector<16xi32>
            %broadcast_in_dim3A_169 = vector.shape_cast %max3A_168 : vector<16xi32> to vector<16x1xi32>
            %gather3A_170 = vector.shape_cast %broadcast_in_dim3A_169 : vector<16x1xi32> to vector<16xi32>
            %gather3A_171 = tpu.dynamic_gather %add3A_162[%gather3A_170] in [0] : vector<16xi32>, vector<16xi32> -> vector<16xi32>
            %ge3A_172 = arith.constant 8 : i32
            %ge3A_173 = vector.broadcast %ge3A_172 : i32 to vector<16xi32>
            %ge3A_174 = arith.cmpi sge, %iota3A, %ge3A_173 : vector<16xi32>
            %jit3A_175 = arith.constant 0 : i32
            %broadcast_in_dim3A_176 = vector.broadcast %jit3A_175 : i32 to vector<16xi32>
            %select_n3A_177 = arith.select %ge3A_174, %gather3A_171, %broadcast_in_dim3A_176 : vector<16xi1>, vector<16xi32>
            %add3A_178 = arith.addi %add3A_162, %select_n3A_177 : vector<16xi32>
            %slice3A = vector.extract_strided_slice %add3A_178 {offsets = [15], sizes = [1], strides = [1]} : vector<16xi32> to vector<1xi32>
            %squeeze3A = vector.extract %slice3A[0] : i32 from vector<1xi32>
            %broadcast_in_dim3A_179 = arith.constant 0 : i32
            %broadcast_in_dim3A_180 = vector.broadcast %broadcast_in_dim3A_179 : i32 to vector<16xi32>
            %add3A_181 = arith.constant 1 : i32
            %add3A_182 = vector.broadcast %add3A_181 : i32 to vector<16xi32>
            %add3A_183 = arith.addi %iota3A, %add3A_182 : vector<16xi32>
            %add3A_184 = arith.constant 8 : i32
            %add3A_185 = vector.broadcast %add3A_184 : i32 to vector<16xi32>
            %add3A_186 = arith.addi %broadcast_in_dim3A_180, %add3A_185 : vector<16xi32>
            %sub3A_187 = arith.constant 1 : i32
            %sub3A_188 = vector.broadcast %sub3A_187 : i32 to vector<16xi32>
            %sub3A_189 = arith.subi %add3A_186, %sub3A_188 : vector<16xi32>
            %broadcast_in_dim3A_190 = vector.shape_cast %sub3A_189 : vector<16xi32> to vector<16x1xi32>
            %gather3A_191 = vector.shape_cast %broadcast_in_dim3A_190 : vector<16x1xi32> to vector<16xi32>
            %gather3A_192 = tpu.dynamic_gather %add3A_178[%gather3A_191] in [0] : vector<16xi32>, vector<16xi32> -> vector<16xi32>
            %lt3A_193 = arith.cmpi slt, %gather3A_192, %add3A_183 : vector<16xi32>
            %select_n3A_194 = arith.select %lt3A_193, %add3A_186, %broadcast_in_dim3A_180 : vector<16xi1>, vector<16xi32>
            %add3A_195 = arith.constant 4 : i32
            %add3A_196 = vector.broadcast %add3A_195 : i32 to vector<16xi32>
            %add3A_197 = arith.addi %select_n3A_194, %add3A_196 : vector<16xi32>
            %sub3A_198 = arith.constant 1 : i32
            %sub3A_199 = vector.broadcast %sub3A_198 : i32 to vector<16xi32>
            %sub3A_200 = arith.subi %add3A_197, %sub3A_199 : vector<16xi32>
            %broadcast_in_dim3A_201 = vector.shape_cast %sub3A_200 : vector<16xi32> to vector<16x1xi32>
            %gather3A_202 = vector.shape_cast %broadcast_in_dim3A_201 : vector<16x1xi32> to vector<16xi32>
            %gather3A_203 = tpu.dynamic_gather %add3A_178[%gather3A_202] in [0] : vector<16xi32>, vector<16xi32> -> vector<16xi32>
            %lt3A_204 = arith.cmpi slt, %gather3A_203, %add3A_183 : vector<16xi32>
            %select_n3A_205 = arith.select %lt3A_204, %add3A_197, %select_n3A_194 : vector<16xi1>, vector<16xi32>
            %add3A_206 = arith.constant 2 : i32
            %add3A_207 = vector.broadcast %add3A_206 : i32 to vector<16xi32>
            %add3A_208 = arith.addi %select_n3A_205, %add3A_207 : vector<16xi32>
            %sub3A_209 = arith.constant 1 : i32
            %sub3A_210 = vector.broadcast %sub3A_209 : i32 to vector<16xi32>
            %sub3A_211 = arith.subi %add3A_208, %sub3A_210 : vector<16xi32>
            %broadcast_in_dim3A_212 = vector.shape_cast %sub3A_211 : vector<16xi32> to vector<16x1xi32>
            %gather3A_213 = vector.shape_cast %broadcast_in_dim3A_212 : vector<16x1xi32> to vector<16xi32>
            %gather3A_214 = tpu.dynamic_gather %add3A_178[%gather3A_213] in [0] : vector<16xi32>, vector<16xi32> -> vector<16xi32>
            %lt3A_215 = arith.cmpi slt, %gather3A_214, %add3A_183 : vector<16xi32>
            %select_n3A_216 = arith.select %lt3A_215, %add3A_208, %select_n3A_205 : vector<16xi1>, vector<16xi32>
            %add3A_217 = arith.constant 1 : i32
            %add3A_218 = vector.broadcast %add3A_217 : i32 to vector<16xi32>
            %add3A_219 = arith.addi %select_n3A_216, %add3A_218 : vector<16xi32>
            %sub3A_220 = arith.constant 1 : i32
            %sub3A_221 = vector.broadcast %sub3A_220 : i32 to vector<16xi32>
            %sub3A_222 = arith.subi %add3A_219, %sub3A_221 : vector<16xi32>
            %broadcast_in_dim3A_223 = vector.shape_cast %sub3A_222 : vector<16xi32> to vector<16x1xi32>
            %gather3A_224 = vector.shape_cast %broadcast_in_dim3A_223 : vector<16x1xi32> to vector<16xi32>
            %gather3A_225 = tpu.dynamic_gather %add3A_178[%gather3A_224] in [0] : vector<16xi32>, vector<16xi32> -> vector<16xi32>
            %lt3A_226 = arith.cmpi slt, %gather3A_225, %add3A_183 : vector<16xi32>
            %select_n3A_227 = arith.select %lt3A_226, %add3A_219, %select_n3A_216 : vector<16xi1>, vector<16xi32>
            %min3A = arith.constant 15 : i32
            %min3A_228 = vector.broadcast %min3A : i32 to vector<16xi32>
            %min3A_229 = arith.minsi %select_n3A_227, %min3A_228 : vector<16xi32>
            %broadcast_in_dim3A_230 = vector.shape_cast %min3A_229 : vector<16xi32> to vector<16x1xi32>
            %gather3A_231 = vector.shape_cast %broadcast_in_dim3A_230 : vector<16x1xi32> to vector<16xi32>
            %gather3A_232 = tpu.dynamic_gather %or3A[%gather3A_231] in [0] : vector<16xi32>, vector<16xi32> -> vector<16xi32>
            %swap3A = arith.index_cast %scan3A_90 : i32 to index
            %swap3A_233 = tpu.vector_load %arg7[%swap3A] {strides = array<i32>} : memref<128xi32, #tpu.memory_space<vmem>>, vector<16xi32>,
            %swap3A_234 = vector.shape_cast %swap3A_233 : vector<16xi32> to vector<16xi32>
            %swap3A_235 = vector.shape_cast %gather3A_232 : vector<16xi32> to vector<16xi32>
            tpu.vector_store %arg7[%swap3A], %swap3A_235 {strides = array<i32>} : memref<128xi32, #tpu.memory_space<vmem>>, vector<16xi32>,
            %add3A_236 = arith.addi %scan3A_90, %squeeze3A : i32
            %gt3A_237 = arith.constant 112 : i32
            %gt3A_238 = arith.cmpi sgt, %add3A_236, %gt3A_237 : i32
            %convert_element_type3A_239 = arith.extui %gt3A_238 : i1 to i32
            %cond3A_240 = arith.constant 0 : i32
            %cond3A_241 = arith.cmpi ne, %convert_element_type3A_239, %cond3A_240 : i32
            scf.if %cond3A_241 {
              %get3A_244 = arith.constant 0 : index
              %get3A_245 = tpu.vector_load %arg7[%get3A_244] {strides = array<i32>} : memref<128xi32, #tpu.memory_space<vmem>>, vector<16xi32>,
              %get3A_246 = vector.shape_cast %get3A_245 : vector<16xi32> to vector<16xi32>
              %add3A_247 = arith.constant 0 : i32
              %add3A_248 = vector.broadcast %add3A_247 : i32 to vector<16xi32>
              %add3A_249 = arith.addi %iota3A, %add3A_248 : vector<16xi32>
              %lt3A_250 = vector.broadcast %add3A_236 : i32 to vector<16xi32>
              %lt3A_251 = arith.cmpi slt, %add3A_249, %lt3A_250 : vector<16xi32>
              %shift_right_arithmetic3A = arith.constant 14 : i32
              %shift_right_arithmetic3A_252 = vector.broadcast %shift_right_arithmetic3A : i32 to vector<16xi32>
              %shift_right_arithmetic3A_253 = arith.shrsi %get3A_246, %shift_right_arithmetic3A_252 : vector<16xi32>
              %and3A_254 = arith.constant 131071 : i32
              %and3A_255 = vector.broadcast %and3A_254 : i32 to vector<16xi32>
              %and3A_256 = arith.andi %shift_right_arithmetic3A_253, %and3A_255 : vector<16xi32>
              %jit3A_257 = arith.constant 0 : i32
              %broadcast_in_dim3A_258 = vector.broadcast %jit3A_257 : i32 to vector<16xi32>
              %select_n3A_259 = arith.select %lt3A_251, %and3A_256, %broadcast_in_dim3A_258 : vector<16xi1>, vector<16xi32>
              %swap3A_260 = arith.constant 0 : index
              %swap3A_261 = tpu.vector_load %arg8[%swap3A_260] {strides = array<i32>} : memref<128xi32, #tpu.memory_space<vmem>>, vector<16xi32>,
              %swap3A_262 = vector.shape_cast %swap3A_261 : vector<16xi32> to vector<16xi32>
              %swap3A_263 = vector.shape_cast %select_n3A_259 : vector<16xi32> to vector<16xi32>
              tpu.vector_store %arg8[%swap3A_260], %swap3A_263 {strides = array<i32>} : memref<128xi32, #tpu.memory_space<vmem>>, vector<16xi32>,
              %and3A_264 = arith.constant 16383 : i32
              %and3A_265 = vector.broadcast %and3A_264 : i32 to vector<16xi32>
              %and3A_266 = arith.andi %get3A_246, %and3A_265 : vector<16xi32>
              %jit3A_267 = arith.constant 13568 : i32
              %broadcast_in_dim3A_268 = vector.broadcast %jit3A_267 : i32 to vector<16xi32>
              %select_n3A_269 = arith.select %lt3A_251, %and3A_266, %broadcast_in_dim3A_268 : vector<16xi1>, vector<16xi32>
              %swap3A_270 = arith.constant 0 : index
              %swap3A_271 = tpu.vector_load %arg9[%swap3A_270] {strides = array<i32>} : memref<128xi32, #tpu.memory_space<vmem>>, vector<16xi32>,
              %swap3A_272 = vector.shape_cast %swap3A_271 : vector<16xi32> to vector<16xi32>
              %swap3A_273 = vector.shape_cast %select_n3A_269 : vector<16xi32> to vector<16xi32>
              tpu.vector_store %arg9[%swap3A_270], %swap3A_273 {strides = array<i32>} : memref<128xi32, #tpu.memory_space<vmem>>, vector<16xi32>,
              %get3A_274 = arith.constant 16 : index
              %get3A_275 = tpu.vector_load %arg7[%get3A_274] {strides = array<i32>} : memref<128xi32, #tpu.memory_space<vmem>>, vector<16xi32>,
              %get3A_276 = vector.shape_cast %get3A_275 : vector<16xi32> to vector<16xi32>
              %add3A_277 = arith.constant 16 : i32
              %add3A_278 = vector.broadcast %add3A_277 : i32 to vector<16xi32>
              %add3A_279 = arith.addi %iota3A, %add3A_278 : vector<16xi32>
              %lt3A_280 = vector.broadcast %add3A_236 : i32 to vector<16xi32>
              %lt3A_281 = arith.cmpi slt, %add3A_279, %lt3A_280 : vector<16xi32>
              %shift_right_arithmetic3A_282 = arith.constant 14 : i32
              %shift_right_arithmetic3A_283 = vector.broadcast %shift_right_arithmetic3A_282 : i32 to vector<16xi32>
              %shift_right_arithmetic3A_284 = arith.shrsi %get3A_276, %shift_right_arithmetic3A_283 : vector<16xi32>
              %and3A_285 = arith.constant 131071 : i32
              %and3A_286 = vector.broadcast %and3A_285 : i32 to vector<16xi32>
              %and3A_287 = arith.andi %shift_right_arithmetic3A_284, %and3A_286 : vector<16xi32>
              %jit3A_288 = arith.constant 0 : i32
              %broadcast_in_dim3A_289 = vector.broadcast %jit3A_288 : i32 to vector<16xi32>
              %select_n3A_290 = arith.select %lt3A_281, %and3A_287, %broadcast_in_dim3A_289 : vector<16xi1>, vector<16xi32>
              %swap3A_291 = arith.constant 16 : index
              %swap3A_292 = tpu.vector_load %arg8[%swap3A_291] {strides = array<i32>} : memref<128xi32, #tpu.memory_space<vmem>>, vector<16xi32>,
              %swap3A_293 = vector.shape_cast %swap3A_292 : vector<16xi32> to vector<16xi32>
              %swap3A_294 = vector.shape_cast %select_n3A_290 : vector<16xi32> to vector<16xi32>
              tpu.vector_store %arg8[%swap3A_291], %swap3A_294 {strides = array<i32>} : memref<128xi32, #tpu.memory_space<vmem>>, vector<16xi32>,
              %and3A_295 = arith.constant 16383 : i32
              %and3A_296 = vector.broadcast %and3A_295 : i32 to vector<16xi32>
              %and3A_297 = arith.andi %get3A_276, %and3A_296 : vector<16xi32>
              %jit3A_298 = arith.constant 13568 : i32
              %broadcast_in_dim3A_299 = vector.broadcast %jit3A_298 : i32 to vector<16xi32>
              %select_n3A_300 = arith.select %lt3A_281, %and3A_297, %broadcast_in_dim3A_299 : vector<16xi1>, vector<16xi32>
              %swap3A_301 = arith.constant 16 : index
              %swap3A_302 = tpu.vector_load %arg9[%swap3A_301] {strides = array<i32>} : memref<128xi32, #tpu.memory_space<vmem>>, vector<16xi32>,
              %swap3A_303 = vector.shape_cast %swap3A_302 : vector<16xi32> to vector<16xi32>
              %swap3A_304 = vector.shape_cast %select_n3A_300 : vector<16xi32> to vector<16xi32>
              tpu.vector_store %arg9[%swap3A_301], %swap3A_304 {strides = array<i32>} : memref<128xi32, #tpu.memory_space<vmem>>, vector<16xi32>,
              %get3A_305 = arith.constant 32 : index
              %get3A_306 = tpu.vector_load %arg7[%get3A_305] {strides = array<i32>} : memref<128xi32, #tpu.memory_space<vmem>>, vector<16xi32>,
              %get3A_307 = vector.shape_cast %get3A_306 : vector<16xi32> to vector<16xi32>
              %add3A_308 = arith.constant 32 : i32
              %add3A_309 = vector.broadcast %add3A_308 : i32 to vector<16xi32>
              %add3A_310 = arith.addi %iota3A, %add3A_309 : vector<16xi32>
              %lt3A_311 = vector.broadcast %add3A_236 : i32 to vector<16xi32>
              %lt3A_312 = arith.cmpi slt, %add3A_310, %lt3A_311 : vector<16xi32>
              %shift_right_arithmetic3A_313 = arith.constant 14 : i32
              %shift_right_arithmetic3A_314 = vector.broadcast %shift_right_arithmetic3A_313 : i32 to vector<16xi32>
              %shift_right_arithmetic3A_315 = arith.shrsi %get3A_307, %shift_right_arithmetic3A_314 : vector<16xi32>
              %and3A_316 = arith.constant 131071 : i32
              %and3A_317 = vector.broadcast %and3A_316 : i32 to vector<16xi32>
              %and3A_318 = arith.andi %shift_right_arithmetic3A_315, %and3A_317 : vector<16xi32>
              %jit3A_319 = arith.constant 0 : i32
              %broadcast_in_dim3A_320 = vector.broadcast %jit3A_319 : i32 to vector<16xi32>
              %select_n3A_321 = arith.select %lt3A_312, %and3A_318, %broadcast_in_dim3A_320 : vector<16xi1>, vector<16xi32>
              %swap3A_322 = arith.constant 32 : index
              %swap3A_323 = tpu.vector_load %arg8[%swap3A_322] {strides = array<i32>} : memref<128xi32, #tpu.memory_space<vmem>>, vector<16xi32>,
              %swap3A_324 = vector.shape_cast %swap3A_323 : vector<16xi32> to vector<16xi32>
              %swap3A_325 = vector.shape_cast %select_n3A_321 : vector<16xi32> to vector<16xi32>
              tpu.vector_store %arg8[%swap3A_322], %swap3A_325 {strides = array<i32>} : memref<128xi32, #tpu.memory_space<vmem>>, vector<16xi32>,
              %and3A_326 = arith.constant 16383 : i32
              %and3A_327 = vector.broadcast %and3A_326 : i32 to vector<16xi32>
              %and3A_328 = arith.andi %get3A_307, %and3A_327 : vector<16xi32>
              %jit3A_329 = arith.constant 13568 : i32
              %broadcast_in_dim3A_330 = vector.broadcast %jit3A_329 : i32 to vector<16xi32>
              %select_n3A_331 = arith.select %lt3A_312, %and3A_328, %broadcast_in_dim3A_330 : vector<16xi1>, vector<16xi32>
              %swap3A_332 = arith.constant 32 : index
              %swap3A_333 = tpu.vector_load %arg9[%swap3A_332] {strides = array<i32>} : memref<128xi32, #tpu.memory_space<vmem>>, vector<16xi32>,
              %swap3A_334 = vector.shape_cast %swap3A_333 : vector<16xi32> to vector<16xi32>
              %swap3A_335 = vector.shape_cast %select_n3A_331 : vector<16xi32> to vector<16xi32>
              tpu.vector_store %arg9[%swap3A_332], %swap3A_335 {strides = array<i32>} : memref<128xi32, #tpu.memory_space<vmem>>, vector<16xi32>,
              %get3A_336 = arith.constant 48 : index
              %get3A_337 = tpu.vector_load %arg7[%get3A_336] {strides = array<i32>} : memref<128xi32, #tpu.memory_space<vmem>>, vector<16xi32>,
              %get3A_338 = vector.shape_cast %get3A_337 : vector<16xi32> to vector<16xi32>
              %add3A_339 = arith.constant 48 : i32
              %add3A_340 = vector.broadcast %add3A_339 : i32 to vector<16xi32>
              %add3A_341 = arith.addi %iota3A, %add3A_340 : vector<16xi32>
              %lt3A_342 = vector.broadcast %add3A_236 : i32 to vector<16xi32>
              %lt3A_343 = arith.cmpi slt, %add3A_341, %lt3A_342 : vector<16xi32>
              %shift_right_arithmetic3A_344 = arith.constant 14 : i32
              %shift_right_arithmetic3A_345 = vector.broadcast %shift_right_arithmetic3A_344 : i32 to vector<16xi32>
              %shift_right_arithmetic3A_346 = arith.shrsi %get3A_338, %shift_right_arithmetic3A_345 : vector<16xi32>
              %and3A_347 = arith.constant 131071 : i32
              %and3A_348 = vector.broadcast %and3A_347 : i32 to vector<16xi32>
              %and3A_349 = arith.andi %shift_right_arithmetic3A_346, %and3A_348 : vector<16xi32>
              %jit3A_350 = arith.constant 0 : i32
              %broadcast_in_dim3A_351 = vector.broadcast %jit3A_350 : i32 to vector<16xi32>
              %select_n3A_352 = arith.select %lt3A_343, %and3A_349, %broadcast_in_dim3A_351 : vector<16xi1>, vector<16xi32>
              %swap3A_353 = arith.constant 48 : index
              %swap3A_354 = tpu.vector_load %arg8[%swap3A_353] {strides = array<i32>} : memref<128xi32, #tpu.memory_space<vmem>>, vector<16xi32>,
              %swap3A_355 = vector.shape_cast %swap3A_354 : vector<16xi32> to vector<16xi32>
              %swap3A_356 = vector.shape_cast %select_n3A_352 : vector<16xi32> to vector<16xi32>
              tpu.vector_store %arg8[%swap3A_353], %swap3A_356 {strides = array<i32>} : memref<128xi32, #tpu.memory_space<vmem>>, vector<16xi32>,
              %and3A_357 = arith.constant 16383 : i32
              %and3A_358 = vector.broadcast %and3A_357 : i32 to vector<16xi32>
              %and3A_359 = arith.andi %get3A_338, %and3A_358 : vector<16xi32>
              %jit3A_360 = arith.constant 13568 : i32
              %broadcast_in_dim3A_361 = vector.broadcast %jit3A_360 : i32 to vector<16xi32>
              %select_n3A_362 = arith.select %lt3A_343, %and3A_359, %broadcast_in_dim3A_361 : vector<16xi1>, vector<16xi32>
              %swap3A_363 = arith.constant 48 : index
              %swap3A_364 = tpu.vector_load %arg9[%swap3A_363] {strides = array<i32>} : memref<128xi32, #tpu.memory_space<vmem>>, vector<16xi32>,
              %swap3A_365 = vector.shape_cast %swap3A_364 : vector<16xi32> to vector<16xi32>
              %swap3A_366 = vector.shape_cast %select_n3A_362 : vector<16xi32> to vector<16xi32>
              tpu.vector_store %arg9[%swap3A_363], %swap3A_366 {strides = array<i32>} : memref<128xi32, #tpu.memory_space<vmem>>, vector<16xi32>,
              %get3A_367 = arith.constant 64 : index
              %get3A_368 = tpu.vector_load %arg7[%get3A_367] {strides = array<i32>} : memref<128xi32, #tpu.memory_space<vmem>>, vector<16xi32>,
              %get3A_369 = vector.shape_cast %get3A_368 : vector<16xi32> to vector<16xi32>
              %add3A_370 = arith.constant 64 : i32
              %add3A_371 = vector.broadcast %add3A_370 : i32 to vector<16xi32>
              %add3A_372 = arith.addi %iota3A, %add3A_371 : vector<16xi32>
              %lt3A_373 = vector.broadcast %add3A_236 : i32 to vector<16xi32>
              %lt3A_374 = arith.cmpi slt, %add3A_372, %lt3A_373 : vector<16xi32>
              %shift_right_arithmetic3A_375 = arith.constant 14 : i32
              %shift_right_arithmetic3A_376 = vector.broadcast %shift_right_arithmetic3A_375 : i32 to vector<16xi32>
              %shift_right_arithmetic3A_377 = arith.shrsi %get3A_369, %shift_right_arithmetic3A_376 : vector<16xi32>
              %and3A_378 = arith.constant 131071 : i32
              %and3A_379 = vector.broadcast %and3A_378 : i32 to vector<16xi32>
              %and3A_380 = arith.andi %shift_right_arithmetic3A_377, %and3A_379 : vector<16xi32>
              %jit3A_381 = arith.constant 0 : i32
              %broadcast_in_dim3A_382 = vector.broadcast %jit3A_381 : i32 to vector<16xi32>
              %select_n3A_383 = arith.select %lt3A_374, %and3A_380, %broadcast_in_dim3A_382 : vector<16xi1>, vector<16xi32>
              %swap3A_384 = arith.constant 64 : index
              %swap3A_385 = tpu.vector_load %arg8[%swap3A_384] {strides = array<i32>} : memref<128xi32, #tpu.memory_space<vmem>>, vector<16xi32>,
              %swap3A_386 = vector.shape_cast %swap3A_385 : vector<16xi32> to vector<16xi32>
              %swap3A_387 = vector.shape_cast %select_n3A_383 : vector<16xi32> to vector<16xi32>
              tpu.vector_store %arg8[%swap3A_384], %swap3A_387 {strides = array<i32>} : memref<128xi32, #tpu.memory_space<vmem>>, vector<16xi32>,
              %and3A_388 = arith.constant 16383 : i32
              %and3A_389 = vector.broadcast %and3A_388 : i32 to vector<16xi32>
              %and3A_390 = arith.andi %get3A_369, %and3A_389 : vector<16xi32>
              %jit3A_391 = arith.constant 13568 : i32
              %broadcast_in_dim3A_392 = vector.broadcast %jit3A_391 : i32 to vector<16xi32>
              %select_n3A_393 = arith.select %lt3A_374, %and3A_390, %broadcast_in_dim3A_392 : vector<16xi1>, vector<16xi32>
              %swap3A_394 = arith.constant 64 : index
              %swap3A_395 = tpu.vector_load %arg9[%swap3A_394] {strides = array<i32>} : memref<128xi32, #tpu.memory_space<vmem>>, vector<16xi32>,
              %swap3A_396 = vector.shape_cast %swap3A_395 : vector<16xi32> to vector<16xi32>
              %swap3A_397 = vector.shape_cast %select_n3A_393 : vector<16xi32> to vector<16xi32>
              tpu.vector_store %arg9[%swap3A_394], %swap3A_397 {strides = array<i32>} : memref<128xi32, #tpu.memory_space<vmem>>, vector<16xi32>,
              %get3A_398 = arith.constant 80 : index
              %get3A_399 = tpu.vector_load %arg7[%get3A_398] {strides = array<i32>} : memref<128xi32, #tpu.memory_space<vmem>>, vector<16xi32>,
              %get3A_400 = vector.shape_cast %get3A_399 : vector<16xi32> to vector<16xi32>
              %add3A_401 = arith.constant 80 : i32
              %add3A_402 = vector.broadcast %add3A_401 : i32 to vector<16xi32>
              %add3A_403 = arith.addi %iota3A, %add3A_402 : vector<16xi32>
              %lt3A_404 = vector.broadcast %add3A_236 : i32 to vector<16xi32>
              %lt3A_405 = arith.cmpi slt, %add3A_403, %lt3A_404 : vector<16xi32>
              %shift_right_arithmetic3A_406 = arith.constant 14 : i32
              %shift_right_arithmetic3A_407 = vector.broadcast %shift_right_arithmetic3A_406 : i32 to vector<16xi32>
              %shift_right_arithmetic3A_408 = arith.shrsi %get3A_400, %shift_right_arithmetic3A_407 : vector<16xi32>
              %and3A_409 = arith.constant 131071 : i32
              %and3A_410 = vector.broadcast %and3A_409 : i32 to vector<16xi32>
              %and3A_411 = arith.andi %shift_right_arithmetic3A_408, %and3A_410 : vector<16xi32>
              %jit3A_412 = arith.constant 0 : i32
              %broadcast_in_dim3A_413 = vector.broadcast %jit3A_412 : i32 to vector<16xi32>
              %select_n3A_414 = arith.select %lt3A_405, %and3A_411, %broadcast_in_dim3A_413 : vector<16xi1>, vector<16xi32>
              %swap3A_415 = arith.constant 80 : index
              %swap3A_416 = tpu.vector_load %arg8[%swap3A_415] {strides = array<i32>} : memref<128xi32, #tpu.memory_space<vmem>>, vector<16xi32>,
              %swap3A_417 = vector.shape_cast %swap3A_416 : vector<16xi32> to vector<16xi32>
              %swap3A_418 = vector.shape_cast %select_n3A_414 : vector<16xi32> to vector<16xi32>
              tpu.vector_store %arg8[%swap3A_415], %swap3A_418 {strides = array<i32>} : memref<128xi32, #tpu.memory_space<vmem>>, vector<16xi32>,
              %and3A_419 = arith.constant 16383 : i32
              %and3A_420 = vector.broadcast %and3A_419 : i32 to vector<16xi32>
              %and3A_421 = arith.andi %get3A_400, %and3A_420 : vector<16xi32>
              %jit3A_422 = arith.constant 13568 : i32
              %broadcast_in_dim3A_423 = vector.broadcast %jit3A_422 : i32 to vector<16xi32>
              %select_n3A_424 = arith.select %lt3A_405, %and3A_421, %broadcast_in_dim3A_423 : vector<16xi1>, vector<16xi32>
              %swap3A_425 = arith.constant 80 : index
              %swap3A_426 = tpu.vector_load %arg9[%swap3A_425] {strides = array<i32>} : memref<128xi32, #tpu.memory_space<vmem>>, vector<16xi32>,
              %swap3A_427 = vector.shape_cast %swap3A_426 : vector<16xi32> to vector<16xi32>
              %swap3A_428 = vector.shape_cast %select_n3A_424 : vector<16xi32> to vector<16xi32>
              tpu.vector_store %arg9[%swap3A_425], %swap3A_428 {strides = array<i32>} : memref<128xi32, #tpu.memory_space<vmem>>, vector<16xi32>,
              %get3A_429 = arith.constant 96 : index
              %get3A_430 = tpu.vector_load %arg7[%get3A_429] {strides = array<i32>} : memref<128xi32, #tpu.memory_space<vmem>>, vector<16xi32>,
              %get3A_431 = vector.shape_cast %get3A_430 : vector<16xi32> to vector<16xi32>
              %add3A_432 = arith.constant 96 : i32
              %add3A_433 = vector.broadcast %add3A_432 : i32 to vector<16xi32>
              %add3A_434 = arith.addi %iota3A, %add3A_433 : vector<16xi32>
              %lt3A_435 = vector.broadcast %add3A_236 : i32 to vector<16xi32>
              %lt3A_436 = arith.cmpi slt, %add3A_434, %lt3A_435 : vector<16xi32>
              %shift_right_arithmetic3A_437 = arith.constant 14 : i32
              %shift_right_arithmetic3A_438 = vector.broadcast %shift_right_arithmetic3A_437 : i32 to vector<16xi32>
              %shift_right_arithmetic3A_439 = arith.shrsi %get3A_431, %shift_right_arithmetic3A_438 : vector<16xi32>
              %and3A_440 = arith.constant 131071 : i32
              %and3A_441 = vector.broadcast %and3A_440 : i32 to vector<16xi32>
              %and3A_442 = arith.andi %shift_right_arithmetic3A_439, %and3A_441 : vector<16xi32>
              %jit3A_443 = arith.constant 0 : i32
              %broadcast_in_dim3A_444 = vector.broadcast %jit3A_443 : i32 to vector<16xi32>
              %select_n3A_445 = arith.select %lt3A_436, %and3A_442, %broadcast_in_dim3A_444 : vector<16xi1>, vector<16xi32>
              %swap3A_446 = arith.constant 96 : index
              %swap3A_447 = tpu.vector_load %arg8[%swap3A_446] {strides = array<i32>} : memref<128xi32, #tpu.memory_space<vmem>>, vector<16xi32>,
              %swap3A_448 = vector.shape_cast %swap3A_447 : vector<16xi32> to vector<16xi32>
              %swap3A_449 = vector.shape_cast %select_n3A_445 : vector<16xi32> to vector<16xi32>
              tpu.vector_store %arg8[%swap3A_446], %swap3A_449 {strides = array<i32>} : memref<128xi32, #tpu.memory_space<vmem>>, vector<16xi32>,
              %and3A_450 = arith.constant 16383 : i32
              %and3A_451 = vector.broadcast %and3A_450 : i32 to vector<16xi32>
              %and3A_452 = arith.andi %get3A_431, %and3A_451 : vector<16xi32>
              %jit3A_453 = arith.constant 13568 : i32
              %broadcast_in_dim3A_454 = vector.broadcast %jit3A_453 : i32 to vector<16xi32>
              %select_n3A_455 = arith.select %lt3A_436, %and3A_452, %broadcast_in_dim3A_454 : vector<16xi1>, vector<16xi32>
              %swap3A_456 = arith.constant 96 : index
              %swap3A_457 = tpu.vector_load %arg9[%swap3A_456] {strides = array<i32>} : memref<128xi32, #tpu.memory_space<vmem>>, vector<16xi32>,
              %swap3A_458 = vector.shape_cast %swap3A_457 : vector<16xi32> to vector<16xi32>
              %swap3A_459 = vector.shape_cast %select_n3A_455 : vector<16xi32> to vector<16xi32>
              tpu.vector_store %arg9[%swap3A_456], %swap3A_459 {strides = array<i32>} : memref<128xi32, #tpu.memory_space<vmem>>, vector<16xi32>,
              %get3A_460 = arith.constant 112 : index
              %get3A_461 = tpu.vector_load %arg7[%get3A_460] {strides = array<i32>} : memref<128xi32, #tpu.memory_space<vmem>>, vector<16xi32>,
              %get3A_462 = vector.shape_cast %get3A_461 : vector<16xi32> to vector<16xi32>
              %add3A_463 = arith.constant 112 : i32
              %add3A_464 = vector.broadcast %add3A_463 : i32 to vector<16xi32>
              %add3A_465 = arith.addi %iota3A, %add3A_464 : vector<16xi32>
              %lt3A_466 = vector.broadcast %add3A_236 : i32 to vector<16xi32>
              %lt3A_467 = arith.cmpi slt, %add3A_465, %lt3A_466 : vector<16xi32>
              %shift_right_arithmetic3A_468 = arith.constant 14 : i32
              %shift_right_arithmetic3A_469 = vector.broadcast %shift_right_arithmetic3A_468 : i32 to vector<16xi32>
              %shift_right_arithmetic3A_470 = arith.shrsi %get3A_462, %shift_right_arithmetic3A_469 : vector<16xi32>
              %and3A_471 = arith.constant 131071 : i32
              %and3A_472 = vector.broadcast %and3A_471 : i32 to vector<16xi32>
              %and3A_473 = arith.andi %shift_right_arithmetic3A_470, %and3A_472 : vector<16xi32>
              %jit3A_474 = arith.constant 0 : i32
              %broadcast_in_dim3A_475 = vector.broadcast %jit3A_474 : i32 to vector<16xi32>
              %select_n3A_476 = arith.select %lt3A_467, %and3A_473, %broadcast_in_dim3A_475 : vector<16xi1>, vector<16xi32>
              %swap3A_477 = arith.constant 112 : index
              %swap3A_478 = tpu.vector_load %arg8[%swap3A_477] {strides = array<i32>} : memref<128xi32, #tpu.memory_space<vmem>>, vector<16xi32>,
              %swap3A_479 = vector.shape_cast %swap3A_478 : vector<16xi32> to vector<16xi32>
              %swap3A_480 = vector.shape_cast %select_n3A_476 : vector<16xi32> to vector<16xi32>
              tpu.vector_store %arg8[%swap3A_477], %swap3A_480 {strides = array<i32>} : memref<128xi32, #tpu.memory_space<vmem>>, vector<16xi32>,
              %and3A_481 = arith.constant 16383 : i32
              %and3A_482 = vector.broadcast %and3A_481 : i32 to vector<16xi32>
              %and3A_483 = arith.andi %get3A_462, %and3A_482 : vector<16xi32>
              %jit3A_484 = arith.constant 13568 : i32
              %broadcast_in_dim3A_485 = vector.broadcast %jit3A_484 : i32 to vector<16xi32>
              %select_n3A_486 = arith.select %lt3A_467, %and3A_483, %broadcast_in_dim3A_485 : vector<16xi1>, vector<16xi32>
              %swap3A_487 = arith.constant 112 : index
              %swap3A_488 = tpu.vector_load %arg9[%swap3A_487] {strides = array<i32>} : memref<128xi32, #tpu.memory_space<vmem>>, vector<16xi32>,
              %swap3A_489 = vector.shape_cast %swap3A_488 : vector<16xi32> to vector<16xi32>
              %swap3A_490 = vector.shape_cast %select_n3A_486 : vector<16xi32> to vector<16xi32>
              tpu.vector_store %arg9[%swap3A_487], %swap3A_490 {strides = array<i32>} : memref<128xi32, #tpu.memory_space<vmem>>, vector<16xi32>,
              %dma_start3A = arith.constant 0 : i32
              %dma_start3A_491 = arith.constant 0 : i32
              %dma_start3A_492 = tpu.memref_slice %arg2[%dma_start3A, %dma_start3A_491] : memref<100000x128xf32, #tpu.memory_space<hbm>> -> memref<100000x128xf32, #tpu.memory_space<hbm>>
              tpu.enqueue_indirect_dma source(%dma_start3A_492 : memref<100000x128xf32, #tpu.memory_space<hbm>>) target(%arg10 : memref<128x128xf32, #tpu.memory_space<vmem>>) offsets(%arg8 : memref<128xi32, #tpu.memory_space<vmem>>) semaphore(%arg12 : memref<!tpu.dma_semaphore, #tpu.memory_space<semaphore_mem>>)
              %dma_wait3A = arith.constant 0 : i32
              %dma_wait3A_493 = arith.constant 0 : i32
              %dma_wait3A_494 = tpu.memref_slice %arg2[%dma_wait3A, %dma_wait3A_493] : memref<100000x128xf32, #tpu.memory_space<hbm>> -> memref<100000x128xf32, #tpu.memory_space<hbm>>
              tpu.wait_indirect_dma semaphore(%arg12 : memref<!tpu.dma_semaphore, #tpu.memory_space<semaphore_mem>>) src(%dma_wait3A_494 : memref<100000x128xf32, #tpu.memory_space<hbm>>) dst(%arg10 : memref<128x128xf32, #tpu.memory_space<vmem>>)
              "tpu.region"() ({
                %run_scoped3A = tpu.sem_alloc : memref<!tpu.dma_semaphore, #tpu.memory_space<semaphore_mem>>
                %dma_start3A_495 = arith.constant 0 : i32
                %dma_start3A_496 = arith.constant 0 : i32
                %dma_start3A_497 = tpu.memref_slice %arg11[%dma_start3A_495, %dma_start3A_496] : memref<13696x128xf32, #tpu.memory_space<vmem_shared>> -> memref<13696x128xf32, #tpu.memory_space<vmem_shared>>
                tpu.enqueue_indirect_dma source(%arg10 : memref<128x128xf32, #tpu.memory_space<vmem>>) target(%dma_start3A_497 : memref<13696x128xf32, #tpu.memory_space<vmem_shared>>) offsets(%arg9 : memref<128xi32, #tpu.memory_space<vmem>>) semaphore(%run_scoped3A : memref<!tpu.dma_semaphore, #tpu.memory_space<semaphore_mem>>) {add = true}
                %dma_wait3A_498 = arith.constant 0 : i32
                %dma_wait3A_499 = arith.constant 0 : i32
                %dma_wait3A_500 = tpu.memref_slice %arg11[%dma_wait3A_498, %dma_wait3A_499] : memref<13696x128xf32, #tpu.memory_space<vmem_shared>> -> memref<13696x128xf32, #tpu.memory_space<vmem_shared>>
                tpu.wait_indirect_dma semaphore(%run_scoped3A : memref<!tpu.dma_semaphore, #tpu.memory_space<semaphore_mem>>) src(%arg10 : memref<128x128xf32, #tpu.memory_space<vmem>>) dst(%dma_wait3A_500 : memref<13696x128xf32, #tpu.memory_space<vmem_shared>>)
                tpu.yield
              }) : () -> ()
            } else {
            }
            %jit3A_242 = arith.constant 0 : i32
            %select_n3A_243 = arith.select %gt3A_238, %jit3A_242, %add3A_236 : i32
            scf.yield %select_n3A_243 : i32
          }
          %scan3A_88 = arith.constant 128 : i32
          scf.yield %scan3A_87 : i32
        }
        %scan3A_34 = arith.constant 50 : i32
        %gt3A = arith.constant 0 : i32
        %gt3A_35 = arith.cmpi sgt, %scan3A_33, %gt3A : i32
        %convert_element_type3A_36 = arith.extui %gt3A_35 : i1 to i32
        %cond3A_37 = arith.constant 0 : i32
        %cond3A_38 = arith.cmpi ne, %convert_element_type3A_36, %cond3A_37 : i32
        scf.if %cond3A_38 {
          %get3A = arith.constant 0 : index
          %get3A_76 = tpu.vector_load %arg7[%get3A] {strides = array<i32>} : memref<128xi32, #tpu.memory_space<vmem>>, vector<16xi32>,
          %get3A_77 = vector.shape_cast %get3A_76 : vector<16xi32> to vector<16xi32>
          %add3A_78 = arith.constant 0 : i32
          %add3A_79 = vector.broadcast %add3A_78 : i32 to vector<16xi32>
          %add3A_80 = arith.addi %iota3A, %add3A_79 : vector<16xi32>
          %lt3A_81 = vector.broadcast %scan3A_33 : i32 to vector<16xi32>
          %lt3A_82 = arith.cmpi slt, %add3A_80, %lt3A_81 : vector<16xi32>
          %shift_right_arithmetic3A = arith.constant 14 : i32
          %shift_right_arithmetic3A_83 = vector.broadcast %shift_right_arithmetic3A : i32 to vector<16xi32>
          %shift_right_arithmetic3A_84 = arith.shrsi %get3A_77, %shift_right_arithmetic3A_83 : vector<16xi32>
          %and3A = arith.constant 131071 : i32
          %and3A_85 = vector.broadcast %and3A : i32 to vector<16xi32>
          %and3A_86 = arith.andi %shift_right_arithmetic3A_84, %and3A_85 : vector<16xi32>
          %jit3A_87 = arith.constant 0 : i32
          %broadcast_in_dim3A = vector.broadcast %jit3A_87 : i32 to vector<16xi32>
          %select_n3A_88 = arith.select %lt3A_82, %and3A_86, %broadcast_in_dim3A : vector<16xi1>, vector<16xi32>
          %swap3A = arith.constant 0 : index
          %swap3A_89 = tpu.vector_load %arg8[%swap3A] {strides = array<i32>} : memref<128xi32, #tpu.memory_space<vmem>>, vector<16xi32>,
          %swap3A_90 = vector.shape_cast %swap3A_89 : vector<16xi32> to vector<16xi32>
          %swap3A_91 = vector.shape_cast %select_n3A_88 : vector<16xi32> to vector<16xi32>
          tpu.vector_store %arg8[%swap3A], %swap3A_91 {strides = array<i32>} : memref<128xi32, #tpu.memory_space<vmem>>, vector<16xi32>,
          %and3A_92 = arith.constant 16383 : i32
          %and3A_93 = vector.broadcast %and3A_92 : i32 to vector<16xi32>
          %and3A_94 = arith.andi %get3A_77, %and3A_93 : vector<16xi32>
          %jit3A_95 = arith.constant 13568 : i32
          %broadcast_in_dim3A_96 = vector.broadcast %jit3A_95 : i32 to vector<16xi32>
          %select_n3A_97 = arith.select %lt3A_82, %and3A_94, %broadcast_in_dim3A_96 : vector<16xi1>, vector<16xi32>
          %swap3A_98 = arith.constant 0 : index
          %swap3A_99 = tpu.vector_load %arg9[%swap3A_98] {strides = array<i32>} : memref<128xi32, #tpu.memory_space<vmem>>, vector<16xi32>,
          %swap3A_100 = vector.shape_cast %swap3A_99 : vector<16xi32> to vector<16xi32>
          %swap3A_101 = vector.shape_cast %select_n3A_97 : vector<16xi32> to vector<16xi32>
          tpu.vector_store %arg9[%swap3A_98], %swap3A_101 {strides = array<i32>} : memref<128xi32, #tpu.memory_space<vmem>>, vector<16xi32>,
          %get3A_102 = arith.constant 16 : index
          %get3A_103 = tpu.vector_load %arg7[%get3A_102] {strides = array<i32>} : memref<128xi32, #tpu.memory_space<vmem>>, vector<16xi32>,
          %get3A_104 = vector.shape_cast %get3A_103 : vector<16xi32> to vector<16xi32>
          %add3A_105 = arith.constant 16 : i32
          %add3A_106 = vector.broadcast %add3A_105 : i32 to vector<16xi32>
          %add3A_107 = arith.addi %iota3A, %add3A_106 : vector<16xi32>
          %lt3A_108 = vector.broadcast %scan3A_33 : i32 to vector<16xi32>
          %lt3A_109 = arith.cmpi slt, %add3A_107, %lt3A_108 : vector<16xi32>
          %shift_right_arithmetic3A_110 = arith.constant 14 : i32
          %shift_right_arithmetic3A_111 = vector.broadcast %shift_right_arithmetic3A_110 : i32 to vector<16xi32>
          %shift_right_arithmetic3A_112 = arith.shrsi %get3A_104, %shift_right_arithmetic3A_111 : vector<16xi32>
          %and3A_113 = arith.constant 131071 : i32
          %and3A_114 = vector.broadcast %and3A_113 : i32 to vector<16xi32>
          %and3A_115 = arith.andi %shift_right_arithmetic3A_112, %and3A_114 : vector<16xi32>
          %jit3A_116 = arith.constant 0 : i32
          %broadcast_in_dim3A_117 = vector.broadcast %jit3A_116 : i32 to vector<16xi32>
          %select_n3A_118 = arith.select %lt3A_109, %and3A_115, %broadcast_in_dim3A_117 : vector<16xi1>, vector<16xi32>
          %swap3A_119 = arith.constant 16 : index
          %swap3A_120 = tpu.vector_load %arg8[%swap3A_119] {strides = array<i32>} : memref<128xi32, #tpu.memory_space<vmem>>, vector<16xi32>,
          %swap3A_121 = vector.shape_cast %swap3A_120 : vector<16xi32> to vector<16xi32>
          %swap3A_122 = vector.shape_cast %select_n3A_118 : vector<16xi32> to vector<16xi32>
          tpu.vector_store %arg8[%swap3A_119], %swap3A_122 {strides = array<i32>} : memref<128xi32, #tpu.memory_space<vmem>>, vector<16xi32>,
          %and3A_123 = arith.constant 16383 : i32
          %and3A_124 = vector.broadcast %and3A_123 : i32 to vector<16xi32>
          %and3A_125 = arith.andi %get3A_104, %and3A_124 : vector<16xi32>
          %jit3A_126 = arith.constant 13568 : i32
          %broadcast_in_dim3A_127 = vector.broadcast %jit3A_126 : i32 to vector<16xi32>
          %select_n3A_128 = arith.select %lt3A_109, %and3A_125, %broadcast_in_dim3A_127 : vector<16xi1>, vector<16xi32>
          %swap3A_129 = arith.constant 16 : index
          %swap3A_130 = tpu.vector_load %arg9[%swap3A_129] {strides = array<i32>} : memref<128xi32, #tpu.memory_space<vmem>>, vector<16xi32>,
          %swap3A_131 = vector.shape_cast %swap3A_130 : vector<16xi32> to vector<16xi32>
          %swap3A_132 = vector.shape_cast %select_n3A_128 : vector<16xi32> to vector<16xi32>
          tpu.vector_store %arg9[%swap3A_129], %swap3A_132 {strides = array<i32>} : memref<128xi32, #tpu.memory_space<vmem>>, vector<16xi32>,
          %get3A_133 = arith.constant 32 : index
          %get3A_134 = tpu.vector_load %arg7[%get3A_133] {strides = array<i32>} : memref<128xi32, #tpu.memory_space<vmem>>, vector<16xi32>,
          %get3A_135 = vector.shape_cast %get3A_134 : vector<16xi32> to vector<16xi32>
          %add3A_136 = arith.constant 32 : i32
          %add3A_137 = vector.broadcast %add3A_136 : i32 to vector<16xi32>
          %add3A_138 = arith.addi %iota3A, %add3A_137 : vector<16xi32>
          %lt3A_139 = vector.broadcast %scan3A_33 : i32 to vector<16xi32>
          %lt3A_140 = arith.cmpi slt, %add3A_138, %lt3A_139 : vector<16xi32>
          %shift_right_arithmetic3A_141 = arith.constant 14 : i32
          %shift_right_arithmetic3A_142 = vector.broadcast %shift_right_arithmetic3A_141 : i32 to vector<16xi32>
          %shift_right_arithmetic3A_143 = arith.shrsi %get3A_135, %shift_right_arithmetic3A_142 : vector<16xi32>
          %and3A_144 = arith.constant 131071 : i32
          %and3A_145 = vector.broadcast %and3A_144 : i32 to vector<16xi32>
          %and3A_146 = arith.andi %shift_right_arithmetic3A_143, %and3A_145 : vector<16xi32>
          %jit3A_147 = arith.constant 0 : i32
          %broadcast_in_dim3A_148 = vector.broadcast %jit3A_147 : i32 to vector<16xi32>
          %select_n3A_149 = arith.select %lt3A_140, %and3A_146, %broadcast_in_dim3A_148 : vector<16xi1>, vector<16xi32>
          %swap3A_150 = arith.constant 32 : index
          %swap3A_151 = tpu.vector_load %arg8[%swap3A_150] {strides = array<i32>} : memref<128xi32, #tpu.memory_space<vmem>>, vector<16xi32>,
          %swap3A_152 = vector.shape_cast %swap3A_151 : vector<16xi32> to vector<16xi32>
          %swap3A_153 = vector.shape_cast %select_n3A_149 : vector<16xi32> to vector<16xi32>
          tpu.vector_store %arg8[%swap3A_150], %swap3A_153 {strides = array<i32>} : memref<128xi32, #tpu.memory_space<vmem>>, vector<16xi32>,
          %and3A_154 = arith.constant 16383 : i32
          %and3A_155 = vector.broadcast %and3A_154 : i32 to vector<16xi32>
          %and3A_156 = arith.andi %get3A_135, %and3A_155 : vector<16xi32>
          %jit3A_157 = arith.constant 13568 : i32
          %broadcast_in_dim3A_158 = vector.broadcast %jit3A_157 : i32 to vector<16xi32>
          %select_n3A_159 = arith.select %lt3A_140, %and3A_156, %broadcast_in_dim3A_158 : vector<16xi1>, vector<16xi32>
          %swap3A_160 = arith.constant 32 : index
          %swap3A_161 = tpu.vector_load %arg9[%swap3A_160] {strides = array<i32>} : memref<128xi32, #tpu.memory_space<vmem>>, vector<16xi32>,
          %swap3A_162 = vector.shape_cast %swap3A_161 : vector<16xi32> to vector<16xi32>
          %swap3A_163 = vector.shape_cast %select_n3A_159 : vector<16xi32> to vector<16xi32>
          tpu.vector_store %arg9[%swap3A_160], %swap3A_163 {strides = array<i32>} : memref<128xi32, #tpu.memory_space<vmem>>, vector<16xi32>,
          %get3A_164 = arith.constant 48 : index
          %get3A_165 = tpu.vector_load %arg7[%get3A_164] {strides = array<i32>} : memref<128xi32, #tpu.memory_space<vmem>>, vector<16xi32>,
          %get3A_166 = vector.shape_cast %get3A_165 : vector<16xi32> to vector<16xi32>
          %add3A_167 = arith.constant 48 : i32
          %add3A_168 = vector.broadcast %add3A_167 : i32 to vector<16xi32>
          %add3A_169 = arith.addi %iota3A, %add3A_168 : vector<16xi32>
          %lt3A_170 = vector.broadcast %scan3A_33 : i32 to vector<16xi32>
          %lt3A_171 = arith.cmpi slt, %add3A_169, %lt3A_170 : vector<16xi32>
          %shift_right_arithmetic3A_172 = arith.constant 14 : i32
          %shift_right_arithmetic3A_173 = vector.broadcast %shift_right_arithmetic3A_172 : i32 to vector<16xi32>
          %shift_right_arithmetic3A_174 = arith.shrsi %get3A_166, %shift_right_arithmetic3A_173 : vector<16xi32>
          %and3A_175 = arith.constant 131071 : i32
          %and3A_176 = vector.broadcast %and3A_175 : i32 to vector<16xi32>
          %and3A_177 = arith.andi %shift_right_arithmetic3A_174, %and3A_176 : vector<16xi32>
          %jit3A_178 = arith.constant 0 : i32
          %broadcast_in_dim3A_179 = vector.broadcast %jit3A_178 : i32 to vector<16xi32>
          %select_n3A_180 = arith.select %lt3A_171, %and3A_177, %broadcast_in_dim3A_179 : vector<16xi1>, vector<16xi32>
          %swap3A_181 = arith.constant 48 : index
          %swap3A_182 = tpu.vector_load %arg8[%swap3A_181] {strides = array<i32>} : memref<128xi32, #tpu.memory_space<vmem>>, vector<16xi32>,
          %swap3A_183 = vector.shape_cast %swap3A_182 : vector<16xi32> to vector<16xi32>
          %swap3A_184 = vector.shape_cast %select_n3A_180 : vector<16xi32> to vector<16xi32>
          tpu.vector_store %arg8[%swap3A_181], %swap3A_184 {strides = array<i32>} : memref<128xi32, #tpu.memory_space<vmem>>, vector<16xi32>,
          %and3A_185 = arith.constant 16383 : i32
          %and3A_186 = vector.broadcast %and3A_185 : i32 to vector<16xi32>
          %and3A_187 = arith.andi %get3A_166, %and3A_186 : vector<16xi32>
          %jit3A_188 = arith.constant 13568 : i32
          %broadcast_in_dim3A_189 = vector.broadcast %jit3A_188 : i32 to vector<16xi32>
          %select_n3A_190 = arith.select %lt3A_171, %and3A_187, %broadcast_in_dim3A_189 : vector<16xi1>, vector<16xi32>
          %swap3A_191 = arith.constant 48 : index
          %swap3A_192 = tpu.vector_load %arg9[%swap3A_191] {strides = array<i32>} : memref<128xi32, #tpu.memory_space<vmem>>, vector<16xi32>,
          %swap3A_193 = vector.shape_cast %swap3A_192 : vector<16xi32> to vector<16xi32>
          %swap3A_194 = vector.shape_cast %select_n3A_190 : vector<16xi32> to vector<16xi32>
          tpu.vector_store %arg9[%swap3A_191], %swap3A_194 {strides = array<i32>} : memref<128xi32, #tpu.memory_space<vmem>>, vector<16xi32>,
          %get3A_195 = arith.constant 64 : index
          %get3A_196 = tpu.vector_load %arg7[%get3A_195] {strides = array<i32>} : memref<128xi32, #tpu.memory_space<vmem>>, vector<16xi32>,
          %get3A_197 = vector.shape_cast %get3A_196 : vector<16xi32> to vector<16xi32>
          %add3A_198 = arith.constant 64 : i32
          %add3A_199 = vector.broadcast %add3A_198 : i32 to vector<16xi32>
          %add3A_200 = arith.addi %iota3A, %add3A_199 : vector<16xi32>
          %lt3A_201 = vector.broadcast %scan3A_33 : i32 to vector<16xi32>
          %lt3A_202 = arith.cmpi slt, %add3A_200, %lt3A_201 : vector<16xi32>
          %shift_right_arithmetic3A_203 = arith.constant 14 : i32
          %shift_right_arithmetic3A_204 = vector.broadcast %shift_right_arithmetic3A_203 : i32 to vector<16xi32>
          %shift_right_arithmetic3A_205 = arith.shrsi %get3A_197, %shift_right_arithmetic3A_204 : vector<16xi32>
          %and3A_206 = arith.constant 131071 : i32
          %and3A_207 = vector.broadcast %and3A_206 : i32 to vector<16xi32>
          %and3A_208 = arith.andi %shift_right_arithmetic3A_205, %and3A_207 : vector<16xi32>
          %jit3A_209 = arith.constant 0 : i32
          %broadcast_in_dim3A_210 = vector.broadcast %jit3A_209 : i32 to vector<16xi32>
          %select_n3A_211 = arith.select %lt3A_202, %and3A_208, %broadcast_in_dim3A_210 : vector<16xi1>, vector<16xi32>
          %swap3A_212 = arith.constant 64 : index
          %swap3A_213 = tpu.vector_load %arg8[%swap3A_212] {strides = array<i32>} : memref<128xi32, #tpu.memory_space<vmem>>, vector<16xi32>,
          %swap3A_214 = vector.shape_cast %swap3A_213 : vector<16xi32> to vector<16xi32>
          %swap3A_215 = vector.shape_cast %select_n3A_211 : vector<16xi32> to vector<16xi32>
          tpu.vector_store %arg8[%swap3A_212], %swap3A_215 {strides = array<i32>} : memref<128xi32, #tpu.memory_space<vmem>>, vector<16xi32>,
          %and3A_216 = arith.constant 16383 : i32
          %and3A_217 = vector.broadcast %and3A_216 : i32 to vector<16xi32>
          %and3A_218 = arith.andi %get3A_197, %and3A_217 : vector<16xi32>
          %jit3A_219 = arith.constant 13568 : i32
          %broadcast_in_dim3A_220 = vector.broadcast %jit3A_219 : i32 to vector<16xi32>
          %select_n3A_221 = arith.select %lt3A_202, %and3A_218, %broadcast_in_dim3A_220 : vector<16xi1>, vector<16xi32>
          %swap3A_222 = arith.constant 64 : index
          %swap3A_223 = tpu.vector_load %arg9[%swap3A_222] {strides = array<i32>} : memref<128xi32, #tpu.memory_space<vmem>>, vector<16xi32>,
          %swap3A_224 = vector.shape_cast %swap3A_223 : vector<16xi32> to vector<16xi32>
          %swap3A_225 = vector.shape_cast %select_n3A_221 : vector<16xi32> to vector<16xi32>
          tpu.vector_store %arg9[%swap3A_222], %swap3A_225 {strides = array<i32>} : memref<128xi32, #tpu.memory_space<vmem>>, vector<16xi32>,
          %get3A_226 = arith.constant 80 : index
          %get3A_227 = tpu.vector_load %arg7[%get3A_226] {strides = array<i32>} : memref<128xi32, #tpu.memory_space<vmem>>, vector<16xi32>,
          %get3A_228 = vector.shape_cast %get3A_227 : vector<16xi32> to vector<16xi32>
          %add3A_229 = arith.constant 80 : i32
          %add3A_230 = vector.broadcast %add3A_229 : i32 to vector<16xi32>
          %add3A_231 = arith.addi %iota3A, %add3A_230 : vector<16xi32>
          %lt3A_232 = vector.broadcast %scan3A_33 : i32 to vector<16xi32>
          %lt3A_233 = arith.cmpi slt, %add3A_231, %lt3A_232 : vector<16xi32>
          %shift_right_arithmetic3A_234 = arith.constant 14 : i32
          %shift_right_arithmetic3A_235 = vector.broadcast %shift_right_arithmetic3A_234 : i32 to vector<16xi32>
          %shift_right_arithmetic3A_236 = arith.shrsi %get3A_228, %shift_right_arithmetic3A_235 : vector<16xi32>
          %and3A_237 = arith.constant 131071 : i32
          %and3A_238 = vector.broadcast %and3A_237 : i32 to vector<16xi32>
          %and3A_239 = arith.andi %shift_right_arithmetic3A_236, %and3A_238 : vector<16xi32>
          %jit3A_240 = arith.constant 0 : i32
          %broadcast_in_dim3A_241 = vector.broadcast %jit3A_240 : i32 to vector<16xi32>
          %select_n3A_242 = arith.select %lt3A_233, %and3A_239, %broadcast_in_dim3A_241 : vector<16xi1>, vector<16xi32>
          %swap3A_243 = arith.constant 80 : index
          %swap3A_244 = tpu.vector_load %arg8[%swap3A_243] {strides = array<i32>} : memref<128xi32, #tpu.memory_space<vmem>>, vector<16xi32>,
          %swap3A_245 = vector.shape_cast %swap3A_244 : vector<16xi32> to vector<16xi32>
          %swap3A_246 = vector.shape_cast %select_n3A_242 : vector<16xi32> to vector<16xi32>
          tpu.vector_store %arg8[%swap3A_243], %swap3A_246 {strides = array<i32>} : memref<128xi32, #tpu.memory_space<vmem>>, vector<16xi32>,
          %and3A_247 = arith.constant 16383 : i32
          %and3A_248 = vector.broadcast %and3A_247 : i32 to vector<16xi32>
          %and3A_249 = arith.andi %get3A_228, %and3A_248 : vector<16xi32>
          %jit3A_250 = arith.constant 13568 : i32
          %broadcast_in_dim3A_251 = vector.broadcast %jit3A_250 : i32 to vector<16xi32>
          %select_n3A_252 = arith.select %lt3A_233, %and3A_249, %broadcast_in_dim3A_251 : vector<16xi1>, vector<16xi32>
          %swap3A_253 = arith.constant 80 : index
          %swap3A_254 = tpu.vector_load %arg9[%swap3A_253] {strides = array<i32>} : memref<128xi32, #tpu.memory_space<vmem>>, vector<16xi32>,
          %swap3A_255 = vector.shape_cast %swap3A_254 : vector<16xi32> to vector<16xi32>
          %swap3A_256 = vector.shape_cast %select_n3A_252 : vector<16xi32> to vector<16xi32>
          tpu.vector_store %arg9[%swap3A_253], %swap3A_256 {strides = array<i32>} : memref<128xi32, #tpu.memory_space<vmem>>, vector<16xi32>,
          %get3A_257 = arith.constant 96 : index
          %get3A_258 = tpu.vector_load %arg7[%get3A_257] {strides = array<i32>} : memref<128xi32, #tpu.memory_space<vmem>>, vector<16xi32>,
          %get3A_259 = vector.shape_cast %get3A_258 : vector<16xi32> to vector<16xi32>
          %add3A_260 = arith.constant 96 : i32
          %add3A_261 = vector.broadcast %add3A_260 : i32 to vector<16xi32>
          %add3A_262 = arith.addi %iota3A, %add3A_261 : vector<16xi32>
          %lt3A_263 = vector.broadcast %scan3A_33 : i32 to vector<16xi32>
          %lt3A_264 = arith.cmpi slt, %add3A_262, %lt3A_263 : vector<16xi32>
          %shift_right_arithmetic3A_265 = arith.constant 14 : i32
          %shift_right_arithmetic3A_266 = vector.broadcast %shift_right_arithmetic3A_265 : i32 to vector<16xi32>
          %shift_right_arithmetic3A_267 = arith.shrsi %get3A_259, %shift_right_arithmetic3A_266 : vector<16xi32>
          %and3A_268 = arith.constant 131071 : i32
          %and3A_269 = vector.broadcast %and3A_268 : i32 to vector<16xi32>
          %and3A_270 = arith.andi %shift_right_arithmetic3A_267, %and3A_269 : vector<16xi32>
          %jit3A_271 = arith.constant 0 : i32
          %broadcast_in_dim3A_272 = vector.broadcast %jit3A_271 : i32 to vector<16xi32>
          %select_n3A_273 = arith.select %lt3A_264, %and3A_270, %broadcast_in_dim3A_272 : vector<16xi1>, vector<16xi32>
          %swap3A_274 = arith.constant 96 : index
          %swap3A_275 = tpu.vector_load %arg8[%swap3A_274] {strides = array<i32>} : memref<128xi32, #tpu.memory_space<vmem>>, vector<16xi32>,
          %swap3A_276 = vector.shape_cast %swap3A_275 : vector<16xi32> to vector<16xi32>
          %swap3A_277 = vector.shape_cast %select_n3A_273 : vector<16xi32> to vector<16xi32>
          tpu.vector_store %arg8[%swap3A_274], %swap3A_277 {strides = array<i32>} : memref<128xi32, #tpu.memory_space<vmem>>, vector<16xi32>,
          %and3A_278 = arith.constant 16383 : i32
          %and3A_279 = vector.broadcast %and3A_278 : i32 to vector<16xi32>
          %and3A_280 = arith.andi %get3A_259, %and3A_279 : vector<16xi32>
          %jit3A_281 = arith.constant 13568 : i32
          %broadcast_in_dim3A_282 = vector.broadcast %jit3A_281 : i32 to vector<16xi32>
          %select_n3A_283 = arith.select %lt3A_264, %and3A_280, %broadcast_in_dim3A_282 : vector<16xi1>, vector<16xi32>
          %swap3A_284 = arith.constant 96 : index
          %swap3A_285 = tpu.vector_load %arg9[%swap3A_284] {strides = array<i32>} : memref<128xi32, #tpu.memory_space<vmem>>, vector<16xi32>,
          %swap3A_286 = vector.shape_cast %swap3A_285 : vector<16xi32> to vector<16xi32>
          %swap3A_287 = vector.shape_cast %select_n3A_283 : vector<16xi32> to vector<16xi32>
          tpu.vector_store %arg9[%swap3A_284], %swap3A_287 {strides = array<i32>} : memref<128xi32, #tpu.memory_space<vmem>>, vector<16xi32>,
          %get3A_288 = arith.constant 112 : index
          %get3A_289 = tpu.vector_load %arg7[%get3A_288] {strides = array<i32>} : memref<128xi32, #tpu.memory_space<vmem>>, vector<16xi32>,
          %get3A_290 = vector.shape_cast %get3A_289 : vector<16xi32> to vector<16xi32>
          %add3A_291 = arith.constant 112 : i32
          %add3A_292 = vector.broadcast %add3A_291 : i32 to vector<16xi32>
          %add3A_293 = arith.addi %iota3A, %add3A_292 : vector<16xi32>
          %lt3A_294 = vector.broadcast %scan3A_33 : i32 to vector<16xi32>
          %lt3A_295 = arith.cmpi slt, %add3A_293, %lt3A_294 : vector<16xi32>
          %shift_right_arithmetic3A_296 = arith.constant 14 : i32
          %shift_right_arithmetic3A_297 = vector.broadcast %shift_right_arithmetic3A_296 : i32 to vector<16xi32>
          %shift_right_arithmetic3A_298 = arith.shrsi %get3A_290, %shift_right_arithmetic3A_297 : vector<16xi32>
          %and3A_299 = arith.constant 131071 : i32
          %and3A_300 = vector.broadcast %and3A_299 : i32 to vector<16xi32>
          %and3A_301 = arith.andi %shift_right_arithmetic3A_298, %and3A_300 : vector<16xi32>
          %jit3A_302 = arith.constant 0 : i32
          %broadcast_in_dim3A_303 = vector.broadcast %jit3A_302 : i32 to vector<16xi32>
          %select_n3A_304 = arith.select %lt3A_295, %and3A_301, %broadcast_in_dim3A_303 : vector<16xi1>, vector<16xi32>
          %swap3A_305 = arith.constant 112 : index
          %swap3A_306 = tpu.vector_load %arg8[%swap3A_305] {strides = array<i32>} : memref<128xi32, #tpu.memory_space<vmem>>, vector<16xi32>,
          %swap3A_307 = vector.shape_cast %swap3A_306 : vector<16xi32> to vector<16xi32>
          %swap3A_308 = vector.shape_cast %select_n3A_304 : vector<16xi32> to vector<16xi32>
          tpu.vector_store %arg8[%swap3A_305], %swap3A_308 {strides = array<i32>} : memref<128xi32, #tpu.memory_space<vmem>>, vector<16xi32>,
          %and3A_309 = arith.constant 16383 : i32
          %and3A_310 = vector.broadcast %and3A_309 : i32 to vector<16xi32>
          %and3A_311 = arith.andi %get3A_290, %and3A_310 : vector<16xi32>
          %jit3A_312 = arith.constant 13568 : i32
          %broadcast_in_dim3A_313 = vector.broadcast %jit3A_312 : i32 to vector<16xi32>
          %select_n3A_314 = arith.select %lt3A_295, %and3A_311, %broadcast_in_dim3A_313 : vector<16xi1>, vector<16xi32>
          %swap3A_315 = arith.constant 112 : index
          %swap3A_316 = tpu.vector_load %arg9[%swap3A_315] {strides = array<i32>} : memref<128xi32, #tpu.memory_space<vmem>>, vector<16xi32>,
          %swap3A_317 = vector.shape_cast %swap3A_316 : vector<16xi32> to vector<16xi32>
          %swap3A_318 = vector.shape_cast %select_n3A_314 : vector<16xi32> to vector<16xi32>
          tpu.vector_store %arg9[%swap3A_315], %swap3A_318 {strides = array<i32>} : memref<128xi32, #tpu.memory_space<vmem>>, vector<16xi32>,
          %dma_start3A = arith.constant 0 : i32
          %dma_start3A_319 = arith.constant 0 : i32
          %dma_start3A_320 = tpu.memref_slice %arg2[%dma_start3A, %dma_start3A_319] : memref<100000x128xf32, #tpu.memory_space<hbm>> -> memref<100000x128xf32, #tpu.memory_space<hbm>>
          tpu.enqueue_indirect_dma source(%dma_start3A_320 : memref<100000x128xf32, #tpu.memory_space<hbm>>) target(%arg10 : memref<128x128xf32, #tpu.memory_space<vmem>>) offsets(%arg8 : memref<128xi32, #tpu.memory_space<vmem>>) semaphore(%arg12 : memref<!tpu.dma_semaphore, #tpu.memory_space<semaphore_mem>>)
          %dma_wait3A = arith.constant 0 : i32
          %dma_wait3A_321 = arith.constant 0 : i32
          %dma_wait3A_322 = tpu.memref_slice %arg2[%dma_wait3A, %dma_wait3A_321] : memref<100000x128xf32, #tpu.memory_space<hbm>> -> memref<100000x128xf32, #tpu.memory_space<hbm>>
          tpu.wait_indirect_dma semaphore(%arg12 : memref<!tpu.dma_semaphore, #tpu.memory_space<semaphore_mem>>) src(%dma_wait3A_322 : memref<100000x128xf32, #tpu.memory_space<hbm>>) dst(%arg10 : memref<128x128xf32, #tpu.memory_space<vmem>>)
          "tpu.region"() ({
            %run_scoped3A = tpu.sem_alloc : memref<!tpu.dma_semaphore, #tpu.memory_space<semaphore_mem>>
            %dma_start3A_323 = arith.constant 0 : i32
            %dma_start3A_324 = arith.constant 0 : i32
            %dma_start3A_325 = tpu.memref_slice %arg11[%dma_start3A_323, %dma_start3A_324] : memref<13696x128xf32, #tpu.memory_space<vmem_shared>> -> memref<13696x128xf32, #tpu.memory_space<vmem_shared>>
            tpu.enqueue_indirect_dma source(%arg10 : memref<128x128xf32, #tpu.memory_space<vmem>>) target(%dma_start3A_325 : memref<13696x128xf32, #tpu.memory_space<vmem_shared>>) offsets(%arg9 : memref<128xi32, #tpu.memory_space<vmem>>) semaphore(%run_scoped3A : memref<!tpu.dma_semaphore, #tpu.memory_space<semaphore_mem>>) {add = true}
            %dma_wait3A_326 = arith.constant 0 : i32
            %dma_wait3A_327 = arith.constant 0 : i32
            %dma_wait3A_328 = tpu.memref_slice %arg11[%dma_wait3A_326, %dma_wait3A_327] : memref<13696x128xf32, #tpu.memory_space<vmem_shared>> -> memref<13696x128xf32, #tpu.memory_space<vmem_shared>>
            tpu.wait_indirect_dma semaphore(%run_scoped3A : memref<!tpu.dma_semaphore, #tpu.memory_space<semaphore_mem>>) src(%arg10 : memref<128x128xf32, #tpu.memory_space<vmem>>) dst(%dma_wait3A_328 : memref<13696x128xf32, #tpu.memory_space<vmem_shared>>)
            tpu.yield
          }) : () -> ()
        } else {
        }
        %barrier3A_39 = arith.constant 0 : index
        tpu.barrier barrier_id(%barrier3A_39)
        %mul3A_40 = arith.constant 848 : i32
        %mul3A_41 = arith.muli %arg1, %mul3A_40 : i32
        %add3A_42 = arith.constant 0 : i32
        %add3A_43 = arith.addi %mul3A_41, %add3A_42 : i32
        %add3A_44 = arith.addi %mul3A_11, %mul3A_41 : i32
        %add3A_45 = arith.constant 0 : i32
        %add3A_46 = arith.addi %add3A_44, %add3A_45 : i32
        "tpu.region"() ({
          %run_scoped3A = tpu.sem_alloc : memref<!tpu.dma_semaphore, #tpu.memory_space<semaphore_mem>>
          %dma_start3A = arith.constant 0 : i32
          %dma_start3A_76 = tpu.memref_slice %arg5[%add3A_46, %dma_start3A] : memref<108544x128xf32, #tpu.memory_space<hbm>> -> memref<128x128xf32, #tpu.memory_space<hbm>>
          %dma_start3A_77 = arith.constant 0 : i32
          %dma_start3A_78 = tpu.memref_slice %arg11[%add3A_43, %dma_start3A_77] : memref<13696x128xf32, #tpu.memory_space<vmem_shared>> -> memref<128x128xf32, #tpu.memory_space<vmem_shared>>
          tpu.enqueue_dma source(%dma_start3A_78 : memref<128x128xf32, #tpu.memory_space<vmem_shared>>) target(%dma_start3A_76 : memref<128x128xf32, #tpu.memory_space<hbm>>) target_semaphore(%run_scoped3A : memref<!tpu.dma_semaphore, #tpu.memory_space<semaphore_mem>>)
          %dma_wait3A = arith.constant 0 : i32
          %dma_wait3A_79 = tpu.memref_slice %arg5[%add3A_46, %dma_wait3A] : memref<108544x128xf32, #tpu.memory_space<hbm>> -> memref<128x128xf32, #tpu.memory_space<hbm>>
          %dma_wait3A_80 = arith.constant 0 : i32
          %dma_wait3A_81 = tpu.memref_slice %arg11[%add3A_43, %dma_wait3A_80] : memref<13696x128xf32, #tpu.memory_space<vmem_shared>> -> memref<128x128xf32, #tpu.memory_space<vmem_shared>>
          tpu.wait_dma2 semaphore(%run_scoped3A : memref<!tpu.dma_semaphore, #tpu.memory_space<semaphore_mem>>) src(%dma_wait3A_81 : memref<128x128xf32, #tpu.memory_space<vmem_shared>>) dst(%dma_wait3A_79 : memref<128x128xf32, #tpu.memory_space<hbm>>)
          tpu.yield
        }) : () -> ()
        %add3A_47 = arith.constant 128 : i32
        %add3A_48 = arith.addi %mul3A_41, %add3A_47 : i32
        %add3A_49 = arith.addi %mul3A_11, %mul3A_41 : i32
        %add3A_50 = arith.constant 128 : i32
        %add3A_51 = arith.addi %add3A_49, %add3A_50 : i32
        "tpu.region"() ({
          %run_scoped3A = tpu.sem_alloc : memref<!tpu.dma_semaphore, #tpu.memory_space<semaphore_mem>>
          %dma_start3A = arith.constant 0 : i32
          %dma_start3A_76 = tpu.memref_slice %arg5[%add3A_51, %dma_start3A] : memref<108544x128xf32, #tpu.memory_space<hbm>> -> memref<128x128xf32, #tpu.memory_space<hbm>>
          %dma_start3A_77 = arith.constant 0 : i32
          %dma_start3A_78 = tpu.memref_slice %arg11[%add3A_48, %dma_start3A_77] : memref<13696x128xf32, #tpu.memory_space<vmem_shared>> -> memref<128x128xf32, #tpu.memory_space<vmem_shared>>
          tpu.enqueue_dma source(%dma_start3A_78 : memref<128x128xf32, #tpu.memory_space<vmem_shared>>) target(%dma_start3A_76 : memref<128x128xf32, #tpu.memory_space<hbm>>) target_semaphore(%run_scoped3A : memref<!tpu.dma_semaphore, #tpu.memory_space<semaphore_mem>>)
          %dma_wait3A = arith.constant 0 : i32
          %dma_wait3A_79 = tpu.memref_slice %arg5[%add3A_51, %dma_wait3A] : memref<108544x128xf32, #tpu.memory_space<hbm>> -> memref<128x128xf32, #tpu.memory_space<hbm>>
          %dma_wait3A_80 = arith.constant 0 : i32
          %dma_wait3A_81 = tpu.memref_slice %arg11[%add3A_48, %dma_wait3A_80] : memref<13696x128xf32, #tpu.memory_space<vmem_shared>> -> memref<128x128xf32, #tpu.memory_space<vmem_shared>>
          tpu.wait_dma2 semaphore(%run_scoped3A : memref<!tpu.dma_semaphore, #tpu.memory_space<semaphore_mem>>) src(%dma_wait3A_81 : memref<128x128xf32, #tpu.memory_space<vmem_shared>>) dst(%dma_wait3A_79 : memref<128x128xf32, #tpu.memory_space<hbm>>)
          tpu.yield
        }) : () -> ()
        %add3A_52 = arith.constant 256 : i32
        %add3A_53 = arith.addi %mul3A_41, %add3A_52 : i32
        %add3A_54 = arith.addi %mul3A_11, %mul3A_41 : i32
        %add3A_55 = arith.constant 256 : i32
        %add3A_56 = arith.addi %add3A_54, %add3A_55 : i32
        "tpu.region"() ({
          %run_scoped3A = tpu.sem_alloc : memref<!tpu.dma_semaphore, #tpu.memory_space<semaphore_mem>>
          %dma_start3A = arith.constant 0 : i32
          %dma_start3A_76 = tpu.memref_slice %arg5[%add3A_56, %dma_start3A] : memref<108544x128xf32, #tpu.memory_space<hbm>> -> memref<128x128xf32, #tpu.memory_space<hbm>>
          %dma_start3A_77 = arith.constant 0 : i32
          %dma_start3A_78 = tpu.memref_slice %arg11[%add3A_53, %dma_start3A_77] : memref<13696x128xf32, #tpu.memory_space<vmem_shared>> -> memref<128x128xf32, #tpu.memory_space<vmem_shared>>
          tpu.enqueue_dma source(%dma_start3A_78 : memref<128x128xf32, #tpu.memory_space<vmem_shared>>) target(%dma_start3A_76 : memref<128x128xf32, #tpu.memory_space<hbm>>) target_semaphore(%run_scoped3A : memref<!tpu.dma_semaphore, #tpu.memory_space<semaphore_mem>>)
          %dma_wait3A = arith.constant 0 : i32
          %dma_wait3A_79 = tpu.memref_slice %arg5[%add3A_56, %dma_wait3A] : memref<108544x128xf32, #tpu.memory_space<hbm>> -> memref<128x128xf32, #tpu.memory_space<hbm>>
          %dma_wait3A_80 = arith.constant 0 : i32
          %dma_wait3A_81 = tpu.memref_slice %arg11[%add3A_53, %dma_wait3A_80] : memref<13696x128xf32, #tpu.memory_space<vmem_shared>> -> memref<128x128xf32, #tpu.memory_space<vmem_shared>>
          tpu.wait_dma2 semaphore(%run_scoped3A : memref<!tpu.dma_semaphore, #tpu.memory_space<semaphore_mem>>) src(%dma_wait3A_81 : memref<128x128xf32, #tpu.memory_space<vmem_shared>>) dst(%dma_wait3A_79 : memref<128x128xf32, #tpu.memory_space<hbm>>)
          tpu.yield
        }) : () -> ()
        %add3A_57 = arith.constant 384 : i32
        %add3A_58 = arith.addi %mul3A_41, %add3A_57 : i32
        %add3A_59 = arith.addi %mul3A_11, %mul3A_41 : i32
        %add3A_60 = arith.constant 384 : i32
        %add3A_61 = arith.addi %add3A_59, %add3A_60 : i32
        "tpu.region"() ({
          %run_scoped3A = tpu.sem_alloc : memref<!tpu.dma_semaphore, #tpu.memory_space<semaphore_mem>>
          %dma_start3A = arith.constant 0 : i32
          %dma_start3A_76 = tpu.memref_slice %arg5[%add3A_61, %dma_start3A] : memref<108544x128xf32, #tpu.memory_space<hbm>> -> memref<128x128xf32, #tpu.memory_space<hbm>>
          %dma_start3A_77 = arith.constant 0 : i32
          %dma_start3A_78 = tpu.memref_slice %arg11[%add3A_58, %dma_start3A_77] : memref<13696x128xf32, #tpu.memory_space<vmem_shared>> -> memref<128x128xf32, #tpu.memory_space<vmem_shared>>
          tpu.enqueue_dma source(%dma_start3A_78 : memref<128x128xf32, #tpu.memory_space<vmem_shared>>) target(%dma_start3A_76 : memref<128x128xf32, #tpu.memory_space<hbm>>) target_semaphore(%run_scoped3A : memref<!tpu.dma_semaphore, #tpu.memory_space<semaphore_mem>>)
          %dma_wait3A = arith.constant 0 : i32
          %dma_wait3A_79 = tpu.memref_slice %arg5[%add3A_61, %dma_wait3A] : memref<108544x128xf32, #tpu.memory_space<hbm>> -> memref<128x128xf32, #tpu.memory_space<hbm>>
          %dma_wait3A_80 = arith.constant 0 : i32
          %dma_wait3A_81 = tpu.memref_slice %arg11[%add3A_58, %dma_wait3A_80] : memref<13696x128xf32, #tpu.memory_space<vmem_shared>> -> memref<128x128xf32, #tpu.memory_space<vmem_shared>>
          tpu.wait_dma2 semaphore(%run_scoped3A : memref<!tpu.dma_semaphore, #tpu.memory_space<semaphore_mem>>) src(%dma_wait3A_81 : memref<128x128xf32, #tpu.memory_space<vmem_shared>>) dst(%dma_wait3A_79 : memref<128x128xf32, #tpu.memory_space<hbm>>)
          tpu.yield
        }) : () -> ()
        %add3A_62 = arith.constant 512 : i32
        %add3A_63 = arith.addi %mul3A_41, %add3A_62 : i32
        %add3A_64 = arith.addi %mul3A_11, %mul3A_41 : i32
        %add3A_65 = arith.constant 512 : i32
        %add3A_66 = arith.addi %add3A_64, %add3A_65 : i32
        "tpu.region"() ({
          %run_scoped3A = tpu.sem_alloc : memref<!tpu.dma_semaphore, #tpu.memory_space<semaphore_mem>>
          %dma_start3A = arith.constant 0 : i32
          %dma_start3A_76 = tpu.memref_slice %arg5[%add3A_66, %dma_start3A] : memref<108544x128xf32, #tpu.memory_space<hbm>> -> memref<128x128xf32, #tpu.memory_space<hbm>>
          %dma_start3A_77 = arith.constant 0 : i32
          %dma_start3A_78 = tpu.memref_slice %arg11[%add3A_63, %dma_start3A_77] : memref<13696x128xf32, #tpu.memory_space<vmem_shared>> -> memref<128x128xf32, #tpu.memory_space<vmem_shared>>
          tpu.enqueue_dma source(%dma_start3A_78 : memref<128x128xf32, #tpu.memory_space<vmem_shared>>) target(%dma_start3A_76 : memref<128x128xf32, #tpu.memory_space<hbm>>) target_semaphore(%run_scoped3A : memref<!tpu.dma_semaphore, #tpu.memory_space<semaphore_mem>>)
          %dma_wait3A = arith.constant 0 : i32
          %dma_wait3A_79 = tpu.memref_slice %arg5[%add3A_66, %dma_wait3A] : memref<108544x128xf32, #tpu.memory_space<hbm>> -> memref<128x128xf32, #tpu.memory_space<hbm>>
          %dma_wait3A_80 = arith.constant 0 : i32
          %dma_wait3A_81 = tpu.memref_slice %arg11[%add3A_63, %dma_wait3A_80] : memref<13696x128xf32, #tpu.memory_space<vmem_shared>> -> memref<128x128xf32, #tpu.memory_space<vmem_shared>>
          tpu.wait_dma2 semaphore(%run_scoped3A : memref<!tpu.dma_semaphore, #tpu.memory_space<semaphore_mem>>) src(%dma_wait3A_81 : memref<128x128xf32, #tpu.memory_space<vmem_shared>>) dst(%dma_wait3A_79 : memref<128x128xf32, #tpu.memory_space<hbm>>)
          tpu.yield
        }) : () -> ()
        %add3A_67 = arith.constant 640 : i32
        %add3A_68 = arith.addi %mul3A_41, %add3A_67 : i32
        %add3A_69 = arith.addi %mul3A_11, %mul3A_41 : i32
        %add3A_70 = arith.constant 640 : i32
        %add3A_71 = arith.addi %add3A_69, %add3A_70 : i32
        "tpu.region"() ({
          %run_scoped3A = tpu.sem_alloc : memref<!tpu.dma_semaphore, #tpu.memory_space<semaphore_mem>>
          %dma_start3A = arith.constant 0 : i32
          %dma_start3A_76 = tpu.memref_slice %arg5[%add3A_71, %dma_start3A] : memref<108544x128xf32, #tpu.memory_space<hbm>> -> memref<128x128xf32, #tpu.memory_space<hbm>>
          %dma_start3A_77 = arith.constant 0 : i32
          %dma_start3A_78 = tpu.memref_slice %arg11[%add3A_68, %dma_start3A_77] : memref<13696x128xf32, #tpu.memory_space<vmem_shared>> -> memref<128x128xf32, #tpu.memory_space<vmem_shared>>
          tpu.enqueue_dma source(%dma_start3A_78 : memref<128x128xf32, #tpu.memory_space<vmem_shared>>) target(%dma_start3A_76 : memref<128x128xf32, #tpu.memory_space<hbm>>) target_semaphore(%run_scoped3A : memref<!tpu.dma_semaphore, #tpu.memory_space<semaphore_mem>>)
          %dma_wait3A = arith.constant 0 : i32
          %dma_wait3A_79 = tpu.memref_slice %arg5[%add3A_71, %dma_wait3A] : memref<108544x128xf32, #tpu.memory_space<hbm>> -> memref<128x128xf32, #tpu.memory_space<hbm>>
          %dma_wait3A_80 = arith.constant 0 : i32
          %dma_wait3A_81 = tpu.memref_slice %arg11[%add3A_68, %dma_wait3A_80] : memref<13696x128xf32, #tpu.memory_space<vmem_shared>> -> memref<128x128xf32, #tpu.memory_space<vmem_shared>>
          tpu.wait_dma2 semaphore(%run_scoped3A : memref<!tpu.dma_semaphore, #tpu.memory_space<semaphore_mem>>) src(%dma_wait3A_81 : memref<128x128xf32, #tpu.memory_space<vmem_shared>>) dst(%dma_wait3A_79 : memref<128x128xf32, #tpu.memory_space<hbm>>)
          tpu.yield
        }) : () -> ()
        %add3A_72 = arith.constant 768 : i32
        %add3A_73 = arith.addi %mul3A_41, %add3A_72 : i32
        %add3A_74 = arith.addi %mul3A_11, %add3A_73 : i32
        "tpu.region"() ({
          %run_scoped3A = tpu.sem_alloc : memref<!tpu.dma_semaphore, #tpu.memory_space<semaphore_mem>>
          %dma_start3A = arith.constant 0 : i32
          %dma_start3A_76 = tpu.memref_slice %arg5[%add3A_74, %dma_start3A] : memref<108544x128xf32, #tpu.memory_space<hbm>> -> memref<80x128xf32, #tpu.memory_space<hbm>>
          %dma_start3A_77 = arith.constant 0 : i32
          %dma_start3A_78 = tpu.memref_slice %arg11[%add3A_73, %dma_start3A_77] : memref<13696x128xf32, #tpu.memory_space<vmem_shared>> -> memref<80x128xf32, #tpu.memory_space<vmem_shared>>
          tpu.enqueue_dma source(%dma_start3A_78 : memref<80x128xf32, #tpu.memory_space<vmem_shared>>) target(%dma_start3A_76 : memref<80x128xf32, #tpu.memory_space<hbm>>) target_semaphore(%run_scoped3A : memref<!tpu.dma_semaphore, #tpu.memory_space<semaphore_mem>>)
          %dma_wait3A = arith.constant 0 : i32
          %dma_wait3A_79 = tpu.memref_slice %arg5[%add3A_74, %dma_wait3A] : memref<108544x128xf32, #tpu.memory_space<hbm>> -> memref<80x128xf32, #tpu.memory_space<hbm>>
          %dma_wait3A_80 = arith.constant 0 : i32
          %dma_wait3A_81 = tpu.memref_slice %arg11[%add3A_73, %dma_wait3A_80] : memref<13696x128xf32, #tpu.memory_space<vmem_shared>> -> memref<80x128xf32, #tpu.memory_space<vmem_shared>>
          tpu.wait_dma2 semaphore(%run_scoped3A : memref<!tpu.dma_semaphore, #tpu.memory_space<semaphore_mem>>) src(%dma_wait3A_81 : memref<80x128xf32, #tpu.memory_space<vmem_shared>>) dst(%dma_wait3A_79 : memref<80x128xf32, #tpu.memory_space<hbm>>)
          tpu.yield
        }) : () -> ()
        %barrier3A_75 = arith.constant 0 : index
        tpu.barrier barrier_id(%barrier3A_75)
      } else {
      }
    }
    %scan3A_6 = arith.constant 4 : i32
    return
  }
}

#map = affine_map<(d0, d1) -> (0, 0)>
#map1 = affine_map<(d0, d1) -> (0)>
module attributes {stable_mosaic.version = 14 : i64} {
  func.func @_degree(%arg0: i32, %arg1: i32, %arg2: memref<128x128xf32, #tpu.memory_space<hbm>>, %arg3: memref<3276800xi32, #tpu.memory_space<hbm>>, %arg4: memref<128x128xf32, #tpu.memory_space<hbm>>, %arg5: memref<108544x128xf32, #tpu.memory_space<hbm>>, %arg6: memref<2048xi32, #tpu.memory_space<vmem>>, %arg7: memref<128xi32, #tpu.memory_space<vmem>>, %arg8: memref<128xi32, #tpu.memory_space<vmem>>, %arg9: memref<128x128xf32, #tpu.memory_space<vmem>>, %arg10: memref<13696x128xf32, #tpu.memory_space<vmem_shared>>) attributes {dimension_semantics = [#tpu.dimension_semantics<core_parallel>, #tpu.dimension_semantics<subcore_parallel>], iteration_bounds = array<i64: 2, 16>, scalar_prefetch = 0 : i64, scratch_operands = 5 : i64, tpu.core_type = #tpu.core_type<sc_vector_subcore>, window_params = [{transform_indices = #map}, {transform_indices = #map1}, {transform_indices = #map}, {transform_indices = #map}]} {
    %eq3A = arith.constant 0 : i32
    %eq3A_0 = arith.cmpi eq, %arg0, %eq3A : i32
    %jit3A = arith.constant 4 : i32
    %jit3A_1 = arith.constant 4 : i32
    %select_n3A = arith.select %eq3A_0, %jit3A, %jit3A_1 : i32
    %iota3A = tpu.iota {dimensions = array<i32: 0>} : vector<16xi32>
    "tpu.region"() ({
      %run_scoped3A = tpu.sem_alloc : memref<!tpu.dma_semaphore, #tpu.memory_space<semaphore_mem>>
      tpu.enqueue_dma source(%arg2 : memref<128x128xf32, #tpu.memory_space<hbm>>) target(%arg9 : memref<128x128xf32, #tpu.memory_space<vmem>>) target_semaphore(%run_scoped3A : memref<!tpu.dma_semaphore, #tpu.memory_space<semaphore_mem>>)
      tpu.wait_dma2 semaphore(%run_scoped3A : memref<!tpu.dma_semaphore, #tpu.memory_space<semaphore_mem>>) src(%arg2 : memref<128x128xf32, #tpu.memory_space<hbm>>) dst(%arg9 : memref<128x128xf32, #tpu.memory_space<vmem>>)
      tpu.yield
    }) : () -> ()
    %scan3A = arith.constant 0 : i32
    %scan3A_2 = arith.constant 0 : i32
    %scan3A_3 = arith.constant 4 : i32
    %scan3A_4 = arith.addi %scan3A_2, %scan3A_3 : i32
    %scan3A_5 = arith.constant 1 : i32
    scf.for %scan3A_7 = %scan3A_2 to %scan3A_4 step %scan3A_5  : i32 {
      %lt3A = arith.cmpi slt, %scan3A_7, %select_n3A : i32
      %convert_element_type3A = arith.extui %lt3A : i1 to i32
      %cond3A = arith.constant 0 : i32
      %cond3A_8 = arith.cmpi ne, %convert_element_type3A, %cond3A : i32
      scf.if %cond3A_8 {
        %mul3A = arith.constant 2 : i32
        %mul3A_9 = arith.muli %mul3A, %scan3A_7 : i32
        %add3A = arith.addi %mul3A_9, %arg0 : i32
        %mul3A_10 = arith.constant 13568 : i32
        %mul3A_11 = arith.muli %add3A, %mul3A_10 : i32
        %mul3A_12 = arith.constant 856 : i32
        %mul3A_13 = arith.muli %arg1, %mul3A_12 : i32
        %add3A_14 = arith.constant 0 : i32
        %add3A_15 = arith.addi %mul3A_13, %add3A_14 : i32
        "tpu.region"() ({
          %run_scoped3A = tpu.sem_alloc : memref<!tpu.dma_semaphore, #tpu.memory_space<semaphore_mem>>
          %dma_start3A = arith.constant 0 : i32
          %dma_start3A_76 = tpu.memref_slice %arg10[%add3A_15, %dma_start3A] : memref<13696x128xf32, #tpu.memory_space<vmem_shared>> -> memref<128x128xf32, #tpu.memory_space<vmem_shared>>
          tpu.enqueue_dma source(%arg4 : memref<128x128xf32, #tpu.memory_space<hbm>>) target(%dma_start3A_76 : memref<128x128xf32, #tpu.memory_space<vmem_shared>>) target_semaphore(%run_scoped3A : memref<!tpu.dma_semaphore, #tpu.memory_space<semaphore_mem>>)
          %dma_wait3A = arith.constant 0 : i32
          %dma_wait3A_77 = tpu.memref_slice %arg10[%add3A_15, %dma_wait3A] : memref<13696x128xf32, #tpu.memory_space<vmem_shared>> -> memref<128x128xf32, #tpu.memory_space<vmem_shared>>
          tpu.wait_dma2 semaphore(%run_scoped3A : memref<!tpu.dma_semaphore, #tpu.memory_space<semaphore_mem>>) src(%arg4 : memref<128x128xf32, #tpu.memory_space<hbm>>) dst(%dma_wait3A_77 : memref<128x128xf32, #tpu.memory_space<vmem_shared>>)
          tpu.yield
        }) : () -> ()
        %add3A_16 = arith.constant 128 : i32
        %add3A_17 = arith.addi %mul3A_13, %add3A_16 : i32
        "tpu.region"() ({
          %run_scoped3A = tpu.sem_alloc : memref<!tpu.dma_semaphore, #tpu.memory_space<semaphore_mem>>
          %dma_start3A = arith.constant 0 : i32
          %dma_start3A_76 = tpu.memref_slice %arg10[%add3A_17, %dma_start3A] : memref<13696x128xf32, #tpu.memory_space<vmem_shared>> -> memref<128x128xf32, #tpu.memory_space<vmem_shared>>
          tpu.enqueue_dma source(%arg4 : memref<128x128xf32, #tpu.memory_space<hbm>>) target(%dma_start3A_76 : memref<128x128xf32, #tpu.memory_space<vmem_shared>>) target_semaphore(%run_scoped3A : memref<!tpu.dma_semaphore, #tpu.memory_space<semaphore_mem>>)
          %dma_wait3A = arith.constant 0 : i32
          %dma_wait3A_77 = tpu.memref_slice %arg10[%add3A_17, %dma_wait3A] : memref<13696x128xf32, #tpu.memory_space<vmem_shared>> -> memref<128x128xf32, #tpu.memory_space<vmem_shared>>
          tpu.wait_dma2 semaphore(%run_scoped3A : memref<!tpu.dma_semaphore, #tpu.memory_space<semaphore_mem>>) src(%arg4 : memref<128x128xf32, #tpu.memory_space<hbm>>) dst(%dma_wait3A_77 : memref<128x128xf32, #tpu.memory_space<vmem_shared>>)
          tpu.yield
        }) : () -> ()
        %add3A_18 = arith.constant 256 : i32
        %add3A_19 = arith.addi %mul3A_13, %add3A_18 : i32
        "tpu.region"() ({
          %run_scoped3A = tpu.sem_alloc : memref<!tpu.dma_semaphore, #tpu.memory_space<semaphore_mem>>
          %dma_start3A = arith.constant 0 : i32
          %dma_start3A_76 = tpu.memref_slice %arg10[%add3A_19, %dma_start3A] : memref<13696x128xf32, #tpu.memory_space<vmem_shared>> -> memref<128x128xf32, #tpu.memory_space<vmem_shared>>
          tpu.enqueue_dma source(%arg4 : memref<128x128xf32, #tpu.memory_space<hbm>>) target(%dma_start3A_76 : memref<128x128xf32, #tpu.memory_space<vmem_shared>>) target_semaphore(%run_scoped3A : memref<!tpu.dma_semaphore, #tpu.memory_space<semaphore_mem>>)
          %dma_wait3A = arith.constant 0 : i32
          %dma_wait3A_77 = tpu.memref_slice %arg10[%add3A_19, %dma_wait3A] : memref<13696x128xf32, #tpu.memory_space<vmem_shared>> -> memref<128x128xf32, #tpu.memory_space<vmem_shared>>
          tpu.wait_dma2 semaphore(%run_scoped3A : memref<!tpu.dma_semaphore, #tpu.memory_space<semaphore_mem>>) src(%arg4 : memref<128x128xf32, #tpu.memory_space<hbm>>) dst(%dma_wait3A_77 : memref<128x128xf32, #tpu.memory_space<vmem_shared>>)
          tpu.yield
        }) : () -> ()
        %add3A_20 = arith.constant 384 : i32
        %add3A_21 = arith.addi %mul3A_13, %add3A_20 : i32
        "tpu.region"() ({
          %run_scoped3A = tpu.sem_alloc : memref<!tpu.dma_semaphore, #tpu.memory_space<semaphore_mem>>
          %dma_start3A = arith.constant 0 : i32
          %dma_start3A_76 = tpu.memref_slice %arg10[%add3A_21, %dma_start3A] : memref<13696x128xf32, #tpu.memory_space<vmem_shared>> -> memref<128x128xf32, #tpu.memory_space<vmem_shared>>
          tpu.enqueue_dma source(%arg4 : memref<128x128xf32, #tpu.memory_space<hbm>>) target(%dma_start3A_76 : memref<128x128xf32, #tpu.memory_space<vmem_shared>>) target_semaphore(%run_scoped3A : memref<!tpu.dma_semaphore, #tpu.memory_space<semaphore_mem>>)
          %dma_wait3A = arith.constant 0 : i32
          %dma_wait3A_77 = tpu.memref_slice %arg10[%add3A_21, %dma_wait3A] : memref<13696x128xf32, #tpu.memory_space<vmem_shared>> -> memref<128x128xf32, #tpu.memory_space<vmem_shared>>
          tpu.wait_dma2 semaphore(%run_scoped3A : memref<!tpu.dma_semaphore, #tpu.memory_space<semaphore_mem>>) src(%arg4 : memref<128x128xf32, #tpu.memory_space<hbm>>) dst(%dma_wait3A_77 : memref<128x128xf32, #tpu.memory_space<vmem_shared>>)
          tpu.yield
        }) : () -> ()
        %add3A_22 = arith.constant 512 : i32
        %add3A_23 = arith.addi %mul3A_13, %add3A_22 : i32
        "tpu.region"() ({
          %run_scoped3A = tpu.sem_alloc : memref<!tpu.dma_semaphore, #tpu.memory_space<semaphore_mem>>
          %dma_start3A = arith.constant 0 : i32
          %dma_start3A_76 = tpu.memref_slice %arg10[%add3A_23, %dma_start3A] : memref<13696x128xf32, #tpu.memory_space<vmem_shared>> -> memref<128x128xf32, #tpu.memory_space<vmem_shared>>
          tpu.enqueue_dma source(%arg4 : memref<128x128xf32, #tpu.memory_space<hbm>>) target(%dma_start3A_76 : memref<128x128xf32, #tpu.memory_space<vmem_shared>>) target_semaphore(%run_scoped3A : memref<!tpu.dma_semaphore, #tpu.memory_space<semaphore_mem>>)
          %dma_wait3A = arith.constant 0 : i32
          %dma_wait3A_77 = tpu.memref_slice %arg10[%add3A_23, %dma_wait3A] : memref<13696x128xf32, #tpu.memory_space<vmem_shared>> -> memref<128x128xf32, #tpu.memory_space<vmem_shared>>
          tpu.wait_dma2 semaphore(%run_scoped3A : memref<!tpu.dma_semaphore, #tpu.memory_space<semaphore_mem>>) src(%arg4 : memref<128x128xf32, #tpu.memory_space<hbm>>) dst(%dma_wait3A_77 : memref<128x128xf32, #tpu.memory_space<vmem_shared>>)
          tpu.yield
        }) : () -> ()
        %add3A_24 = arith.constant 640 : i32
        %add3A_25 = arith.addi %mul3A_13, %add3A_24 : i32
        "tpu.region"() ({
          %run_scoped3A = tpu.sem_alloc : memref<!tpu.dma_semaphore, #tpu.memory_space<semaphore_mem>>
          %dma_start3A = arith.constant 0 : i32
          %dma_start3A_76 = tpu.memref_slice %arg10[%add3A_25, %dma_start3A] : memref<13696x128xf32, #tpu.memory_space<vmem_shared>> -> memref<128x128xf32, #tpu.memory_space<vmem_shared>>
          tpu.enqueue_dma source(%arg4 : memref<128x128xf32, #tpu.memory_space<hbm>>) target(%dma_start3A_76 : memref<128x128xf32, #tpu.memory_space<vmem_shared>>) target_semaphore(%run_scoped3A : memref<!tpu.dma_semaphore, #tpu.memory_space<semaphore_mem>>)
          %dma_wait3A = arith.constant 0 : i32
          %dma_wait3A_77 = tpu.memref_slice %arg10[%add3A_25, %dma_wait3A] : memref<13696x128xf32, #tpu.memory_space<vmem_shared>> -> memref<128x128xf32, #tpu.memory_space<vmem_shared>>
          tpu.wait_dma2 semaphore(%run_scoped3A : memref<!tpu.dma_semaphore, #tpu.memory_space<semaphore_mem>>) src(%arg4 : memref<128x128xf32, #tpu.memory_space<hbm>>) dst(%dma_wait3A_77 : memref<128x128xf32, #tpu.memory_space<vmem_shared>>)
          tpu.yield
        }) : () -> ()
        %add3A_26 = arith.constant 768 : i32
        %add3A_27 = arith.addi %mul3A_13, %add3A_26 : i32
        "tpu.region"() ({
          %run_scoped3A = tpu.sem_alloc : memref<!tpu.dma_semaphore, #tpu.memory_space<semaphore_mem>>
          %dma_start3A = arith.constant 0 : i32
          %dma_start3A_76 = tpu.memref_slice %arg10[%add3A_27, %dma_start3A] : memref<13696x128xf32, #tpu.memory_space<vmem_shared>> -> memref<88x128xf32, #tpu.memory_space<vmem_shared>>
          %dma_start3A_77 = arith.constant 0 : i32
          %dma_start3A_78 = arith.constant 0 : i32
          %dma_start3A_79 = tpu.memref_slice %arg4[%dma_start3A_77, %dma_start3A_78] : memref<128x128xf32, #tpu.memory_space<hbm>> -> memref<88x128xf32, #tpu.memory_space<hbm>>
          tpu.enqueue_dma source(%dma_start3A_79 : memref<88x128xf32, #tpu.memory_space<hbm>>) target(%dma_start3A_76 : memref<88x128xf32, #tpu.memory_space<vmem_shared>>) target_semaphore(%run_scoped3A : memref<!tpu.dma_semaphore, #tpu.memory_space<semaphore_mem>>)
          %dma_wait3A = arith.constant 0 : i32
          %dma_wait3A_80 = tpu.memref_slice %arg10[%add3A_27, %dma_wait3A] : memref<13696x128xf32, #tpu.memory_space<vmem_shared>> -> memref<88x128xf32, #tpu.memory_space<vmem_shared>>
          %dma_wait3A_81 = arith.constant 0 : i32
          %dma_wait3A_82 = arith.constant 0 : i32
          %dma_wait3A_83 = tpu.memref_slice %arg4[%dma_wait3A_81, %dma_wait3A_82] : memref<128x128xf32, #tpu.memory_space<hbm>> -> memref<88x128xf32, #tpu.memory_space<hbm>>
          tpu.wait_dma2 semaphore(%run_scoped3A : memref<!tpu.dma_semaphore, #tpu.memory_space<semaphore_mem>>) src(%dma_wait3A_83 : memref<88x128xf32, #tpu.memory_space<hbm>>) dst(%dma_wait3A_80 : memref<88x128xf32, #tpu.memory_space<vmem_shared>>)
          tpu.yield
        }) : () -> ()
        %barrier3A = arith.constant 0 : index
        tpu.barrier barrier_id(%barrier3A)
        %scan3A_28 = arith.constant 0 : i32
        %scan3A_29 = arith.constant 0 : i32
        %scan3A_30 = arith.constant 50 : i32
        %scan3A_31 = arith.addi %scan3A_29, %scan3A_30 : i32
        %scan3A_32 = arith.constant 1 : i32
        %scan3A_33 = scf.for %scan3A_76 = %scan3A_29 to %scan3A_31 step %scan3A_32 iter_args(%scan3A_77 = %scan3A_28) -> (i32)  : i32 {
          %mul3A_78 = arith.constant 50 : i32
          %mul3A_79 = arith.muli %arg1, %mul3A_78 : i32
          %add3A_80 = arith.addi %mul3A_79, %scan3A_76 : i32
          %mul3A_81 = arith.constant 4096 : i32
          %mul3A_82 = arith.muli %add3A_80, %mul3A_81 : i32
          %add3A_83 = arith.constant 2048 : i32
          %add3A_84 = arith.addi %mul3A_82, %add3A_83 : i32
          "tpu.region"() ({
            %run_scoped3A = tpu.sem_alloc : memref<!tpu.dma_semaphore, #tpu.memory_space<semaphore_mem>>
            %dma_start3A = tpu.memref_slice %arg3[%add3A_84] : memref<3276800xi32, #tpu.memory_space<hbm>> -> memref<2048xi32, #tpu.memory_space<hbm>>
            %dma_start3A_91 = tpu.memref_slice %arg3[%add3A_84] : memref<3276800xi32, #tpu.memory_space<hbm>> -> memref<2048xi32, #tpu.memory_space<hbm>>
            tpu.enqueue_dma source(%dma_start3A_91 : memref<2048xi32, #tpu.memory_space<hbm>>) target(%arg6 : memref<2048xi32, #tpu.memory_space<vmem>>) target_semaphore(%run_scoped3A : memref<!tpu.dma_semaphore, #tpu.memory_space<semaphore_mem>>)
            %dma_wait3A = tpu.memref_slice %arg3[%add3A_84] : memref<3276800xi32, #tpu.memory_space<hbm>> -> memref<2048xi32, #tpu.memory_space<hbm>>
            %dma_wait3A_92 = tpu.memref_slice %arg3[%add3A_84] : memref<3276800xi32, #tpu.memory_space<hbm>> -> memref<2048xi32, #tpu.memory_space<hbm>>
            tpu.wait_dma2 semaphore(%run_scoped3A : memref<!tpu.dma_semaphore, #tpu.memory_space<semaphore_mem>>) src(%dma_wait3A_92 : memref<2048xi32, #tpu.memory_space<hbm>>) dst(%arg6 : memref<2048xi32, #tpu.memory_space<vmem>>)
            tpu.yield
          }) : () -> ()
          %scan3A_85 = arith.constant 0 : i32
          %scan3A_86 = arith.constant 128 : i32
          %scan3A_87 = arith.addi %scan3A_85, %scan3A_86 : i32
          %scan3A_88 = arith.constant 1 : i32
          %scan3A_89 = scf.for %scan3A_91 = %scan3A_85 to %scan3A_87 step %scan3A_88 iter_args(%scan3A_92 = %scan3A_77) -> (i32)  : i32 {
            %mul3A_93 = arith.constant 16 : i32
            %mul3A_94 = arith.muli %scan3A_91, %mul3A_93 : i32
            %get3A = arith.index_cast %mul3A_94 : i32 to index
            %get3A_95 = tpu.vector_load %arg6[%get3A] {strides = array<i32>} : memref<2048xi32, #tpu.memory_space<vmem>>, vector<16xi32>,
            %get3A_96 = vector.shape_cast %get3A_95 : vector<16xi32> to vector<16xi32>
            %sub3A = vector.broadcast %mul3A_11 : i32 to vector<16xi32>
            %sub3A_97 = arith.subi %get3A_96, %sub3A : vector<16xi32>
            %ge3A = arith.constant 0 : i32
            %ge3A_98 = vector.broadcast %ge3A : i32 to vector<16xi32>
            %ge3A_99 = arith.cmpi sge, %sub3A_97, %ge3A_98 : vector<16xi32>
            %lt3A_100 = arith.constant 13568 : i32
            %lt3A_101 = vector.broadcast %lt3A_100 : i32 to vector<16xi32>
            %lt3A_102 = arith.cmpi slt, %sub3A_97, %lt3A_101 : vector<16xi32>
            %and3A = arith.andi %ge3A_99, %lt3A_102 : vector<16xi1>
            %jit3A_103 = arith.constant 1 : i32
            %jit3A_104 = arith.constant 0 : i32
            %broadcast_in_dim3A = vector.broadcast %jit3A_103 : i32 to vector<16xi32>
            %broadcast_in_dim3A_105 = vector.broadcast %jit3A_104 : i32 to vector<16xi32>
            %select_n3A_106 = arith.select %and3A, %broadcast_in_dim3A, %broadcast_in_dim3A_105 : vector<16xi1>, vector<16xi32>
            %sub3A_107 = arith.constant 1 : i32
            %sub3A_108 = vector.broadcast %sub3A_107 : i32 to vector<16xi32>
            %sub3A_109 = arith.subi %iota3A, %sub3A_108 : vector<16xi32>
            %max3A = arith.constant 0 : i32
            %max3A_110 = vector.broadcast %max3A : i32 to vector<16xi32>
            %max3A_111 = arith.maxsi %sub3A_109, %max3A_110 : vector<16xi32>
            %broadcast_in_dim3A_112 = vector.shape_cast %max3A_111 : vector<16xi32> to vector<16x1xi32>
            %gather3A = vector.shape_cast %broadcast_in_dim3A_112 : vector<16x1xi32> to vector<16xi32>
            %gather3A_113 = tpu.dynamic_gather %select_n3A_106[%gather3A] in [0] : vector<16xi32>, vector<16xi32> -> vector<16xi32>
            %ge3A_114 = arith.constant 1 : i32
            %ge3A_115 = vector.broadcast %ge3A_114 : i32 to vector<16xi32>
            %ge3A_116 = arith.cmpi sge, %iota3A, %ge3A_115 : vector<16xi32>
            %jit3A_117 = arith.constant 0 : i32
            %broadcast_in_dim3A_118 = vector.broadcast %jit3A_117 : i32 to vector<16xi32>
            %select_n3A_119 = arith.select %ge3A_116, %gather3A_113, %broadcast_in_dim3A_118 : vector<16xi1>, vector<16xi32>
            %add3A_120 = arith.addi %select_n3A_106, %select_n3A_119 : vector<16xi32>
            %sub3A_121 = arith.constant 2 : i32
            %sub3A_122 = vector.broadcast %sub3A_121 : i32 to vector<16xi32>
            %sub3A_123 = arith.subi %iota3A, %sub3A_122 : vector<16xi32>
            %max3A_124 = arith.constant 0 : i32
            %max3A_125 = vector.broadcast %max3A_124 : i32 to vector<16xi32>
            %max3A_126 = arith.maxsi %sub3A_123, %max3A_125 : vector<16xi32>
            %broadcast_in_dim3A_127 = vector.shape_cast %max3A_126 : vector<16xi32> to vector<16x1xi32>
            %gather3A_128 = vector.shape_cast %broadcast_in_dim3A_127 : vector<16x1xi32> to vector<16xi32>
            %gather3A_129 = tpu.dynamic_gather %add3A_120[%gather3A_128] in [0] : vector<16xi32>, vector<16xi32> -> vector<16xi32>
            %ge3A_130 = arith.constant 2 : i32
            %ge3A_131 = vector.broadcast %ge3A_130 : i32 to vector<16xi32>
            %ge3A_132 = arith.cmpi sge, %iota3A, %ge3A_131 : vector<16xi32>
            %jit3A_133 = arith.constant 0 : i32
            %broadcast_in_dim3A_134 = vector.broadcast %jit3A_133 : i32 to vector<16xi32>
            %select_n3A_135 = arith.select %ge3A_132, %gather3A_129, %broadcast_in_dim3A_134 : vector<16xi1>, vector<16xi32>
            %add3A_136 = arith.addi %add3A_120, %select_n3A_135 : vector<16xi32>
            %sub3A_137 = arith.constant 4 : i32
            %sub3A_138 = vector.broadcast %sub3A_137 : i32 to vector<16xi32>
            %sub3A_139 = arith.subi %iota3A, %sub3A_138 : vector<16xi32>
            %max3A_140 = arith.constant 0 : i32
            %max3A_141 = vector.broadcast %max3A_140 : i32 to vector<16xi32>
            %max3A_142 = arith.maxsi %sub3A_139, %max3A_141 : vector<16xi32>
            %broadcast_in_dim3A_143 = vector.shape_cast %max3A_142 : vector<16xi32> to vector<16x1xi32>
            %gather3A_144 = vector.shape_cast %broadcast_in_dim3A_143 : vector<16x1xi32> to vector<16xi32>
            %gather3A_145 = tpu.dynamic_gather %add3A_136[%gather3A_144] in [0] : vector<16xi32>, vector<16xi32> -> vector<16xi32>
            %ge3A_146 = arith.constant 4 : i32
            %ge3A_147 = vector.broadcast %ge3A_146 : i32 to vector<16xi32>
            %ge3A_148 = arith.cmpi sge, %iota3A, %ge3A_147 : vector<16xi32>
            %jit3A_149 = arith.constant 0 : i32
            %broadcast_in_dim3A_150 = vector.broadcast %jit3A_149 : i32 to vector<16xi32>
            %select_n3A_151 = arith.select %ge3A_148, %gather3A_145, %broadcast_in_dim3A_150 : vector<16xi1>, vector<16xi32>
            %add3A_152 = arith.addi %add3A_136, %select_n3A_151 : vector<16xi32>
            %sub3A_153 = arith.constant 8 : i32
            %sub3A_154 = vector.broadcast %sub3A_153 : i32 to vector<16xi32>
            %sub3A_155 = arith.subi %iota3A, %sub3A_154 : vector<16xi32>
            %max3A_156 = arith.constant 0 : i32
            %max3A_157 = vector.broadcast %max3A_156 : i32 to vector<16xi32>
            %max3A_158 = arith.maxsi %sub3A_155, %max3A_157 : vector<16xi32>
            %broadcast_in_dim3A_159 = vector.shape_cast %max3A_158 : vector<16xi32> to vector<16x1xi32>
            %gather3A_160 = vector.shape_cast %broadcast_in_dim3A_159 : vector<16x1xi32> to vector<16xi32>
            %gather3A_161 = tpu.dynamic_gather %add3A_152[%gather3A_160] in [0] : vector<16xi32>, vector<16xi32> -> vector<16xi32>
            %ge3A_162 = arith.constant 8 : i32
            %ge3A_163 = vector.broadcast %ge3A_162 : i32 to vector<16xi32>
            %ge3A_164 = arith.cmpi sge, %iota3A, %ge3A_163 : vector<16xi32>
            %jit3A_165 = arith.constant 0 : i32
            %broadcast_in_dim3A_166 = vector.broadcast %jit3A_165 : i32 to vector<16xi32>
            %select_n3A_167 = arith.select %ge3A_164, %gather3A_161, %broadcast_in_dim3A_166 : vector<16xi1>, vector<16xi32>
            %add3A_168 = arith.addi %add3A_152, %select_n3A_167 : vector<16xi32>
            %slice3A = vector.extract_strided_slice %add3A_168 {offsets = [15], sizes = [1], strides = [1]} : vector<16xi32> to vector<1xi32>
            %squeeze3A = vector.extract %slice3A[0] : i32 from vector<1xi32>
            %broadcast_in_dim3A_169 = arith.constant 0 : i32
            %broadcast_in_dim3A_170 = vector.broadcast %broadcast_in_dim3A_169 : i32 to vector<16xi32>
            %add3A_171 = arith.constant 1 : i32
            %add3A_172 = vector.broadcast %add3A_171 : i32 to vector<16xi32>
            %add3A_173 = arith.addi %iota3A, %add3A_172 : vector<16xi32>
            %add3A_174 = arith.constant 8 : i32
            %add3A_175 = vector.broadcast %add3A_174 : i32 to vector<16xi32>
            %add3A_176 = arith.addi %broadcast_in_dim3A_170, %add3A_175 : vector<16xi32>
            %sub3A_177 = arith.constant 1 : i32
            %sub3A_178 = vector.broadcast %sub3A_177 : i32 to vector<16xi32>
            %sub3A_179 = arith.subi %add3A_176, %sub3A_178 : vector<16xi32>
            %broadcast_in_dim3A_180 = vector.shape_cast %sub3A_179 : vector<16xi32> to vector<16x1xi32>
            %gather3A_181 = vector.shape_cast %broadcast_in_dim3A_180 : vector<16x1xi32> to vector<16xi32>
            %gather3A_182 = tpu.dynamic_gather %add3A_168[%gather3A_181] in [0] : vector<16xi32>, vector<16xi32> -> vector<16xi32>
            %lt3A_183 = arith.cmpi slt, %gather3A_182, %add3A_173 : vector<16xi32>
            %select_n3A_184 = arith.select %lt3A_183, %add3A_176, %broadcast_in_dim3A_170 : vector<16xi1>, vector<16xi32>
            %add3A_185 = arith.constant 4 : i32
            %add3A_186 = vector.broadcast %add3A_185 : i32 to vector<16xi32>
            %add3A_187 = arith.addi %select_n3A_184, %add3A_186 : vector<16xi32>
            %sub3A_188 = arith.constant 1 : i32
            %sub3A_189 = vector.broadcast %sub3A_188 : i32 to vector<16xi32>
            %sub3A_190 = arith.subi %add3A_187, %sub3A_189 : vector<16xi32>
            %broadcast_in_dim3A_191 = vector.shape_cast %sub3A_190 : vector<16xi32> to vector<16x1xi32>
            %gather3A_192 = vector.shape_cast %broadcast_in_dim3A_191 : vector<16x1xi32> to vector<16xi32>
            %gather3A_193 = tpu.dynamic_gather %add3A_168[%gather3A_192] in [0] : vector<16xi32>, vector<16xi32> -> vector<16xi32>
            %lt3A_194 = arith.cmpi slt, %gather3A_193, %add3A_173 : vector<16xi32>
            %select_n3A_195 = arith.select %lt3A_194, %add3A_187, %select_n3A_184 : vector<16xi1>, vector<16xi32>
            %add3A_196 = arith.constant 2 : i32
            %add3A_197 = vector.broadcast %add3A_196 : i32 to vector<16xi32>
            %add3A_198 = arith.addi %select_n3A_195, %add3A_197 : vector<16xi32>
            %sub3A_199 = arith.constant 1 : i32
            %sub3A_200 = vector.broadcast %sub3A_199 : i32 to vector<16xi32>
            %sub3A_201 = arith.subi %add3A_198, %sub3A_200 : vector<16xi32>
            %broadcast_in_dim3A_202 = vector.shape_cast %sub3A_201 : vector<16xi32> to vector<16x1xi32>
            %gather3A_203 = vector.shape_cast %broadcast_in_dim3A_202 : vector<16x1xi32> to vector<16xi32>
            %gather3A_204 = tpu.dynamic_gather %add3A_168[%gather3A_203] in [0] : vector<16xi32>, vector<16xi32> -> vector<16xi32>
            %lt3A_205 = arith.cmpi slt, %gather3A_204, %add3A_173 : vector<16xi32>
            %select_n3A_206 = arith.select %lt3A_205, %add3A_198, %select_n3A_195 : vector<16xi1>, vector<16xi32>
            %add3A_207 = arith.constant 1 : i32
            %add3A_208 = vector.broadcast %add3A_207 : i32 to vector<16xi32>
            %add3A_209 = arith.addi %select_n3A_206, %add3A_208 : vector<16xi32>
            %sub3A_210 = arith.constant 1 : i32
            %sub3A_211 = vector.broadcast %sub3A_210 : i32 to vector<16xi32>
            %sub3A_212 = arith.subi %add3A_209, %sub3A_211 : vector<16xi32>
            %broadcast_in_dim3A_213 = vector.shape_cast %sub3A_212 : vector<16xi32> to vector<16x1xi32>
            %gather3A_214 = vector.shape_cast %broadcast_in_dim3A_213 : vector<16x1xi32> to vector<16xi32>
            %gather3A_215 = tpu.dynamic_gather %add3A_168[%gather3A_214] in [0] : vector<16xi32>, vector<16xi32> -> vector<16xi32>
            %lt3A_216 = arith.cmpi slt, %gather3A_215, %add3A_173 : vector<16xi32>
            %select_n3A_217 = arith.select %lt3A_216, %add3A_209, %select_n3A_206 : vector<16xi1>, vector<16xi32>
            %min3A = arith.constant 15 : i32
            %min3A_218 = vector.broadcast %min3A : i32 to vector<16xi32>
            %min3A_219 = arith.minsi %select_n3A_217, %min3A_218 : vector<16xi32>
            %broadcast_in_dim3A_220 = vector.shape_cast %min3A_219 : vector<16xi32> to vector<16x1xi32>
            %gather3A_221 = vector.shape_cast %broadcast_in_dim3A_220 : vector<16x1xi32> to vector<16xi32>
            %gather3A_222 = tpu.dynamic_gather %sub3A_97[%gather3A_221] in [0] : vector<16xi32>, vector<16xi32> -> vector<16xi32>
            %swap3A = arith.index_cast %scan3A_92 : i32 to index
            %swap3A_223 = tpu.vector_load %arg7[%swap3A] {strides = array<i32>} : memref<128xi32, #tpu.memory_space<vmem>>, vector<16xi32>,
            %swap3A_224 = vector.shape_cast %swap3A_223 : vector<16xi32> to vector<16xi32>
            %swap3A_225 = vector.shape_cast %gather3A_222 : vector<16xi32> to vector<16xi32>
            tpu.vector_store %arg7[%swap3A], %swap3A_225 {strides = array<i32>} : memref<128xi32, #tpu.memory_space<vmem>>, vector<16xi32>,
            %add3A_226 = arith.addi %scan3A_92, %squeeze3A : i32
            %gt3A_227 = arith.constant 112 : i32
            %gt3A_228 = arith.cmpi sgt, %add3A_226, %gt3A_227 : i32
            %convert_element_type3A_229 = arith.extui %gt3A_228 : i1 to i32
            %cond3A_230 = arith.constant 0 : i32
            %cond3A_231 = arith.cmpi ne, %convert_element_type3A_229, %cond3A_230 : i32
            scf.if %cond3A_231 {
              %get3A_234 = arith.constant 0 : index
              %get3A_235 = tpu.vector_load %arg7[%get3A_234] {strides = array<i32>} : memref<128xi32, #tpu.memory_space<vmem>>, vector<16xi32>,
              %get3A_236 = vector.shape_cast %get3A_235 : vector<16xi32> to vector<16xi32>
              %add3A_237 = arith.constant 0 : i32
              %add3A_238 = vector.broadcast %add3A_237 : i32 to vector<16xi32>
              %add3A_239 = arith.addi %iota3A, %add3A_238 : vector<16xi32>
              %lt3A_240 = vector.broadcast %add3A_226 : i32 to vector<16xi32>
              %lt3A_241 = arith.cmpi slt, %add3A_239, %lt3A_240 : vector<16xi32>
              %jit3A_242 = arith.constant 13568 : i32
              %broadcast_in_dim3A_243 = vector.broadcast %jit3A_242 : i32 to vector<16xi32>
              %select_n3A_244 = arith.select %lt3A_241, %get3A_236, %broadcast_in_dim3A_243 : vector<16xi1>, vector<16xi32>
              %swap3A_245 = arith.constant 0 : index
              %swap3A_246 = tpu.vector_load %arg8[%swap3A_245] {strides = array<i32>} : memref<128xi32, #tpu.memory_space<vmem>>, vector<16xi32>,
              %swap3A_247 = vector.shape_cast %swap3A_246 : vector<16xi32> to vector<16xi32>
              %swap3A_248 = vector.shape_cast %select_n3A_244 : vector<16xi32> to vector<16xi32>
              tpu.vector_store %arg8[%swap3A_245], %swap3A_248 {strides = array<i32>} : memref<128xi32, #tpu.memory_space<vmem>>, vector<16xi32>,
              %get3A_249 = arith.constant 16 : index
              %get3A_250 = tpu.vector_load %arg7[%get3A_249] {strides = array<i32>} : memref<128xi32, #tpu.memory_space<vmem>>, vector<16xi32>,
              %get3A_251 = vector.shape_cast %get3A_250 : vector<16xi32> to vector<16xi32>
              %add3A_252 = arith.constant 16 : i32
              %add3A_253 = vector.broadcast %add3A_252 : i32 to vector<16xi32>
              %add3A_254 = arith.addi %iota3A, %add3A_253 : vector<16xi32>
              %lt3A_255 = vector.broadcast %add3A_226 : i32 to vector<16xi32>
              %lt3A_256 = arith.cmpi slt, %add3A_254, %lt3A_255 : vector<16xi32>
              %jit3A_257 = arith.constant 13568 : i32
              %broadcast_in_dim3A_258 = vector.broadcast %jit3A_257 : i32 to vector<16xi32>
              %select_n3A_259 = arith.select %lt3A_256, %get3A_251, %broadcast_in_dim3A_258 : vector<16xi1>, vector<16xi32>
              %swap3A_260 = arith.constant 16 : index
              %swap3A_261 = tpu.vector_load %arg8[%swap3A_260] {strides = array<i32>} : memref<128xi32, #tpu.memory_space<vmem>>, vector<16xi32>,
              %swap3A_262 = vector.shape_cast %swap3A_261 : vector<16xi32> to vector<16xi32>
              %swap3A_263 = vector.shape_cast %select_n3A_259 : vector<16xi32> to vector<16xi32>
              tpu.vector_store %arg8[%swap3A_260], %swap3A_263 {strides = array<i32>} : memref<128xi32, #tpu.memory_space<vmem>>, vector<16xi32>,
              %get3A_264 = arith.constant 32 : index
              %get3A_265 = tpu.vector_load %arg7[%get3A_264] {strides = array<i32>} : memref<128xi32, #tpu.memory_space<vmem>>, vector<16xi32>,
              %get3A_266 = vector.shape_cast %get3A_265 : vector<16xi32> to vector<16xi32>
              %add3A_267 = arith.constant 32 : i32
              %add3A_268 = vector.broadcast %add3A_267 : i32 to vector<16xi32>
              %add3A_269 = arith.addi %iota3A, %add3A_268 : vector<16xi32>
              %lt3A_270 = vector.broadcast %add3A_226 : i32 to vector<16xi32>
              %lt3A_271 = arith.cmpi slt, %add3A_269, %lt3A_270 : vector<16xi32>
              %jit3A_272 = arith.constant 13568 : i32
              %broadcast_in_dim3A_273 = vector.broadcast %jit3A_272 : i32 to vector<16xi32>
              %select_n3A_274 = arith.select %lt3A_271, %get3A_266, %broadcast_in_dim3A_273 : vector<16xi1>, vector<16xi32>
              %swap3A_275 = arith.constant 32 : index
              %swap3A_276 = tpu.vector_load %arg8[%swap3A_275] {strides = array<i32>} : memref<128xi32, #tpu.memory_space<vmem>>, vector<16xi32>,
              %swap3A_277 = vector.shape_cast %swap3A_276 : vector<16xi32> to vector<16xi32>
              %swap3A_278 = vector.shape_cast %select_n3A_274 : vector<16xi32> to vector<16xi32>
              tpu.vector_store %arg8[%swap3A_275], %swap3A_278 {strides = array<i32>} : memref<128xi32, #tpu.memory_space<vmem>>, vector<16xi32>,
              %get3A_279 = arith.constant 48 : index
              %get3A_280 = tpu.vector_load %arg7[%get3A_279] {strides = array<i32>} : memref<128xi32, #tpu.memory_space<vmem>>, vector<16xi32>,
              %get3A_281 = vector.shape_cast %get3A_280 : vector<16xi32> to vector<16xi32>
              %add3A_282 = arith.constant 48 : i32
              %add3A_283 = vector.broadcast %add3A_282 : i32 to vector<16xi32>
              %add3A_284 = arith.addi %iota3A, %add3A_283 : vector<16xi32>
              %lt3A_285 = vector.broadcast %add3A_226 : i32 to vector<16xi32>
              %lt3A_286 = arith.cmpi slt, %add3A_284, %lt3A_285 : vector<16xi32>
              %jit3A_287 = arith.constant 13568 : i32
              %broadcast_in_dim3A_288 = vector.broadcast %jit3A_287 : i32 to vector<16xi32>
              %select_n3A_289 = arith.select %lt3A_286, %get3A_281, %broadcast_in_dim3A_288 : vector<16xi1>, vector<16xi32>
              %swap3A_290 = arith.constant 48 : index
              %swap3A_291 = tpu.vector_load %arg8[%swap3A_290] {strides = array<i32>} : memref<128xi32, #tpu.memory_space<vmem>>, vector<16xi32>,
              %swap3A_292 = vector.shape_cast %swap3A_291 : vector<16xi32> to vector<16xi32>
              %swap3A_293 = vector.shape_cast %select_n3A_289 : vector<16xi32> to vector<16xi32>
              tpu.vector_store %arg8[%swap3A_290], %swap3A_293 {strides = array<i32>} : memref<128xi32, #tpu.memory_space<vmem>>, vector<16xi32>,
              %get3A_294 = arith.constant 64 : index
              %get3A_295 = tpu.vector_load %arg7[%get3A_294] {strides = array<i32>} : memref<128xi32, #tpu.memory_space<vmem>>, vector<16xi32>,
              %get3A_296 = vector.shape_cast %get3A_295 : vector<16xi32> to vector<16xi32>
              %add3A_297 = arith.constant 64 : i32
              %add3A_298 = vector.broadcast %add3A_297 : i32 to vector<16xi32>
              %add3A_299 = arith.addi %iota3A, %add3A_298 : vector<16xi32>
              %lt3A_300 = vector.broadcast %add3A_226 : i32 to vector<16xi32>
              %lt3A_301 = arith.cmpi slt, %add3A_299, %lt3A_300 : vector<16xi32>
              %jit3A_302 = arith.constant 13568 : i32
              %broadcast_in_dim3A_303 = vector.broadcast %jit3A_302 : i32 to vector<16xi32>
              %select_n3A_304 = arith.select %lt3A_301, %get3A_296, %broadcast_in_dim3A_303 : vector<16xi1>, vector<16xi32>
              %swap3A_305 = arith.constant 64 : index
              %swap3A_306 = tpu.vector_load %arg8[%swap3A_305] {strides = array<i32>} : memref<128xi32, #tpu.memory_space<vmem>>, vector<16xi32>,
              %swap3A_307 = vector.shape_cast %swap3A_306 : vector<16xi32> to vector<16xi32>
              %swap3A_308 = vector.shape_cast %select_n3A_304 : vector<16xi32> to vector<16xi32>
              tpu.vector_store %arg8[%swap3A_305], %swap3A_308 {strides = array<i32>} : memref<128xi32, #tpu.memory_space<vmem>>, vector<16xi32>,
              %get3A_309 = arith.constant 80 : index
              %get3A_310 = tpu.vector_load %arg7[%get3A_309] {strides = array<i32>} : memref<128xi32, #tpu.memory_space<vmem>>, vector<16xi32>,
              %get3A_311 = vector.shape_cast %get3A_310 : vector<16xi32> to vector<16xi32>
              %add3A_312 = arith.constant 80 : i32
              %add3A_313 = vector.broadcast %add3A_312 : i32 to vector<16xi32>
              %add3A_314 = arith.addi %iota3A, %add3A_313 : vector<16xi32>
              %lt3A_315 = vector.broadcast %add3A_226 : i32 to vector<16xi32>
              %lt3A_316 = arith.cmpi slt, %add3A_314, %lt3A_315 : vector<16xi32>
              %jit3A_317 = arith.constant 13568 : i32
              %broadcast_in_dim3A_318 = vector.broadcast %jit3A_317 : i32 to vector<16xi32>
              %select_n3A_319 = arith.select %lt3A_316, %get3A_311, %broadcast_in_dim3A_318 : vector<16xi1>, vector<16xi32>
              %swap3A_320 = arith.constant 80 : index
              %swap3A_321 = tpu.vector_load %arg8[%swap3A_320] {strides = array<i32>} : memref<128xi32, #tpu.memory_space<vmem>>, vector<16xi32>,
              %swap3A_322 = vector.shape_cast %swap3A_321 : vector<16xi32> to vector<16xi32>
              %swap3A_323 = vector.shape_cast %select_n3A_319 : vector<16xi32> to vector<16xi32>
              tpu.vector_store %arg8[%swap3A_320], %swap3A_323 {strides = array<i32>} : memref<128xi32, #tpu.memory_space<vmem>>, vector<16xi32>,
              %get3A_324 = arith.constant 96 : index
              %get3A_325 = tpu.vector_load %arg7[%get3A_324] {strides = array<i32>} : memref<128xi32, #tpu.memory_space<vmem>>, vector<16xi32>,
              %get3A_326 = vector.shape_cast %get3A_325 : vector<16xi32> to vector<16xi32>
              %add3A_327 = arith.constant 96 : i32
              %add3A_328 = vector.broadcast %add3A_327 : i32 to vector<16xi32>
              %add3A_329 = arith.addi %iota3A, %add3A_328 : vector<16xi32>
              %lt3A_330 = vector.broadcast %add3A_226 : i32 to vector<16xi32>
              %lt3A_331 = arith.cmpi slt, %add3A_329, %lt3A_330 : vector<16xi32>
              %jit3A_332 = arith.constant 13568 : i32
              %broadcast_in_dim3A_333 = vector.broadcast %jit3A_332 : i32 to vector<16xi32>
              %select_n3A_334 = arith.select %lt3A_331, %get3A_326, %broadcast_in_dim3A_333 : vector<16xi1>, vector<16xi32>
              %swap3A_335 = arith.constant 96 : index
              %swap3A_336 = tpu.vector_load %arg8[%swap3A_335] {strides = array<i32>} : memref<128xi32, #tpu.memory_space<vmem>>, vector<16xi32>,
              %swap3A_337 = vector.shape_cast %swap3A_336 : vector<16xi32> to vector<16xi32>
              %swap3A_338 = vector.shape_cast %select_n3A_334 : vector<16xi32> to vector<16xi32>
              tpu.vector_store %arg8[%swap3A_335], %swap3A_338 {strides = array<i32>} : memref<128xi32, #tpu.memory_space<vmem>>, vector<16xi32>,
              %get3A_339 = arith.constant 112 : index
              %get3A_340 = tpu.vector_load %arg7[%get3A_339] {strides = array<i32>} : memref<128xi32, #tpu.memory_space<vmem>>, vector<16xi32>,
              %get3A_341 = vector.shape_cast %get3A_340 : vector<16xi32> to vector<16xi32>
              %add3A_342 = arith.constant 112 : i32
              %add3A_343 = vector.broadcast %add3A_342 : i32 to vector<16xi32>
              %add3A_344 = arith.addi %iota3A, %add3A_343 : vector<16xi32>
              %lt3A_345 = vector.broadcast %add3A_226 : i32 to vector<16xi32>
              %lt3A_346 = arith.cmpi slt, %add3A_344, %lt3A_345 : vector<16xi32>
              %jit3A_347 = arith.constant 13568 : i32
              %broadcast_in_dim3A_348 = vector.broadcast %jit3A_347 : i32 to vector<16xi32>
              %select_n3A_349 = arith.select %lt3A_346, %get3A_341, %broadcast_in_dim3A_348 : vector<16xi1>, vector<16xi32>
              %swap3A_350 = arith.constant 112 : index
              %swap3A_351 = tpu.vector_load %arg8[%swap3A_350] {strides = array<i32>} : memref<128xi32, #tpu.memory_space<vmem>>, vector<16xi32>,
              %swap3A_352 = vector.shape_cast %swap3A_351 : vector<16xi32> to vector<16xi32>
              %swap3A_353 = vector.shape_cast %select_n3A_349 : vector<16xi32> to vector<16xi32>
              tpu.vector_store %arg8[%swap3A_350], %swap3A_353 {strides = array<i32>} : memref<128xi32, #tpu.memory_space<vmem>>, vector<16xi32>,
              "tpu.region"() ({
                %run_scoped3A = tpu.sem_alloc : memref<!tpu.dma_semaphore, #tpu.memory_space<semaphore_mem>>
                %dma_start3A = arith.constant 0 : i32
                %dma_start3A_354 = arith.constant 0 : i32
                %dma_start3A_355 = tpu.memref_slice %arg10[%dma_start3A, %dma_start3A_354] : memref<13696x128xf32, #tpu.memory_space<vmem_shared>> -> memref<13696x128xf32, #tpu.memory_space<vmem_shared>>
                tpu.enqueue_indirect_dma source(%arg9 : memref<128x128xf32, #tpu.memory_space<vmem>>) target(%dma_start3A_355 : memref<13696x128xf32, #tpu.memory_space<vmem_shared>>) offsets(%arg8 : memref<128xi32, #tpu.memory_space<vmem>>) semaphore(%run_scoped3A : memref<!tpu.dma_semaphore, #tpu.memory_space<semaphore_mem>>) {add = true}
                %dma_wait3A = arith.constant 0 : i32
                %dma_wait3A_356 = arith.constant 0 : i32
                %dma_wait3A_357 = tpu.memref_slice %arg10[%dma_wait3A, %dma_wait3A_356] : memref<13696x128xf32, #tpu.memory_space<vmem_shared>> -> memref<13696x128xf32, #tpu.memory_space<vmem_shared>>
                tpu.wait_indirect_dma semaphore(%run_scoped3A : memref<!tpu.dma_semaphore, #tpu.memory_space<semaphore_mem>>) src(%arg9 : memref<128x128xf32, #tpu.memory_space<vmem>>) dst(%dma_wait3A_357 : memref<13696x128xf32, #tpu.memory_space<vmem_shared>>)
                tpu.yield
              }) : () -> ()
            } else {
            }
            %jit3A_232 = arith.constant 0 : i32
            %select_n3A_233 = arith.select %gt3A_228, %jit3A_232, %add3A_226 : i32
            scf.yield %select_n3A_233 : i32
          }
          %scan3A_90 = arith.constant 128 : i32
          scf.yield %scan3A_89 : i32
        }
        %scan3A_34 = arith.constant 50 : i32
        %gt3A = arith.constant 0 : i32
        %gt3A_35 = arith.cmpi sgt, %scan3A_33, %gt3A : i32
        %convert_element_type3A_36 = arith.extui %gt3A_35 : i1 to i32
        %cond3A_37 = arith.constant 0 : i32
        %cond3A_38 = arith.cmpi ne, %convert_element_type3A_36, %cond3A_37 : i32
        scf.if %cond3A_38 {
          %get3A = arith.constant 0 : index
          %get3A_76 = tpu.vector_load %arg7[%get3A] {strides = array<i32>} : memref<128xi32, #tpu.memory_space<vmem>>, vector<16xi32>,
          %get3A_77 = vector.shape_cast %get3A_76 : vector<16xi32> to vector<16xi32>
          %add3A_78 = arith.constant 0 : i32
          %add3A_79 = vector.broadcast %add3A_78 : i32 to vector<16xi32>
          %add3A_80 = arith.addi %iota3A, %add3A_79 : vector<16xi32>
          %lt3A_81 = vector.broadcast %scan3A_33 : i32 to vector<16xi32>
          %lt3A_82 = arith.cmpi slt, %add3A_80, %lt3A_81 : vector<16xi32>
          %jit3A_83 = arith.constant 13568 : i32
          %broadcast_in_dim3A = vector.broadcast %jit3A_83 : i32 to vector<16xi32>
          %select_n3A_84 = arith.select %lt3A_82, %get3A_77, %broadcast_in_dim3A : vector<16xi1>, vector<16xi32>
          %swap3A = arith.constant 0 : index
          %swap3A_85 = tpu.vector_load %arg8[%swap3A] {strides = array<i32>} : memref<128xi32, #tpu.memory_space<vmem>>, vector<16xi32>,
          %swap3A_86 = vector.shape_cast %swap3A_85 : vector<16xi32> to vector<16xi32>
          %swap3A_87 = vector.shape_cast %select_n3A_84 : vector<16xi32> to vector<16xi32>
          tpu.vector_store %arg8[%swap3A], %swap3A_87 {strides = array<i32>} : memref<128xi32, #tpu.memory_space<vmem>>, vector<16xi32>,
          %get3A_88 = arith.constant 16 : index
          %get3A_89 = tpu.vector_load %arg7[%get3A_88] {strides = array<i32>} : memref<128xi32, #tpu.memory_space<vmem>>, vector<16xi32>,
          %get3A_90 = vector.shape_cast %get3A_89 : vector<16xi32> to vector<16xi32>
          %add3A_91 = arith.constant 16 : i32
          %add3A_92 = vector.broadcast %add3A_91 : i32 to vector<16xi32>
          %add3A_93 = arith.addi %iota3A, %add3A_92 : vector<16xi32>
          %lt3A_94 = vector.broadcast %scan3A_33 : i32 to vector<16xi32>
          %lt3A_95 = arith.cmpi slt, %add3A_93, %lt3A_94 : vector<16xi32>
          %jit3A_96 = arith.constant 13568 : i32
          %broadcast_in_dim3A_97 = vector.broadcast %jit3A_96 : i32 to vector<16xi32>
          %select_n3A_98 = arith.select %lt3A_95, %get3A_90, %broadcast_in_dim3A_97 : vector<16xi1>, vector<16xi32>
          %swap3A_99 = arith.constant 16 : index
          %swap3A_100 = tpu.vector_load %arg8[%swap3A_99] {strides = array<i32>} : memref<128xi32, #tpu.memory_space<vmem>>, vector<16xi32>,
          %swap3A_101 = vector.shape_cast %swap3A_100 : vector<16xi32> to vector<16xi32>
          %swap3A_102 = vector.shape_cast %select_n3A_98 : vector<16xi32> to vector<16xi32>
          tpu.vector_store %arg8[%swap3A_99], %swap3A_102 {strides = array<i32>} : memref<128xi32, #tpu.memory_space<vmem>>, vector<16xi32>,
          %get3A_103 = arith.constant 32 : index
          %get3A_104 = tpu.vector_load %arg7[%get3A_103] {strides = array<i32>} : memref<128xi32, #tpu.memory_space<vmem>>, vector<16xi32>,
          %get3A_105 = vector.shape_cast %get3A_104 : vector<16xi32> to vector<16xi32>
          %add3A_106 = arith.constant 32 : i32
          %add3A_107 = vector.broadcast %add3A_106 : i32 to vector<16xi32>
          %add3A_108 = arith.addi %iota3A, %add3A_107 : vector<16xi32>
          %lt3A_109 = vector.broadcast %scan3A_33 : i32 to vector<16xi32>
          %lt3A_110 = arith.cmpi slt, %add3A_108, %lt3A_109 : vector<16xi32>
          %jit3A_111 = arith.constant 13568 : i32
          %broadcast_in_dim3A_112 = vector.broadcast %jit3A_111 : i32 to vector<16xi32>
          %select_n3A_113 = arith.select %lt3A_110, %get3A_105, %broadcast_in_dim3A_112 : vector<16xi1>, vector<16xi32>
          %swap3A_114 = arith.constant 32 : index
          %swap3A_115 = tpu.vector_load %arg8[%swap3A_114] {strides = array<i32>} : memref<128xi32, #tpu.memory_space<vmem>>, vector<16xi32>,
          %swap3A_116 = vector.shape_cast %swap3A_115 : vector<16xi32> to vector<16xi32>
          %swap3A_117 = vector.shape_cast %select_n3A_113 : vector<16xi32> to vector<16xi32>
          tpu.vector_store %arg8[%swap3A_114], %swap3A_117 {strides = array<i32>} : memref<128xi32, #tpu.memory_space<vmem>>, vector<16xi32>,
          %get3A_118 = arith.constant 48 : index
          %get3A_119 = tpu.vector_load %arg7[%get3A_118] {strides = array<i32>} : memref<128xi32, #tpu.memory_space<vmem>>, vector<16xi32>,
          %get3A_120 = vector.shape_cast %get3A_119 : vector<16xi32> to vector<16xi32>
          %add3A_121 = arith.constant 48 : i32
          %add3A_122 = vector.broadcast %add3A_121 : i32 to vector<16xi32>
          %add3A_123 = arith.addi %iota3A, %add3A_122 : vector<16xi32>
          %lt3A_124 = vector.broadcast %scan3A_33 : i32 to vector<16xi32>
          %lt3A_125 = arith.cmpi slt, %add3A_123, %lt3A_124 : vector<16xi32>
          %jit3A_126 = arith.constant 13568 : i32
          %broadcast_in_dim3A_127 = vector.broadcast %jit3A_126 : i32 to vector<16xi32>
          %select_n3A_128 = arith.select %lt3A_125, %get3A_120, %broadcast_in_dim3A_127 : vector<16xi1>, vector<16xi32>
          %swap3A_129 = arith.constant 48 : index
          %swap3A_130 = tpu.vector_load %arg8[%swap3A_129] {strides = array<i32>} : memref<128xi32, #tpu.memory_space<vmem>>, vector<16xi32>,
          %swap3A_131 = vector.shape_cast %swap3A_130 : vector<16xi32> to vector<16xi32>
          %swap3A_132 = vector.shape_cast %select_n3A_128 : vector<16xi32> to vector<16xi32>
          tpu.vector_store %arg8[%swap3A_129], %swap3A_132 {strides = array<i32>} : memref<128xi32, #tpu.memory_space<vmem>>, vector<16xi32>,
          %get3A_133 = arith.constant 64 : index
          %get3A_134 = tpu.vector_load %arg7[%get3A_133] {strides = array<i32>} : memref<128xi32, #tpu.memory_space<vmem>>, vector<16xi32>,
          %get3A_135 = vector.shape_cast %get3A_134 : vector<16xi32> to vector<16xi32>
          %add3A_136 = arith.constant 64 : i32
          %add3A_137 = vector.broadcast %add3A_136 : i32 to vector<16xi32>
          %add3A_138 = arith.addi %iota3A, %add3A_137 : vector<16xi32>
          %lt3A_139 = vector.broadcast %scan3A_33 : i32 to vector<16xi32>
          %lt3A_140 = arith.cmpi slt, %add3A_138, %lt3A_139 : vector<16xi32>
          %jit3A_141 = arith.constant 13568 : i32
          %broadcast_in_dim3A_142 = vector.broadcast %jit3A_141 : i32 to vector<16xi32>
          %select_n3A_143 = arith.select %lt3A_140, %get3A_135, %broadcast_in_dim3A_142 : vector<16xi1>, vector<16xi32>
          %swap3A_144 = arith.constant 64 : index
          %swap3A_145 = tpu.vector_load %arg8[%swap3A_144] {strides = array<i32>} : memref<128xi32, #tpu.memory_space<vmem>>, vector<16xi32>,
          %swap3A_146 = vector.shape_cast %swap3A_145 : vector<16xi32> to vector<16xi32>
          %swap3A_147 = vector.shape_cast %select_n3A_143 : vector<16xi32> to vector<16xi32>
          tpu.vector_store %arg8[%swap3A_144], %swap3A_147 {strides = array<i32>} : memref<128xi32, #tpu.memory_space<vmem>>, vector<16xi32>,
          %get3A_148 = arith.constant 80 : index
          %get3A_149 = tpu.vector_load %arg7[%get3A_148] {strides = array<i32>} : memref<128xi32, #tpu.memory_space<vmem>>, vector<16xi32>,
          %get3A_150 = vector.shape_cast %get3A_149 : vector<16xi32> to vector<16xi32>
          %add3A_151 = arith.constant 80 : i32
          %add3A_152 = vector.broadcast %add3A_151 : i32 to vector<16xi32>
          %add3A_153 = arith.addi %iota3A, %add3A_152 : vector<16xi32>
          %lt3A_154 = vector.broadcast %scan3A_33 : i32 to vector<16xi32>
          %lt3A_155 = arith.cmpi slt, %add3A_153, %lt3A_154 : vector<16xi32>
          %jit3A_156 = arith.constant 13568 : i32
          %broadcast_in_dim3A_157 = vector.broadcast %jit3A_156 : i32 to vector<16xi32>
          %select_n3A_158 = arith.select %lt3A_155, %get3A_150, %broadcast_in_dim3A_157 : vector<16xi1>, vector<16xi32>
          %swap3A_159 = arith.constant 80 : index
          %swap3A_160 = tpu.vector_load %arg8[%swap3A_159] {strides = array<i32>} : memref<128xi32, #tpu.memory_space<vmem>>, vector<16xi32>,
          %swap3A_161 = vector.shape_cast %swap3A_160 : vector<16xi32> to vector<16xi32>
          %swap3A_162 = vector.shape_cast %select_n3A_158 : vector<16xi32> to vector<16xi32>
          tpu.vector_store %arg8[%swap3A_159], %swap3A_162 {strides = array<i32>} : memref<128xi32, #tpu.memory_space<vmem>>, vector<16xi32>,
          %get3A_163 = arith.constant 96 : index
          %get3A_164 = tpu.vector_load %arg7[%get3A_163] {strides = array<i32>} : memref<128xi32, #tpu.memory_space<vmem>>, vector<16xi32>,
          %get3A_165 = vector.shape_cast %get3A_164 : vector<16xi32> to vector<16xi32>
          %add3A_166 = arith.constant 96 : i32
          %add3A_167 = vector.broadcast %add3A_166 : i32 to vector<16xi32>
          %add3A_168 = arith.addi %iota3A, %add3A_167 : vector<16xi32>
          %lt3A_169 = vector.broadcast %scan3A_33 : i32 to vector<16xi32>
          %lt3A_170 = arith.cmpi slt, %add3A_168, %lt3A_169 : vector<16xi32>
          %jit3A_171 = arith.constant 13568 : i32
          %broadcast_in_dim3A_172 = vector.broadcast %jit3A_171 : i32 to vector<16xi32>
          %select_n3A_173 = arith.select %lt3A_170, %get3A_165, %broadcast_in_dim3A_172 : vector<16xi1>, vector<16xi32>
          %swap3A_174 = arith.constant 96 : index
          %swap3A_175 = tpu.vector_load %arg8[%swap3A_174] {strides = array<i32>} : memref<128xi32, #tpu.memory_space<vmem>>, vector<16xi32>,
          %swap3A_176 = vector.shape_cast %swap3A_175 : vector<16xi32> to vector<16xi32>
          %swap3A_177 = vector.shape_cast %select_n3A_173 : vector<16xi32> to vector<16xi32>
          tpu.vector_store %arg8[%swap3A_174], %swap3A_177 {strides = array<i32>} : memref<128xi32, #tpu.memory_space<vmem>>, vector<16xi32>,
          %get3A_178 = arith.constant 112 : index
          %get3A_179 = tpu.vector_load %arg7[%get3A_178] {strides = array<i32>} : memref<128xi32, #tpu.memory_space<vmem>>, vector<16xi32>,
          %get3A_180 = vector.shape_cast %get3A_179 : vector<16xi32> to vector<16xi32>
          %add3A_181 = arith.constant 112 : i32
          %add3A_182 = vector.broadcast %add3A_181 : i32 to vector<16xi32>
          %add3A_183 = arith.addi %iota3A, %add3A_182 : vector<16xi32>
          %lt3A_184 = vector.broadcast %scan3A_33 : i32 to vector<16xi32>
          %lt3A_185 = arith.cmpi slt, %add3A_183, %lt3A_184 : vector<16xi32>
          %jit3A_186 = arith.constant 13568 : i32
          %broadcast_in_dim3A_187 = vector.broadcast %jit3A_186 : i32 to vector<16xi32>
          %select_n3A_188 = arith.select %lt3A_185, %get3A_180, %broadcast_in_dim3A_187 : vector<16xi1>, vector<16xi32>
          %swap3A_189 = arith.constant 112 : index
          %swap3A_190 = tpu.vector_load %arg8[%swap3A_189] {strides = array<i32>} : memref<128xi32, #tpu.memory_space<vmem>>, vector<16xi32>,
          %swap3A_191 = vector.shape_cast %swap3A_190 : vector<16xi32> to vector<16xi32>
          %swap3A_192 = vector.shape_cast %select_n3A_188 : vector<16xi32> to vector<16xi32>
          tpu.vector_store %arg8[%swap3A_189], %swap3A_192 {strides = array<i32>} : memref<128xi32, #tpu.memory_space<vmem>>, vector<16xi32>,
          "tpu.region"() ({
            %run_scoped3A = tpu.sem_alloc : memref<!tpu.dma_semaphore, #tpu.memory_space<semaphore_mem>>
            %dma_start3A = arith.constant 0 : i32
            %dma_start3A_193 = arith.constant 0 : i32
            %dma_start3A_194 = tpu.memref_slice %arg10[%dma_start3A, %dma_start3A_193] : memref<13696x128xf32, #tpu.memory_space<vmem_shared>> -> memref<13696x128xf32, #tpu.memory_space<vmem_shared>>
            tpu.enqueue_indirect_dma source(%arg9 : memref<128x128xf32, #tpu.memory_space<vmem>>) target(%dma_start3A_194 : memref<13696x128xf32, #tpu.memory_space<vmem_shared>>) offsets(%arg8 : memref<128xi32, #tpu.memory_space<vmem>>) semaphore(%run_scoped3A : memref<!tpu.dma_semaphore, #tpu.memory_space<semaphore_mem>>) {add = true}
            %dma_wait3A = arith.constant 0 : i32
            %dma_wait3A_195 = arith.constant 0 : i32
            %dma_wait3A_196 = tpu.memref_slice %arg10[%dma_wait3A, %dma_wait3A_195] : memref<13696x128xf32, #tpu.memory_space<vmem_shared>> -> memref<13696x128xf32, #tpu.memory_space<vmem_shared>>
            tpu.wait_indirect_dma semaphore(%run_scoped3A : memref<!tpu.dma_semaphore, #tpu.memory_space<semaphore_mem>>) src(%arg9 : memref<128x128xf32, #tpu.memory_space<vmem>>) dst(%dma_wait3A_196 : memref<13696x128xf32, #tpu.memory_space<vmem_shared>>)
            tpu.yield
          }) : () -> ()
        } else {
        }
        %barrier3A_39 = arith.constant 0 : index
        tpu.barrier barrier_id(%barrier3A_39)
        %mul3A_40 = arith.constant 848 : i32
        %mul3A_41 = arith.muli %arg1, %mul3A_40 : i32
        %add3A_42 = arith.constant 0 : i32
        %add3A_43 = arith.addi %mul3A_41, %add3A_42 : i32
        %add3A_44 = arith.addi %mul3A_11, %mul3A_41 : i32
        %add3A_45 = arith.constant 0 : i32
        %add3A_46 = arith.addi %add3A_44, %add3A_45 : i32
        "tpu.region"() ({
          %run_scoped3A = tpu.sem_alloc : memref<!tpu.dma_semaphore, #tpu.memory_space<semaphore_mem>>
          %dma_start3A = arith.constant 0 : i32
          %dma_start3A_76 = tpu.memref_slice %arg5[%add3A_46, %dma_start3A] : memref<108544x128xf32, #tpu.memory_space<hbm>> -> memref<128x128xf32, #tpu.memory_space<hbm>>
          %dma_start3A_77 = arith.constant 0 : i32
          %dma_start3A_78 = tpu.memref_slice %arg10[%add3A_43, %dma_start3A_77] : memref<13696x128xf32, #tpu.memory_space<vmem_shared>> -> memref<128x128xf32, #tpu.memory_space<vmem_shared>>
          tpu.enqueue_dma source(%dma_start3A_78 : memref<128x128xf32, #tpu.memory_space<vmem_shared>>) target(%dma_start3A_76 : memref<128x128xf32, #tpu.memory_space<hbm>>) target_semaphore(%run_scoped3A : memref<!tpu.dma_semaphore, #tpu.memory_space<semaphore_mem>>)
          %dma_wait3A = arith.constant 0 : i32
          %dma_wait3A_79 = tpu.memref_slice %arg5[%add3A_46, %dma_wait3A] : memref<108544x128xf32, #tpu.memory_space<hbm>> -> memref<128x128xf32, #tpu.memory_space<hbm>>
          %dma_wait3A_80 = arith.constant 0 : i32
          %dma_wait3A_81 = tpu.memref_slice %arg10[%add3A_43, %dma_wait3A_80] : memref<13696x128xf32, #tpu.memory_space<vmem_shared>> -> memref<128x128xf32, #tpu.memory_space<vmem_shared>>
          tpu.wait_dma2 semaphore(%run_scoped3A : memref<!tpu.dma_semaphore, #tpu.memory_space<semaphore_mem>>) src(%dma_wait3A_81 : memref<128x128xf32, #tpu.memory_space<vmem_shared>>) dst(%dma_wait3A_79 : memref<128x128xf32, #tpu.memory_space<hbm>>)
          tpu.yield
        }) : () -> ()
        %add3A_47 = arith.constant 128 : i32
        %add3A_48 = arith.addi %mul3A_41, %add3A_47 : i32
        %add3A_49 = arith.addi %mul3A_11, %mul3A_41 : i32
        %add3A_50 = arith.constant 128 : i32
        %add3A_51 = arith.addi %add3A_49, %add3A_50 : i32
        "tpu.region"() ({
          %run_scoped3A = tpu.sem_alloc : memref<!tpu.dma_semaphore, #tpu.memory_space<semaphore_mem>>
          %dma_start3A = arith.constant 0 : i32
          %dma_start3A_76 = tpu.memref_slice %arg5[%add3A_51, %dma_start3A] : memref<108544x128xf32, #tpu.memory_space<hbm>> -> memref<128x128xf32, #tpu.memory_space<hbm>>
          %dma_start3A_77 = arith.constant 0 : i32
          %dma_start3A_78 = tpu.memref_slice %arg10[%add3A_48, %dma_start3A_77] : memref<13696x128xf32, #tpu.memory_space<vmem_shared>> -> memref<128x128xf32, #tpu.memory_space<vmem_shared>>
          tpu.enqueue_dma source(%dma_start3A_78 : memref<128x128xf32, #tpu.memory_space<vmem_shared>>) target(%dma_start3A_76 : memref<128x128xf32, #tpu.memory_space<hbm>>) target_semaphore(%run_scoped3A : memref<!tpu.dma_semaphore, #tpu.memory_space<semaphore_mem>>)
          %dma_wait3A = arith.constant 0 : i32
          %dma_wait3A_79 = tpu.memref_slice %arg5[%add3A_51, %dma_wait3A] : memref<108544x128xf32, #tpu.memory_space<hbm>> -> memref<128x128xf32, #tpu.memory_space<hbm>>
          %dma_wait3A_80 = arith.constant 0 : i32
          %dma_wait3A_81 = tpu.memref_slice %arg10[%add3A_48, %dma_wait3A_80] : memref<13696x128xf32, #tpu.memory_space<vmem_shared>> -> memref<128x128xf32, #tpu.memory_space<vmem_shared>>
          tpu.wait_dma2 semaphore(%run_scoped3A : memref<!tpu.dma_semaphore, #tpu.memory_space<semaphore_mem>>) src(%dma_wait3A_81 : memref<128x128xf32, #tpu.memory_space<vmem_shared>>) dst(%dma_wait3A_79 : memref<128x128xf32, #tpu.memory_space<hbm>>)
          tpu.yield
        }) : () -> ()
        %add3A_52 = arith.constant 256 : i32
        %add3A_53 = arith.addi %mul3A_41, %add3A_52 : i32
        %add3A_54 = arith.addi %mul3A_11, %mul3A_41 : i32
        %add3A_55 = arith.constant 256 : i32
        %add3A_56 = arith.addi %add3A_54, %add3A_55 : i32
        "tpu.region"() ({
          %run_scoped3A = tpu.sem_alloc : memref<!tpu.dma_semaphore, #tpu.memory_space<semaphore_mem>>
          %dma_start3A = arith.constant 0 : i32
          %dma_start3A_76 = tpu.memref_slice %arg5[%add3A_56, %dma_start3A] : memref<108544x128xf32, #tpu.memory_space<hbm>> -> memref<128x128xf32, #tpu.memory_space<hbm>>
          %dma_start3A_77 = arith.constant 0 : i32
          %dma_start3A_78 = tpu.memref_slice %arg10[%add3A_53, %dma_start3A_77] : memref<13696x128xf32, #tpu.memory_space<vmem_shared>> -> memref<128x128xf32, #tpu.memory_space<vmem_shared>>
          tpu.enqueue_dma source(%dma_start3A_78 : memref<128x128xf32, #tpu.memory_space<vmem_shared>>) target(%dma_start3A_76 : memref<128x128xf32, #tpu.memory_space<hbm>>) target_semaphore(%run_scoped3A : memref<!tpu.dma_semaphore, #tpu.memory_space<semaphore_mem>>)
          %dma_wait3A = arith.constant 0 : i32
          %dma_wait3A_79 = tpu.memref_slice %arg5[%add3A_56, %dma_wait3A] : memref<108544x128xf32, #tpu.memory_space<hbm>> -> memref<128x128xf32, #tpu.memory_space<hbm>>
          %dma_wait3A_80 = arith.constant 0 : i32
          %dma_wait3A_81 = tpu.memref_slice %arg10[%add3A_53, %dma_wait3A_80] : memref<13696x128xf32, #tpu.memory_space<vmem_shared>> -> memref<128x128xf32, #tpu.memory_space<vmem_shared>>
          tpu.wait_dma2 semaphore(%run_scoped3A : memref<!tpu.dma_semaphore, #tpu.memory_space<semaphore_mem>>) src(%dma_wait3A_81 : memref<128x128xf32, #tpu.memory_space<vmem_shared>>) dst(%dma_wait3A_79 : memref<128x128xf32, #tpu.memory_space<hbm>>)
          tpu.yield
        }) : () -> ()
        %add3A_57 = arith.constant 384 : i32
        %add3A_58 = arith.addi %mul3A_41, %add3A_57 : i32
        %add3A_59 = arith.addi %mul3A_11, %mul3A_41 : i32
        %add3A_60 = arith.constant 384 : i32
        %add3A_61 = arith.addi %add3A_59, %add3A_60 : i32
        "tpu.region"() ({
          %run_scoped3A = tpu.sem_alloc : memref<!tpu.dma_semaphore, #tpu.memory_space<semaphore_mem>>
          %dma_start3A = arith.constant 0 : i32
          %dma_start3A_76 = tpu.memref_slice %arg5[%add3A_61, %dma_start3A] : memref<108544x128xf32, #tpu.memory_space<hbm>> -> memref<128x128xf32, #tpu.memory_space<hbm>>
          %dma_start3A_77 = arith.constant 0 : i32
          %dma_start3A_78 = tpu.memref_slice %arg10[%add3A_58, %dma_start3A_77] : memref<13696x128xf32, #tpu.memory_space<vmem_shared>> -> memref<128x128xf32, #tpu.memory_space<vmem_shared>>
          tpu.enqueue_dma source(%dma_start3A_78 : memref<128x128xf32, #tpu.memory_space<vmem_shared>>) target(%dma_start3A_76 : memref<128x128xf32, #tpu.memory_space<hbm>>) target_semaphore(%run_scoped3A : memref<!tpu.dma_semaphore, #tpu.memory_space<semaphore_mem>>)
          %dma_wait3A = arith.constant 0 : i32
          %dma_wait3A_79 = tpu.memref_slice %arg5[%add3A_61, %dma_wait3A] : memref<108544x128xf32, #tpu.memory_space<hbm>> -> memref<128x128xf32, #tpu.memory_space<hbm>>
          %dma_wait3A_80 = arith.constant 0 : i32
          %dma_wait3A_81 = tpu.memref_slice %arg10[%add3A_58, %dma_wait3A_80] : memref<13696x128xf32, #tpu.memory_space<vmem_shared>> -> memref<128x128xf32, #tpu.memory_space<vmem_shared>>
          tpu.wait_dma2 semaphore(%run_scoped3A : memref<!tpu.dma_semaphore, #tpu.memory_space<semaphore_mem>>) src(%dma_wait3A_81 : memref<128x128xf32, #tpu.memory_space<vmem_shared>>) dst(%dma_wait3A_79 : memref<128x128xf32, #tpu.memory_space<hbm>>)
          tpu.yield
        }) : () -> ()
        %add3A_62 = arith.constant 512 : i32
        %add3A_63 = arith.addi %mul3A_41, %add3A_62 : i32
        %add3A_64 = arith.addi %mul3A_11, %mul3A_41 : i32
        %add3A_65 = arith.constant 512 : i32
        %add3A_66 = arith.addi %add3A_64, %add3A_65 : i32
        "tpu.region"() ({
          %run_scoped3A = tpu.sem_alloc : memref<!tpu.dma_semaphore, #tpu.memory_space<semaphore_mem>>
          %dma_start3A = arith.constant 0 : i32
          %dma_start3A_76 = tpu.memref_slice %arg5[%add3A_66, %dma_start3A] : memref<108544x128xf32, #tpu.memory_space<hbm>> -> memref<128x128xf32, #tpu.memory_space<hbm>>
          %dma_start3A_77 = arith.constant 0 : i32
          %dma_start3A_78 = tpu.memref_slice %arg10[%add3A_63, %dma_start3A_77] : memref<13696x128xf32, #tpu.memory_space<vmem_shared>> -> memref<128x128xf32, #tpu.memory_space<vmem_shared>>
          tpu.enqueue_dma source(%dma_start3A_78 : memref<128x128xf32, #tpu.memory_space<vmem_shared>>) target(%dma_start3A_76 : memref<128x128xf32, #tpu.memory_space<hbm>>) target_semaphore(%run_scoped3A : memref<!tpu.dma_semaphore, #tpu.memory_space<semaphore_mem>>)
          %dma_wait3A = arith.constant 0 : i32
          %dma_wait3A_79 = tpu.memref_slice %arg5[%add3A_66, %dma_wait3A] : memref<108544x128xf32, #tpu.memory_space<hbm>> -> memref<128x128xf32, #tpu.memory_space<hbm>>
          %dma_wait3A_80 = arith.constant 0 : i32
          %dma_wait3A_81 = tpu.memref_slice %arg10[%add3A_63, %dma_wait3A_80] : memref<13696x128xf32, #tpu.memory_space<vmem_shared>> -> memref<128x128xf32, #tpu.memory_space<vmem_shared>>
          tpu.wait_dma2 semaphore(%run_scoped3A : memref<!tpu.dma_semaphore, #tpu.memory_space<semaphore_mem>>) src(%dma_wait3A_81 : memref<128x128xf32, #tpu.memory_space<vmem_shared>>) dst(%dma_wait3A_79 : memref<128x128xf32, #tpu.memory_space<hbm>>)
          tpu.yield
        }) : () -> ()
        %add3A_67 = arith.constant 640 : i32
        %add3A_68 = arith.addi %mul3A_41, %add3A_67 : i32
        %add3A_69 = arith.addi %mul3A_11, %mul3A_41 : i32
        %add3A_70 = arith.constant 640 : i32
        %add3A_71 = arith.addi %add3A_69, %add3A_70 : i32
        "tpu.region"() ({
          %run_scoped3A = tpu.sem_alloc : memref<!tpu.dma_semaphore, #tpu.memory_space<semaphore_mem>>
          %dma_start3A = arith.constant 0 : i32
          %dma_start3A_76 = tpu.memref_slice %arg5[%add3A_71, %dma_start3A] : memref<108544x128xf32, #tpu.memory_space<hbm>> -> memref<128x128xf32, #tpu.memory_space<hbm>>
          %dma_start3A_77 = arith.constant 0 : i32
          %dma_start3A_78 = tpu.memref_slice %arg10[%add3A_68, %dma_start3A_77] : memref<13696x128xf32, #tpu.memory_space<vmem_shared>> -> memref<128x128xf32, #tpu.memory_space<vmem_shared>>
          tpu.enqueue_dma source(%dma_start3A_78 : memref<128x128xf32, #tpu.memory_space<vmem_shared>>) target(%dma_start3A_76 : memref<128x128xf32, #tpu.memory_space<hbm>>) target_semaphore(%run_scoped3A : memref<!tpu.dma_semaphore, #tpu.memory_space<semaphore_mem>>)
          %dma_wait3A = arith.constant 0 : i32
          %dma_wait3A_79 = tpu.memref_slice %arg5[%add3A_71, %dma_wait3A] : memref<108544x128xf32, #tpu.memory_space<hbm>> -> memref<128x128xf32, #tpu.memory_space<hbm>>
          %dma_wait3A_80 = arith.constant 0 : i32
          %dma_wait3A_81 = tpu.memref_slice %arg10[%add3A_68, %dma_wait3A_80] : memref<13696x128xf32, #tpu.memory_space<vmem_shared>> -> memref<128x128xf32, #tpu.memory_space<vmem_shared>>
          tpu.wait_dma2 semaphore(%run_scoped3A : memref<!tpu.dma_semaphore, #tpu.memory_space<semaphore_mem>>) src(%dma_wait3A_81 : memref<128x128xf32, #tpu.memory_space<vmem_shared>>) dst(%dma_wait3A_79 : memref<128x128xf32, #tpu.memory_space<hbm>>)
          tpu.yield
        }) : () -> ()
        %add3A_72 = arith.constant 768 : i32
        %add3A_73 = arith.addi %mul3A_41, %add3A_72 : i32
        %add3A_74 = arith.addi %mul3A_11, %add3A_73 : i32
        "tpu.region"() ({
          %run_scoped3A = tpu.sem_alloc : memref<!tpu.dma_semaphore, #tpu.memory_space<semaphore_mem>>
          %dma_start3A = arith.constant 0 : i32
          %dma_start3A_76 = tpu.memref_slice %arg5[%add3A_74, %dma_start3A] : memref<108544x128xf32, #tpu.memory_space<hbm>> -> memref<80x128xf32, #tpu.memory_space<hbm>>
          %dma_start3A_77 = arith.constant 0 : i32
          %dma_start3A_78 = tpu.memref_slice %arg10[%add3A_73, %dma_start3A_77] : memref<13696x128xf32, #tpu.memory_space<vmem_shared>> -> memref<80x128xf32, #tpu.memory_space<vmem_shared>>
          tpu.enqueue_dma source(%dma_start3A_78 : memref<80x128xf32, #tpu.memory_space<vmem_shared>>) target(%dma_start3A_76 : memref<80x128xf32, #tpu.memory_space<hbm>>) target_semaphore(%run_scoped3A : memref<!tpu.dma_semaphore, #tpu.memory_space<semaphore_mem>>)
          %dma_wait3A = arith.constant 0 : i32
          %dma_wait3A_79 = tpu.memref_slice %arg5[%add3A_74, %dma_wait3A] : memref<108544x128xf32, #tpu.memory_space<hbm>> -> memref<80x128xf32, #tpu.memory_space<hbm>>
          %dma_wait3A_80 = arith.constant 0 : i32
          %dma_wait3A_81 = tpu.memref_slice %arg10[%add3A_73, %dma_wait3A_80] : memref<13696x128xf32, #tpu.memory_space<vmem_shared>> -> memref<80x128xf32, #tpu.memory_space<vmem_shared>>
          tpu.wait_dma2 semaphore(%run_scoped3A : memref<!tpu.dma_semaphore, #tpu.memory_space<semaphore_mem>>) src(%dma_wait3A_81 : memref<80x128xf32, #tpu.memory_space<vmem_shared>>) dst(%dma_wait3A_79 : memref<80x128xf32, #tpu.memory_space<hbm>>)
          tpu.yield
        }) : () -> ()
        %barrier3A_75 = arith.constant 0 : index
        tpu.barrier barrier_id(%barrier3A_75)
      } else {
      }
    }
    %scan3A_6 = arith.constant 4 : i32
    return
  }
}

module attributes {stable_mosaic.version = 14 : i64} {
  func.func @body(%arg0: i32, %arg1: memref<2048x34xf32, #tpu.memory_space<vmem>>, %arg2: memref<2048x128xf32, #tpu.memory_space<vmem>>, %arg3: memref<1x192xf32, #tpu.memory_space<vmem>>, %arg4: memref<64x192xf32, #tpu.memory_space<vmem>>, %arg5: memref<1x192xf32, #tpu.memory_space<vmem>>, %arg6: memref<1x192xf32, #tpu.memory_space<vmem>>, %arg7: memref<16x32xf32, #tpu.memory_space<vmem>>, %arg8: memref<1x32xf32, #tpu.memory_space<vmem>>, %arg9: memref<2048x128xf32, #tpu.memory_space<vmem>>, %arg10: memref<2048x1xf32, #tpu.memory_space<vmem>>) attributes {dimension_semantics = [#tpu.dimension_semantics<arbitrary>], iteration_bounds = array<i64: 49>, scalar_prefetch = 0 : i64, scratch_operands = 0 : i64, tpu.core_type = #tpu.core_type<tc>, window_params = [{transform_indices = @transform_0, window_bounds = array<i64: 2048, 34>}, {transform_indices = @transform_1, window_bounds = array<i64: 2048, 128>}, {pipeline_mode = #tpu.pipeline_mode<synchronous>, transform_indices = @transform_2, window_bounds = array<i64: 1, 192>}, {pipeline_mode = #tpu.pipeline_mode<synchronous>, transform_indices = @transform_3, window_bounds = array<i64: 64, 192>}, {pipeline_mode = #tpu.pipeline_mode<synchronous>, transform_indices = @transform_4, window_bounds = array<i64: 1, 192>}, {pipeline_mode = #tpu.pipeline_mode<synchronous>, transform_indices = @transform_5, window_bounds = array<i64: 1, 192>}, {pipeline_mode = #tpu.pipeline_mode<synchronous>, transform_indices = @transform_6, window_bounds = array<i64: 16, 32>}, {pipeline_mode = #tpu.pipeline_mode<synchronous>, transform_indices = @transform_7, window_bounds = array<i64: 1, 32>}, {transform_indices = @transform_8, window_bounds = array<i64: 2048, 128>}, {transform_indices = @transform_9, window_bounds = array<i64: 2048, 1>}]} {
    %get3A = arith.constant 0 : index
    %get3A_0 = arith.constant 0 : index
    %get3A_1 = vector.load %arg1[%get3A, %get3A_0] : memref<2048x34xf32, #tpu.memory_space<vmem>>, vector<2048x34xf32>
    %get3A_2 = arith.constant 0 : index
    %get3A_3 = arith.constant 0 : index
    %get3A_4 = vector.load %arg2[%get3A_2, %get3A_3] : memref<2048x128xf32, #tpu.memory_space<vmem>>, vector<2048x128xf32>
    %slice3A = vector.extract_strided_slice %get3A_4 {offsets = [0, 0], sizes = [2048, 1], strides = [1, 1]} : vector<2048x128xf32> to vector<2048x1xf32>
    %squeeze3A = vector.shape_cast %slice3A : vector<2048x1xf32> to vector<2048xf32>
    %add3A = arith.constant 1.000000e+00 : f32
    %add3A_5 = vector.broadcast %add3A : f32 to vector<2048xf32>
    %add3A_6 = arith.addf %squeeze3A, %add3A_5 : vector<2048xf32>
    %rsqrt3A = math.rsqrt %add3A_6 : vector<2048xf32>
    %slice3A_7 = vector.extract_strided_slice %get3A_1 {offsets = [0, 0], sizes = [2048, 16], strides = [1, 1]} : vector<2048x34xf32> to vector<2048x16xf32>
    %get3A_8 = arith.constant 0 : index
    %get3A_9 = arith.constant 0 : index
    %get3A_10 = vector.load %arg7[%get3A_8, %get3A_9] : memref<16x32xf32, #tpu.memory_space<vmem>>, vector<16x32xf32>
    %dot_general3A = arith.constant dense<0.000000e+00> : vector<2048x32xf32>
    %dot_general3A_11 = tpu.matmul %slice3A_7, %get3A_10, %dot_general3A {dimension_numbers = #tpu.dot_dimension_numbers<[1], [0], [0], [1], [0, 0, 1, 1], [], []>, transpose_lhs_hint = false} : vector<2048x16xf32>, vector<16x32xf32>, vector<2048x32xf32> -> vector<2048x32xf32>
    %get3A_12 = arith.constant 0 : index
    %get3A_13 = arith.constant 0 : index
    %get3A_14 = vector.load %arg8[%get3A_12, %get3A_13] : memref<1x32xf32, #tpu.memory_space<vmem>>, vector<1x32xf32>
    %add3A_15 = vector.broadcast %get3A_14 : vector<1x32xf32> to vector<2048x32xf32>
    %add3A_16 = arith.addf %dot_general3A_11, %add3A_15 : vector<2048x32xf32>
    %mul3A = arith.constant 5.000000e-01 : f32
    %mul3A_17 = vector.broadcast %mul3A : f32 to vector<2048x32xf32>
    %mul3A_18 = arith.mulf %mul3A_17, %add3A_16 : vector<2048x32xf32>
    %mul3A_19 = arith.constant 0.707106769 : f32
    %mul3A_20 = vector.broadcast %mul3A_19 : f32 to vector<2048x32xf32>
    %mul3A_21 = arith.mulf %add3A_16, %mul3A_20 : vector<2048x32xf32>
    %erf3A = math.erf %mul3A_21 : vector<2048x32xf32>
    %add3A_22 = arith.constant 1.000000e+00 : f32
    %add3A_23 = vector.broadcast %add3A_22 : f32 to vector<2048x32xf32>
    %add3A_24 = arith.addf %add3A_23, %erf3A : vector<2048x32xf32>
    %mul3A_25 = arith.mulf %mul3A_18, %add3A_24 : vector<2048x32xf32>
    %broadcast_in_dim3A = arith.constant 0.000000e+00 : f32
    %broadcast_in_dim3A_26 = vector.broadcast %broadcast_in_dim3A : f32 to vector<2048x64xf32>
    %slice3A_27 = vector.extract_strided_slice %get3A_1 {offsets = [0, 16], sizes = [2048, 1], strides = [1, 1]} : vector<2048x34xf32> to vector<2048x1xf32>
    %get3A_28 = arith.constant 0 : index
    %get3A_29 = arith.constant 0 : index
    %get3A_30 = vector.load %arg3[%get3A_28, %get3A_29] : memref<1x192xf32, #tpu.memory_space<vmem>>, vector<1x192xf32>
    %mul3A_31 = vector.broadcast %slice3A_27 : vector<2048x1xf32> to vector<2048x192xf32>
    %mul3A_32 = vector.broadcast %get3A_30 : vector<1x192xf32> to vector<2048x192xf32>
    %mul3A_33 = arith.mulf %mul3A_31, %mul3A_32 : vector<2048x192xf32>
    %get3A_34 = arith.constant 0 : index
    %get3A_35 = arith.constant 0 : index
    %get3A_36 = vector.load %arg5[%get3A_34, %get3A_35] : memref<1x192xf32, #tpu.memory_space<vmem>>, vector<1x192xf32>
    %add3A_37 = vector.broadcast %get3A_36 : vector<1x192xf32> to vector<2048x192xf32>
    %add3A_38 = arith.addf %mul3A_33, %add3A_37 : vector<2048x192xf32>
    %get3A_39 = arith.constant 0 : index
    %get3A_40 = arith.constant 0 : index
    %get3A_41 = vector.load %arg4[%get3A_39, %get3A_40] : memref<64x192xf32, #tpu.memory_space<vmem>>, vector<64x192xf32>
    %dot_general3A_42 = arith.constant dense<0.000000e+00> : vector<2048x192xf32>
    %dot_general3A_43 = tpu.matmul %broadcast_in_dim3A_26, %get3A_41, %dot_general3A_42 {dimension_numbers = #tpu.dot_dimension_numbers<[1], [0], [0], [1], [0, 0, 1, 1], [], []>, transpose_lhs_hint = false} : vector<2048x64xf32>, vector<64x192xf32>, vector<2048x192xf32> -> vector<2048x192xf32>
    %get3A_44 = arith.constant 0 : index
    %get3A_45 = arith.constant 0 : index
    %get3A_46 = vector.load %arg6[%get3A_44, %get3A_45] : memref<1x192xf32, #tpu.memory_space<vmem>>, vector<1x192xf32>
    %add3A_47 = vector.broadcast %get3A_46 : vector<1x192xf32> to vector<2048x192xf32>
    %add3A_48 = arith.addf %dot_general3A_43, %add3A_47 : vector<2048x192xf32>
    %slice3A_49 = vector.extract_strided_slice %add3A_38 {offsets = [0, 0], sizes = [2048, 64], strides = [1, 1]} : vector<2048x192xf32> to vector<2048x64xf32>
    %slice3A_50 = vector.extract_strided_slice %add3A_48 {offsets = [0, 0], sizes = [2048, 64], strides = [1, 1]} : vector<2048x192xf32> to vector<2048x64xf32>
    %add3A_51 = arith.addf %slice3A_49, %slice3A_50 : vector<2048x64xf32>
    %logistic3A = arith.negf %add3A_51 : vector<2048x64xf32>
    %logistic3A_52 = math.exp %logistic3A : vector<2048x64xf32>
    %logistic3A_53 = arith.constant 1.000000e+00 : f32
    %logistic3A_54 = vector.broadcast %logistic3A_53 : f32 to vector<2048x64xf32>
    %logistic3A_55 = arith.addf %logistic3A_54, %logistic3A_52 : vector<2048x64xf32>
    %logistic3A_56 = arith.divf %logistic3A_54, %logistic3A_55 : vector<2048x64xf32>
    %slice3A_57 = vector.extract_strided_slice %add3A_38 {offsets = [0, 64], sizes = [2048, 64], strides = [1, 1]} : vector<2048x192xf32> to vector<2048x64xf32>
    %slice3A_58 = vector.extract_strided_slice %add3A_48 {offsets = [0, 64], sizes = [2048, 64], strides = [1, 1]} : vector<2048x192xf32> to vector<2048x64xf32>
    %add3A_59 = arith.addf %slice3A_57, %slice3A_58 : vector<2048x64xf32>
    %logistic3A_60 = arith.negf %add3A_59 : vector<2048x64xf32>
    %logistic3A_61 = math.exp %logistic3A_60 : vector<2048x64xf32>
    %logistic3A_62 = arith.constant 1.000000e+00 : f32
    %logistic3A_63 = vector.broadcast %logistic3A_62 : f32 to vector<2048x64xf32>
    %logistic3A_64 = arith.addf %logistic3A_63, %logistic3A_61 : vector<2048x64xf32>
    %logistic3A_65 = arith.divf %logistic3A_63, %logistic3A_64 : vector<2048x64xf32>
    %slice3A_66 = vector.extract_strided_slice %add3A_38 {offsets = [0, 128], sizes = [2048, 64], strides = [1, 1]} : vector<2048x192xf32> to vector<2048x64xf32>
    %slice3A_67 = vector.extract_strided_slice %add3A_48 {offsets = [0, 128], sizes = [2048, 64], strides = [1, 1]} : vector<2048x192xf32> to vector<2048x64xf32>
    %mul3A_68 = arith.mulf %logistic3A_56, %slice3A_67 : vector<2048x64xf32>
    %add3A_69 = arith.addf %slice3A_66, %mul3A_68 : vector<2048x64xf32>
    %tanh3A = math.tanh %add3A_69 : vector<2048x64xf32>
    %sub3A = arith.constant 1.000000e+00 : f32
    %sub3A_70 = vector.broadcast %sub3A : f32 to vector<2048x64xf32>
    %sub3A_71 = arith.subf %sub3A_70, %logistic3A_65 : vector<2048x64xf32>
    %mul3A_72 = arith.mulf %sub3A_71, %tanh3A : vector<2048x64xf32>
    %mul3A_73 = arith.mulf %logistic3A_65, %broadcast_in_dim3A_26 : vector<2048x64xf32>
    %add3A_74 = arith.addf %mul3A_72, %mul3A_73 : vector<2048x64xf32>
    %slice3A_75 = vector.extract_strided_slice %get3A_1 {offsets = [0, 17], sizes = [2048, 1], strides = [1, 1]} : vector<2048x34xf32> to vector<2048x1xf32>
    %get3A_76 = arith.constant 0 : index
    %get3A_77 = arith.constant 0 : index
    %get3A_78 = vector.load %arg3[%get3A_76, %get3A_77] : memref<1x192xf32, #tpu.memory_space<vmem>>, vector<1x192xf32>
    %mul3A_79 = vector.broadcast %slice3A_75 : vector<2048x1xf32> to vector<2048x192xf32>
    %mul3A_80 = vector.broadcast %get3A_78 : vector<1x192xf32> to vector<2048x192xf32>
    %mul3A_81 = arith.mulf %mul3A_79, %mul3A_80 : vector<2048x192xf32>
    %get3A_82 = arith.constant 0 : index
    %get3A_83 = arith.constant 0 : index
    %get3A_84 = vector.load %arg5[%get3A_82, %get3A_83] : memref<1x192xf32, #tpu.memory_space<vmem>>, vector<1x192xf32>
    %add3A_85 = vector.broadcast %get3A_84 : vector<1x192xf32> to vector<2048x192xf32>
    %add3A_86 = arith.addf %mul3A_81, %add3A_85 : vector<2048x192xf32>
    %get3A_87 = arith.constant 0 : index
    %get3A_88 = arith.constant 0 : index
    %get3A_89 = vector.load %arg4[%get3A_87, %get3A_88] : memref<64x192xf32, #tpu.memory_space<vmem>>, vector<64x192xf32>
    %dot_general3A_90 = arith.constant dense<0.000000e+00> : vector<2048x192xf32>
    %dot_general3A_91 = tpu.matmul %add3A_74, %get3A_89, %dot_general3A_90 {dimension_numbers = #tpu.dot_dimension_numbers<[1], [0], [0], [1], [0, 0, 1, 1], [], []>, transpose_lhs_hint = false} : vector<2048x64xf32>, vector<64x192xf32>, vector<2048x192xf32> -> vector<2048x192xf32>
    %get3A_92 = arith.constant 0 : index
    %get3A_93 = arith.constant 0 : index
    %get3A_94 = vector.load %arg6[%get3A_92, %get3A_93] : memref<1x192xf32, #tpu.memory_space<vmem>>, vector<1x192xf32>
    %add3A_95 = vector.broadcast %get3A_94 : vector<1x192xf32> to vector<2048x192xf32>
    %add3A_96 = arith.addf %dot_general3A_91, %add3A_95 : vector<2048x192xf32>
    %slice3A_97 = vector.extract_strided_slice %add3A_86 {offsets = [0, 0], sizes = [2048, 64], strides = [1, 1]} : vector<2048x192xf32> to vector<2048x64xf32>
    %slice3A_98 = vector.extract_strided_slice %add3A_96 {offsets = [0, 0], sizes = [2048, 64], strides = [1, 1]} : vector<2048x192xf32> to vector<2048x64xf32>
    %add3A_99 = arith.addf %slice3A_97, %slice3A_98 : vector<2048x64xf32>
    %logistic3A_100 = arith.negf %add3A_99 : vector<2048x64xf32>
    %logistic3A_101 = math.exp %logistic3A_100 : vector<2048x64xf32>
    %logistic3A_102 = arith.constant 1.000000e+00 : f32
    %logistic3A_103 = vector.broadcast %logistic3A_102 : f32 to vector<2048x64xf32>
    %logistic3A_104 = arith.addf %logistic3A_103, %logistic3A_101 : vector<2048x64xf32>
    %logistic3A_105 = arith.divf %logistic3A_103, %logistic3A_104 : vector<2048x64xf32>
    %slice3A_106 = vector.extract_strided_slice %add3A_86 {offsets = [0, 64], sizes = [2048, 64], strides = [1, 1]} : vector<2048x192xf32> to vector<2048x64xf32>
    %slice3A_107 = vector.extract_strided_slice %add3A_96 {offsets = [0, 64], sizes = [2048, 64], strides = [1, 1]} : vector<2048x192xf32> to vector<2048x64xf32>
    %add3A_108 = arith.addf %slice3A_106, %slice3A_107 : vector<2048x64xf32>
    %logistic3A_109 = arith.negf %add3A_108 : vector<2048x64xf32>
    %logistic3A_110 = math.exp %logistic3A_109 : vector<2048x64xf32>
    %logistic3A_111 = arith.constant 1.000000e+00 : f32
    %logistic3A_112 = vector.broadcast %logistic3A_111 : f32 to vector<2048x64xf32>
    %logistic3A_113 = arith.addf %logistic3A_112, %logistic3A_110 : vector<2048x64xf32>
    %logistic3A_114 = arith.divf %logistic3A_112, %logistic3A_113 : vector<2048x64xf32>
    %slice3A_115 = vector.extract_strided_slice %add3A_86 {offsets = [0, 128], sizes = [2048, 64], strides = [1, 1]} : vector<2048x192xf32> to vector<2048x64xf32>
    %slice3A_116 = vector.extract_strided_slice %add3A_96 {offsets = [0, 128], sizes = [2048, 64], strides = [1, 1]} : vector<2048x192xf32> to vector<2048x64xf32>
    %mul3A_117 = arith.mulf %logistic3A_105, %slice3A_116 : vector<2048x64xf32>
    %add3A_118 = arith.addf %slice3A_115, %mul3A_117 : vector<2048x64xf32>
    %tanh3A_119 = math.tanh %add3A_118 : vector<2048x64xf32>
    %sub3A_120 = arith.constant 1.000000e+00 : f32
    %sub3A_121 = vector.broadcast %sub3A_120 : f32 to vector<2048x64xf32>
    %sub3A_122 = arith.subf %sub3A_121, %logistic3A_114 : vector<2048x64xf32>
    %mul3A_123 = arith.mulf %sub3A_122, %tanh3A_119 : vector<2048x64xf32>
    %mul3A_124 = arith.mulf %logistic3A_114, %add3A_74 : vector<2048x64xf32>
    %add3A_125 = arith.addf %mul3A_123, %mul3A_124 : vector<2048x64xf32>
    %slice3A_126 = vector.extract_strided_slice %get3A_1 {offsets = [0, 18], sizes = [2048, 1], strides = [1, 1]} : vector<2048x34xf32> to vector<2048x1xf32>
    %get3A_127 = arith.constant 0 : index
    %get3A_128 = arith.constant 0 : index
    %get3A_129 = vector.load %arg3[%get3A_127, %get3A_128] : memref<1x192xf32, #tpu.memory_space<vmem>>, vector<1x192xf32>
    %mul3A_130 = vector.broadcast %slice3A_126 : vector<2048x1xf32> to vector<2048x192xf32>
    %mul3A_131 = vector.broadcast %get3A_129 : vector<1x192xf32> to vector<2048x192xf32>
    %mul3A_132 = arith.mulf %mul3A_130, %mul3A_131 : vector<2048x192xf32>
    %get3A_133 = arith.constant 0 : index
    %get3A_134 = arith.constant 0 : index
    %get3A_135 = vector.load %arg5[%get3A_133, %get3A_134] : memref<1x192xf32, #tpu.memory_space<vmem>>, vector<1x192xf32>
    %add3A_136 = vector.broadcast %get3A_135 : vector<1x192xf32> to vector<2048x192xf32>
    %add3A_137 = arith.addf %mul3A_132, %add3A_136 : vector<2048x192xf32>
    %get3A_138 = arith.constant 0 : index
    %get3A_139 = arith.constant 0 : index
    %get3A_140 = vector.load %arg4[%get3A_138, %get3A_139] : memref<64x192xf32, #tpu.memory_space<vmem>>, vector<64x192xf32>
    %dot_general3A_141 = arith.constant dense<0.000000e+00> : vector<2048x192xf32>
    %dot_general3A_142 = tpu.matmul %add3A_125, %get3A_140, %dot_general3A_141 {dimension_numbers = #tpu.dot_dimension_numbers<[1], [0], [0], [1], [0, 0, 1, 1], [], []>, transpose_lhs_hint = false} : vector<2048x64xf32>, vector<64x192xf32>, vector<2048x192xf32> -> vector<2048x192xf32>
    %get3A_143 = arith.constant 0 : index
    %get3A_144 = arith.constant 0 : index
    %get3A_145 = vector.load %arg6[%get3A_143, %get3A_144] : memref<1x192xf32, #tpu.memory_space<vmem>>, vector<1x192xf32>
    %add3A_146 = vector.broadcast %get3A_145 : vector<1x192xf32> to vector<2048x192xf32>
    %add3A_147 = arith.addf %dot_general3A_142, %add3A_146 : vector<2048x192xf32>
    %slice3A_148 = vector.extract_strided_slice %add3A_137 {offsets = [0, 0], sizes = [2048, 64], strides = [1, 1]} : vector<2048x192xf32> to vector<2048x64xf32>
    %slice3A_149 = vector.extract_strided_slice %add3A_147 {offsets = [0, 0], sizes = [2048, 64], strides = [1, 1]} : vector<2048x192xf32> to vector<2048x64xf32>
    %add3A_150 = arith.addf %slice3A_148, %slice3A_149 : vector<2048x64xf32>
    %logistic3A_151 = arith.negf %add3A_150 : vector<2048x64xf32>
    %logistic3A_152 = math.exp %logistic3A_151 : vector<2048x64xf32>
    %logistic3A_153 = arith.constant 1.000000e+00 : f32
    %logistic3A_154 = vector.broadcast %logistic3A_153 : f32 to vector<2048x64xf32>
    %logistic3A_155 = arith.addf %logistic3A_154, %logistic3A_152 : vector<2048x64xf32>
    %logistic3A_156 = arith.divf %logistic3A_154, %logistic3A_155 : vector<2048x64xf32>
    %slice3A_157 = vector.extract_strided_slice %add3A_137 {offsets = [0, 64], sizes = [2048, 64], strides = [1, 1]} : vector<2048x192xf32> to vector<2048x64xf32>
    %slice3A_158 = vector.extract_strided_slice %add3A_147 {offsets = [0, 64], sizes = [2048, 64], strides = [1, 1]} : vector<2048x192xf32> to vector<2048x64xf32>
    %add3A_159 = arith.addf %slice3A_157, %slice3A_158 : vector<2048x64xf32>
    %logistic3A_160 = arith.negf %add3A_159 : vector<2048x64xf32>
    %logistic3A_161 = math.exp %logistic3A_160 : vector<2048x64xf32>
    %logistic3A_162 = arith.constant 1.000000e+00 : f32
    %logistic3A_163 = vector.broadcast %logistic3A_162 : f32 to vector<2048x64xf32>
    %logistic3A_164 = arith.addf %logistic3A_163, %logistic3A_161 : vector<2048x64xf32>
    %logistic3A_165 = arith.divf %logistic3A_163, %logistic3A_164 : vector<2048x64xf32>
    %slice3A_166 = vector.extract_strided_slice %add3A_137 {offsets = [0, 128], sizes = [2048, 64], strides = [1, 1]} : vector<2048x192xf32> to vector<2048x64xf32>
    %slice3A_167 = vector.extract_strided_slice %add3A_147 {offsets = [0, 128], sizes = [2048, 64], strides = [1, 1]} : vector<2048x192xf32> to vector<2048x64xf32>
    %mul3A_168 = arith.mulf %logistic3A_156, %slice3A_167 : vector<2048x64xf32>
    %add3A_169 = arith.addf %slice3A_166, %mul3A_168 : vector<2048x64xf32>
    %tanh3A_170 = math.tanh %add3A_169 : vector<2048x64xf32>
    %sub3A_171 = arith.constant 1.000000e+00 : f32
    %sub3A_172 = vector.broadcast %sub3A_171 : f32 to vector<2048x64xf32>
    %sub3A_173 = arith.subf %sub3A_172, %logistic3A_165 : vector<2048x64xf32>
    %mul3A_174 = arith.mulf %sub3A_173, %tanh3A_170 : vector<2048x64xf32>
    %mul3A_175 = arith.mulf %logistic3A_165, %add3A_125 : vector<2048x64xf32>
    %add3A_176 = arith.addf %mul3A_174, %mul3A_175 : vector<2048x64xf32>
    %slice3A_177 = vector.extract_strided_slice %get3A_1 {offsets = [0, 19], sizes = [2048, 1], strides = [1, 1]} : vector<2048x34xf32> to vector<2048x1xf32>
    %get3A_178 = arith.constant 0 : index
    %get3A_179 = arith.constant 0 : index
    %get3A_180 = vector.load %arg3[%get3A_178, %get3A_179] : memref<1x192xf32, #tpu.memory_space<vmem>>, vector<1x192xf32>
    %mul3A_181 = vector.broadcast %slice3A_177 : vector<2048x1xf32> to vector<2048x192xf32>
    %mul3A_182 = vector.broadcast %get3A_180 : vector<1x192xf32> to vector<2048x192xf32>
    %mul3A_183 = arith.mulf %mul3A_181, %mul3A_182 : vector<2048x192xf32>
    %get3A_184 = arith.constant 0 : index
    %get3A_185 = arith.constant 0 : index
    %get3A_186 = vector.load %arg5[%get3A_184, %get3A_185] : memref<1x192xf32, #tpu.memory_space<vmem>>, vector<1x192xf32>
    %add3A_187 = vector.broadcast %get3A_186 : vector<1x192xf32> to vector<2048x192xf32>
    %add3A_188 = arith.addf %mul3A_183, %add3A_187 : vector<2048x192xf32>
    %get3A_189 = arith.constant 0 : index
    %get3A_190 = arith.constant 0 : index
    %get3A_191 = vector.load %arg4[%get3A_189, %get3A_190] : memref<64x192xf32, #tpu.memory_space<vmem>>, vector<64x192xf32>
    %dot_general3A_192 = arith.constant dense<0.000000e+00> : vector<2048x192xf32>
    %dot_general3A_193 = tpu.matmul %add3A_176, %get3A_191, %dot_general3A_192 {dimension_numbers = #tpu.dot_dimension_numbers<[1], [0], [0], [1], [0, 0, 1, 1], [], []>, transpose_lhs_hint = false} : vector<2048x64xf32>, vector<64x192xf32>, vector<2048x192xf32> -> vector<2048x192xf32>
    %get3A_194 = arith.constant 0 : index
    %get3A_195 = arith.constant 0 : index
    %get3A_196 = vector.load %arg6[%get3A_194, %get3A_195] : memref<1x192xf32, #tpu.memory_space<vmem>>, vector<1x192xf32>
    %add3A_197 = vector.broadcast %get3A_196 : vector<1x192xf32> to vector<2048x192xf32>
    %add3A_198 = arith.addf %dot_general3A_193, %add3A_197 : vector<2048x192xf32>
    %slice3A_199 = vector.extract_strided_slice %add3A_188 {offsets = [0, 0], sizes = [2048, 64], strides = [1, 1]} : vector<2048x192xf32> to vector<2048x64xf32>
    %slice3A_200 = vector.extract_strided_slice %add3A_198 {offsets = [0, 0], sizes = [2048, 64], strides = [1, 1]} : vector<2048x192xf32> to vector<2048x64xf32>
    %add3A_201 = arith.addf %slice3A_199, %slice3A_200 : vector<2048x64xf32>
    %logistic3A_202 = arith.negf %add3A_201 : vector<2048x64xf32>
    %logistic3A_203 = math.exp %logistic3A_202 : vector<2048x64xf32>
    %logistic3A_204 = arith.constant 1.000000e+00 : f32
    %logistic3A_205 = vector.broadcast %logistic3A_204 : f32 to vector<2048x64xf32>
    %logistic3A_206 = arith.addf %logistic3A_205, %logistic3A_203 : vector<2048x64xf32>
    %logistic3A_207 = arith.divf %logistic3A_205, %logistic3A_206 : vector<2048x64xf32>
    %slice3A_208 = vector.extract_strided_slice %add3A_188 {offsets = [0, 64], sizes = [2048, 64], strides = [1, 1]} : vector<2048x192xf32> to vector<2048x64xf32>
    %slice3A_209 = vector.extract_strided_slice %add3A_198 {offsets = [0, 64], sizes = [2048, 64], strides = [1, 1]} : vector<2048x192xf32> to vector<2048x64xf32>
    %add3A_210 = arith.addf %slice3A_208, %slice3A_209 : vector<2048x64xf32>
    %logistic3A_211 = arith.negf %add3A_210 : vector<2048x64xf32>
    %logistic3A_212 = math.exp %logistic3A_211 : vector<2048x64xf32>
    %logistic3A_213 = arith.constant 1.000000e+00 : f32
    %logistic3A_214 = vector.broadcast %logistic3A_213 : f32 to vector<2048x64xf32>
    %logistic3A_215 = arith.addf %logistic3A_214, %logistic3A_212 : vector<2048x64xf32>
    %logistic3A_216 = arith.divf %logistic3A_214, %logistic3A_215 : vector<2048x64xf32>
    %slice3A_217 = vector.extract_strided_slice %add3A_188 {offsets = [0, 128], sizes = [2048, 64], strides = [1, 1]} : vector<2048x192xf32> to vector<2048x64xf32>
    %slice3A_218 = vector.extract_strided_slice %add3A_198 {offsets = [0, 128], sizes = [2048, 64], strides = [1, 1]} : vector<2048x192xf32> to vector<2048x64xf32>
    %mul3A_219 = arith.mulf %logistic3A_207, %slice3A_218 : vector<2048x64xf32>
    %add3A_220 = arith.addf %slice3A_217, %mul3A_219 : vector<2048x64xf32>
    %tanh3A_221 = math.tanh %add3A_220 : vector<2048x64xf32>
    %sub3A_222 = arith.constant 1.000000e+00 : f32
    %sub3A_223 = vector.broadcast %sub3A_222 : f32 to vector<2048x64xf32>
    %sub3A_224 = arith.subf %sub3A_223, %logistic3A_216 : vector<2048x64xf32>
    %mul3A_225 = arith.mulf %sub3A_224, %tanh3A_221 : vector<2048x64xf32>
    %mul3A_226 = arith.mulf %logistic3A_216, %add3A_176 : vector<2048x64xf32>
    %add3A_227 = arith.addf %mul3A_225, %mul3A_226 : vector<2048x64xf32>
    %slice3A_228 = vector.extract_strided_slice %get3A_1 {offsets = [0, 20], sizes = [2048, 1], strides = [1, 1]} : vector<2048x34xf32> to vector<2048x1xf32>
    %get3A_229 = arith.constant 0 : index
    %get3A_230 = arith.constant 0 : index
    %get3A_231 = vector.load %arg3[%get3A_229, %get3A_230] : memref<1x192xf32, #tpu.memory_space<vmem>>, vector<1x192xf32>
    %mul3A_232 = vector.broadcast %slice3A_228 : vector<2048x1xf32> to vector<2048x192xf32>
    %mul3A_233 = vector.broadcast %get3A_231 : vector<1x192xf32> to vector<2048x192xf32>
    %mul3A_234 = arith.mulf %mul3A_232, %mul3A_233 : vector<2048x192xf32>
    %get3A_235 = arith.constant 0 : index
    %get3A_236 = arith.constant 0 : index
    %get3A_237 = vector.load %arg5[%get3A_235, %get3A_236] : memref<1x192xf32, #tpu.memory_space<vmem>>, vector<1x192xf32>
    %add3A_238 = vector.broadcast %get3A_237 : vector<1x192xf32> to vector<2048x192xf32>
    %add3A_239 = arith.addf %mul3A_234, %add3A_238 : vector<2048x192xf32>
    %get3A_240 = arith.constant 0 : index
    %get3A_241 = arith.constant 0 : index
    %get3A_242 = vector.load %arg4[%get3A_240, %get3A_241] : memref<64x192xf32, #tpu.memory_space<vmem>>, vector<64x192xf32>
    %dot_general3A_243 = arith.constant dense<0.000000e+00> : vector<2048x192xf32>
    %dot_general3A_244 = tpu.matmul %add3A_227, %get3A_242, %dot_general3A_243 {dimension_numbers = #tpu.dot_dimension_numbers<[1], [0], [0], [1], [0, 0, 1, 1], [], []>, transpose_lhs_hint = false} : vector<2048x64xf32>, vector<64x192xf32>, vector<2048x192xf32> -> vector<2048x192xf32>
    %get3A_245 = arith.constant 0 : index
    %get3A_246 = arith.constant 0 : index
    %get3A_247 = vector.load %arg6[%get3A_245, %get3A_246] : memref<1x192xf32, #tpu.memory_space<vmem>>, vector<1x192xf32>
    %add3A_248 = vector.broadcast %get3A_247 : vector<1x192xf32> to vector<2048x192xf32>
    %add3A_249 = arith.addf %dot_general3A_244, %add3A_248 : vector<2048x192xf32>
    %slice3A_250 = vector.extract_strided_slice %add3A_239 {offsets = [0, 0], sizes = [2048, 64], strides = [1, 1]} : vector<2048x192xf32> to vector<2048x64xf32>
    %slice3A_251 = vector.extract_strided_slice %add3A_249 {offsets = [0, 0], sizes = [2048, 64], strides = [1, 1]} : vector<2048x192xf32> to vector<2048x64xf32>
    %add3A_252 = arith.addf %slice3A_250, %slice3A_251 : vector<2048x64xf32>
    %logistic3A_253 = arith.negf %add3A_252 : vector<2048x64xf32>
    %logistic3A_254 = math.exp %logistic3A_253 : vector<2048x64xf32>
    %logistic3A_255 = arith.constant 1.000000e+00 : f32
    %logistic3A_256 = vector.broadcast %logistic3A_255 : f32 to vector<2048x64xf32>
    %logistic3A_257 = arith.addf %logistic3A_256, %logistic3A_254 : vector<2048x64xf32>
    %logistic3A_258 = arith.divf %logistic3A_256, %logistic3A_257 : vector<2048x64xf32>
    %slice3A_259 = vector.extract_strided_slice %add3A_239 {offsets = [0, 64], sizes = [2048, 64], strides = [1, 1]} : vector<2048x192xf32> to vector<2048x64xf32>
    %slice3A_260 = vector.extract_strided_slice %add3A_249 {offsets = [0, 64], sizes = [2048, 64], strides = [1, 1]} : vector<2048x192xf32> to vector<2048x64xf32>
    %add3A_261 = arith.addf %slice3A_259, %slice3A_260 : vector<2048x64xf32>
    %logistic3A_262 = arith.negf %add3A_261 : vector<2048x64xf32>
    %logistic3A_263 = math.exp %logistic3A_262 : vector<2048x64xf32>
    %logistic3A_264 = arith.constant 1.000000e+00 : f32
    %logistic3A_265 = vector.broadcast %logistic3A_264 : f32 to vector<2048x64xf32>
    %logistic3A_266 = arith.addf %logistic3A_265, %logistic3A_263 : vector<2048x64xf32>
    %logistic3A_267 = arith.divf %logistic3A_265, %logistic3A_266 : vector<2048x64xf32>
    %slice3A_268 = vector.extract_strided_slice %add3A_239 {offsets = [0, 128], sizes = [2048, 64], strides = [1, 1]} : vector<2048x192xf32> to vector<2048x64xf32>
    %slice3A_269 = vector.extract_strided_slice %add3A_249 {offsets = [0, 128], sizes = [2048, 64], strides = [1, 1]} : vector<2048x192xf32> to vector<2048x64xf32>
    %mul3A_270 = arith.mulf %logistic3A_258, %slice3A_269 : vector<2048x64xf32>
    %add3A_271 = arith.addf %slice3A_268, %mul3A_270 : vector<2048x64xf32>
    %tanh3A_272 = math.tanh %add3A_271 : vector<2048x64xf32>
    %sub3A_273 = arith.constant 1.000000e+00 : f32
    %sub3A_274 = vector.broadcast %sub3A_273 : f32 to vector<2048x64xf32>
    %sub3A_275 = arith.subf %sub3A_274, %logistic3A_267 : vector<2048x64xf32>
    %mul3A_276 = arith.mulf %sub3A_275, %tanh3A_272 : vector<2048x64xf32>
    %mul3A_277 = arith.mulf %logistic3A_267, %add3A_227 : vector<2048x64xf32>
    %add3A_278 = arith.addf %mul3A_276, %mul3A_277 : vector<2048x64xf32>
    %slice3A_279 = vector.extract_strided_slice %get3A_1 {offsets = [0, 21], sizes = [2048, 1], strides = [1, 1]} : vector<2048x34xf32> to vector<2048x1xf32>
    %get3A_280 = arith.constant 0 : index
    %get3A_281 = arith.constant 0 : index
    %get3A_282 = vector.load %arg3[%get3A_280, %get3A_281] : memref<1x192xf32, #tpu.memory_space<vmem>>, vector<1x192xf32>
    %mul3A_283 = vector.broadcast %slice3A_279 : vector<2048x1xf32> to vector<2048x192xf32>
    %mul3A_284 = vector.broadcast %get3A_282 : vector<1x192xf32> to vector<2048x192xf32>
    %mul3A_285 = arith.mulf %mul3A_283, %mul3A_284 : vector<2048x192xf32>
    %get3A_286 = arith.constant 0 : index
    %get3A_287 = arith.constant 0 : index
    %get3A_288 = vector.load %arg5[%get3A_286, %get3A_287] : memref<1x192xf32, #tpu.memory_space<vmem>>, vector<1x192xf32>
    %add3A_289 = vector.broadcast %get3A_288 : vector<1x192xf32> to vector<2048x192xf32>
    %add3A_290 = arith.addf %mul3A_285, %add3A_289 : vector<2048x192xf32>
    %get3A_291 = arith.constant 0 : index
    %get3A_292 = arith.constant 0 : index
    %get3A_293 = vector.load %arg4[%get3A_291, %get3A_292] : memref<64x192xf32, #tpu.memory_space<vmem>>, vector<64x192xf32>
    %dot_general3A_294 = arith.constant dense<0.000000e+00> : vector<2048x192xf32>
    %dot_general3A_295 = tpu.matmul %add3A_278, %get3A_293, %dot_general3A_294 {dimension_numbers = #tpu.dot_dimension_numbers<[1], [0], [0], [1], [0, 0, 1, 1], [], []>, transpose_lhs_hint = false} : vector<2048x64xf32>, vector<64x192xf32>, vector<2048x192xf32> -> vector<2048x192xf32>
    %get3A_296 = arith.constant 0 : index
    %get3A_297 = arith.constant 0 : index
    %get3A_298 = vector.load %arg6[%get3A_296, %get3A_297] : memref<1x192xf32, #tpu.memory_space<vmem>>, vector<1x192xf32>
    %add3A_299 = vector.broadcast %get3A_298 : vector<1x192xf32> to vector<2048x192xf32>
    %add3A_300 = arith.addf %dot_general3A_295, %add3A_299 : vector<2048x192xf32>
    %slice3A_301 = vector.extract_strided_slice %add3A_290 {offsets = [0, 0], sizes = [2048, 64], strides = [1, 1]} : vector<2048x192xf32> to vector<2048x64xf32>
    %slice3A_302 = vector.extract_strided_slice %add3A_300 {offsets = [0, 0], sizes = [2048, 64], strides = [1, 1]} : vector<2048x192xf32> to vector<2048x64xf32>
    %add3A_303 = arith.addf %slice3A_301, %slice3A_302 : vector<2048x64xf32>
    %logistic3A_304 = arith.negf %add3A_303 : vector<2048x64xf32>
    %logistic3A_305 = math.exp %logistic3A_304 : vector<2048x64xf32>
    %logistic3A_306 = arith.constant 1.000000e+00 : f32
    %logistic3A_307 = vector.broadcast %logistic3A_306 : f32 to vector<2048x64xf32>
    %logistic3A_308 = arith.addf %logistic3A_307, %logistic3A_305 : vector<2048x64xf32>
    %logistic3A_309 = arith.divf %logistic3A_307, %logistic3A_308 : vector<2048x64xf32>
    %slice3A_310 = vector.extract_strided_slice %add3A_290 {offsets = [0, 64], sizes = [2048, 64], strides = [1, 1]} : vector<2048x192xf32> to vector<2048x64xf32>
    %slice3A_311 = vector.extract_strided_slice %add3A_300 {offsets = [0, 64], sizes = [2048, 64], strides = [1, 1]} : vector<2048x192xf32> to vector<2048x64xf32>
    %add3A_312 = arith.addf %slice3A_310, %slice3A_311 : vector<2048x64xf32>
    %logistic3A_313 = arith.negf %add3A_312 : vector<2048x64xf32>
    %logistic3A_314 = math.exp %logistic3A_313 : vector<2048x64xf32>
    %logistic3A_315 = arith.constant 1.000000e+00 : f32
    %logistic3A_316 = vector.broadcast %logistic3A_315 : f32 to vector<2048x64xf32>
    %logistic3A_317 = arith.addf %logistic3A_316, %logistic3A_314 : vector<2048x64xf32>
    %logistic3A_318 = arith.divf %logistic3A_316, %logistic3A_317 : vector<2048x64xf32>
    %slice3A_319 = vector.extract_strided_slice %add3A_290 {offsets = [0, 128], sizes = [2048, 64], strides = [1, 1]} : vector<2048x192xf32> to vector<2048x64xf32>
    %slice3A_320 = vector.extract_strided_slice %add3A_300 {offsets = [0, 128], sizes = [2048, 64], strides = [1, 1]} : vector<2048x192xf32> to vector<2048x64xf32>
    %mul3A_321 = arith.mulf %logistic3A_309, %slice3A_320 : vector<2048x64xf32>
    %add3A_322 = arith.addf %slice3A_319, %mul3A_321 : vector<2048x64xf32>
    %tanh3A_323 = math.tanh %add3A_322 : vector<2048x64xf32>
    %sub3A_324 = arith.constant 1.000000e+00 : f32
    %sub3A_325 = vector.broadcast %sub3A_324 : f32 to vector<2048x64xf32>
    %sub3A_326 = arith.subf %sub3A_325, %logistic3A_318 : vector<2048x64xf32>
    %mul3A_327 = arith.mulf %sub3A_326, %tanh3A_323 : vector<2048x64xf32>
    %mul3A_328 = arith.mulf %logistic3A_318, %add3A_278 : vector<2048x64xf32>
    %add3A_329 = arith.addf %mul3A_327, %mul3A_328 : vector<2048x64xf32>
    %broadcast_in_dim3A_330 = arith.constant 0.000000e+00 : f32
    %broadcast_in_dim3A_331 = vector.broadcast %broadcast_in_dim3A_330 : f32 to vector<2048x32xf32>
    %concatenate3A = tpu.concatenate %add3A_329, %mul3A_25, %broadcast_in_dim3A_331 in 1 : vector<2048x64xf32>, vector<2048x32xf32>, vector<2048x32xf32> -> vector<2048x128xf32>
    %broadcast_in_dim3A_332 = vector.shape_cast %rsqrt3A : vector<2048xf32> to vector<2048x1xf32>
    %mul3A_333 = vector.broadcast %broadcast_in_dim3A_332 : vector<2048x1xf32> to vector<2048x128xf32>
    %mul3A_334 = arith.mulf %mul3A_333, %concatenate3A : vector<2048x128xf32>
    %swap3A = arith.constant 0 : index
    %swap3A_335 = arith.constant 0 : index
    %swap3A_336 = vector.load %arg9[%swap3A, %swap3A_335] : memref<2048x128xf32, #tpu.memory_space<vmem>>, vector<2048x128xf32>
    tpu.vector_store %arg9[%swap3A, %swap3A_335], %mul3A_334 {strides = array<i32>} : memref<2048x128xf32, #tpu.memory_space<vmem>>, vector<2048x128xf32>,
    %broadcast_in_dim3A_337 = vector.shape_cast %rsqrt3A : vector<2048xf32> to vector<2048x1xf32>
    %swap3A_338 = arith.constant 0 : index
    %swap3A_339 = arith.constant 0 : index
    %swap3A_340 = vector.load %arg10[%swap3A_338, %swap3A_339] : memref<2048x1xf32, #tpu.memory_space<vmem>>, vector<2048x1xf32>
    tpu.vector_store %arg10[%swap3A_338, %swap3A_339], %broadcast_in_dim3A_337 {strides = array<i32>} : memref<2048x1xf32, #tpu.memory_space<vmem>>, vector<2048x1xf32>,
    return
  }
  func.func @transform_0(%arg0: i32) -> (i32, i32) {
    %c0_i32 = arith.constant 0 : i32
    %c0_i32_0 = arith.constant 0 : i32
    return %arg0, %c0_i32 : i32, i32
  }
  func.func @transform_1(%arg0: i32) -> (i32, i32) {
    %c0_i32 = arith.constant 0 : i32
    %c0_i32_0 = arith.constant 0 : i32
    return %arg0, %c0_i32 : i32, i32
  }
  func.func @transform_2(%arg0: i32) -> (i32, i32) {
    %c0_i32 = arith.constant 0 : i32
    %c0_i32_0 = arith.constant 0 : i32
    %c0_i32_1 = arith.constant 0 : i32
    return %c0_i32, %c0_i32_0 : i32, i32
  }
  func.func @transform_3(%arg0: i32) -> (i32, i32) {
    %c0_i32 = arith.constant 0 : i32
    %c0_i32_0 = arith.constant 0 : i32
    %c0_i32_1 = arith.constant 0 : i32
    return %c0_i32, %c0_i32_0 : i32, i32
  }
  func.func @transform_4(%arg0: i32) -> (i32, i32) {
    %c0_i32 = arith.constant 0 : i32
    %c0_i32_0 = arith.constant 0 : i32
    %c0_i32_1 = arith.constant 0 : i32
    return %c0_i32, %c0_i32_0 : i32, i32
  }
  func.func @transform_5(%arg0: i32) -> (i32, i32) {
    %c0_i32 = arith.constant 0 : i32
    %c0_i32_0 = arith.constant 0 : i32
    %c0_i32_1 = arith.constant 0 : i32
    return %c0_i32, %c0_i32_0 : i32, i32
  }
  func.func @transform_6(%arg0: i32) -> (i32, i32) {
    %c0_i32 = arith.constant 0 : i32
    %c0_i32_0 = arith.constant 0 : i32
    %c0_i32_1 = arith.constant 0 : i32
    return %c0_i32, %c0_i32_0 : i32, i32
  }
  func.func @transform_7(%arg0: i32) -> (i32, i32) {
    %c0_i32 = arith.constant 0 : i32
    %c0_i32_0 = arith.constant 0 : i32
    %c0_i32_1 = arith.constant 0 : i32
    return %c0_i32, %c0_i32_0 : i32, i32
  }
  func.func @transform_8(%arg0: i32) -> (i32, i32) {
    %c0_i32 = arith.constant 0 : i32
    %c0_i32_0 = arith.constant 0 : i32
    return %arg0, %c0_i32 : i32, i32
  }
  func.func @transform_9(%arg0: i32) -> (i32, i32) {
    %c0_i32 = arith.constant 0 : i32
    %c0_i32_0 = arith.constant 0 : i32
    return %arg0, %c0_i32 : i32, i32
  }
}

module attributes {stable_mosaic.version = 14 : i64} {
  func.func @body(%arg0: i32, %arg1: memref<2048x128xf32, #tpu.memory_space<vmem>>, %arg2: memref<2048x128xf32, #tpu.memory_space<vmem>>, %arg3: memref<2048x1xf32, #tpu.memory_space<vmem>>, %arg4: memref<96x128xf32, #tpu.memory_space<vmem>>, %arg5: memref<1x128xf32, #tpu.memory_space<vmem>>, %arg6: memref<128x64xf32, #tpu.memory_space<vmem>>, %arg7: memref<2048x128xf32, #tpu.memory_space<vmem>>) attributes {dimension_semantics = [#tpu.dimension_semantics<arbitrary>], iteration_bounds = array<i64: 49>, scalar_prefetch = 0 : i64, scratch_operands = 0 : i64, tpu.core_type = #tpu.core_type<tc>, window_params = [{transform_indices = @transform_0, window_bounds = array<i64: 2048, 128>}, {transform_indices = @transform_1, window_bounds = array<i64: 2048, 128>}, {transform_indices = @transform_2, window_bounds = array<i64: 2048, 1>}, {pipeline_mode = #tpu.pipeline_mode<synchronous>, transform_indices = @transform_3, window_bounds = array<i64: 96, 128>}, {pipeline_mode = #tpu.pipeline_mode<synchronous>, transform_indices = @transform_4, window_bounds = array<i64: 1, 128>}, {pipeline_mode = #tpu.pipeline_mode<synchronous>, transform_indices = @transform_5, window_bounds = array<i64: 128, 64>}, {transform_indices = @transform_6, window_bounds = array<i64: 2048, 128>}]} {
    %get3A = arith.constant 0 : index
    %get3A_0 = arith.constant 0 : index
    %get3A_1 = vector.load %arg3[%get3A, %get3A_0] : memref<2048x1xf32, #tpu.memory_space<vmem>>, vector<2048x1xf32>
    %get3A_2 = arith.constant 0 : index
    %get3A_3 = arith.constant 0 : index
    %get3A_4 = vector.load %arg1[%get3A_2, %get3A_3] : memref<2048x128xf32, #tpu.memory_space<vmem>>, vector<2048x128xf32>
    %slice3A = vector.extract_strided_slice %get3A_4 {offsets = [0, 0], sizes = [2048, 96], strides = [1, 1]} : vector<2048x128xf32> to vector<2048x96xf32>
    %get3A_5 = arith.constant 0 : index
    %get3A_6 = arith.constant 0 : index
    %get3A_7 = vector.load %arg2[%get3A_5, %get3A_6] : memref<2048x128xf32, #tpu.memory_space<vmem>>, vector<2048x128xf32>
    %slice3A_8 = vector.extract_strided_slice %get3A_7 {offsets = [0, 0], sizes = [2048, 96], strides = [1, 1]} : vector<2048x128xf32> to vector<2048x96xf32>
    %add3A = arith.addf %slice3A, %slice3A_8 : vector<2048x96xf32>
    %mul3A = vector.broadcast %get3A_1 : vector<2048x1xf32> to vector<2048x96xf32>
    %mul3A_9 = arith.mulf %mul3A, %add3A : vector<2048x96xf32>
    %get3A_10 = arith.constant 0 : index
    %get3A_11 = arith.constant 0 : index
    %get3A_12 = vector.load %arg4[%get3A_10, %get3A_11] : memref<96x128xf32, #tpu.memory_space<vmem>>, vector<96x128xf32>
    %dot_general3A = arith.constant dense<0.000000e+00> : vector<2048x128xf32>
    %dot_general3A_13 = tpu.matmul %mul3A_9, %get3A_12, %dot_general3A {dimension_numbers = #tpu.dot_dimension_numbers<[1], [0], [0], [1], [0, 0, 1, 1], [], []>, transpose_lhs_hint = false} : vector<2048x96xf32>, vector<96x128xf32>, vector<2048x128xf32> -> vector<2048x128xf32>
    %get3A_14 = arith.constant 0 : index
    %get3A_15 = arith.constant 0 : index
    %get3A_16 = vector.load %arg5[%get3A_14, %get3A_15] : memref<1x128xf32, #tpu.memory_space<vmem>>, vector<1x128xf32>
    %add3A_17 = vector.broadcast %get3A_16 : vector<1x128xf32> to vector<2048x128xf32>
    %add3A_18 = arith.addf %dot_general3A_13, %add3A_17 : vector<2048x128xf32>
    %max3A = arith.constant 0.000000e+00 : f32
    %max3A_19 = vector.broadcast %max3A : f32 to vector<2048x128xf32>
    %max3A_20 = arith.maximumf %add3A_18, %max3A_19 : vector<2048x128xf32>
    %get3A_21 = arith.constant 0 : index
    %get3A_22 = arith.constant 0 : index
    %get3A_23 = vector.load %arg3[%get3A_21, %get3A_22] : memref<2048x1xf32, #tpu.memory_space<vmem>>, vector<2048x1xf32>
    %get3A_24 = arith.constant 0 : index
    %get3A_25 = arith.constant 0 : index
    %get3A_26 = vector.load %arg6[%get3A_24, %get3A_25] : memref<128x64xf32, #tpu.memory_space<vmem>>, vector<128x64xf32>
    %dot_general3A_27 = arith.constant dense<0.000000e+00> : vector<2048x64xf32>
    %dot_general3A_28 = tpu.matmul %max3A_20, %get3A_26, %dot_general3A_27 {dimension_numbers = #tpu.dot_dimension_numbers<[1], [0], [0], [1], [0, 0, 1, 1], [], []>, transpose_lhs_hint = false} : vector<2048x128xf32>, vector<128x64xf32>, vector<2048x64xf32> -> vector<2048x64xf32>
    %mul3A_29 = vector.broadcast %get3A_23 : vector<2048x1xf32> to vector<2048x64xf32>
    %mul3A_30 = arith.mulf %mul3A_29, %dot_general3A_28 : vector<2048x64xf32>
    %broadcast_in_dim3A = arith.constant 0.000000e+00 : f32
    %broadcast_in_dim3A_31 = vector.broadcast %broadcast_in_dim3A : f32 to vector<2048x64xf32>
    %concatenate3A = tpu.concatenate %mul3A_30, %broadcast_in_dim3A_31 in 1 : vector<2048x64xf32>, vector<2048x64xf32> -> vector<2048x128xf32>
    %swap3A = arith.constant 0 : index
    %swap3A_32 = arith.constant 0 : index
    %swap3A_33 = vector.load %arg7[%swap3A, %swap3A_32] : memref<2048x128xf32, #tpu.memory_space<vmem>>, vector<2048x128xf32>
    tpu.vector_store %arg7[%swap3A, %swap3A_32], %concatenate3A {strides = array<i32>} : memref<2048x128xf32, #tpu.memory_space<vmem>>, vector<2048x128xf32>,
    return
  }
  func.func @transform_0(%arg0: i32) -> (i32, i32) {
    %c0_i32 = arith.constant 0 : i32
    %c0_i32_0 = arith.constant 0 : i32
    return %arg0, %c0_i32 : i32, i32
  }
  func.func @transform_1(%arg0: i32) -> (i32, i32) {
    %c0_i32 = arith.constant 0 : i32
    %c0_i32_0 = arith.constant 0 : i32
    return %arg0, %c0_i32 : i32, i32
  }
  func.func @transform_2(%arg0: i32) -> (i32, i32) {
    %c0_i32 = arith.constant 0 : i32
    %c0_i32_0 = arith.constant 0 : i32
    return %arg0, %c0_i32 : i32, i32
  }
  func.func @transform_3(%arg0: i32) -> (i32, i32) {
    %c0_i32 = arith.constant 0 : i32
    %c0_i32_0 = arith.constant 0 : i32
    %c0_i32_1 = arith.constant 0 : i32
    return %c0_i32, %c0_i32_0 : i32, i32
  }
  func.func @transform_4(%arg0: i32) -> (i32, i32) {
    %c0_i32 = arith.constant 0 : i32
    %c0_i32_0 = arith.constant 0 : i32
    %c0_i32_1 = arith.constant 0 : i32
    return %c0_i32, %c0_i32_0 : i32, i32
  }
  func.func @transform_5(%arg0: i32) -> (i32, i32) {
    %c0_i32 = arith.constant 0 : i32
    %c0_i32_0 = arith.constant 0 : i32
    %c0_i32_1 = arith.constant 0 : i32
    return %c0_i32, %c0_i32_0 : i32, i32
  }
  func.func @transform_6(%arg0: i32) -> (i32, i32) {
    %c0_i32 = arith.constant 0 : i32
    %c0_i32_0 = arith.constant 0 : i32
    return %arg0, %c0_i32 : i32, i32
  }
}

module attributes {stable_mosaic.version = 14 : i64} {
  func.func @body(%arg0: i32, %arg1: memref<2048x128xf32, #tpu.memory_space<vmem>>, %arg2: memref<2048x128xf32, #tpu.memory_space<vmem>>, %arg3: memref<2048x1xf32, #tpu.memory_space<vmem>>, %arg4: memref<1x64xf32, #tpu.memory_space<vmem>>, %arg5: memref<64x1xf32, #tpu.memory_space<vmem>>, %arg6: memref<1x1xf32, #tpu.memory_space<vmem>>, %arg7: memref<2048x1xf32, #tpu.memory_space<vmem>>) attributes {dimension_semantics = [#tpu.dimension_semantics<arbitrary>], iteration_bounds = array<i64: 49>, scalar_prefetch = 0 : i64, scratch_operands = 0 : i64, tpu.core_type = #tpu.core_type<tc>, window_params = [{transform_indices = @transform_0, window_bounds = array<i64: 2048, 128>}, {transform_indices = @transform_1, window_bounds = array<i64: 2048, 128>}, {transform_indices = @transform_2, window_bounds = array<i64: 2048, 1>}, {pipeline_mode = #tpu.pipeline_mode<synchronous>, transform_indices = @transform_3, window_bounds = array<i64: 1, 64>}, {pipeline_mode = #tpu.pipeline_mode<synchronous>, transform_indices = @transform_4, window_bounds = array<i64: 64, 1>}, {pipeline_mode = #tpu.pipeline_mode<synchronous>, transform_indices = @transform_5, window_bounds = array<i64: 1, 1>}, {transform_indices = @transform_6, window_bounds = array<i64: 2048, 1>}]} {
    %get3A = arith.constant 0 : index
    %get3A_0 = arith.constant 0 : index
    %get3A_1 = vector.load %arg3[%get3A, %get3A_0] : memref<2048x1xf32, #tpu.memory_space<vmem>>, vector<2048x1xf32>
    %get3A_2 = arith.constant 0 : index
    %get3A_3 = arith.constant 0 : index
    %get3A_4 = vector.load %arg1[%get3A_2, %get3A_3] : memref<2048x128xf32, #tpu.memory_space<vmem>>, vector<2048x128xf32>
    %slice3A = vector.extract_strided_slice %get3A_4 {offsets = [0, 0], sizes = [2048, 64], strides = [1, 1]} : vector<2048x128xf32> to vector<2048x64xf32>
    %get3A_5 = arith.constant 0 : index
    %get3A_6 = arith.constant 0 : index
    %get3A_7 = vector.load %arg2[%get3A_5, %get3A_6] : memref<2048x128xf32, #tpu.memory_space<vmem>>, vector<2048x128xf32>
    %slice3A_8 = vector.extract_strided_slice %get3A_7 {offsets = [0, 0], sizes = [2048, 64], strides = [1, 1]} : vector<2048x128xf32> to vector<2048x64xf32>
    %add3A = arith.addf %slice3A, %slice3A_8 : vector<2048x64xf32>
    %mul3A = vector.broadcast %get3A_1 : vector<2048x1xf32> to vector<2048x64xf32>
    %mul3A_9 = arith.mulf %mul3A, %add3A : vector<2048x64xf32>
    %get3A_10 = arith.constant 0 : index
    %get3A_11 = arith.constant 0 : index
    %get3A_12 = vector.load %arg4[%get3A_10, %get3A_11] : memref<1x64xf32, #tpu.memory_space<vmem>>, vector<1x64xf32>
    %add3A_13 = vector.broadcast %get3A_12 : vector<1x64xf32> to vector<2048x64xf32>
    %add3A_14 = arith.addf %mul3A_9, %add3A_13 : vector<2048x64xf32>
    %max3A = arith.constant 0.000000e+00 : f32
    %max3A_15 = vector.broadcast %max3A : f32 to vector<2048x64xf32>
    %max3A_16 = arith.maximumf %add3A_14, %max3A_15 : vector<2048x64xf32>
    %get3A_17 = arith.constant 0 : index
    %get3A_18 = arith.constant 0 : index
    %get3A_19 = vector.load %arg5[%get3A_17, %get3A_18] : memref<64x1xf32, #tpu.memory_space<vmem>>, vector<64x1xf32>
    %dot_general3A = arith.constant dense<0.000000e+00> : vector<2048x1xf32>
    %dot_general3A_20 = tpu.matmul %max3A_16, %get3A_19, %dot_general3A {dimension_numbers = #tpu.dot_dimension_numbers<[1], [0], [0], [1], [0, 0, 1, 1], [], []>, transpose_lhs_hint = false} : vector<2048x64xf32>, vector<64x1xf32>, vector<2048x1xf32> -> vector<2048x1xf32>
    %get3A_21 = arith.constant 0 : index
    %get3A_22 = arith.constant 0 : index
    %get3A_23 = vector.load %arg6[%get3A_21, %get3A_22] : memref<1x1xf32, #tpu.memory_space<vmem>>, vector<1x1xf32>
    %get3A_24 = vector.extract %get3A_23[0, 0] : f32 from vector<1x1xf32>
    %add3A_25 = vector.broadcast %get3A_24 : f32 to vector<2048x1xf32>
    %add3A_26 = arith.addf %dot_general3A_20, %add3A_25 : vector<2048x1xf32>
    %logistic3A = arith.negf %add3A_26 : vector<2048x1xf32>
    %logistic3A_27 = math.exp %logistic3A : vector<2048x1xf32>
    %logistic3A_28 = arith.constant 1.000000e+00 : f32
    %logistic3A_29 = vector.broadcast %logistic3A_28 : f32 to vector<2048x1xf32>
    %logistic3A_30 = arith.addf %logistic3A_29, %logistic3A_27 : vector<2048x1xf32>
    %logistic3A_31 = arith.divf %logistic3A_29, %logistic3A_30 : vector<2048x1xf32>
    %swap3A = arith.constant 0 : index
    %swap3A_32 = arith.constant 0 : index
    %swap3A_33 = vector.load %arg7[%swap3A, %swap3A_32] : memref<2048x1xf32, #tpu.memory_space<vmem>>, vector<2048x1xf32>
    tpu.vector_store %arg7[%swap3A, %swap3A_32], %logistic3A_31 {strides = array<i32>} : memref<2048x1xf32, #tpu.memory_space<vmem>>, vector<2048x1xf32>,
    return
  }
  func.func @transform_0(%arg0: i32) -> (i32, i32) {
    %c0_i32 = arith.constant 0 : i32
    %c0_i32_0 = arith.constant 0 : i32
    return %arg0, %c0_i32 : i32, i32
  }
  func.func @transform_1(%arg0: i32) -> (i32, i32) {
    %c0_i32 = arith.constant 0 : i32
    %c0_i32_0 = arith.constant 0 : i32
    return %arg0, %c0_i32 : i32, i32
  }
  func.func @transform_2(%arg0: i32) -> (i32, i32) {
    %c0_i32 = arith.constant 0 : i32
    %c0_i32_0 = arith.constant 0 : i32
    return %arg0, %c0_i32 : i32, i32
  }
  func.func @transform_3(%arg0: i32) -> (i32, i32) {
    %c0_i32 = arith.constant 0 : i32
    %c0_i32_0 = arith.constant 0 : i32
    %c0_i32_1 = arith.constant 0 : i32
    return %c0_i32, %c0_i32_0 : i32, i32
  }
  func.func @transform_4(%arg0: i32) -> (i32, i32) {
    %c0_i32 = arith.constant 0 : i32
    %c0_i32_0 = arith.constant 0 : i32
    %c0_i32_1 = arith.constant 0 : i32
    return %c0_i32, %c0_i32_0 : i32, i32
  }
  func.func @transform_5(%arg0: i32) -> (i32, i32) {
    %c0_i32 = arith.constant 0 : i32
    %c0_i32_0 = arith.constant 0 : i32
    %c0_i32_1 = arith.constant 0 : i32
    return %c0_i32, %c0_i32_0 : i32, i32
  }
  func.func @transform_6(%arg0: i32) -> (i32, i32) {
    %c0_i32 = arith.constant 0 : i32
    %c0_i32_0 = arith.constant 0 : i32
    return %arg0, %c0_i32 : i32, i32
  }
}

</mosaic_0001>

<sc_bundles>
// kernel: kernel.11.cloned.1.call-start
scs
__scs_entry_jumppad:
0x0: {  	(pc) =	sbr.rel $0x88, $3  }
0x1: {  	(tag) =	ssettag $0x0;
	lr =	simm.s32 $0x1  }
0x2: {  	[smem:$0x3F93] =	sst lr;
	_ =	strace $0xD0000000  }
0x3: {  	_ = 	snop  }
0x4: {  	_ = 	snop  }
0x5: {  	_ = 	snop  }
0x6: {  	_ = 	snop  }
0x7: {  	_ = 	snop  }
__scs_overlays_trampoline_lowered:
0x8: {  	[smem:$0x3FA2] =	sst s0  }
0x9: {  	[smem:$0x3FA3] =	sst s1  }
0xa: {  	[smem:$0x3FA4] =	sst s2  }
0xb: {  	[smem:$0x3FA5] =	sst s3  }
0xc: {  	[smem:$0x3FA6] =	sst s4  }
0xd: {  	[smem:$0x3FA7] =	sst s5  }
0xe: {  	[smem:$0x3FA8] =	sst s6  }
0xf: {  	[smem:$0x3FA9] =	sst s7  }
0x10: {  	[smem:$0x3FAA] =	sst s8  }
0x11: {  	[smem:$0x3FAB] =	sst s9;
	s0 =	simm.s32 @!p0 $0x0  }
0x12: {  	s1 =	sld [smem:$0x3F91];
	s0 =	simm.s32 @p0 $0x1  }
0x13: {  	[smem:$0x3FAC] =	sst s0;
	s0 =	simm.s32 @!p1 $0x0  }
0x14: {  	s2 =	sld [smem:$0x3F90];
	s0 =	simm.s32 @p1 $0x1  }
0x15: {  	[smem:$0x3FAD] =	sst s0;
	s0 =	simm.s32 @!p2 $0x0  }
0x16: {  	s3 =	sld [smem:$0x3FDB];
	s0 =	simm.s32 @p2 $0x1  }
0x17: {  	s4 =	simm.s32 $0x1BF5;
	[smem:$0x3FAF] =	sst s0  }
0x18: {  	s0 =	sld [smem:$0x3F92];
	_ =	swait.ge [sflag:s4], $0x0  }
0x19: {  	s7 =	sld [smem:$0x3F93]  }
0x1a: {  	s8 =	sadd.s32 $0xFFFFE003, lr  }
0x1b: {  	s9 =	sadd.s32 $0xFFFFFEF7, lr;
	s5 =	simm.s32 $0xFFFFFFFF;
	p2 =	slt.u32 s8, $0xFFFFF086  }
0x1c: {  	p1 =	slt.u32 s9, $0xF7A;
	s5 =	simm.s32 @!p2 $0x0  }
0x1d: {  	s5 =	simm.s32 @p1 $0x1;
	p0 =	seq.s32 s7, s2  }
0x1e: {  	s7 =	smul.u32 @!p0 $0xF7A, s2;
	p2 =	seq.s32 @!p0 s5, $0x0  }
0x1f: {  	s9 =	smul.u32 $0xF7A, s1;
	s8 =	simm.s32 @!p0 $0x1BF5;
	p2 =	por !p2, p0  }
0x20: {  	[sflag:s8] =	ssyncset.s32 @!p0 $0xFFFFF086;
	s6 =	sadd.s32 @!p0 s3, s7;
	s7 =	simm.s32 @!p0 $0x108  }
0x21: {  	s3 =	sadd.s32 s3, s9;
	s6 =	sadd.s32 @!p0 $0x88, s6;
	s7 =	simm.s32 @p2 $0x1082  }
0x22: {  	[simem:s7], [sflag:s8] =	dma.local @!p0 [hbm:s6], $0xF7A  }
0x23: {  	s9 =	sor.u32 $0xD0000000, s2;
	s6 =	simm.s32 $0x108;
	_ =	swait.ge @!p0 [sflag:s8], $0x0  }
0x24: {  	s3 =	sadd.s32 $0x88, s3;
	s6 =	simm.s32 @!p1 $0x1082;
	[sflag:s4] =	ssyncset.s32 $0xFFFFF086  }
0x25: {  	[simem:s6], [sflag:s4] =	dma.local [hbm:s3], $0xF7A  }
0x26: {  	[smem:$0x3F93] =	sst s1;
	(tag) =	ssettag s2;
	_ =	strace s9  }
0x27: {  	s1 =	sld [smem:$0x3FA3]  }
0x28: {  	s2 =	sld [smem:$0x3FA4]  }
0x29: {  	s4 =	sld [smem:$0x3FA6]  }
0x2a: {  	p0 =	seq.s32 s5, $0x0;
	s5 =	sld [smem:$0x3FA7]  }
0x2b: {  	s6 =	sld [smem:$0x3FA8]  }
0x2c: {  	s7 =	sld [smem:$0x3FA9]  }
0x2d: {  	s3 =	simm.s32 $0x108;
	s8 =	sld [smem:$0x3FAA]  }
0x2e: {  	s3 =	simm.s32 @!p0 $0x1082;
	s9 =	sld [smem:$0x3FAB]  }
0x2f: {  	lr =	sadd.s32 s0, s3;
	s0 =	sld [smem:$0x3FA2]  }
0x30: {  	s3 =	sld [smem:$0x3FA5]  }
0x31: {  	[smem:$0x3FAE] =	sst s10  }
0x32: {  	s10 =	sld [smem:$0x3FAC];
	_ =	sdelay $0x3  }
0x33: {  	p0 =	seq.s32 s10, $0x1;
	s10 =	sld [smem:$0x3FAE];
	_ =	sdelay $0x3  }
0x34: {  	[smem:$0x3FAE] =	sst s10  }
0x35: {  	s10 =	sld [smem:$0x3FAD];
	_ =	sdelay $0x3  }
0x36: {  	p1 =	seq.s32 s10, $0x1;
	s10 =	sld [smem:$0x3FAE];
	_ =	sdelay $0x3  }
0x37: {  	[smem:$0x3FAE] =	sst s10  }
0x38: {  	s10 =	sld [smem:$0x3FAF]  }
0x39: {  	_ = 	snop;
	(pc) =	sbr.ind lr, $3  }
0x3a: {  	_ = 	snop  }
0x3b: {  	_ = 	snop  }
0x3c: {  	p2 =	seq.s32 s10, $0x1;
	s10 =	sld [smem:$0x3FAE]  }
0x3d: {  	_ =	shalt  }
0x3e: {  	_ =	shalt  }
0x3f: {  	_ =	shalt  }
0x40: {  	_ =	shalt  }
0x41: {  	_ =	shalt  }
0x42: {  	_ =	shalt  }
0x43: {  	_ =	shalt  }
0x44: {  	_ =	shalt  }
0x45: {  	_ =	shalt  }
0x46: {  	_ =	shalt  }
0x47: {  	_ =	shalt  }
0x48: {  	_ =	shalt  }
0x49: {  	_ =	shalt  }
0x4a: {  	_ =	shalt  }
0x4b: {  	_ =	shalt  }
0x4c: {  	_ =	shalt  }
0x4d: {  	_ =	shalt  }
0x4e: {  	_ =	shalt  }
0x4f: {  	_ =	shalt  }
0x50: {  	_ =	shalt  }
0x51: {  	_ =	shalt  }
0x52: {  	_ =	shalt  }
0x53: {  	_ =	shalt  }
0x54: {  	_ =	shalt  }
0x55: {  	_ =	shalt  }
0x56: {  	_ =	shalt  }
0x57: {  	_ =	shalt  }
0x58: {  	_ =	shalt  }
0x59: {  	_ =	shalt  }
0x5a: {  	_ =	shalt  }
0x5b: {  	_ =	shalt  }
0x5c: {  	_ =	shalt  }
0x5d: {  	_ =	shalt  }
0x5e: {  	_ =	shalt  }
0x5f: {  	_ =	shalt  }
0x60: {  	_ =	shalt  }
0x61: {  	_ =	shalt  }
0x62: {  	_ =	shalt  }
0x63: {  	_ =	shalt  }
0x64: {  	_ =	shalt  }
0x65: {  	_ =	shalt  }
0x66: {  	_ =	shalt  }
0x67: {  	_ =	shalt  }
0x68: {  	_ =	shalt  }
0x69: {  	_ =	shalt  }
0x6a: {  	_ =	shalt  }
0x6b: {  	_ =	shalt  }
0x6c: {  	_ =	shalt  }
0x6d: {  	_ =	shalt  }
0x6e: {  	_ =	shalt  }
0x6f: {  	_ =	shalt  }
0x70: {  	_ =	shalt  }
0x71: {  	_ =	shalt  }
0x72: {  	_ =	shalt  }
0x73: {  	_ =	shalt  }
0x74: {  	_ =	shalt  }
0x75: {  	_ =	shalt  }
0x76: {  	_ =	shalt  }
0x77: {  	_ =	shalt  }
0x78: {  	_ =	shalt  }
0x79: {  	_ =	shalt  }
0x7a: {  	_ =	shalt  }
0x7b: {  	_ =	shalt  }
0x7c: {  	_ =	shalt  }
0x7d: {  	_ =	shalt  }
0x7e: {  	_ =	shalt  }
0x7f: {  	_ =	shalt  }
0x80: {  	_ =	shalt  }
0x81: {  	_ =	shalt  }
0x82: {  	_ =	shalt  }
0x83: {  	_ =	shalt  }
0x84: {  	_ =	shalt  }
0x85: {  	_ =	shalt  }
0x86: {  	_ =	shalt  }
0x87: {  	_ =	shalt  }
.Lfunc_end0:
.L_simem_size_0:
called_computation.1_lowered:
.L_overlay_start_0:
0x88: {  	s2 =	sld [smem:$0x3FD9]  }
0x89: {  	s3 =	sld [smem:$0x3FFE];
	_ =	sdelay $0x1  }
0x8a: {  	s1 =	srdreg.scid  }
0x8b: {  	s0 =	sand.u32 $0x1, s1  }
0x8c: {  	s16 =	sshll.u32 s0, $0xA;
	s2 =	sadd.s32 s3, s2  }
0x8d: {  	s2 =	sadd.s32 s2, s16  }
0x8e: {  	[smem:$0x3FBA] =	sst s2  }
0x8f: {  	_ = 	snop  }
0x90: {  	(tm) =	ssettm $0x1  }
0x91: {  	s17 =	sld [smem:$0x3FFB];
	_ =	sdelay $0x3  }
0x92: {  	_ =	strace s17  }
0x93: {  	s2 =	sld [smem:$0x3FFC];
	_ =	sdelay $0x3  }
0x94: {  	_ =	strace s2  }
0x95: {  	s2 =	sld [smem:$0x3FFD];
	_ =	sdelay $0x3  }
0x96: {  	_ =	strace s2  }
0x97: {  	_ =	strace $0x8FFFFFFF  }
0x98: {  	s18 =	sld [smem:$0x3FDB];
	_ =	sdelay $0x1  }
0x99: {  	s19 =	simm.s32 $_scs_section_size  }
0x9a: {  	s4 =	simm.s32 $_size__tile_overlayer_lowered;
	s5 =	simm.s32 $_tile_overlayer_lowered  }
0x9b: {  	s22 =	simm.s32 $0x1BFF;
	s21 =	sshll.u32 s5, $0x1;
	s2 =	sadd.s32 s19, s18  }
0x9c: {  	s6 =	simm.s32 $0x0;
	s20 =	sshll.u32 s4, $0x1;
	s4 =	sadd.s32 s21, s2  }
0x9d: {  	[timem:s6], [sflag:s22] =	dma.local [hbm:s4], s20  }
0x9e: {  	_ =	swait.ge [sflag:s22], s20  }
0x9f: {  	s3 =	ssub.s32 $0x0, s20;
	[sflag:s22] =	ssyncset.done $0x0  }
0xa0: {  	[sflag:s22] =	ssyncadd.s32 s3;
	_ =	sdelay $0x1  }
0xa1: {  	s23 =	simm.s32 $0x1B8B  }
0xa2: {  	_ =	swait.ge [sflag:s23], $0x1  }
0xa3: {  	[sflag:s23] =	ssyncset.done $0x0  }
0xa4: {  	s25 =	simm.s32 $0x1B8E;
	s24 =	sld [smem:$0x3FFE];
	[sflag:s23] =	ssyncadd.s32 $0xFFFFFFFF  }
0xa5: {  	s26 =	simm.s32 $execute0_lowered;
	[smem:$0x3FD2] =	sst s25  }
0xa6: {  	s4 =	sshll.u32 s26, $0x1;
	_ =	strace $0x80000049;
	[dreg:$0x1] =	wrdreg $0xFFFFFFFF  }
0xa7: {  	s28 =	simm.s32 $_size_execute0_lowered;
	s2 =	sadd.s32 s2, s4;
	[dreg:$0x0] =	wrdreg $0x0  }
0xa8: {  	s4 =	sshll.u32 s28, $0x1;
	[dreg:$0x2] =	wrdreg s2  }
0xa9: {  	[dreg:$0x3] =	wrdreg s4  }
0xaa: {  	[dreg:$0x4] =	wrdreg $0xC0  }
0xab: {  	_ =	task [dreg:s6], $0x5FFFF  }
0xac: {  	[dreg:$0x1] =	wrdreg $0xFFFFFFFF  }
0xad: {  	[dreg:$0x0] =	wrdreg $0x60  }
0xae: {  	[dreg:$0x2] =	wrdreg s24  }
0xaf: {  	[dreg:$0x3] =	wrdreg $0x51800  }
0xb0: {  	[dreg:$0x4] =	wrdreg $0x9  }
0xb1: {  	_ =	task.clear_ibuf [dreg:s6], $0x5FFFF;
	_ =	strace $0x90000049  }
0xb2: {  	s29 =	simm.s32 $0x9;
	_ =	strace $0x8000004B  }
0xb3: {  	_ =	swait.ge [sflag:s29], $0x1  }
0xb4: {  	[sflag:s29] =	ssyncadd.s32 $0xFFFFFFFF  }
0xb5: {  	_ =	strace $0x9000004B  }
0xb6: {  	_ =	sfence  }
0xb7: {  	s30 =	sld [smem:$0x0];
	_ =	sdelay $0x2  }
0xb8: {  	s31 =	sshll.u32 s1, $0xD;
	s1 =	sshrl.u32 s1, $0x2  }
0xb9: {  	s3 =	sand.u32 $0x4000, s31;
	s1 =	sadd.s32 s1, s30  }
0xba: {  	s0 =	sor.u32 s3, s0;
	s1 =	sshll.u32 s1, $0x11  }
0xbb: {  	s0 =	sor.u32 s1, s0  }
0xbc: {  	s0 =	sadd.s32 $0x8F2B, s0  }
0xbd: {  	[sflag:s0] =	ssyncadd.remote.s32 $0x1  }
0xbe: {  	_ =	sfence.sel $0xFFFF  }
0xbf: {  	[dreg:$0x0] =	wrdreg $0xFFFFFFFF;
	(pc) =	sbr.abs _section_cstart, $3  }
0xc0: {  	[dreg:$0x1] =	wrdreg $0xFFFFFFFF  }
0xc1: {  	_ =	task.clear_ibuf [dreg:s6], $0x2FFFF;
	_ =	strace $0x9FFFFFFF  }
0xc2: {  	(tm) =	ssettm $0x7FFFFFFF  }
0xc3: {  	_ =	shalt  }
tec
execute0_lowered:
.L_overlay_start_1:
0x0: {  	(tag) =	ssettag $0x1  }
0x1: {  	s0 =	rddreg [dreg:$0x0]  }
0x2: {  	s1 =	rddreg [dreg:$0x1];
	s14 =	simm.s32 $0x0;
	s2 =	srdreg.scid  }
0x3: {  	s15 =	stileid.u32;
	[smem:$0x7FF] =	sst s14;
	s4 =	sadd.s32 $0x395200, s0  }
0x4: {  	s2 =	sand.u32 $0x1, s2;
	s6 =	sadd.s32 $0x2000, s0;
	s3 =	smul.u32 $0x6B000, s15  }
0x5: {  	s7 =	sadd.s32 $0x66000, s0;
	s8 =	sadd.s32 $0x66800, s0;
	s19 =	sshll.u32 s15, $0x6  }
0x6: {  	s22 =	sadd.s32 $0x67000, s0;
	_ =	strace $0x8000004A;
	[dreg:$0x4] =	wrdreg s2  }
0x7: {  	s20 =	smul.u32 $0x6A000, s15;
	s23 =	sadd.s32 $0x67800, s0;
	[dreg:$0x6] =	wrdreg s22  }
0x8: {  	s17 =	smul.u32 $0x350, s15;
	s24 =	sadd.s32 $0x68000, s0;
	[dreg:$0x7] =	wrdreg s23  }
0x9: {  	s26 =	sadd.s32 $0x68800, s0;
	s0 =	sadd.s32 $0x69000, s0;
	[dreg:$0x8] =	wrdreg s24  }
0xa: {  	s2 =	ssub.s32 $0x2, s2;
	s10 =	sor.u32 $0x1C02, s19;
	[dreg:$0xa] =	wrdreg s26  }
0xb: {  	v0 =	vimm.s32 $0xEDCBA987;
	[dreg:$0xb] =	wrdreg s0;
	s5 =	sshrl.u32 s2, $0x1;
	s3 =	sshrl.u32 s3, $0x2  }
0xc: {  	v1 =	vimm.s32 $0x65432100;
	v0 =	vunpack.c.l.s4.s8 v0;
	[dreg:$0x5] =	wrdreg s17;
	s25 =	sadd.s32 $0x300, s17;
	s2 =	ssub.s32 s2, s5  }
0xd: {  	v3 =	vimm.s32 $0xDCBA9876;
	v1 =	vunpack.c.l.s4.s8 v1;
	s16 =	sadd.s32 s3, s1;
	s3 =	sshrl.u32 s20, $0x2;
	[dreg:$0x9] =	wrdreg s25  }
0xe: {  	v4 =	vimm.s32 $0x54321000;
	v5 =	vimm.s32 $0xBA987654;
	v2 =	vunpack.c.0.s8.s32 v0;
	s21 =	sadd.s32 $0x4000, s16;
	s9 =	sadd.s32 $0x8000, s16;
	s11 =	sadd.s32 $0xC000, s16  }
0xf: {  	vm0 =	vmmov $0x3;
	vm2 =	vcmask $0x3F30;
	v1 =	vunpack.c.0.s8.s32 v1;
	s12 =	sadd.s32 $0x10000, s16;
	s13 =	sadd.s32 $0x14000, s16;
	s18 =	sadd.s32 s3, s1  }
0x10: {  	vm1 =	vmmov $0xf;
	v3 =	vunpack.c.l.s4.s8 v3;
	v2 =	vand.u32 $0xF, v2;
	s3 =	sshll.u32 s25, $0x7;
	s2 =	smax.u32 s2, $0x1;
	s22 =	smov.u32 s16  }
0x11: {  	v5 =	vunpack.c.l.s4.s8 v5;
	v1 =	vcombine.low v1, v2;
	v2 =	vunpack.c.l.s4.s8 v4;
	s0 =	sadd.s32 s3, s1;
	[dreg:$0xc] =	wrdreg s2;
	s5 =	sshrl.u32 s21, $0x3  }
0x12: {  	v0 =	vimm.s32 $0x0;
	v3 =	vunpack.c.0.s8.s32 v3;
	v4 =	vimm.s32 $0xE40000;
	s9 =	sshrl.u32 s9, $0x3;
	s11 =	sshrl.u32 s11, $0x3;
	s12 =	sshrl.u32 s12, $0x3  }
0x13: {  	s24 =	sshrl.u32 s13, $0x3;
	s13 =	sadd.s32 $0x18000, s16;
	s16 =	sadd.s32 $0x4000, s18;
	v4 =	vunpack.c.l.s2.s4 v4;
	v6 =	vunpack.c.0.s8.s32 v2;
	v2 =	vimm.s32 $0x32100000  }
0x14: {  	v5 =	vunpack.c.0.s8.s32 v5;
	v3 =	vand.u32 $0xF, v3;
	s17 =	sadd.s32 $0x8000, s18;
	s19 =	sadd.s32 $0xC000, s18;
	[dreg:$0xd] =	wrdreg s5;
	v7 =	vunpack.c.l.s4.s8 v2  }
0x15: {  	s20 =	sadd.s32 $0x10000, s18;
	s23 =	smov.u32 s18;
	[dreg:$0xe] =	wrdreg s9;
	v4 =	vunpack.c.l.s4.s8 v4;
	v2 =	vlaneseq.u32;
	v3 =	vcombine.low v6, v3  }
0x16: {  	s21 =	sadd.s32 $0x14000, s18;
	s3 =	smul.u32 $0x32, s15;
	[dreg:$0xf] =	wrdreg s11;
	v9 =	vor.u32 $0x20, v2;
	v10 =	vor.u32 $0x30, v2;
	v11 =	vor.u32 $0x40, v2  }
.Ltmp0:
0x17: {  	s2 =	simm.s32 $0x80;
	[dreg:$0x10] =	wrdreg s12;
	v12 =	vor.u32 $0x50, v2;
	v13 =	vor.u32 $0x60, v2;
	v14 =	vor.u32 $0x70, v2;
	(pc) =	sbr.rel .LBB2_1-.Ltmp0, $4  }
0x18: {  	s25 =	sshrl.u32 s13, $0x3;
	s26 =	sshrl.u32 s16, $0x3;
	s28 =	sshrl.u32 s17, $0x3;
	v6 =	vunpack.c.0.s8.s32 v7;
	v7 =	vimm.s32 $0x7060504;
	v8 =	vunpack.c.0.s8.s32 v4  }
0x19: {  	s29 =	sshrl.u32 s19, $0x3;
	s30 =	sshrl.u32 s20, $0x3;
	s31 =	sshrl.u32 s21, $0x3;
	v4 =	vand.u32 $0xF, v5;
	v5 =	vunpack.c.0.s8.s32 v7;
	v7 =	vadd.s32 $0x1, v2  }
0x1a: {  	s0 =	sshrl.u32 s0, $0x3;
	s19 =	simm.s32 $0x2;
	s5 =	simm.s32 $0x1080;
	v4 =	vcombine.low v6, v4;
	v6 =	vand.u32 $0x3, v8;
	v8 =	vor.u32 $0x10, v2  }
0x1b: {  	s9 =	simm.s32 $0x1180;
	s11 =	simm.s32 $0x1;
	s13 =	simm.s32 $0x1100;
	v5 =	vsel vm2, v5, v6;
	vm2 =	vmmov $0xff;
	v6 =	vimm.s32 $0x7  }
.LBB2_11:
0x1c: {  	s14 =	rddreg [dreg:$0x3]  }
0x1d: {  	s12 =	rddreg [dreg:$0xc];
	s14 =	sadd.s32 $0x1, s14  }
0x1e: {  	p0 =	sne.s32 s14, s12  }
.Ltmp1:
0x1f: {  	_ = 	snop;
	(pc) =	sbr.rel @!p0 .LBB2_12-.Ltmp1, $1  }
0x20: {  	_ =	sdelay $0x3  }
.LBB2_1:
.Ltmp2:
0x21: {  	(pc) =	sbr.rel .LBB2_2-.Ltmp2, $2  }
0x22: {  	_ =	sdelay $0x2  }
0x23: {  	[dreg:$0x3] =	wrdreg s14;
	s12 =	simm.s32 $0x0  }
.LBB2_10:
0x24: {  	s15 =	rddreg [dreg:$0x5]  }
0x25: {  	s15 =	sadd.s32 s15, s14  }
0x26: {  	s15 =	sshll.u32 s15, $0x4  }
0x27: {  	[bflag:$0x0] =	sbarrier.arrive $0xFFFF;
	s17 =	sshrl.u32 s23, $0x3;
	s16 =	sadd.s32 s8, s15  }
0x28: {  	[hbm:s16], [sflag:s10] =	dma.local [spmem:s17], $0x800  }
0x29: {  	_ =	swait.ge [sflag:s19], $0x800  }
0x2a: {  	[sflag:s19] =	ssyncset.done $0x0;
	s18 =	rddreg [dreg:$0x6]  }
0x2b: {  	[sflag:s19] =	ssyncadd.s32 $0xFFFFF800;
	s16 =	sadd.s32 s15, s18  }
0x2c: {  	[hbm:s16], [sflag:s10] =	dma.local [spmem:s26], $0x800  }
0x2d: {  	_ =	swait.ge [sflag:s19], $0x800  }
0x2e: {  	[sflag:s19] =	ssyncset.done $0x0;
	s20 =	rddreg [dreg:$0x7]  }
0x2f: {  	[sflag:s19] =	ssyncadd.s32 $0xFFFFF800;
	s16 =	sadd.s32 s15, s20  }
0x30: {  	[hbm:s16], [sflag:s10] =	dma.local [spmem:s28], $0x800  }
0x31: {  	_ =	swait.ge [sflag:s19], $0x800  }
0x32: {  	[sflag:s19] =	ssyncset.done $0x0;
	s21 =	rddreg [dreg:$0x8]  }
0x33: {  	[sflag:s19] =	ssyncadd.s32 $0xFFFFF800;
	s16 =	sadd.s32 s15, s21  }
0x34: {  	[hbm:s16], [sflag:s10] =	dma.local [spmem:s29], $0x800  }
0x35: {  	_ =	swait.ge [sflag:s19], $0x800  }
0x36: {  	[sflag:s19] =	ssyncset.done $0x0;
	s17 =	rddreg [dreg:$0xa]  }
0x37: {  	[sflag:s19] =	ssyncadd.s32 $0xFFFFF800;
	s16 =	sadd.s32 s15, s17  }
0x38: {  	[hbm:s16], [sflag:s10] =	dma.local [spmem:s30], $0x800  }
0x39: {  	_ =	swait.ge [sflag:s19], $0x800  }
0x3a: {  	[sflag:s19] =	ssyncset.done $0x0;
	s18 =	rddreg [dreg:$0xb]  }
0x3b: {  	[sflag:s19] =	ssyncadd.s32 $0xFFFFF800;
	s15 =	sadd.s32 s15, s18  }
0x3c: {  	[hbm:s15], [sflag:s10] =	dma.local [spmem:s31], $0x800  }
0x3d: {  	_ =	swait.ge [sflag:s19], $0x800  }
0x3e: {  	s20 =	rddreg [dreg:$0x9]  }
0x3f: {  	s21 =	sadd.s32 s20, s14  }
0x40: {  	s12 =	sadd.s32 $0x1, s12;
	[sflag:s19] =	ssyncset.done $0x0;
	s14 =	sshll.u32 s21, $0x4  }
0x41: {  	p0 =	sne.s32 s12, $0x4;
	[sflag:s19] =	ssyncadd.s32 $0xFFFFF800;
	s14 =	sadd.s32 s8, s14  }
0x42: {  	[hbm:s14], [sflag:s10] =	dma.local [spmem:s0], $0x500  }
.Ltmp3:
0x43: {  	_ =	swait.ge [sflag:s19], $0x500;
	(pc) =	sbr.rel @!p0 .LBB2_11-.Ltmp3, $3  }
0x44: {  	[sflag:s19] =	ssyncset.done $0x0  }
0x45: {  	[sflag:s19] =	ssyncadd.s32 $0xFFFFFB00  }
0x46: {  	[bflag:$0x0] =	sbarrier.arrive $0xFFFF;
	_ =	sdelay $0x1  }
.LBB2_2:
0x47: {  	s14 =	sshrl.u32 s22, $0x3  }
0x48: {  	[spmem:s14], [sflag:s10] =	dma.local [hbm:s7], $0x800  }
0x49: {  	_ =	swait.ge [sflag:s19], $0x800  }
0x4a: {  	[sflag:s19] =	ssyncset.done $0x0  }
0x4b: {  	s16 =	rddreg [dreg:$0xd];
	[sflag:s19] =	ssyncadd.s32 $0xFFFFF800  }
0x4c: {  	[spmem:s16], [sflag:s10] =	dma.local [hbm:s7], $0x800  }
0x4d: {  	_ =	swait.ge [sflag:s19], $0x800  }
0x4e: {  	[sflag:s19] =	ssyncset.done $0x0  }
0x4f: {  	s17 =	rddreg [dreg:$0xe];
	[sflag:s19] =	ssyncadd.s32 $0xFFFFF800  }
0x50: {  	[spmem:s17], [sflag:s10] =	dma.local [hbm:s7], $0x800  }
0x51: {  	_ =	swait.ge [sflag:s19], $0x800  }
0x52: {  	[sflag:s19] =	ssyncset.done $0x0  }
0x53: {  	s18 =	rddreg [dreg:$0xf];
	[sflag:s19] =	ssyncadd.s32 $0xFFFFF800  }
0x54: {  	[spmem:s18], [sflag:s10] =	dma.local [hbm:s7], $0x800  }
0x55: {  	_ =	swait.ge [sflag:s19], $0x800  }
0x56: {  	[sflag:s19] =	ssyncset.done $0x0  }
0x57: {  	s20 =	rddreg [dreg:$0x10];
	[sflag:s19] =	ssyncadd.s32 $0xFFFFF800  }
0x58: {  	[spmem:s20], [sflag:s10] =	dma.local [hbm:s7], $0x800  }
0x59: {  	_ =	swait.ge [sflag:s19], $0x800  }
0x5a: {  	[sflag:s19] =	ssyncset.done $0x0  }
0x5b: {  	[sflag:s19] =	ssyncadd.s32 $0xFFFFF800  }
0x5c: {  	[spmem:s24], [sflag:s10] =	dma.local [hbm:s7], $0x800  }
0x5d: {  	_ =	swait.ge [sflag:s19], $0x800  }
0x5e: {  	[sflag:s19] =	ssyncset.done $0x0  }
0x5f: {  	[sflag:s19] =	ssyncadd.s32 $0xFFFFF800  }
0x60: {  	[spmem:s25], [sflag:s10] =	dma.local [hbm:s7], $0x580  }
0x61: {  	_ =	swait.ge [sflag:s19], $0x580  }
.Ltmp4:
0x62: {  	s21 =	sshll.u32 s12, $0x1;
	s15 =	rddreg [dreg:$0x4];
	(pc) =	sbr.rel .LBB2_3-.Ltmp4, $4  }
0x63: {  	[sflag:s19] =	ssyncset.done $0x0;
	s14 =	sor.u32 s15, s21  }
0x64: {  	[sflag:s19] =	ssyncadd.s32 $0xFFFFFA80;
	s14 =	smul.u32 $0x3500, s14  }
0x65: {  	[bflag:$0x0] =	sbarrier.arrive $0xFFFF  }
0x66: {  	s16 =	simm.s32 $0x0;
	s20 =	simm.s32 $0x0;
	s15 =	simm.s32 $0x0;
	v15 =	vmov s14  }
.LBB2_7:
0x67: {  	s16 =	sadd.s32 $0x1, s16  }
0x68: {  	p0 =	sne.s32 s16, $0x32  }
.Ltmp5:
0x69: {  	_ = 	snop;
	(pc) =	sbr.rel @!p0 .LBB2_8-.Ltmp5, $1  }
0x6a: {  	_ =	sdelay $0x3  }
.LBB2_3:
0x6b: {  	s17 =	sadd.s32 s3, s16  }
0x6c: {  	s17 =	sshll.u32 s17, $0x9  }
.Ltmp6:
0x6d: {  	s17 =	sadd.s32 s6, s17;
	(pc) =	sbr.rel .LBB2_4-.Ltmp6, $4  }
0x6e: {  	[tilespmem:s15], [sflag:$0x2] =	stream.linear.gather [hbm4b:s17+s15], $0x1000, $0x38;
	[tilespmem:$0x1FD80] =	vst v63  }
0x6f: {  	_ =	swait.ge [sflag:s19], $0x1000  }
0x70: {  	[sflag:s19] =	ssyncset.done $0x0  }
0x71: {  	s18 =	simm.s32 $0x0;
	s17 =	simm.s32 $0x0;
	[sflag:s19] =	ssyncadd.s32 $0xFFFFF000  }
.LBB2_6:
0x72: {  	s18 =	sadd.s32 $0x10, s18  }
0x73: {  	p0 =	sne.s32 s18, $0x800  }
.Ltmp7:
0x74: {  	_ = 	snop;
	(pc) =	sbr.rel @!p0 .LBB2_7-.Ltmp7, $2  }
0x75: {  	_ =	sdelay $0x2  }
0x76: {  	s17 =	sadd.s32 $0x10, s17  }
.LBB2_4:
0x77: {  	s21 =	sand.u32 $0x7F0, s18  }
0x78: {  	v16 =	vld [tilespmem:s21+$0x800];
	_ =	sdelay $0x4  }
0x79: {  	v16 =	vsub.s32 v16, v15  }
0x7a: {  	vm3 =	vlt.u32 v16, $0x3500  }
0x7b: {  	v17 =	vsel vm3, $0x1, v0  }
0x7c: {  	v18 =	vperm.xlane v17, v1  }
0x7d: {  	vm3 =	veq.s32 v2, $0x0  }
0x7e: {  	v18 =	vsel vm3, $0x0, v18  }
0x7f: {  	v17 =	vadd.s32 v17, v18  }
0x80: {  	v18 =	vperm.xlane v17, v3;
	_ =	sdelay $0x1  }
0x81: {  	v18 =	vsel vm0, $0x0, v18  }
0x82: {  	v17 =	vadd.s32 v18, v17  }
0x83: {  	v18 =	vperm.xlane v17, v4;
	_ =	sdelay $0x1  }
0x84: {  	v18 =	vsel vm1, $0x0, v18  }
0x85: {  	v17 =	vadd.s32 v18, v17  }
0x86: {  	v18 =	vperm.xlane v17, v5;
	_ =	sdelay $0x1  }
0x87: {  	v18 =	vsel vm2, $0x0, v18  }
0x88: {  	v17 =	vadd.s32 v18, v17  }
0x89: {  	v18 =	vperm.xlane v17, v6;
	_ =	sdelay $0x1  }
0x8a: {  	vm3 =	vlt.s32 v18, v7  }
0x8b: {  	v18 =	vsel vm3, $0x8, v0  }
0x8c: {  	v19 =	vor.u32 $0x3, v18  }
0x8d: {  	(v2sf) =	vpush v17, $0xF;
	v19 =	vperm.xlane v17, v19;
	_ =	sdelay $0x1  }
0x8e: {  	v20 =	vor.u32 $0x4, v18;
	vm3 =	vlt.s32 v19, v7  }
0x8f: {  	v18 =	vsel vm3, v20, v18  }
0x90: {  	v60 =	vor.u32 $0x1, v18  }
0x91: {  	v19 =	vperm.xlane v17, v60;
	_ =	sdelay $0x1  }
0x92: {  	v61 =	vld [tilespmem:s17+$0x0];
	v62 =	vor.u32 $0x2, v18;
	vm3 =	vlt.s32 v19, v7  }
0x93: {  	v18 =	vsel vm3, v62, v18  }
0x94: {  	v17 =	vperm.xlane v17, v18;
	_ =	sdelay $0x1  }
0x95: {  	vm3 =	vlt.s32 v17, v7  }
0x96: {  	v16 =	vand.u32 $0x3FFF, v16;
	v17 =	vshll.u32 v61, $0xE;
	v63 =	vsel vm3, $0x1, v0  }
0x97: {  	v16 =	vor.u32 v17, v16;
	v17 =	vor.u32 v63, v18  }
0x98: {  	v16 =	vperm.xlane v16, v17  }
0x99: {  	s21 =	spop (v2sf)  }
0x9a: {  	[tilespmem:s20+$0x1000] =	vst v16;
	s20 =	sadd.s32 s20, s21  }
0x9b: {  	p0 =	slt.s32 s20, $0x71  }
.Ltmp8:
0x9c: {  	_ = 	snop;
	(pc) =	sbr.rel @p0 .LBB2_6-.Ltmp8, $1  }
0x9d: {  	_ =	sdelay $0x3  }
0x9e: {  	v16 =	vld [tilespmem:$0x1000]  }
0x9f: {  	v17 =	vld [tilespmem:$0x1010];
	_ =	sdelay $0x1  }
0xa0: {  	v18 =	vld [tilespmem:$0x1020]  }
0xa1: {  	v19 =	vmov s20  }
0xa2: {  	v21 =	vld [tilespmem:$0x1030];
	vm3 =	vgt.s32 v19, v2;
	v20 =	vshrl.u32 v16, $0xE;
	v16 =	vand.u32 $0x3FFF, v16  }
0xa3: {  	v22 =	vshrl.u32 v17, $0xE;
	v20 =	vand.u32 $0x1FFFF, v20;
	v16 =	vnsel vm3, $0x3500, v16  }
0xa4: {  	v54 =	vld [tilespmem:$0x1040];
	v53 =	vand.u32 $0x1FFFF, v22;
	v20 =	vnsel vm3, $0x0, v20;
	vm3 =	vgt.s32 v19, v8;
	[tilespmem:$0x1100] =	vst v16  }
0xa5: {  	v17 =	vand.u32 $0x3FFF, v17;
	v55 =	vshrl.u32 v18, $0xE;
	[tilespmem:$0x1080] =	vst v20;
	v16 =	vnsel vm3, $0x0, v53  }
0xa6: {  	v56 =	vld [tilespmem:$0x1050];
	[tilespmem:$0x1090] =	vst v16;
	v16 =	vnsel vm3, $0x3500, v17;
	vm3 =	vgt.s32 v19, v9;
	v17 =	vand.u32 $0x1FFFF, v55  }
0xa7: {  	v57 =	vshrl.u32 v21, $0xE;
	[tilespmem:$0x1110] =	vst v16;
	v16 =	vnsel vm3, $0x0, v17;
	v17 =	vand.u32 $0x3FFF, v18  }
0xa8: {  	v58 =	vld [tilespmem:$0x1060];
	[tilespmem:$0x10A0] =	vst v16;
	v16 =	vnsel vm3, $0x3500, v17;
	vm3 =	vgt.s32 v19, v10;
	v17 =	vand.u32 $0x1FFFF, v57  }
0xa9: {  	v59 =	vshrl.u32 v54, $0xE;
	[tilespmem:$0x1120] =	vst v16;
	v16 =	vnsel vm3, $0x0, v17;
	v17 =	vand.u32 $0x3FFF, v21  }
0xaa: {  	v60 =	vld [tilespmem:$0x1070];
	[tilespmem:$0x10B0] =	vst v16;
	v16 =	vnsel vm3, $0x3500, v17;
	vm3 =	vgt.s32 v19, v11;
	v17 =	vand.u32 $0x1FFFF, v59  }
0xab: {  	v61 =	vshrl.u32 v56, $0xE;
	[tilespmem:$0x1130] =	vst v16;
	v16 =	vnsel vm3, $0x0, v17;
	v17 =	vand.u32 $0x3FFF, v54  }
0xac: {  	[tilespmem:$0x10C0] =	vst v16;
	v16 =	vnsel vm3, $0x3500, v17;
	vm3 =	vgt.s32 v19, v12;
	v17 =	vand.u32 $0x1FFFF, v61  }
0xad: {  	v62 =	vshrl.u32 v58, $0xE;
	[tilespmem:$0x1140] =	vst v16;
	v16 =	vnsel vm3, $0x0, v17;
	v17 =	vand.u32 $0x3FFF, v56  }
0xae: {  	[tilespmem:$0x10D0] =	vst v16;
	v16 =	vnsel vm3, $0x3500, v17;
	vm3 =	vgt.s32 v19, v13;
	v17 =	vand.u32 $0x1FFFF, v62  }
0xaf: {  	v63 =	vshrl.u32 v60, $0xE;
	[tilespmem:$0x1150] =	vst v16;
	v16 =	vnsel vm3, $0x0, v17;
	v17 =	vand.u32 $0x3FFF, v58  }
0xb0: {  	[tilespmem:$0x10E0] =	vst v16;
	v16 =	vnsel vm3, $0x3500, v17;
	vm3 =	vgt.s32 v19, v14;
	v17 =	vand.u32 $0x1FFFF, v63  }
0xb1: {  	[tilespmem:$0x1160] =	vst v16;
	v16 =	vnsel vm3, $0x0, v17;
	v17 =	vand.u32 $0x3FFF, v60  }
0xb2: {  	[tilespmem:$0x10F0] =	vst v16;
	v16 =	vnsel vm3, $0x3500, v17  }
0xb3: {  	[tilespmem:$0x1170] =	vst v16  }
0xb4: {  	[tilespmem:s9], [sflag:$0x1] =	stream.indirect.gather [hbm4b:s4+s2], $0x80, s5, s2, $0xb8;
	[tilespmem:$0x1FD80] =	vst v63  }
0xb5: {  	_ =	swait.ge [sflag:s11], $0x4000  }
0xb6: {  	[sflag:s11] =	ssyncset.done $0x0  }
.Ltmp9:
0xb7: {  	[sflag:s11] =	ssyncadd.s32 $0xFFFFC000;
	(pc) =	sbr.rel .LBB2_6-.Ltmp9, $4  }
0xb8: {  	[spmem:s1] =	stream.indirect.scatter.add.f32 [tilespmem:s9], [sflag:$0x2], $0x80, s13, s2, $0xb8;
	[tilespmem:$0x1FD80] =	vst v63  }
0xb9: {  	_ =	swait.ge [sflag:s19], $0x4000  }
0xba: {  	[sflag:s19] =	ssyncset.done $0x0  }
0xbb: {  	s20 =	simm.s32 $0x0;
	[sflag:s19] =	ssyncadd.s32 $0xFFFFC000  }
.LBB2_8:
0xbc: {  	p0 =	slt.s32 s20, $0x1  }
.Ltmp10:
0xbd: {  	_ = 	snop;
	(pc) =	sbr.rel @p0 .LBB2_10-.Ltmp10, $1  }
0xbe: {  	_ =	sdelay $0x3  }
0xbf: {  	v15 =	vld [tilespmem:$0x1000]  }
0xc0: {  	v16 =	vld [tilespmem:$0x1010];
	_ =	sdelay $0x1  }
0xc1: {  	v17 =	vld [tilespmem:$0x1020]  }
0xc2: {  	v18 =	vmov s20  }
0xc3: {  	v20 =	vld [tilespmem:$0x1030];
	vm3 =	vgt.s32 v18, v2;
	v19 =	vshrl.u32 v15, $0xE;
	v15 =	vand.u32 $0x3FFF, v15  }
0xc4: {  	v21 =	vshrl.u32 v16, $0xE;
	v19 =	vand.u32 $0x1FFFF, v19;
	v15 =	vnsel vm3, $0x3500, v15  }
0xc5: {  	v42 =	vld [tilespmem:$0x1040];
	v41 =	vand.u32 $0x1FFFF, v21;
	v19 =	vnsel vm3, $0x0, v19;
	vm3 =	vgt.s32 v18, v8;
	[tilespmem:$0x1100] =	vst v15  }
0xc6: {  	v16 =	vand.u32 $0x3FFF, v16;
	v43 =	vshrl.u32 v17, $0xE;
	[tilespmem:$0x1080] =	vst v19;
	v15 =	vnsel vm3, $0x0, v41  }
0xc7: {  	v45 =	vld [tilespmem:$0x1050];
	v44 =	vand.u32 $0x1FFFF, v43;
	[tilespmem:$0x1090] =	vst v15;
	v15 =	vnsel vm3, $0x3500, v16;
	vm3 =	vgt.s32 v18, v9  }
0xc8: {  	v46 =	vand.u32 $0x3FFF, v17;
	v47 =	vshrl.u32 v20, $0xE;
	[tilespmem:$0x1110] =	vst v15;
	v15 =	vnsel vm3, $0x0, v44  }
0xc9: {  	v49 =	vld [tilespmem:$0x1060];
	v48 =	vand.u32 $0x1FFFF, v47;
	[tilespmem:$0x10A0] =	vst v15;
	v15 =	vnsel vm3, $0x3500, v46;
	vm3 =	vgt.s32 v18, v10  }
0xca: {  	v50 =	vand.u32 $0x3FFF, v20;
	v51 =	vshrl.u32 v42, $0xE;
	[tilespmem:$0x1120] =	vst v15;
	v15 =	vnsel vm3, $0x0, v48  }
0xcb: {  	v53 =	vld [tilespmem:$0x1070];
	v52 =	vand.u32 $0x1FFFF, v51;
	[tilespmem:$0x10B0] =	vst v15;
	v15 =	vnsel vm3, $0x3500, v50;
	vm3 =	vgt.s32 v18, v11  }
0xcc: {  	v54 =	vand.u32 $0x3FFF, v42;
	v55 =	vshrl.u32 v45, $0xE;
	[tilespmem:$0x1130] =	vst v15;
	v15 =	vnsel vm3, $0x0, v52  }
0xcd: {  	v56 =	vand.u32 $0x1FFFF, v55;
	[tilespmem:$0x10C0] =	vst v15;
	v15 =	vnsel vm3, $0x3500, v54;
	vm3 =	vgt.s32 v18, v12  }
0xce: {  	v57 =	vand.u32 $0x3FFF, v45;
	v58 =	vshrl.u32 v49, $0xE;
	[tilespmem:$0x1140] =	vst v15;
	v15 =	vnsel vm3, $0x0, v56  }
0xcf: {  	v59 =	vand.u32 $0x1FFFF, v58;
	[tilespmem:$0x10D0] =	vst v15;
	v15 =	vnsel vm3, $0x3500, v57;
	vm3 =	vgt.s32 v18, v13  }
0xd0: {  	v60 =	vand.u32 $0x3FFF, v49;
	v61 =	vshrl.u32 v53, $0xE;
	[tilespmem:$0x1150] =	vst v15;
	v15 =	vnsel vm3, $0x0, v59  }
0xd1: {  	v62 =	vand.u32 $0x1FFFF, v61;
	[tilespmem:$0x10E0] =	vst v15;
	v15 =	vnsel vm3, $0x3500, v60;
	vm3 =	vgt.s32 v18, v14  }
0xd2: {  	v63 =	vand.u32 $0x3FFF, v53;
	[tilespmem:$0x1160] =	vst v15;
	v15 =	vnsel vm3, $0x0, v62  }
0xd3: {  	[tilespmem:$0x10F0] =	vst v15;
	v15 =	vnsel vm3, $0x3500, v63  }
0xd4: {  	[tilespmem:$0x1170] =	vst v15  }
0xd5: {  	[tilespmem:s9], [sflag:$0x1] =	stream.indirect.gather [hbm4b:s4+s2], $0x80, s5, s2, $0xb8;
	[tilespmem:$0x1FD80] =	vst v63  }
0xd6: {  	_ =	swait.ge [sflag:s11], $0x4000  }
0xd7: {  	[sflag:s11] =	ssyncset.done $0x0  }
.Ltmp11:
0xd8: {  	[sflag:s11] =	ssyncadd.s32 $0xFFFFC000;
	(pc) =	sbr.rel .LBB2_10-.Ltmp11, $4  }
0xd9: {  	[spmem:s1] =	stream.indirect.scatter.add.f32 [tilespmem:s9], [sflag:$0x2], $0x80, s13, s2, $0xb8;
	[tilespmem:$0x1FD80] =	vst v63  }
0xda: {  	_ =	swait.ge [sflag:s19], $0x4000  }
0xdb: {  	[sflag:s19] =	ssyncset.done $0x0  }
0xdc: {  	[sflag:s19] =	ssyncadd.s32 $0xFFFFC000  }
.LBB2_12:
0xdd: {  	_ =	sfence.sel $0x180000  }
0xde: {  	[bflag:$0x0] =	sbarrier.arrive $0xFFFF  }
0xdf: {  	_ =	strace $0x9000004A  }
0xe0: {  	s0 =	stileid.u32;
	[bflag:$0x2] =	sbarrier.arrive $0xFFFF  }
0xe1: {  	p0 =	sne.s32 s0, $0x0;
	s0 =	rddreg [dreg:$0x2]  }
0xe2: {  	s0 =	sadd.s32 @!p0 $0x100000, s0  }
0xe3: {  	[sflag:s0] =	ssyncadd.tile.s32 @!p0 $0x1;
	_ =	shalt  }
.Lfunc_end2:
_tile_overlayer_lowered:
.L_overlay_start_2:
0xe4: {  	(tag) =	ssettag $0x2  }
0xe5: {  	s0 =	rddreg [dreg:$0x0];
	s2 =	stileid.u32  }
0xe6: {  	s1 =	rddreg [dreg:$0x1];
	p0 =	sne.s32 s2, $0x0  }
0xe7: {  	s3 =	rddreg [dreg:$0x2];
	[bflag:$0x3] =	sbarrier.arrive $0xFFFF;
	s2 =	simm.s32 @!p0 $0x1C02  }
0xe8: {  	[timem:s3], [sflag:s2] =	dma.local @!p0 [hbm:s0], s1  }
0xe9: {  	s0 =	simm.s32 @!p0 $0x2  }
0xea: {  	_ =	swait.ge @!p0 [sflag:s0], s1  }
0xeb: {  	s1 =	ssub.s32 @!p0 $0x0, s1;
	[sflag:s0] =	ssyncset.done @!p0 $0x0  }
0xec: {  	[sflag:s0] =	ssyncadd.s32 @!p0 s1  }
0xed: {  	[bflag:$0x3] =	sbarrier.arrive $0xFFFF  }
0xee: {  	_ =	shalt  }

// kernel: kernel.14.cloned.1.call-start
scs
__scs_entry_jumppad:
0x0: {  	(pc) =	sbr.rel $0x88, $3  }
0x1: {  	(tag) =	ssettag $0x0;
	lr =	simm.s32 $0x1  }
0x2: {  	[smem:$0x3F93] =	sst lr;
	_ =	strace $0xD0000000  }
0x3: {  	_ = 	snop  }
0x4: {  	_ = 	snop  }
0x5: {  	_ = 	snop  }
0x6: {  	_ = 	snop  }
0x7: {  	_ = 	snop  }
__scs_overlays_trampoline_lowered:
0x8: {  	[smem:$0x3FA2] =	sst s0  }
0x9: {  	[smem:$0x3FA3] =	sst s1  }
0xa: {  	[smem:$0x3FA4] =	sst s2  }
0xb: {  	[smem:$0x3FA5] =	sst s3  }
0xc: {  	[smem:$0x3FA6] =	sst s4  }
0xd: {  	[smem:$0x3FA7] =	sst s5  }
0xe: {  	[smem:$0x3FA8] =	sst s6  }
0xf: {  	[smem:$0x3FA9] =	sst s7  }
0x10: {  	[smem:$0x3FAA] =	sst s8  }
0x11: {  	[smem:$0x3FAB] =	sst s9;
	s0 =	simm.s32 @!p0 $0x0  }
0x12: {  	s1 =	sld [smem:$0x3F91];
	s0 =	simm.s32 @p0 $0x1  }
0x13: {  	[smem:$0x3FAC] =	sst s0;
	s0 =	simm.s32 @!p1 $0x0  }
0x14: {  	s2 =	sld [smem:$0x3F90];
	s0 =	simm.s32 @p1 $0x1  }
0x15: {  	[smem:$0x3FAD] =	sst s0;
	s0 =	simm.s32 @!p2 $0x0  }
0x16: {  	s3 =	sld [smem:$0x3FDB];
	s0 =	simm.s32 @p2 $0x1  }
0x17: {  	s4 =	simm.s32 $0x1BF5;
	[smem:$0x3FAF] =	sst s0  }
0x18: {  	s0 =	sld [smem:$0x3F92];
	_ =	swait.ge [sflag:s4], $0x0  }
0x19: {  	s7 =	sld [smem:$0x3F93]  }
0x1a: {  	s8 =	sadd.s32 $0xFFFFE003, lr  }
0x1b: {  	s9 =	sadd.s32 $0xFFFFFEF7, lr;
	s5 =	simm.s32 $0xFFFFFFFF;
	p2 =	slt.u32 s8, $0xFFFFF086  }
0x1c: {  	p1 =	slt.u32 s9, $0xF7A;
	s5 =	simm.s32 @!p2 $0x0  }
0x1d: {  	s5 =	simm.s32 @p1 $0x1;
	p0 =	seq.s32 s7, s2  }
0x1e: {  	s7 =	smul.u32 @!p0 $0xF7A, s2;
	p2 =	seq.s32 @!p0 s5, $0x0  }
0x1f: {  	s9 =	smul.u32 $0xF7A, s1;
	s8 =	simm.s32 @!p0 $0x1BF5;
	p2 =	por !p2, p0  }
0x20: {  	[sflag:s8] =	ssyncset.s32 @!p0 $0xFFFFF086;
	s6 =	sadd.s32 @!p0 s3, s7;
	s7 =	simm.s32 @!p0 $0x108  }
0x21: {  	s3 =	sadd.s32 s3, s9;
	s6 =	sadd.s32 @!p0 $0x88, s6;
	s7 =	simm.s32 @p2 $0x1082  }
0x22: {  	[simem:s7], [sflag:s8] =	dma.local @!p0 [hbm:s6], $0xF7A  }
0x23: {  	s9 =	sor.u32 $0xD0000000, s2;
	s6 =	simm.s32 $0x108;
	_ =	swait.ge @!p0 [sflag:s8], $0x0  }
0x24: {  	s3 =	sadd.s32 $0x88, s3;
	s6 =	simm.s32 @!p1 $0x1082;
	[sflag:s4] =	ssyncset.s32 $0xFFFFF086  }
0x25: {  	[simem:s6], [sflag:s4] =	dma.local [hbm:s3], $0xF7A  }
0x26: {  	[smem:$0x3F93] =	sst s1;
	(tag) =	ssettag s2;
	_ =	strace s9  }
0x27: {  	s1 =	sld [smem:$0x3FA3]  }
0x28: {  	s2 =	sld [smem:$0x3FA4]  }
0x29: {  	s4 =	sld [smem:$0x3FA6]  }
0x2a: {  	p0 =	seq.s32 s5, $0x0;
	s5 =	sld [smem:$0x3FA7]  }
0x2b: {  	s6 =	sld [smem:$0x3FA8]  }
0x2c: {  	s7 =	sld [smem:$0x3FA9]  }
0x2d: {  	s3 =	simm.s32 $0x108;
	s8 =	sld [smem:$0x3FAA]  }
0x2e: {  	s3 =	simm.s32 @!p0 $0x1082;
	s9 =	sld [smem:$0x3FAB]  }
0x2f: {  	lr =	sadd.s32 s0, s3;
	s0 =	sld [smem:$0x3FA2]  }
0x30: {  	s3 =	sld [smem:$0x3FA5]  }
0x31: {  	[smem:$0x3FAE] =	sst s10  }
0x32: {  	s10 =	sld [smem:$0x3FAC];
	_ =	sdelay $0x3  }
0x33: {  	p0 =	seq.s32 s10, $0x1;
	s10 =	sld [smem:$0x3FAE];
	_ =	sdelay $0x3  }
0x34: {  	[smem:$0x3FAE] =	sst s10  }
0x35: {  	s10 =	sld [smem:$0x3FAD];
	_ =	sdelay $0x3  }
0x36: {  	p1 =	seq.s32 s10, $0x1;
	s10 =	sld [smem:$0x3FAE];
	_ =	sdelay $0x3  }
0x37: {  	[smem:$0x3FAE] =	sst s10  }
0x38: {  	s10 =	sld [smem:$0x3FAF]  }
0x39: {  	_ = 	snop;
	(pc) =	sbr.ind lr, $3  }
0x3a: {  	_ = 	snop  }
0x3b: {  	_ = 	snop  }
0x3c: {  	p2 =	seq.s32 s10, $0x1;
	s10 =	sld [smem:$0x3FAE]  }
0x3d: {  	_ =	shalt  }
0x3e: {  	_ =	shalt  }
0x3f: {  	_ =	shalt  }
0x40: {  	_ =	shalt  }
0x41: {  	_ =	shalt  }
0x42: {  	_ =	shalt  }
0x43: {  	_ =	shalt  }
0x44: {  	_ =	shalt  }
0x45: {  	_ =	shalt  }
0x46: {  	_ =	shalt  }
0x47: {  	_ =	shalt  }
0x48: {  	_ =	shalt  }
0x49: {  	_ =	shalt  }
0x4a: {  	_ =	shalt  }
0x4b: {  	_ =	shalt  }
0x4c: {  	_ =	shalt  }
0x4d: {  	_ =	shalt  }
0x4e: {  	_ =	shalt  }
0x4f: {  	_ =	shalt  }
0x50: {  	_ =	shalt  }
0x51: {  	_ =	shalt  }
0x52: {  	_ =	shalt  }
0x53: {  	_ =	shalt  }
0x54: {  	_ =	shalt  }
0x55: {  	_ =	shalt  }
0x56: {  	_ =	shalt  }
0x57: {  	_ =	shalt  }
0x58: {  	_ =	shalt  }
0x59: {  	_ =	shalt  }
0x5a: {  	_ =	shalt  }
0x5b: {  	_ =	shalt  }
0x5c: {  	_ =	shalt  }
0x5d: {  	_ =	shalt  }
0x5e: {  	_ =	shalt  }
0x5f: {  	_ =	shalt  }
0x60: {  	_ =	shalt  }
0x61: {  	_ =	shalt  }
0x62: {  	_ =	shalt  }
0x63: {  	_ =	shalt  }
0x64: {  	_ =	shalt  }
0x65: {  	_ =	shalt  }
0x66: {  	_ =	shalt  }
0x67: {  	_ =	shalt  }
0x68: {  	_ =	shalt  }
0x69: {  	_ =	shalt  }
0x6a: {  	_ =	shalt  }
0x6b: {  	_ =	shalt  }
0x6c: {  	_ =	shalt  }
0x6d: {  	_ =	shalt  }
0x6e: {  	_ =	shalt  }
0x6f: {  	_ =	shalt  }
0x70: {  	_ =	shalt  }
0x71: {  	_ =	shalt  }
0x72: {  	_ =	shalt  }
0x73: {  	_ =	shalt  }
0x74: {  	_ =	shalt  }
0x75: {  	_ =	shalt  }
0x76: {  	_ =	shalt  }
0x77: {  	_ =	shalt  }
0x78: {  	_ =	shalt  }
0x79: {  	_ =	shalt  }
0x7a: {  	_ =	shalt  }
0x7b: {  	_ =	shalt  }
0x7c: {  	_ =	shalt  }
0x7d: {  	_ =	shalt  }
0x7e: {  	_ =	shalt  }
0x7f: {  	_ =	shalt  }
0x80: {  	_ =	shalt  }
0x81: {  	_ =	shalt  }
0x82: {  	_ =	shalt  }
0x83: {  	_ =	shalt  }
0x84: {  	_ =	shalt  }
0x85: {  	_ =	shalt  }
0x86: {  	_ =	shalt  }
0x87: {  	_ =	shalt  }
.Lfunc_end0:
.L_simem_size_0:
called_computation.2_lowered:
.L_overlay_start_0:
0x88: {  	s2 =	sld [smem:$0x3FD9]  }
0x89: {  	s3 =	sld [smem:$0x3FFE];
	_ =	sdelay $0x1  }
0x8a: {  	s1 =	srdreg.scid  }
0x8b: {  	s0 =	sand.u32 $0x1, s1  }
0x8c: {  	s16 =	sshll.u32 s0, $0xA;
	s2 =	sadd.s32 s3, s2  }
0x8d: {  	s2 =	sadd.s32 s2, s16  }
0x8e: {  	[smem:$0x3FBA] =	sst s2  }
0x8f: {  	_ = 	snop  }
0x90: {  	(tm) =	ssettm $0x1  }
0x91: {  	s17 =	sld [smem:$0x3FFB];
	_ =	sdelay $0x3  }
0x92: {  	_ =	strace s17  }
0x93: {  	s2 =	sld [smem:$0x3FFC];
	_ =	sdelay $0x3  }
0x94: {  	_ =	strace s2  }
0x95: {  	s2 =	sld [smem:$0x3FFD];
	_ =	sdelay $0x3  }
0x96: {  	_ =	strace s2  }
0x97: {  	_ =	strace $0x8FFFFFFF  }
0x98: {  	s18 =	sld [smem:$0x3FDB];
	_ =	sdelay $0x1  }
0x99: {  	s19 =	simm.s32 $_scs_section_size  }
0x9a: {  	s4 =	simm.s32 $_size__tile_overlayer_lowered;
	s5 =	simm.s32 $_tile_overlayer_lowered  }
0x9b: {  	s22 =	simm.s32 $0x1BFF;
	s21 =	sshll.u32 s5, $0x1;
	s2 =	sadd.s32 s19, s18  }
0x9c: {  	s6 =	simm.s32 $0x0;
	s20 =	sshll.u32 s4, $0x1;
	s4 =	sadd.s32 s21, s2  }
0x9d: {  	[timem:s6], [sflag:s22] =	dma.local [hbm:s4], s20  }
0x9e: {  	_ =	swait.ge [sflag:s22], s20  }
0x9f: {  	s3 =	ssub.s32 $0x0, s20;
	[sflag:s22] =	ssyncset.done $0x0  }
0xa0: {  	[sflag:s22] =	ssyncadd.s32 s3;
	_ =	sdelay $0x1  }
0xa1: {  	s23 =	simm.s32 $0x1B8B  }
0xa2: {  	_ =	swait.ge [sflag:s23], $0x1  }
0xa3: {  	[sflag:s23] =	ssyncset.done $0x0  }
0xa4: {  	s25 =	simm.s32 $0x1B8E;
	s24 =	sld [smem:$0x3FFE];
	[sflag:s23] =	ssyncadd.s32 $0xFFFFFFFF  }
0xa5: {  	s26 =	simm.s32 $execute0_lowered;
	[smem:$0x3FD2] =	sst s25  }
0xa6: {  	s4 =	sshll.u32 s26, $0x1;
	_ =	strace $0x8000004C;
	[dreg:$0x1] =	wrdreg $0xFFFFFFFF  }
0xa7: {  	s28 =	simm.s32 $_size_execute0_lowered;
	s2 =	sadd.s32 s2, s4;
	[dreg:$0x0] =	wrdreg $0x0  }
0xa8: {  	s4 =	sshll.u32 s28, $0x1;
	[dreg:$0x2] =	wrdreg s2  }
0xa9: {  	[dreg:$0x3] =	wrdreg s4  }
0xaa: {  	[dreg:$0x4] =	wrdreg $0xC0  }
0xab: {  	_ =	task [dreg:s6], $0x5FFFF  }
0xac: {  	[dreg:$0x1] =	wrdreg $0xFFFFFFFF  }
0xad: {  	[dreg:$0x0] =	wrdreg $0x60  }
0xae: {  	[dreg:$0x2] =	wrdreg s24  }
0xaf: {  	[dreg:$0x3] =	wrdreg $0x51800  }
0xb0: {  	[dreg:$0x4] =	wrdreg $0x9  }
0xb1: {  	_ =	task.clear_ibuf [dreg:s6], $0x5FFFF;
	_ =	strace $0x9000004C  }
0xb2: {  	s29 =	simm.s32 $0x9;
	_ =	strace $0x8000004E  }
0xb3: {  	_ =	swait.ge [sflag:s29], $0x1  }
0xb4: {  	[sflag:s29] =	ssyncadd.s32 $0xFFFFFFFF  }
0xb5: {  	_ =	strace $0x9000004E  }
0xb6: {  	_ =	sfence  }
0xb7: {  	s30 =	sld [smem:$0x0];
	_ =	sdelay $0x2  }
0xb8: {  	s31 =	sshll.u32 s1, $0xD;
	s1 =	sshrl.u32 s1, $0x2  }
0xb9: {  	s3 =	sand.u32 $0x4000, s31;
	s1 =	sadd.s32 s1, s30  }
0xba: {  	s0 =	sor.u32 s3, s0;
	s1 =	sshll.u32 s1, $0x11  }
0xbb: {  	s0 =	sor.u32 s1, s0  }
0xbc: {  	s0 =	sadd.s32 $0x8F2B, s0  }
0xbd: {  	[sflag:s0] =	ssyncadd.remote.s32 $0x1  }
0xbe: {  	_ =	sfence.sel $0xFFFF  }
0xbf: {  	[dreg:$0x0] =	wrdreg $0xFFFFFFFF;
	(pc) =	sbr.abs _section_cstart, $3  }
0xc0: {  	[dreg:$0x1] =	wrdreg $0xFFFFFFFF  }
0xc1: {  	_ =	task.clear_ibuf [dreg:s6], $0x2FFFF;
	_ =	strace $0x9FFFFFFF  }
0xc2: {  	(tm) =	ssettm $0x7FFFFFFF  }
0xc3: {  	_ =	shalt  }
tec
execute0_lowered:
.L_overlay_start_1:
0x0: {  	(tag) =	ssettag $0x1  }
0x1: {  	s0 =	rddreg [dreg:$0x0]  }
0x2: {  	s1 =	rddreg [dreg:$0x1];
	s14 =	simm.s32 $0x0;
	s2 =	srdreg.scid  }
0x3: {  	s15 =	stileid.u32;
	[smem:$0x7FF] =	sst s14;
	s4 =	sadd.s32 $0x20E800, s0  }
0x4: {  	s2 =	sand.u32 $0x1, s2;
	s6 =	sadd.s32 $0x2000, s0;
	s3 =	smul.u32 $0x6B000, s15  }
0x5: {  	s7 =	sadd.s32 $0x66000, s0;
	s8 =	sadd.s32 $0x66800, s0;
	s19 =	sshll.u32 s15, $0x6  }
0x6: {  	s22 =	sadd.s32 $0x67000, s0;
	_ =	strace $0x8000004D;
	[dreg:$0x4] =	wrdreg s2  }
0x7: {  	s20 =	smul.u32 $0x6A000, s15;
	s23 =	sadd.s32 $0x67800, s0;
	[dreg:$0x6] =	wrdreg s22  }
0x8: {  	s17 =	smul.u32 $0x350, s15;
	s24 =	sadd.s32 $0x68000, s0;
	[dreg:$0x7] =	wrdreg s23  }
0x9: {  	s26 =	sadd.s32 $0x68800, s0;
	s0 =	sadd.s32 $0x69000, s0;
	[dreg:$0x8] =	wrdreg s24  }
0xa: {  	s2 =	ssub.s32 $0x2, s2;
	s10 =	sor.u32 $0x1C02, s19;
	[dreg:$0xa] =	wrdreg s26  }
0xb: {  	v0 =	vimm.s32 $0xEDCBA987;
	[dreg:$0xb] =	wrdreg s0;
	s5 =	sshrl.u32 s2, $0x1;
	s3 =	sshrl.u32 s3, $0x2  }
0xc: {  	v1 =	vimm.s32 $0x65432100;
	v0 =	vunpack.c.l.s4.s8 v0;
	[dreg:$0x5] =	wrdreg s17;
	s25 =	sadd.s32 $0x300, s17;
	s2 =	ssub.s32 s2, s5  }
0xd: {  	v3 =	vimm.s32 $0xDCBA9876;
	v1 =	vunpack.c.l.s4.s8 v1;
	s16 =	sadd.s32 s3, s1;
	s3 =	sshrl.u32 s20, $0x2;
	[dreg:$0x9] =	wrdreg s25  }
0xe: {  	v4 =	vimm.s32 $0x54321000;
	v5 =	vimm.s32 $0xBA987654;
	v2 =	vunpack.c.0.s8.s32 v0;
	s21 =	sadd.s32 $0x4000, s16;
	s9 =	sadd.s32 $0x8000, s16;
	s11 =	sadd.s32 $0xC000, s16  }
0xf: {  	vm0 =	vmmov $0x3;
	vm2 =	vcmask $0x3F30;
	v1 =	vunpack.c.0.s8.s32 v1;
	s12 =	sadd.s32 $0x10000, s16;
	s13 =	sadd.s32 $0x14000, s16;
	s18 =	sadd.s32 s3, s1  }
0x10: {  	vm1 =	vmmov $0xf;
	v3 =	vunpack.c.l.s4.s8 v3;
	v2 =	vand.u32 $0xF, v2;
	s3 =	sshll.u32 s25, $0x7;
	s2 =	smax.u32 s2, $0x1;
	s22 =	smov.u32 s16  }
0x11: {  	v5 =	vunpack.c.l.s4.s8 v5;
	v1 =	vcombine.low v1, v2;
	v2 =	vunpack.c.l.s4.s8 v4;
	s0 =	sadd.s32 s3, s1;
	[dreg:$0xc] =	wrdreg s2;
	s5 =	sshrl.u32 s21, $0x3  }
0x12: {  	v0 =	vimm.s32 $0x0;
	v3 =	vunpack.c.0.s8.s32 v3;
	v4 =	vimm.s32 $0xE40000;
	s9 =	sshrl.u32 s9, $0x3;
	s11 =	sshrl.u32 s11, $0x3;
	s12 =	sshrl.u32 s12, $0x3  }
0x13: {  	s24 =	sshrl.u32 s13, $0x3;
	s13 =	sadd.s32 $0x18000, s16;
	s16 =	sadd.s32 $0x4000, s18;
	v4 =	vunpack.c.l.s2.s4 v4;
	v6 =	vunpack.c.0.s8.s32 v2;
	v2 =	vimm.s32 $0x32100000  }
0x14: {  	v5 =	vunpack.c.0.s8.s32 v5;
	v3 =	vand.u32 $0xF, v3;
	s17 =	sadd.s32 $0x8000, s18;
	s19 =	sadd.s32 $0xC000, s18;
	[dreg:$0xd] =	wrdreg s5;
	v7 =	vunpack.c.l.s4.s8 v2  }
0x15: {  	s20 =	sadd.s32 $0x10000, s18;
	s23 =	smov.u32 s18;
	[dreg:$0xe] =	wrdreg s9;
	v4 =	vunpack.c.l.s4.s8 v4;
	v2 =	vlaneseq.u32;
	v3 =	vcombine.low v6, v3  }
0x16: {  	s21 =	sadd.s32 $0x14000, s18;
	s3 =	smul.u32 $0x32, s15;
	[dreg:$0xf] =	wrdreg s11;
	v9 =	vor.u32 $0x20, v2;
	v10 =	vor.u32 $0x30, v2;
	v11 =	vor.u32 $0x40, v2  }
.Ltmp0:
0x17: {  	s2 =	simm.s32 $0x80;
	[dreg:$0x10] =	wrdreg s12;
	v12 =	vor.u32 $0x50, v2;
	v13 =	vor.u32 $0x60, v2;
	v14 =	vor.u32 $0x70, v2;
	(pc) =	sbr.rel .LBB2_1-.Ltmp0, $4  }
0x18: {  	s25 =	sshrl.u32 s13, $0x3;
	s26 =	sshrl.u32 s16, $0x3;
	s28 =	sshrl.u32 s17, $0x3;
	v6 =	vunpack.c.0.s8.s32 v7;
	v7 =	vimm.s32 $0x7060504;
	v8 =	vunpack.c.0.s8.s32 v4  }
0x19: {  	s29 =	sshrl.u32 s19, $0x3;
	s30 =	sshrl.u32 s20, $0x3;
	s31 =	sshrl.u32 s21, $0x3;
	v4 =	vand.u32 $0xF, v5;
	v5 =	vunpack.c.0.s8.s32 v7;
	v7 =	vadd.s32 $0x1, v2  }
0x1a: {  	s0 =	sshrl.u32 s0, $0x3;
	s19 =	simm.s32 $0x2;
	s5 =	simm.s32 $0x1080;
	v4 =	vcombine.low v6, v4;
	v6 =	vand.u32 $0x3, v8;
	v8 =	vor.u32 $0x10, v2  }
0x1b: {  	s9 =	simm.s32 $0x1180;
	s11 =	simm.s32 $0x1;
	s13 =	simm.s32 $0x1100;
	v5 =	vsel vm2, v5, v6;
	vm2 =	vmmov $0xff;
	v6 =	vimm.s32 $0x7  }
.LBB2_11:
0x1c: {  	s14 =	rddreg [dreg:$0x3]  }
0x1d: {  	s12 =	rddreg [dreg:$0xc];
	s14 =	sadd.s32 $0x1, s14  }
0x1e: {  	p0 =	sne.s32 s14, s12  }
.Ltmp1:
0x1f: {  	_ = 	snop;
	(pc) =	sbr.rel @!p0 .LBB2_12-.Ltmp1, $1  }
0x20: {  	_ =	sdelay $0x3  }
.LBB2_1:
.Ltmp2:
0x21: {  	(pc) =	sbr.rel .LBB2_2-.Ltmp2, $2  }
0x22: {  	_ =	sdelay $0x2  }
0x23: {  	[dreg:$0x3] =	wrdreg s14;
	s12 =	simm.s32 $0x0  }
.LBB2_10:
0x24: {  	s15 =	rddreg [dreg:$0x5]  }
0x25: {  	s15 =	sadd.s32 s15, s14  }
0x26: {  	s15 =	sshll.u32 s15, $0x4  }
0x27: {  	[bflag:$0x0] =	sbarrier.arrive $0xFFFF;
	s17 =	sshrl.u32 s23, $0x3;
	s16 =	sadd.s32 s8, s15  }
0x28: {  	[hbm:s16], [sflag:s10] =	dma.local [spmem:s17], $0x800  }
0x29: {  	_ =	swait.ge [sflag:s19], $0x800  }
0x2a: {  	[sflag:s19] =	ssyncset.done $0x0;
	s18 =	rddreg [dreg:$0x6]  }
0x2b: {  	[sflag:s19] =	ssyncadd.s32 $0xFFFFF800;
	s16 =	sadd.s32 s15, s18  }
0x2c: {  	[hbm:s16], [sflag:s10] =	dma.local [spmem:s26], $0x800  }
0x2d: {  	_ =	swait.ge [sflag:s19], $0x800  }
0x2e: {  	[sflag:s19] =	ssyncset.done $0x0;
	s20 =	rddreg [dreg:$0x7]  }
0x2f: {  	[sflag:s19] =	ssyncadd.s32 $0xFFFFF800;
	s16 =	sadd.s32 s15, s20  }
0x30: {  	[hbm:s16], [sflag:s10] =	dma.local [spmem:s28], $0x800  }
0x31: {  	_ =	swait.ge [sflag:s19], $0x800  }
0x32: {  	[sflag:s19] =	ssyncset.done $0x0;
	s21 =	rddreg [dreg:$0x8]  }
0x33: {  	[sflag:s19] =	ssyncadd.s32 $0xFFFFF800;
	s16 =	sadd.s32 s15, s21  }
0x34: {  	[hbm:s16], [sflag:s10] =	dma.local [spmem:s29], $0x800  }
0x35: {  	_ =	swait.ge [sflag:s19], $0x800  }
0x36: {  	[sflag:s19] =	ssyncset.done $0x0;
	s17 =	rddreg [dreg:$0xa]  }
0x37: {  	[sflag:s19] =	ssyncadd.s32 $0xFFFFF800;
	s16 =	sadd.s32 s15, s17  }
0x38: {  	[hbm:s16], [sflag:s10] =	dma.local [spmem:s30], $0x800  }
0x39: {  	_ =	swait.ge [sflag:s19], $0x800  }
0x3a: {  	[sflag:s19] =	ssyncset.done $0x0;
	s18 =	rddreg [dreg:$0xb]  }
0x3b: {  	[sflag:s19] =	ssyncadd.s32 $0xFFFFF800;
	s15 =	sadd.s32 s15, s18  }
0x3c: {  	[hbm:s15], [sflag:s10] =	dma.local [spmem:s31], $0x800  }
0x3d: {  	_ =	swait.ge [sflag:s19], $0x800  }
0x3e: {  	s20 =	rddreg [dreg:$0x9]  }
0x3f: {  	s21 =	sadd.s32 s20, s14  }
0x40: {  	s12 =	sadd.s32 $0x1, s12;
	[sflag:s19] =	ssyncset.done $0x0;
	s14 =	sshll.u32 s21, $0x4  }
0x41: {  	p0 =	sne.s32 s12, $0x4;
	[sflag:s19] =	ssyncadd.s32 $0xFFFFF800;
	s14 =	sadd.s32 s8, s14  }
0x42: {  	[hbm:s14], [sflag:s10] =	dma.local [spmem:s0], $0x500  }
.Ltmp3:
0x43: {  	_ =	swait.ge [sflag:s19], $0x500;
	(pc) =	sbr.rel @!p0 .LBB2_11-.Ltmp3, $3  }
0x44: {  	[sflag:s19] =	ssyncset.done $0x0  }
0x45: {  	[sflag:s19] =	ssyncadd.s32 $0xFFFFFB00  }
0x46: {  	[bflag:$0x0] =	sbarrier.arrive $0xFFFF;
	_ =	sdelay $0x1  }
.LBB2_2:
0x47: {  	s14 =	sshrl.u32 s22, $0x3  }
0x48: {  	[spmem:s14], [sflag:s10] =	dma.local [hbm:s7], $0x800  }
0x49: {  	_ =	swait.ge [sflag:s19], $0x800  }
0x4a: {  	[sflag:s19] =	ssyncset.done $0x0  }
0x4b: {  	s16 =	rddreg [dreg:$0xd];
	[sflag:s19] =	ssyncadd.s32 $0xFFFFF800  }
0x4c: {  	[spmem:s16], [sflag:s10] =	dma.local [hbm:s7], $0x800  }
0x4d: {  	_ =	swait.ge [sflag:s19], $0x800  }
0x4e: {  	[sflag:s19] =	ssyncset.done $0x0  }
0x4f: {  	s17 =	rddreg [dreg:$0xe];
	[sflag:s19] =	ssyncadd.s32 $0xFFFFF800  }
0x50: {  	[spmem:s17], [sflag:s10] =	dma.local [hbm:s7], $0x800  }
0x51: {  	_ =	swait.ge [sflag:s19], $0x800  }
0x52: {  	[sflag:s19] =	ssyncset.done $0x0  }
0x53: {  	s18 =	rddreg [dreg:$0xf];
	[sflag:s19] =	ssyncadd.s32 $0xFFFFF800  }
0x54: {  	[spmem:s18], [sflag:s10] =	dma.local [hbm:s7], $0x800  }
0x55: {  	_ =	swait.ge [sflag:s19], $0x800  }
0x56: {  	[sflag:s19] =	ssyncset.done $0x0  }
0x57: {  	s20 =	rddreg [dreg:$0x10];
	[sflag:s19] =	ssyncadd.s32 $0xFFFFF800  }
0x58: {  	[spmem:s20], [sflag:s10] =	dma.local [hbm:s7], $0x800  }
0x59: {  	_ =	swait.ge [sflag:s19], $0x800  }
0x5a: {  	[sflag:s19] =	ssyncset.done $0x0  }
0x5b: {  	[sflag:s19] =	ssyncadd.s32 $0xFFFFF800  }
0x5c: {  	[spmem:s24], [sflag:s10] =	dma.local [hbm:s7], $0x800  }
0x5d: {  	_ =	swait.ge [sflag:s19], $0x800  }
0x5e: {  	[sflag:s19] =	ssyncset.done $0x0  }
0x5f: {  	[sflag:s19] =	ssyncadd.s32 $0xFFFFF800  }
0x60: {  	[spmem:s25], [sflag:s10] =	dma.local [hbm:s7], $0x580  }
0x61: {  	_ =	swait.ge [sflag:s19], $0x580  }
.Ltmp4:
0x62: {  	s21 =	sshll.u32 s12, $0x1;
	s15 =	rddreg [dreg:$0x4];
	(pc) =	sbr.rel .LBB2_3-.Ltmp4, $4  }
0x63: {  	[sflag:s19] =	ssyncset.done $0x0;
	s14 =	sor.u32 s15, s21  }
0x64: {  	[sflag:s19] =	ssyncadd.s32 $0xFFFFFA80;
	s14 =	smul.u32 $0x3500, s14  }
0x65: {  	[bflag:$0x0] =	sbarrier.arrive $0xFFFF  }
0x66: {  	s16 =	simm.s32 $0x0;
	s20 =	simm.s32 $0x0;
	s15 =	simm.s32 $0x0;
	v15 =	vmov s14  }
.LBB2_7:
0x67: {  	s16 =	sadd.s32 $0x1, s16  }
0x68: {  	p0 =	sne.s32 s16, $0x32  }
.Ltmp5:
0x69: {  	_ = 	snop;
	(pc) =	sbr.rel @!p0 .LBB2_8-.Ltmp5, $1  }
0x6a: {  	_ =	sdelay $0x3  }
.LBB2_3:
0x6b: {  	s17 =	sadd.s32 s3, s16  }
0x6c: {  	s17 =	sshll.u32 s17, $0x9  }
.Ltmp6:
0x6d: {  	s17 =	sadd.s32 s6, s17;
	(pc) =	sbr.rel .LBB2_4-.Ltmp6, $4  }
0x6e: {  	[tilespmem:s15], [sflag:$0x2] =	stream.linear.gather [hbm4b:s17+s15], $0x1000, $0x38;
	[tilespmem:$0x1FD80] =	vst v63  }
0x6f: {  	_ =	swait.ge [sflag:s19], $0x1000  }
0x70: {  	[sflag:s19] =	ssyncset.done $0x0  }
0x71: {  	s18 =	simm.s32 $0x0;
	s17 =	simm.s32 $0x0;
	[sflag:s19] =	ssyncadd.s32 $0xFFFFF000  }
.LBB2_6:
0x72: {  	s18 =	sadd.s32 $0x10, s18  }
0x73: {  	p0 =	sne.s32 s18, $0x800  }
.Ltmp7:
0x74: {  	_ = 	snop;
	(pc) =	sbr.rel @!p0 .LBB2_7-.Ltmp7, $2  }
0x75: {  	_ =	sdelay $0x2  }
0x76: {  	s17 =	sadd.s32 $0x10, s17  }
.LBB2_4:
0x77: {  	s21 =	sand.u32 $0x7F0, s18  }
0x78: {  	v16 =	vld [tilespmem:s21+$0x800];
	_ =	sdelay $0x4  }
0x79: {  	v16 =	vsub.s32 v16, v15  }
0x7a: {  	vm3 =	vlt.u32 v16, $0x3500  }
0x7b: {  	v17 =	vsel vm3, $0x1, v0  }
0x7c: {  	v18 =	vperm.xlane v17, v1  }
0x7d: {  	vm3 =	veq.s32 v2, $0x0  }
0x7e: {  	v18 =	vsel vm3, $0x0, v18  }
0x7f: {  	v17 =	vadd.s32 v17, v18  }
0x80: {  	v18 =	vperm.xlane v17, v3;
	_ =	sdelay $0x1  }
0x81: {  	v18 =	vsel vm0, $0x0, v18  }
0x82: {  	v17 =	vadd.s32 v18, v17  }
0x83: {  	v18 =	vperm.xlane v17, v4;
	_ =	sdelay $0x1  }
0x84: {  	v18 =	vsel vm1, $0x0, v18  }
0x85: {  	v17 =	vadd.s32 v18, v17  }
0x86: {  	v18 =	vperm.xlane v17, v5;
	_ =	sdelay $0x1  }
0x87: {  	v18 =	vsel vm2, $0x0, v18  }
0x88: {  	v17 =	vadd.s32 v18, v17  }
0x89: {  	v18 =	vperm.xlane v17, v6;
	_ =	sdelay $0x1  }
0x8a: {  	vm3 =	vlt.s32 v18, v7  }
0x8b: {  	v18 =	vsel vm3, $0x8, v0  }
0x8c: {  	v19 =	vor.u32 $0x3, v18  }
0x8d: {  	(v2sf) =	vpush v17, $0xF;
	v19 =	vperm.xlane v17, v19;
	_ =	sdelay $0x1  }
0x8e: {  	v20 =	vor.u32 $0x4, v18;
	vm3 =	vlt.s32 v19, v7  }
0x8f: {  	v18 =	vsel vm3, v20, v18  }
0x90: {  	v60 =	vor.u32 $0x1, v18  }
0x91: {  	v19 =	vperm.xlane v17, v60;
	_ =	sdelay $0x1  }
0x92: {  	v61 =	vld [tilespmem:s17+$0x0];
	v62 =	vor.u32 $0x2, v18;
	vm3 =	vlt.s32 v19, v7  }
0x93: {  	v18 =	vsel vm3, v62, v18  }
0x94: {  	v17 =	vperm.xlane v17, v18;
	_ =	sdelay $0x1  }
0x95: {  	vm3 =	vlt.s32 v17, v7  }
0x96: {  	v16 =	vand.u32 $0x3FFF, v16;
	v17 =	vshll.u32 v61, $0xE;
	v63 =	vsel vm3, $0x1, v0  }
0x97: {  	v16 =	vor.u32 v17, v16;
	v17 =	vor.u32 v63, v18  }
0x98: {  	v16 =	vperm.xlane v16, v17  }
0x99: {  	s21 =	spop (v2sf)  }
0x9a: {  	[tilespmem:s20+$0x1000] =	vst v16;
	s20 =	sadd.s32 s20, s21  }
0x9b: {  	p0 =	slt.s32 s20, $0x71  }
.Ltmp8:
0x9c: {  	_ = 	snop;
	(pc) =	sbr.rel @p0 .LBB2_6-.Ltmp8, $1  }
0x9d: {  	_ =	sdelay $0x3  }
0x9e: {  	v16 =	vld [tilespmem:$0x1000]  }
0x9f: {  	v17 =	vld [tilespmem:$0x1010];
	_ =	sdelay $0x1  }
0xa0: {  	v18 =	vld [tilespmem:$0x1020]  }
0xa1: {  	v19 =	vmov s20  }
0xa2: {  	v21 =	vld [tilespmem:$0x1030];
	vm3 =	vgt.s32 v19, v2;
	v20 =	vshrl.u32 v16, $0xE;
	v16 =	vand.u32 $0x3FFF, v16  }
0xa3: {  	v22 =	vshrl.u32 v17, $0xE;
	v20 =	vand.u32 $0x1FFFF, v20;
	v16 =	vnsel vm3, $0x3500, v16  }
0xa4: {  	v54 =	vld [tilespmem:$0x1040];
	v53 =	vand.u32 $0x1FFFF, v22;
	v20 =	vnsel vm3, $0x0, v20;
	vm3 =	vgt.s32 v19, v8;
	[tilespmem:$0x1100] =	vst v16  }
0xa5: {  	v17 =	vand.u32 $0x3FFF, v17;
	v55 =	vshrl.u32 v18, $0xE;
	[tilespmem:$0x1080] =	vst v20;
	v16 =	vnsel vm3, $0x0, v53  }
0xa6: {  	v56 =	vld [tilespmem:$0x1050];
	[tilespmem:$0x1090] =	vst v16;
	v16 =	vnsel vm3, $0x3500, v17;
	vm3 =	vgt.s32 v19, v9;
	v17 =	vand.u32 $0x1FFFF, v55  }
0xa7: {  	v57 =	vshrl.u32 v21, $0xE;
	[tilespmem:$0x1110] =	vst v16;
	v16 =	vnsel vm3, $0x0, v17;
	v17 =	vand.u32 $0x3FFF, v18  }
0xa8: {  	v58 =	vld [tilespmem:$0x1060];
	[tilespmem:$0x10A0] =	vst v16;
	v16 =	vnsel vm3, $0x3500, v17;
	vm3 =	vgt.s32 v19, v10;
	v17 =	vand.u32 $0x1FFFF, v57  }
0xa9: {  	v59 =	vshrl.u32 v54, $0xE;
	[tilespmem:$0x1120] =	vst v16;
	v16 =	vnsel vm3, $0x0, v17;
	v17 =	vand.u32 $0x3FFF, v21  }
0xaa: {  	v60 =	vld [tilespmem:$0x1070];
	[tilespmem:$0x10B0] =	vst v16;
	v16 =	vnsel vm3, $0x3500, v17;
	vm3 =	vgt.s32 v19, v11;
	v17 =	vand.u32 $0x1FFFF, v59  }
0xab: {  	v61 =	vshrl.u32 v56, $0xE;
	[tilespmem:$0x1130] =	vst v16;
	v16 =	vnsel vm3, $0x0, v17;
	v17 =	vand.u32 $0x3FFF, v54  }
0xac: {  	[tilespmem:$0x10C0] =	vst v16;
	v16 =	vnsel vm3, $0x3500, v17;
	vm3 =	vgt.s32 v19, v12;
	v17 =	vand.u32 $0x1FFFF, v61  }
0xad: {  	v62 =	vshrl.u32 v58, $0xE;
	[tilespmem:$0x1140] =	vst v16;
	v16 =	vnsel vm3, $0x0, v17;
	v17 =	vand.u32 $0x3FFF, v56  }
0xae: {  	[tilespmem:$0x10D0] =	vst v16;
	v16 =	vnsel vm3, $0x3500, v17;
	vm3 =	vgt.s32 v19, v13;
	v17 =	vand.u32 $0x1FFFF, v62  }
0xaf: {  	v63 =	vshrl.u32 v60, $0xE;
	[tilespmem:$0x1150] =	vst v16;
	v16 =	vnsel vm3, $0x0, v17;
	v17 =	vand.u32 $0x3FFF, v58  }
0xb0: {  	[tilespmem:$0x10E0] =	vst v16;
	v16 =	vnsel vm3, $0x3500, v17;
	vm3 =	vgt.s32 v19, v14;
	v17 =	vand.u32 $0x1FFFF, v63  }
0xb1: {  	[tilespmem:$0x1160] =	vst v16;
	v16 =	vnsel vm3, $0x0, v17;
	v17 =	vand.u32 $0x3FFF, v60  }
0xb2: {  	[tilespmem:$0x10F0] =	vst v16;
	v16 =	vnsel vm3, $0x3500, v17  }
0xb3: {  	[tilespmem:$0x1170] =	vst v16  }
0xb4: {  	[tilespmem:s9], [sflag:$0x1] =	stream.indirect.gather [hbm4b:s4+s2], $0x80, s5, s2, $0xb8;
	[tilespmem:$0x1FD80] =	vst v63  }
0xb5: {  	_ =	swait.ge [sflag:s11], $0x4000  }
0xb6: {  	[sflag:s11] =	ssyncset.done $0x0  }
.Ltmp9:
0xb7: {  	[sflag:s11] =	ssyncadd.s32 $0xFFFFC000;
	(pc) =	sbr.rel .LBB2_6-.Ltmp9, $4  }
0xb8: {  	[spmem:s1] =	stream.indirect.scatter.add.f32 [tilespmem:s9], [sflag:$0x2], $0x80, s13, s2, $0xb8;
	[tilespmem:$0x1FD80] =	vst v63  }
0xb9: {  	_ =	swait.ge [sflag:s19], $0x4000  }
0xba: {  	[sflag:s19] =	ssyncset.done $0x0  }
0xbb: {  	s20 =	simm.s32 $0x0;
	[sflag:s19] =	ssyncadd.s32 $0xFFFFC000  }
.LBB2_8:
0xbc: {  	p0 =	slt.s32 s20, $0x1  }
.Ltmp10:
0xbd: {  	_ = 	snop;
	(pc) =	sbr.rel @p0 .LBB2_10-.Ltmp10, $1  }
0xbe: {  	_ =	sdelay $0x3  }
0xbf: {  	v15 =	vld [tilespmem:$0x1000]  }
0xc0: {  	v16 =	vld [tilespmem:$0x1010];
	_ =	sdelay $0x1  }
0xc1: {  	v17 =	vld [tilespmem:$0x1020]  }
0xc2: {  	v18 =	vmov s20  }
0xc3: {  	v20 =	vld [tilespmem:$0x1030];
	vm3 =	vgt.s32 v18, v2;
	v19 =	vshrl.u32 v15, $0xE;
	v15 =	vand.u32 $0x3FFF, v15  }
0xc4: {  	v21 =	vshrl.u32 v16, $0xE;
	v19 =	vand.u32 $0x1FFFF, v19;
	v15 =	vnsel vm3, $0x3500, v15  }
0xc5: {  	v42 =	vld [tilespmem:$0x1040];
	v41 =	vand.u32 $0x1FFFF, v21;
	v19 =	vnsel vm3, $0x0, v19;
	vm3 =	vgt.s32 v18, v8;
	[tilespmem:$0x1100] =	vst v15  }
0xc6: {  	v16 =	vand.u32 $0x3FFF, v16;
	v43 =	vshrl.u32 v17, $0xE;
	[tilespmem:$0x1080] =	vst v19;
	v15 =	vnsel vm3, $0x0, v41  }
0xc7: {  	v45 =	vld [tilespmem:$0x1050];
	v44 =	vand.u32 $0x1FFFF, v43;
	[tilespmem:$0x1090] =	vst v15;
	v15 =	vnsel vm3, $0x3500, v16;
	vm3 =	vgt.s32 v18, v9  }
0xc8: {  	v46 =	vand.u32 $0x3FFF, v17;
	v47 =	vshrl.u32 v20, $0xE;
	[tilespmem:$0x1110] =	vst v15;
	v15 =	vnsel vm3, $0x0, v44  }
0xc9: {  	v49 =	vld [tilespmem:$0x1060];
	v48 =	vand.u32 $0x1FFFF, v47;
	[tilespmem:$0x10A0] =	vst v15;
	v15 =	vnsel vm3, $0x3500, v46;
	vm3 =	vgt.s32 v18, v10  }
0xca: {  	v50 =	vand.u32 $0x3FFF, v20;
	v51 =	vshrl.u32 v42, $0xE;
	[tilespmem:$0x1120] =	vst v15;
	v15 =	vnsel vm3, $0x0, v48  }
0xcb: {  	v53 =	vld [tilespmem:$0x1070];
	v52 =	vand.u32 $0x1FFFF, v51;
	[tilespmem:$0x10B0] =	vst v15;
	v15 =	vnsel vm3, $0x3500, v50;
	vm3 =	vgt.s32 v18, v11  }
0xcc: {  	v54 =	vand.u32 $0x3FFF, v42;
	v55 =	vshrl.u32 v45, $0xE;
	[tilespmem:$0x1130] =	vst v15;
	v15 =	vnsel vm3, $0x0, v52  }
0xcd: {  	v56 =	vand.u32 $0x1FFFF, v55;
	[tilespmem:$0x10C0] =	vst v15;
	v15 =	vnsel vm3, $0x3500, v54;
	vm3 =	vgt.s32 v18, v12  }
0xce: {  	v57 =	vand.u32 $0x3FFF, v45;
	v58 =	vshrl.u32 v49, $0xE;
	[tilespmem:$0x1140] =	vst v15;
	v15 =	vnsel vm3, $0x0, v56  }
0xcf: {  	v59 =	vand.u32 $0x1FFFF, v58;
	[tilespmem:$0x10D0] =	vst v15;
	v15 =	vnsel vm3, $0x3500, v57;
	vm3 =	vgt.s32 v18, v13  }
0xd0: {  	v60 =	vand.u32 $0x3FFF, v49;
	v61 =	vshrl.u32 v53, $0xE;
	[tilespmem:$0x1150] =	vst v15;
	v15 =	vnsel vm3, $0x0, v59  }
0xd1: {  	v62 =	vand.u32 $0x1FFFF, v61;
	[tilespmem:$0x10E0] =	vst v15;
	v15 =	vnsel vm3, $0x3500, v60;
	vm3 =	vgt.s32 v18, v14  }
0xd2: {  	v63 =	vand.u32 $0x3FFF, v53;
	[tilespmem:$0x1160] =	vst v15;
	v15 =	vnsel vm3, $0x0, v62  }
0xd3: {  	[tilespmem:$0x10F0] =	vst v15;
	v15 =	vnsel vm3, $0x3500, v63  }
0xd4: {  	[tilespmem:$0x1170] =	vst v15  }
0xd5: {  	[tilespmem:s9], [sflag:$0x1] =	stream.indirect.gather [hbm4b:s4+s2], $0x80, s5, s2, $0xb8;
	[tilespmem:$0x1FD80] =	vst v63  }
0xd6: {  	_ =	swait.ge [sflag:s11], $0x4000  }
0xd7: {  	[sflag:s11] =	ssyncset.done $0x0  }
.Ltmp11:
0xd8: {  	[sflag:s11] =	ssyncadd.s32 $0xFFFFC000;
	(pc) =	sbr.rel .LBB2_10-.Ltmp11, $4  }
0xd9: {  	[spmem:s1] =	stream.indirect.scatter.add.f32 [tilespmem:s9], [sflag:$0x2], $0x80, s13, s2, $0xb8;
	[tilespmem:$0x1FD80] =	vst v63  }
0xda: {  	_ =	swait.ge [sflag:s19], $0x4000  }
0xdb: {  	[sflag:s19] =	ssyncset.done $0x0  }
0xdc: {  	[sflag:s19] =	ssyncadd.s32 $0xFFFFC000  }
.LBB2_12:
0xdd: {  	_ =	sfence.sel $0x180000  }
0xde: {  	[bflag:$0x0] =	sbarrier.arrive $0xFFFF  }
0xdf: {  	_ =	strace $0x9000004D  }
0xe0: {  	s0 =	stileid.u32;
	[bflag:$0x2] =	sbarrier.arrive $0xFFFF  }
0xe1: {  	p0 =	sne.s32 s0, $0x0;
	s0 =	rddreg [dreg:$0x2]  }
0xe2: {  	s0 =	sadd.s32 @!p0 $0x100000, s0  }
0xe3: {  	[sflag:s0] =	ssyncadd.tile.s32 @!p0 $0x1;
	_ =	shalt  }
.Lfunc_end2:
_tile_overlayer_lowered:
.L_overlay_start_2:
0xe4: {  	(tag) =	ssettag $0x2  }
0xe5: {  	s0 =	rddreg [dreg:$0x0];
	s2 =	stileid.u32  }
0xe6: {  	s1 =	rddreg [dreg:$0x1];
	p0 =	sne.s32 s2, $0x0  }
0xe7: {  	s3 =	rddreg [dreg:$0x2];
	[bflag:$0x3] =	sbarrier.arrive $0xFFFF;
	s2 =	simm.s32 @!p0 $0x1C02  }
0xe8: {  	[timem:s3], [sflag:s2] =	dma.local @!p0 [hbm:s0], s1  }
0xe9: {  	s0 =	simm.s32 @!p0 $0x2  }
0xea: {  	_ =	swait.ge @!p0 [sflag:s0], s1  }
0xeb: {  	s1 =	ssub.s32 @!p0 $0x0, s1;
	[sflag:s0] =	ssyncset.done @!p0 $0x0  }
0xec: {  	[sflag:s0] =	ssyncadd.s32 @!p0 s1  }
0xed: {  	[bflag:$0x3] =	sbarrier.arrive $0xFFFF  }
0xee: {  	_ =	shalt  }

// kernel: kernel.8.cloned.1.call-start
scs
__scs_entry_jumppad:
0x0: {  	(pc) =	sbr.rel $0x88, $3  }
0x1: {  	(tag) =	ssettag $0x0;
	lr =	simm.s32 $0x1  }
0x2: {  	[smem:$0x3F93] =	sst lr;
	_ =	strace $0xD0000000  }
0x3: {  	_ = 	snop  }
0x4: {  	_ = 	snop  }
0x5: {  	_ = 	snop  }
0x6: {  	_ = 	snop  }
0x7: {  	_ = 	snop  }
__scs_overlays_trampoline_lowered:
0x8: {  	[smem:$0x3FA2] =	sst s0  }
0x9: {  	[smem:$0x3FA3] =	sst s1  }
0xa: {  	[smem:$0x3FA4] =	sst s2  }
0xb: {  	[smem:$0x3FA5] =	sst s3  }
0xc: {  	[smem:$0x3FA6] =	sst s4  }
0xd: {  	[smem:$0x3FA7] =	sst s5  }
0xe: {  	[smem:$0x3FA8] =	sst s6  }
0xf: {  	[smem:$0x3FA9] =	sst s7  }
0x10: {  	[smem:$0x3FAA] =	sst s8  }
0x11: {  	[smem:$0x3FAB] =	sst s9;
	s0 =	simm.s32 @!p0 $0x0  }
0x12: {  	s1 =	sld [smem:$0x3F91];
	s0 =	simm.s32 @p0 $0x1  }
0x13: {  	[smem:$0x3FAC] =	sst s0;
	s0 =	simm.s32 @!p1 $0x0  }
0x14: {  	s2 =	sld [smem:$0x3F90];
	s0 =	simm.s32 @p1 $0x1  }
0x15: {  	[smem:$0x3FAD] =	sst s0;
	s0 =	simm.s32 @!p2 $0x0  }
0x16: {  	s3 =	sld [smem:$0x3FDB];
	s0 =	simm.s32 @p2 $0x1  }
0x17: {  	s4 =	simm.s32 $0x1BF5;
	[smem:$0x3FAF] =	sst s0  }
0x18: {  	s0 =	sld [smem:$0x3F92];
	_ =	swait.ge [sflag:s4], $0x0  }
0x19: {  	s7 =	sld [smem:$0x3F93]  }
0x1a: {  	s8 =	sadd.s32 $0xFFFFE003, lr  }
0x1b: {  	s9 =	sadd.s32 $0xFFFFFEF7, lr;
	s5 =	simm.s32 $0xFFFFFFFF;
	p2 =	slt.u32 s8, $0xFFFFF086  }
0x1c: {  	p1 =	slt.u32 s9, $0xF7A;
	s5 =	simm.s32 @!p2 $0x0  }
0x1d: {  	s5 =	simm.s32 @p1 $0x1;
	p0 =	seq.s32 s7, s2  }
0x1e: {  	s7 =	smul.u32 @!p0 $0xF7A, s2;
	p2 =	seq.s32 @!p0 s5, $0x0  }
0x1f: {  	s9 =	smul.u32 $0xF7A, s1;
	s8 =	simm.s32 @!p0 $0x1BF5;
	p2 =	por !p2, p0  }
0x20: {  	[sflag:s8] =	ssyncset.s32 @!p0 $0xFFFFF086;
	s6 =	sadd.s32 @!p0 s3, s7;
	s7 =	simm.s32 @!p0 $0x108  }
0x21: {  	s3 =	sadd.s32 s3, s9;
	s6 =	sadd.s32 @!p0 $0x88, s6;
	s7 =	simm.s32 @p2 $0x1082  }
0x22: {  	[simem:s7], [sflag:s8] =	dma.local @!p0 [hbm:s6], $0xF7A  }
0x23: {  	s9 =	sor.u32 $0xD0000000, s2;
	s6 =	simm.s32 $0x108;
	_ =	swait.ge @!p0 [sflag:s8], $0x0  }
0x24: {  	s3 =	sadd.s32 $0x88, s3;
	s6 =	simm.s32 @!p1 $0x1082;
	[sflag:s4] =	ssyncset.s32 $0xFFFFF086  }
0x25: {  	[simem:s6], [sflag:s4] =	dma.local [hbm:s3], $0xF7A  }
0x26: {  	[smem:$0x3F93] =	sst s1;
	(tag) =	ssettag s2;
	_ =	strace s9  }
0x27: {  	s1 =	sld [smem:$0x3FA3]  }
0x28: {  	s2 =	sld [smem:$0x3FA4]  }
0x29: {  	s4 =	sld [smem:$0x3FA6]  }
0x2a: {  	p0 =	seq.s32 s5, $0x0;
	s5 =	sld [smem:$0x3FA7]  }
0x2b: {  	s6 =	sld [smem:$0x3FA8]  }
0x2c: {  	s7 =	sld [smem:$0x3FA9]  }
0x2d: {  	s3 =	simm.s32 $0x108;
	s8 =	sld [smem:$0x3FAA]  }
0x2e: {  	s3 =	simm.s32 @!p0 $0x1082;
	s9 =	sld [smem:$0x3FAB]  }
0x2f: {  	lr =	sadd.s32 s0, s3;
	s0 =	sld [smem:$0x3FA2]  }
0x30: {  	s3 =	sld [smem:$0x3FA5]  }
0x31: {  	[smem:$0x3FAE] =	sst s10  }
0x32: {  	s10 =	sld [smem:$0x3FAC];
	_ =	sdelay $0x3  }
0x33: {  	p0 =	seq.s32 s10, $0x1;
	s10 =	sld [smem:$0x3FAE];
	_ =	sdelay $0x3  }
0x34: {  	[smem:$0x3FAE] =	sst s10  }
0x35: {  	s10 =	sld [smem:$0x3FAD];
	_ =	sdelay $0x3  }
0x36: {  	p1 =	seq.s32 s10, $0x1;
	s10 =	sld [smem:$0x3FAE];
	_ =	sdelay $0x3  }
0x37: {  	[smem:$0x3FAE] =	sst s10  }
0x38: {  	s10 =	sld [smem:$0x3FAF]  }
0x39: {  	_ = 	snop;
	(pc) =	sbr.ind lr, $3  }
0x3a: {  	_ = 	snop  }
0x3b: {  	_ = 	snop  }
0x3c: {  	p2 =	seq.s32 s10, $0x1;
	s10 =	sld [smem:$0x3FAE]  }
0x3d: {  	_ =	shalt  }
0x3e: {  	_ =	shalt  }
0x3f: {  	_ =	shalt  }
0x40: {  	_ =	shalt  }
0x41: {  	_ =	shalt  }
0x42: {  	_ =	shalt  }
0x43: {  	_ =	shalt  }
0x44: {  	_ =	shalt  }
0x45: {  	_ =	shalt  }
0x46: {  	_ =	shalt  }
0x47: {  	_ =	shalt  }
0x48: {  	_ =	shalt  }
0x49: {  	_ =	shalt  }
0x4a: {  	_ =	shalt  }
0x4b: {  	_ =	shalt  }
0x4c: {  	_ =	shalt  }
0x4d: {  	_ =	shalt  }
0x4e: {  	_ =	shalt  }
0x4f: {  	_ =	shalt  }
0x50: {  	_ =	shalt  }
0x51: {  	_ =	shalt  }
0x52: {  	_ =	shalt  }
0x53: {  	_ =	shalt  }
0x54: {  	_ =	shalt  }
0x55: {  	_ =	shalt  }
0x56: {  	_ =	shalt  }
0x57: {  	_ =	shalt  }
0x58: {  	_ =	shalt  }
0x59: {  	_ =	shalt  }
0x5a: {  	_ =	shalt  }
0x5b: {  	_ =	shalt  }
0x5c: {  	_ =	shalt  }
0x5d: {  	_ =	shalt  }
0x5e: {  	_ =	shalt  }
0x5f: {  	_ =	shalt  }
0x60: {  	_ =	shalt  }
0x61: {  	_ =	shalt  }
0x62: {  	_ =	shalt  }
0x63: {  	_ =	shalt  }
0x64: {  	_ =	shalt  }
0x65: {  	_ =	shalt  }
0x66: {  	_ =	shalt  }
0x67: {  	_ =	shalt  }
0x68: {  	_ =	shalt  }
0x69: {  	_ =	shalt  }
0x6a: {  	_ =	shalt  }
0x6b: {  	_ =	shalt  }
0x6c: {  	_ =	shalt  }
0x6d: {  	_ =	shalt  }
0x6e: {  	_ =	shalt  }
0x6f: {  	_ =	shalt  }
0x70: {  	_ =	shalt  }
0x71: {  	_ =	shalt  }
0x72: {  	_ =	shalt  }
0x73: {  	_ =	shalt  }
0x74: {  	_ =	shalt  }
0x75: {  	_ =	shalt  }
0x76: {  	_ =	shalt  }
0x77: {  	_ =	shalt  }
0x78: {  	_ =	shalt  }
0x79: {  	_ =	shalt  }
0x7a: {  	_ =	shalt  }
0x7b: {  	_ =	shalt  }
0x7c: {  	_ =	shalt  }
0x7d: {  	_ =	shalt  }
0x7e: {  	_ =	shalt  }
0x7f: {  	_ =	shalt  }
0x80: {  	_ =	shalt  }
0x81: {  	_ =	shalt  }
0x82: {  	_ =	shalt  }
0x83: {  	_ =	shalt  }
0x84: {  	_ =	shalt  }
0x85: {  	_ =	shalt  }
0x86: {  	_ =	shalt  }
0x87: {  	_ =	shalt  }
.Lfunc_end0:
.L_simem_size_0:
called_computation_lowered:
.L_overlay_start_0:
0x88: {  	s2 =	sld [smem:$0x3FD9]  }
0x89: {  	s3 =	sld [smem:$0x3FFE];
	_ =	sdelay $0x1  }
0x8a: {  	s1 =	srdreg.scid  }
0x8b: {  	s0 =	sand.u32 $0x1, s1  }
0x8c: {  	s17 =	sshll.u32 s0, $0xA;
	s2 =	sadd.s32 s3, s2  }
0x8d: {  	s2 =	sadd.s32 s2, s17  }
0x8e: {  	[smem:$0x3FBA] =	sst s2  }
0x8f: {  	_ = 	snop  }
0x90: {  	s2 =	sld [smem:$0x3FD0];
	(tm) =	ssettm $0x1  }
0x91: {  	s18 =	sld [smem:$0x3FFB];
	_ =	sdelay $0x3  }
0x92: {  	_ =	strace s18  }
0x93: {  	s3 =	sld [smem:$0x3FFC];
	_ =	sdelay $0x3  }
0x94: {  	_ =	strace s3  }
0x95: {  	s3 =	sld [smem:$0x3FFD];
	_ =	sdelay $0x3  }
0x96: {  	_ =	strace s3  }
0x97: {  	_ =	strace $0x8FFFFFFF  }
0x98: {  	s19 =	sld [smem:$0x3FDB];
	_ =	sdelay $0x1  }
0x99: {  	s4 =	simm.s32 $_scs_section_size  }
0x9a: {  	s5 =	simm.s32 $_size__tile_overlayer_lowered;
	s6 =	simm.s32 $_tile_overlayer_lowered  }
0x9b: {  	s22 =	simm.s32 $0x1BFF;
	s21 =	sshll.u32 s6, $0x1;
	s3 =	sadd.s32 s4, s19  }
0x9c: {  	s7 =	simm.s32 $0x0;
	s20 =	sshll.u32 s5, $0x1;
	s5 =	sadd.s32 s21, s3  }
0x9d: {  	[timem:s7], [sflag:s22] =	dma.local [hbm:s5], s20  }
0x9e: {  	_ =	swait.ge [sflag:s22], s20  }
0x9f: {  	s4 =	ssub.s32 $0x0, s20;
	[sflag:s22] =	ssyncset.done $0x0  }
0xa0: {  	[sflag:s22] =	ssyncadd.s32 s4;
	_ =	sdelay $0x1  }
0xa1: {  	s23 =	simm.s32 $0x1B8B  }
0xa2: {  	_ =	swait.ge [sflag:s23], $0x1  }
0xa3: {  	[sflag:s23] =	ssyncset.done $0x0  }
0xa4: {  	s25 =	simm.s32 $0x1B8E;
	s24 =	sld [smem:$0x3FFE];
	[sflag:s23] =	ssyncadd.s32 $0xFFFFFFFF  }
0xa5: {  	s26 =	simm.s32 $execute0_lowered;
	[smem:$0x3FD2] =	sst s25  }
0xa6: {  	s5 =	sshll.u32 s26, $0x1;
	_ =	strace $0x80000046;
	[dreg:$0x1] =	wrdreg $0xFFFFFFFF  }
0xa7: {  	s28 =	simm.s32 $_size_execute0_lowered;
	s3 =	sadd.s32 s3, s5;
	[dreg:$0x0] =	wrdreg $0x0  }
0xa8: {  	s5 =	sshll.u32 s28, $0x1;
	[dreg:$0x2] =	wrdreg s3  }
0xa9: {  	[dreg:$0x3] =	wrdreg s5  }
0xaa: {  	[dreg:$0x4] =	wrdreg $0xC0  }
0xab: {  	_ =	task [dreg:s7], $0x5FFFF  }
0xac: {  	[dreg:$0x1] =	wrdreg $0xFFFFFFFF  }
0xad: {  	[dreg:$0x0] =	wrdreg $0x60  }
0xae: {  	[dreg:$0x2] =	wrdreg s2  }
0xaf: {  	[dreg:$0x3] =	wrdreg s24  }
0xb0: {  	[dreg:$0x4] =	wrdreg $0x49000  }
0xb1: {  	[dreg:$0x5] =	wrdreg $0x9  }
0xb2: {  	_ =	task.clear_ibuf [dreg:s7], $0x6FFFF;
	_ =	strace $0x90000046  }
0xb3: {  	s29 =	simm.s32 $0x9;
	_ =	strace $0x80000048  }
0xb4: {  	_ =	swait.ge [sflag:s29], $0x1  }
0xb5: {  	[sflag:s29] =	ssyncadd.s32 $0xFFFFFFFF  }
0xb6: {  	_ =	strace $0x90000048  }
0xb7: {  	_ =	sfence  }
0xb8: {  	s30 =	sld [smem:$0x0];
	_ =	sdelay $0x2  }
0xb9: {  	s31 =	sshll.u32 s1, $0xD;
	s1 =	sshrl.u32 s1, $0x2  }
0xba: {  	s3 =	sand.u32 $0x4000, s31;
	s1 =	sadd.s32 s1, s30  }
0xbb: {  	s0 =	sor.u32 s3, s0;
	s1 =	sshll.u32 s1, $0x11  }
0xbc: {  	s0 =	sor.u32 s1, s0  }
0xbd: {  	s0 =	sadd.s32 $0x8F2B, s0  }
0xbe: {  	[sflag:s0] =	ssyncadd.remote.s32 $0x1  }
0xbf: {  	_ =	sfence.sel $0xFFFF  }
0xc0: {  	[dreg:$0x0] =	wrdreg $0xFFFFFFFF;
	(pc) =	sbr.abs _section_cstart, $3  }
0xc1: {  	[dreg:$0x1] =	wrdreg $0xFFFFFFFF  }
0xc2: {  	_ =	task.clear_ibuf [dreg:s7], $0x2FFFF;
	_ =	strace $0x9FFFFFFF  }
0xc3: {  	(tm) =	ssettm $0x7FFFFFFF  }
tec
execute0_lowered:
.L_overlay_start_1:
0x0: {  	(tag) =	ssettag $0x1  }
0x1: {  	s0 =	rddreg [dreg:$0x1]  }
0x2: {  	s3 =	rddreg [dreg:$0x2]  }
0x3: {  	s1 =	simm.s32 $0x0;
	s13 =	stileid.u32;
	s20 =	srdreg.scid  }
0x4: {  	[smem:$0x7FF] =	sst s1;
	s2 =	smul.u32 $0x6B000, s13;
	s1 =	sand.u32 $0x1, s20  }
0x5: {  	s22 =	sadd.s32 $0x67000, s0;
	_ =	strace $0x80000047;
	[dreg:$0x4] =	wrdreg s1  }
0x6: {  	s6 =	sadd.s32 $0x66000, s0;
	s23 =	sadd.s32 $0x67800, s0;
	[dreg:$0x7] =	wrdreg s22  }
0x7: {  	s7 =	sadd.s32 $0x66800, s0;
	s25 =	sadd.s32 $0x68000, s0;
	[dreg:$0x8] =	wrdreg s23  }
0x8: {  	s14 =	smul.u32 $0x350, s13;
	s26 =	sadd.s32 $0x68800, s0;
	[dreg:$0xa] =	wrdreg s25  }
0x9: {  	v0 =	vimm.s32 $0xEDCBA987;
	s21 =	smul.u32 $0x6A000, s13;
	s1 =	ssub.s32 $0x2, s1;
	[dreg:$0xb] =	wrdreg s26  }
0xa: {  	v0 =	vunpack.c.l.s4.s8 v0;
	s2 =	sshrl.u32 s2, $0x2;
	s4 =	sshrl.u32 s1, $0x1;
	[dreg:$0x6] =	wrdreg s14  }
0xb: {  	v1 =	vimm.s32 $0x65432100;
	s24 =	sadd.s32 $0x300, s14;
	s10 =	sadd.s32 s2, s3;
	s1 =	ssub.s32 s1, s4  }
0xc: {  	v2 =	vimm.s32 $0xDCBA9876;
	v1 =	vunpack.c.l.s4.s8 v1;
	v0 =	vunpack.c.0.s8.s32 v0;
	s4 =	sshrl.u32 s21, $0x2;
	[dreg:$0x9] =	wrdreg s24;
	s2 =	sadd.s32 $0x4000, s10  }
0xd: {  	v2 =	vunpack.c.l.s4.s8 v2;
	s5 =	sadd.s32 $0x8000, s10;
	s8 =	sadd.s32 $0xC000, s10;
	s9 =	sadd.s32 $0x10000, s10  }
0xe: {  	v1 =	vunpack.c.0.s8.s32 v1;
	s11 =	sadd.s32 $0x14000, s10;
	[dreg:$0x5] =	wrdreg s10;
	s12 =	sadd.s32 $0x18000, s10;
	v3 =	vand.u32 $0xF, v0;
	v0 =	vimm.s32 $0x54321000  }
0xf: {  	v5 =	vimm.s32 $0xE40000;
	v2 =	vunpack.c.0.s8.s32 v2;
	s10 =	sadd.s32 $0x2100, s0;
	s15 =	sadd.s32 s4, s3;
	s0 =	sadd.s32 $0x69000, s0;
	v4 =	vunpack.c.l.s4.s8 v0  }
0x10: {  	v6 =	vimm.s32 $0x32100000;
	s4 =	sshll.u32 s24, $0x7;
	s1 =	smax.u32 s1, $0x1;
	v1 =	vcombine.low v1, v3;
	v3 =	vunpack.c.l.s2.s4 v5;
	[dreg:$0xc] =	wrdreg s0  }
0x11: {  	s0 =	sadd.s32 s4, s3;
	[dreg:$0xd] =	wrdreg s1;
	v5 =	vand.u32 $0xF, v2;
	v2 =	vimm.s32 $0xBA987654;
	s4 =	sshrl.u32 s2, $0x3;
	v4 =	vunpack.c.0.s8.s32 v4  }
0x12: {  	vm0 =	vmmov $0x3;
	s20 =	sshrl.u32 s5, $0x3;
	s21 =	sshrl.u32 s8, $0x3;
	s22 =	sshrl.u32 s9, $0x3;
	v7 =	vunpack.c.l.s4.s8 v2;
	v8 =	vunpack.c.l.s4.s8 v3  }
0x13: {  	vm2 =	vcmask $0x3F30;
	s23 =	sshrl.u32 s11, $0x3;
	s11 =	sadd.s32 $0x4000, s15;
	s24 =	sshrl.u32 s12, $0x3;
	v3 =	vcombine.low v4, v5;
	v4 =	vunpack.c.l.s4.s8 v6  }
0x14: {  	s14 =	sadd.s32 $0x8000, s15;
	s16 =	sadd.s32 $0xC000, s15;
	s17 =	sadd.s32 $0x10000, s15;
	v5 =	vunpack.c.0.s8.s32 v7;
	v6 =	vimm.s32 $0x7060504;
	v7 =	vunpack.c.0.s8.s32 v8  }
0x15: {  	vm1 =	vmmov $0xf;
	s19 =	smov.u32 s15;
	s18 =	sadd.s32 $0x14000, s15;
	s2 =	simm.s32 $0x0;
	v6 =	vunpack.c.0.s8.s32 v6;
	v4 =	vunpack.c.0.s8.s32 v4  }
0x16: {  	v0 =	vimm.s32 $0x0;
	[dreg:$0xe] =	wrdreg s4;
	s25 =	sshrl.u32 s11, $0x3;
	s26 =	sshrl.u32 s14, $0x3;
	v5 =	vand.u32 $0xF, v5;
	v7 =	vand.u32 $0x3, v7  }
0x17: {  	v2 =	vlaneseq.u32;
	s28 =	sshrl.u32 s16, $0x3;
	s29 =	sshrl.u32 s17, $0x3;
	s30 =	sshrl.u32 s18, $0x3;
	v4 =	vcombine.low v4, v5;
	v5 =	vsel vm2, v6, v7  }
0x18: {  	s31 =	sshrl.u32 s0, $0x3;
	s0 =	smul.u32 $0x32, s13;
	s4 =	simm.s32 $0x1;
	vm2 =	vmmov $0xff;
	v6 =	vimm.s32 $0x7;
	v7 =	vadd.s32 $0x1, v2  }
.LBB2_1:
0x19: {  	[dreg:$0xf] =	wrdreg s2  }
0x1a: {  	s1 =	rddreg [dreg:$0x0];
	s17 =	simm.s32 $0x0;
	s5 =	simm.s32 $0x900  }
0x1b: {  	[tilespmem:s5], [sflag:$0x1] =	stream.linear.gather [hbm4b:s1+s17], $0x4000, $0x38;
	[tilespmem:$0x1F500] =	vst v63  }
0x1c: {  	s18 =	stileid.u32;
	_ =	swait.ge [sflag:s4], $0x4000  }
0x1d: {  	s1 =	sshll.u32 s18, $0x6;
	[sflag:s4] =	ssyncset.done $0x0  }
0x1e: {  	s18 =	simm.s32 $0x0;
	s1 =	sor.u32 $0x1C01, s1;
	[sflag:s4] =	ssyncadd.s32 $0xFFFFC000  }
.LBB2_2:
0x1f: {  	s2 =	rddreg [dreg:$0x5]  }
0x20: {  	s2 =	sshrl.u32 s2, $0x3  }
0x21: {  	[spmem:s2], [sflag:s1] =	dma.local [hbm:s6], $0x800  }
0x22: {  	_ =	swait.ge [sflag:s4], $0x800  }
0x23: {  	[sflag:s4] =	ssyncset.done $0x0  }
0x24: {  	s16 =	rddreg [dreg:$0xe];
	[sflag:s4] =	ssyncadd.s32 $0xFFFFF800  }
0x25: {  	[spmem:s16], [sflag:s1] =	dma.local [hbm:s6], $0x800  }
0x26: {  	_ =	swait.ge [sflag:s4], $0x800  }
0x27: {  	[sflag:s4] =	ssyncset.done $0x0  }
0x28: {  	[sflag:s4] =	ssyncadd.s32 $0xFFFFF800  }
0x29: {  	[spmem:s20], [sflag:s1] =	dma.local [hbm:s6], $0x800  }
0x2a: {  	_ =	swait.ge [sflag:s4], $0x800  }
0x2b: {  	[sflag:s4] =	ssyncset.done $0x0  }
0x2c: {  	[sflag:s4] =	ssyncadd.s32 $0xFFFFF800  }
0x2d: {  	[spmem:s21], [sflag:s1] =	dma.local [hbm:s6], $0x800  }
0x2e: {  	_ =	swait.ge [sflag:s4], $0x800  }
0x2f: {  	[sflag:s4] =	ssyncset.done $0x0  }
0x30: {  	[sflag:s4] =	ssyncadd.s32 $0xFFFFF800  }
0x31: {  	[spmem:s22], [sflag:s1] =	dma.local [hbm:s6], $0x800  }
0x32: {  	_ =	swait.ge [sflag:s4], $0x800  }
0x33: {  	[sflag:s4] =	ssyncset.done $0x0  }
0x34: {  	[sflag:s4] =	ssyncadd.s32 $0xFFFFF800  }
0x35: {  	[spmem:s23], [sflag:s1] =	dma.local [hbm:s6], $0x800  }
0x36: {  	_ =	swait.ge [sflag:s4], $0x800  }
0x37: {  	[sflag:s4] =	ssyncset.done $0x0  }
0x38: {  	[sflag:s4] =	ssyncadd.s32 $0xFFFFF800  }
0x39: {  	[spmem:s24], [sflag:s1] =	dma.local [hbm:s6], $0x580  }
0x3a: {  	_ =	swait.ge [sflag:s4], $0x580  }
0x3b: {  	s17 =	sshll.u32 s18, $0x1;
	s5 =	rddreg [dreg:$0x4]  }
0x3c: {  	s2 =	sor.u32 s5, s17  }
0x3d: {  	[sflag:s4] =	ssyncset.done $0x0;
	s2 =	smul.u32 $0x3500, s2  }
0x3e: {  	s13 =	simm.s32 $0x0;
	[sflag:s4] =	ssyncadd.s32 $0xFFFFFA80  }
0x3f: {  	s8 =	simm.s32 $0x0;
	s5 =	simm.s32 $0x0;
	[bflag:$0x0] =	sbarrier.arrive $0xFFFF;
	v8 =	vmov s2  }
.LBB2_3:
0x40: {  	s9 =	sadd.s32 s0, s8  }
0x41: {  	s9 =	sshll.u32 s9, $0x9  }
0x42: {  	s9 =	sadd.s32 s9, s10  }
0x43: {  	[tilespmem:s5], [sflag:$0x1] =	stream.linear.gather [hbm4b:s9+s5], $0x800, $0x38;
	[tilespmem:$0x1F500] =	vst v63  }
0x44: {  	_ =	swait.ge [sflag:s4], $0x800  }
0x45: {  	[sflag:s4] =	ssyncset.done $0x0  }
0x46: {  	s16 =	simm.s32 $0x0;
	[sflag:s4] =	ssyncadd.s32 $0xFFFFF800  }
0x47: {  	v9 =	vld [tilespmem:s16+$0x0];
	_ =	sdelay $0x4  }
0x48: {  	v9 =	vsub.s32 v9, v8  }
0x49: {  	vm3 =	vlt.u32 v9, $0x3500  }
0x4a: {  	v10 =	vsel vm3, $0x1, v0  }
0x4b: {  	v11 =	vperm.xlane v10, v1  }
0x4c: {  	vm3 =	veq.s32 v2, $0x0  }
0x4d: {  	v11 =	vsel vm3, $0x0, v11  }
0x4e: {  	v10 =	vadd.s32 v10, v11  }
0x4f: {  	v11 =	vperm.xlane v10, v3;
	_ =	sdelay $0x1  }
0x50: {  	v11 =	vsel vm0, $0x0, v11  }
0x51: {  	v10 =	vadd.s32 v11, v10  }
0x52: {  	v11 =	vperm.xlane v10, v4;
	_ =	sdelay $0x1  }
0x53: {  	v11 =	vsel vm1, $0x0, v11  }
0x54: {  	v10 =	vadd.s32 v11, v10  }
0x55: {  	v11 =	vperm.xlane v10, v5;
	_ =	sdelay $0x1  }
0x56: {  	v11 =	vsel vm2, $0x0, v11  }
0x57: {  	v11 =	vadd.s32 v11, v10  }
0x58: {  	v10 =	vperm.xlane v11, v6;
	(v2sf) =	vpush v11, $0xF;
	_ =	sdelay $0x1  }
0x59: {  	vm4 =	vlt.s32 v10, v7  }
0x5a: {  	v10 =	vsel vm4, $0x8, v0  }
0x5b: {  	v12 =	vor.u32 $0x3, v10  }
0x5c: {  	v12 =	vperm.xlane v11, v12;
	_ =	sdelay $0x1  }
0x5d: {  	v13 =	vor.u32 $0x4, v10;
	vm4 =	vlt.s32 v12, v7  }
0x5e: {  	v10 =	vsel vm4, v13, v10  }
0x5f: {  	v63 =	vor.u32 $0x1, v10  }
0x60: {  	v12 =	vperm.xlane v11, v63;
	_ =	sdelay $0x1  }
0x61: {  	v13 =	vor.u32 $0x2, v10;
	vm4 =	vlt.s32 v12, v7  }
0x62: {  	v10 =	vsel vm4, v13, v10  }
0x63: {  	v11 =	vperm.xlane v11, v10  }
0x64: {  	s17 =	spop (v2sf)  }
0x65: {  	s11 =	simm.s32 $0x40;
	s12 =	simm.s32 $0x80;
	vm4 =	vlt.s32 v11, v7;
	s9 =	sadd.s32 s13, s17  }
.LBB2_4:
0x66: {  	v11 =	vsel vm4, $0x1, v0;
	s14 =	smov.u32 s12;
	s12 =	sadd.s32 $0x40, s12  }
0x67: {  	p0 =	sne.s32 s12, $0x2000;
	v10 =	vor.u32 v11, v10  }
0x68: {  	v9 =	vperm.xlane v9, v10;
	_ =	sdelay $0x1  }
0x69: {  	p1 =	slt.s32 s9, $0x71;
	[tilespmem:s13+$0x800] =	vst v9;
	s13 =	smov.u32 s9  }
0x6a: {  	v10 =	vlaneseq.u32 @!p1;
	v9 =	vmov @!p1 s9;
	v11 =	vld @!p1 [tilespmem:$0x870];
	s13 =	simm.s32 @!p1 $0x0  }
0x6b: {  	v12 =	vor.u32 @!p1 $0x20, v10;
	v13 =	vor.u32 @!p1 $0x30, v10;
	v14 =	vor.u32 @!p1 $0x40, v10;
	v15 =	vld @!p1 [tilespmem:$0x850]  }
0x6c: {  	vm4 =	vgt.s32 @!p1 v9, v12;
	vm5 =	vgt.s32 @!p1 v9, v13;
	v13 =	vor.u32 @!p1 $0x50, v10;
	v12 =	vld @!p1 [tilespmem:$0x840]  }
0x6d: {  	vm6 =	vgt.s32 @!p1 v9, v14;
	vm7 =	vgt.s32 @!p1 v9, v13;
	v13 =	vor.u32 @!p1 $0x70, v10;
	v16 =	vld @!p1 [tilespmem:$0x830]  }
0x6e: {  	v17 =	vor.u32 @!p1 $0x60, v10;
	vm8 =	vgt.s32 @!p1 v9, v10;
	vm9 =	vgt.s32 @!p1 v9, v13;
	v14 =	vld @!p1 [tilespmem:$0x820]  }
0x6f: {  	vm10 =	vgt.s32 @!p1 v9, v17;
	v10 =	vor.u32 @!p1 $0x10, v10;
	v13 =	vld @!p1 [tilespmem:$0x800];
	v11 =	vnsel @!p1 vm9, $0x3500, v11  }
0x70: {  	vm9 =	vgt.s32 @!p1 v9, v10;
	v9 =	vnsel @!p1 vm7, $0x3500, v15;
	v10 =	vld @!p1 [tilespmem:$0x860];
	[tilespmem:$0x8F0] =	vst @!p1 v11  }
0x71: {  	v11 =	vld @!p1 [tilespmem:$0x810];
	v12 =	vnsel @!p1 vm6, $0x3500, v12;
	[tilespmem:$0x8D0] =	vst @!p1 v9  }
0x72: {  	v9 =	vnsel @!p1 vm5, $0x3500, v16;
	[tilespmem:$0x8C0] =	vst @!p1 v12  }
0x73: {  	v12 =	vnsel @!p1 vm4, $0x3500, v14;
	[tilespmem:$0x8B0] =	vst @!p1 v9  }
0x74: {  	v9 =	vnsel @!p1 vm8, $0x3500, v13;
	[tilespmem:$0x8A0] =	vst @!p1 v12  }
0x75: {  	[tilespmem:$0x880] =	vst @!p1 v9;
	v9 =	vnsel @!p1 vm10, $0x3500, v10  }
0x76: {  	s9 =	simm.s32 @!p1 $0x1;
	v10 =	vnsel @!p1 vm9, $0x3500, v11;
	[tilespmem:$0x8E0] =	vst @!p1 v9  }
0x77: {  	s15 =	simm.s32 @!p1 $0x80;
	s16 =	simm.s32 @!p1 $0x880;
	s17 =	simm.s32 @!p1 $0x900;
	[tilespmem:$0x890] =	vst @!p1 v10  }
0x78: {  	[spmem:s3] =	stream.indirect.scatter.add.f32 @!p1 [tilespmem:s17], [sflag:$0x1], $0x80, s16, s15, $0xb8;
	[tilespmem:$0x1F500] =	vst v63  }
0x79: {  	_ =	swait.ge @!p1 [sflag:s9], $0x4000  }
0x7a: {  	[sflag:s9] =	ssyncset.done @!p1 $0x0  }
0x7b: {  	s15 =	sshra.s32 s11, $0x2;
	s11 =	smov.u32 s14;
	[sflag:s9] =	ssyncadd.s32 @!p1 $0xFFFFC000  }
0x7c: {  	v9 =	vld [tilespmem:s15+$0x0];
	_ =	sdelay $0x4  }
0x7d: {  	v9 =	vsub.s32 v9, v8  }
0x7e: {  	vm4 =	vlt.u32 v9, $0x3500  }
0x7f: {  	v10 =	vsel vm4, $0x1, v0  }
0x80: {  	v11 =	vperm.xlane v10, v1;
	_ =	sdelay $0x1  }
0x81: {  	v11 =	vsel vm3, $0x0, v11  }
0x82: {  	v10 =	vadd.s32 v10, v11  }
0x83: {  	v11 =	vperm.xlane v10, v3;
	_ =	sdelay $0x1  }
0x84: {  	v11 =	vsel vm0, $0x0, v11  }
0x85: {  	v10 =	vadd.s32 v11, v10  }
0x86: {  	v11 =	vperm.xlane v10, v4;
	_ =	sdelay $0x1  }
0x87: {  	v11 =	vsel vm1, $0x0, v11  }
0x88: {  	v10 =	vadd.s32 v11, v10  }
0x89: {  	v11 =	vperm.xlane v10, v5;
	_ =	sdelay $0x1  }
0x8a: {  	v11 =	vsel vm2, $0x0, v11  }
0x8b: {  	v11 =	vadd.s32 v11, v10  }
0x8c: {  	v10 =	vperm.xlane v11, v6;
	(v2sf) =	vpush v11, $0xF;
	_ =	sdelay $0x1  }
0x8d: {  	vm4 =	vlt.s32 v10, v7  }
0x8e: {  	v10 =	vsel vm4, $0x8, v0  }
0x8f: {  	v12 =	vor.u32 $0x4, v10;
	v13 =	vor.u32 $0x3, v10  }
0x90: {  	v13 =	vperm.xlane v11, v13;
	_ =	sdelay $0x1  }
0x91: {  	vm4 =	vlt.s32 v13, v7  }
0x92: {  	v10 =	vsel vm4, v12, v10  }
0x93: {  	v12 =	vor.u32 $0x1, v10  }
0x94: {  	v12 =	vperm.xlane v11, v12;
	_ =	sdelay $0x1  }
.Ltmp0:
0x95: {  	v13 =	vor.u32 $0x2, v10;
	vm4 =	vlt.s32 v12, v7;
	(pc) =	sbr.rel @p0 .LBB2_4-.Ltmp0, $4  }
0x96: {  	v10 =	vsel vm4, v13, v10  }
0x97: {  	v11 =	vperm.xlane v11, v10  }
0x98: {  	s9 =	spop (v2sf)  }
0x99: {  	vm4 =	vlt.s32 v11, v7;
	s9 =	sadd.s32 s13, s9  }
0x9a: {  	v11 =	vsel vm4, $0x1, v0  }
0x9b: {  	v10 =	vor.u32 v11, v10  }
0x9c: {  	v9 =	vperm.xlane v9, v10;
	_ =	sdelay $0x1  }
0x9d: {  	p0 =	slt.s32 s9, $0x71;
	[tilespmem:s13+$0x800] =	vst v9  }
0x9e: {  	v9 =	vld @!p0 [tilespmem:$0x870]  }
0x9f: {  	v10 =	vld @!p0 [tilespmem:$0x850]  }
0xa0: {  	v11 =	vlaneseq.u32 @!p0;
	v12 =	vld @!p0 [tilespmem:$0x840]  }
0xa1: {  	v13 =	vmov @!p0 s9;
	v15 =	vor.u32 @!p0 $0x70, v11;
	v14 =	vld @!p0 [tilespmem:$0x830]  }
0xa2: {  	v16 =	vor.u32 @!p0 $0x50, v11;
	vm3 =	vgt.s32 @!p0 v13, v15;
	v17 =	vld @!p0 [tilespmem:$0x820]  }
0xa3: {  	v15 =	vor.u32 @!p0 $0x40, v11;
	vm4 =	vgt.s32 @!p0 v13, v16;
	v16 =	vld @!p0 [tilespmem:$0x800];
	v9 =	vnsel @!p0 vm3, $0x3500, v9  }
0xa4: {  	vm3 =	vgt.s32 @!p0 v13, v15;
	v15 =	vor.u32 @!p0 $0x30, v11;
	v10 =	vnsel @!p0 vm4, $0x3500, v10;
	[tilespmem:$0x8F0] =	vst @!p0 v9;
	v9 =	vld @!p0 [tilespmem:$0x860]  }
0xa5: {  	vm4 =	vgt.s32 @!p0 v13, v15;
	v15 =	vor.u32 @!p0 $0x20, v11;
	[tilespmem:$0x8D0] =	vst @!p0 v10;
	v10 =	vld @!p0 [tilespmem:$0x810];
	v12 =	vnsel @!p0 vm3, $0x3500, v12  }
0xa6: {  	vm3 =	vgt.s32 @!p0 v13, v15;
	v14 =	vnsel @!p0 vm4, $0x3500, v14;
	[tilespmem:$0x8C0] =	vst @!p0 v12  }
0xa7: {  	vm4 =	vgt.s32 @!p0 v13, v11;
	v12 =	vor.u32 @!p0 $0x60, v11;
	v15 =	vnsel @!p0 vm3, $0x3500, v17;
	[tilespmem:$0x8B0] =	vst @!p0 v14  }
0xa8: {  	v11 =	vor.u32 @!p0 $0x10, v11;
	vm3 =	vgt.s32 @!p0 v13, v12;
	v12 =	vnsel @!p0 vm4, $0x3500, v16;
	[tilespmem:$0x8A0] =	vst @!p0 v15  }
0xa9: {  	vm4 =	vgt.s32 @!p0 v13, v11;
	[tilespmem:$0x880] =	vst @!p0 v12;
	v9 =	vnsel @!p0 vm3, $0x3500, v9  }
0xaa: {  	s12 =	simm.s32 @!p0 $0x1;
	v10 =	vnsel @!p0 vm4, $0x3500, v10;
	[tilespmem:$0x8E0] =	vst @!p0 v9  }
0xab: {  	s14 =	simm.s32 @!p0 $0x880;
	s15 =	simm.s32 @!p0 $0x900;
	s13 =	simm.s32 @!p0 $0x80;
	[tilespmem:$0x890] =	vst @!p0 v10  }
0xac: {  	[spmem:s3] =	stream.indirect.scatter.add.f32 @!p0 [tilespmem:s15], [sflag:$0x1], $0x80, s14, s13, $0xb8;
	[tilespmem:$0x1F500] =	vst v63  }
0xad: {  	_ =	swait.ge @!p0 [sflag:s12], $0x4000  }
0xae: {  	[sflag:s12] =	ssyncset.done @!p0 $0x0  }
0xaf: {  	s11 =	sshra.s32 s11, $0x2;
	[sflag:s12] =	ssyncadd.s32 @!p0 $0xFFFFC000  }
0xb0: {  	v9 =	vld [tilespmem:s11+$0x0];
	_ =	sdelay $0x4  }
0xb1: {  	v9 =	vsub.s32 v9, v8  }
0xb2: {  	vm3 =	vlt.u32 v9, $0x3500  }
0xb3: {  	v10 =	vsel vm3, $0x1, v0  }
0xb4: {  	v11 =	vperm.xlane v10, v1  }
0xb5: {  	vm3 =	veq.s32 v2, $0x0  }
0xb6: {  	v11 =	vsel vm3, $0x0, v11  }
0xb7: {  	v10 =	vadd.s32 v10, v11  }
0xb8: {  	v11 =	vperm.xlane v10, v3;
	_ =	sdelay $0x1  }
0xb9: {  	v11 =	vsel vm0, $0x0, v11  }
0xba: {  	v10 =	vadd.s32 v11, v10  }
0xbb: {  	v11 =	vperm.xlane v10, v4;
	_ =	sdelay $0x1  }
0xbc: {  	v11 =	vsel vm1, $0x0, v11  }
0xbd: {  	v10 =	vadd.s32 v11, v10  }
0xbe: {  	v11 =	vperm.xlane v10, v5;
	_ =	sdelay $0x1  }
0xbf: {  	v11 =	vsel vm2, $0x0, v11  }
0xc0: {  	v10 =	vadd.s32 v11, v10  }
0xc1: {  	v11 =	vperm.xlane v10, v6;
	_ =	sdelay $0x1  }
0xc2: {  	vm3 =	vlt.s32 v11, v7  }
0xc3: {  	v11 =	vsel vm3, $0x8, v0  }
0xc4: {  	(v2sf) =	vpush v10, $0xF;
	v61 =	vor.u32 $0x3, v11  }
0xc5: {  	v12 =	vperm.xlane v10, v61;
	_ =	sdelay $0x1  }
0xc6: {  	v62 =	vor.u32 $0x4, v11;
	vm3 =	vlt.s32 v12, v7  }
0xc7: {  	v11 =	vsel vm3, v62, v11  }
0xc8: {  	v63 =	vor.u32 $0x1, v11  }
0xc9: {  	v12 =	vperm.xlane v10, v63;
	_ =	sdelay $0x1  }
0xca: {  	v13 =	vor.u32 $0x2, v11;
	vm3 =	vlt.s32 v12, v7  }
0xcb: {  	v11 =	vsel vm3, v13, v11  }
0xcc: {  	v10 =	vperm.xlane v10, v11;
	_ =	sdelay $0x1  }
0xcd: {  	vm3 =	vlt.s32 v10, v7  }
0xce: {  	v10 =	vsel vm3, $0x1, v0  }
0xcf: {  	v10 =	vor.u32 v10, v11  }
0xd0: {  	s9 =	simm.s32 @!p0 $0x0;
	s17 =	spop (v2sf);
	v9 =	vperm.xlane v9, v10  }
0xd1: {  	s13 =	sadd.s32 s9, s17  }
0xd2: {  	p0 =	slt.s32 s13, $0x71;
	[tilespmem:s9+$0x800] =	vst v9  }
0xd3: {  	v9 =	vld @!p0 [tilespmem:$0x870]  }
0xd4: {  	v10 =	vld @!p0 [tilespmem:$0x850]  }
0xd5: {  	v11 =	vlaneseq.u32 @!p0;
	v12 =	vld @!p0 [tilespmem:$0x840]  }
0xd6: {  	v13 =	vmov @!p0 s13;
	v15 =	vor.u32 @!p0 $0x70, v11;
	v14 =	vld @!p0 [tilespmem:$0x830]  }
0xd7: {  	v16 =	vor.u32 @!p0 $0x50, v11;
	vm3 =	vgt.s32 @!p0 v13, v15;
	v17 =	vld @!p0 [tilespmem:$0x820]  }
0xd8: {  	v15 =	vor.u32 @!p0 $0x40, v11;
	vm4 =	vgt.s32 @!p0 v13, v16;
	v16 =	vld @!p0 [tilespmem:$0x800];
	v9 =	vnsel @!p0 vm3, $0x3500, v9  }
0xd9: {  	vm3 =	vgt.s32 @!p0 v13, v15;
	v15 =	vor.u32 @!p0 $0x30, v11;
	v10 =	vnsel @!p0 vm4, $0x3500, v10;
	[tilespmem:$0x8F0] =	vst @!p0 v9;
	v9 =	vld @!p0 [tilespmem:$0x860]  }
0xda: {  	vm4 =	vgt.s32 @!p0 v13, v15;
	v15 =	vor.u32 @!p0 $0x20, v11;
	[tilespmem:$0x8D0] =	vst @!p0 v10;
	v10 =	vld @!p0 [tilespmem:$0x810];
	v12 =	vnsel @!p0 vm3, $0x3500, v12  }
0xdb: {  	vm3 =	vgt.s32 @!p0 v13, v15;
	v14 =	vnsel @!p0 vm4, $0x3500, v14;
	[tilespmem:$0x8C0] =	vst @!p0 v12  }
0xdc: {  	vm4 =	vgt.s32 @!p0 v13, v11;
	v12 =	vor.u32 @!p0 $0x60, v11;
	v15 =	vnsel @!p0 vm3, $0x3500, v17;
	[tilespmem:$0x8B0] =	vst @!p0 v14  }
0xdd: {  	v11 =	vor.u32 @!p0 $0x10, v11;
	vm3 =	vgt.s32 @!p0 v13, v12;
	v12 =	vnsel @!p0 vm4, $0x3500, v16;
	[tilespmem:$0x8A0] =	vst @!p0 v15  }
0xde: {  	s8 =	sadd.s32 $0x1, s8;
	vm4 =	vgt.s32 @!p0 v13, v11;
	[tilespmem:$0x880] =	vst @!p0 v12;
	v9 =	vnsel @!p0 vm3, $0x3500, v9  }
0xdf: {  	p1 =	sne.s32 s8, $0x32;
	s11 =	simm.s32 @!p0 $0x80;
	s12 =	simm.s32 @!p0 $0x880;
	v10 =	vnsel @!p0 vm4, $0x3500, v10;
	[tilespmem:$0x8E0] =	vst @!p0 v9  }
.Ltmp1:
0xe0: {  	s14 =	simm.s32 @!p0 $0x900;
	s9 =	simm.s32 @!p0 $0x1;
	[tilespmem:$0x890] =	vst @!p0 v10;
	(pc) =	sbr.rel @p1 .LBB2_3-.Ltmp1, $4  }
0xe1: {  	[spmem:s3] =	stream.indirect.scatter.add.f32 @!p0 [tilespmem:s14], [sflag:$0x1], $0x80, s12, s11, $0xb8;
	[tilespmem:$0x1F500] =	vst v63  }
0xe2: {  	_ =	swait.ge @!p0 [sflag:s9], $0x4000  }
0xe3: {  	[sflag:s9] =	ssyncset.done @!p0 $0x0  }
0xe4: {  	s13 =	simm.s32 @!p0 $0x0;
	[sflag:s9] =	ssyncadd.s32 @!p0 $0xFFFFC000  }
0xe5: {  	p0 =	slt.s32 s13, $0x1  }
0xe6: {  	v8 =	vld @!p0 [tilespmem:$0x800]  }
0xe7: {  	v9 =	vld @!p0 [tilespmem:$0x810]  }
0xe8: {  	v10 =	vld @!p0 [tilespmem:$0x820]  }
0xe9: {  	v11 =	vmov @!p0 s13;
	v12 =	vlaneseq.u32 @!p0;
	v13 =	vld @!p0 [tilespmem:$0x830]  }
0xea: {  	v15 =	vld @!p0 [tilespmem:$0x840];
	vm3 =	vgt.s32 @!p0 v11, v12;
	v14 =	vor.u32 @!p0 $0x10, v12  }
0xeb: {  	v16 =	vld @!p0 [tilespmem:$0x850];
	v8 =	vnsel @!p0 vm3, $0x3500, v8;
	vm3 =	vgt.s32 @!p0 v11, v14;
	v14 =	vor.u32 @!p0 $0x20, v12  }
0xec: {  	[tilespmem:$0x880] =	vst @!p0 v8;
	v8 =	vnsel @!p0 vm3, $0x3500, v9;
	vm3 =	vgt.s32 @!p0 v11, v14;
	v9 =	vor.u32 @!p0 $0x30, v12;
	v14 =	vld @!p0 [tilespmem:$0x860]  }
0xed: {  	[tilespmem:$0x890] =	vst @!p0 v8;
	v8 =	vnsel @!p0 vm3, $0x3500, v10;
	vm3 =	vgt.s32 @!p0 v11, v9;
	v9 =	vor.u32 @!p0 $0x40, v12;
	v10 =	vld @!p0 [tilespmem:$0x870]  }
0xee: {  	[tilespmem:$0x8A0] =	vst @!p0 v8;
	v8 =	vnsel @!p0 vm3, $0x3500, v13;
	vm3 =	vgt.s32 @!p0 v11, v9;
	v9 =	vor.u32 @!p0 $0x50, v12  }
0xef: {  	[tilespmem:$0x8B0] =	vst @!p0 v8;
	v8 =	vnsel @!p0 vm3, $0x3500, v15;
	vm3 =	vgt.s32 @!p0 v11, v9;
	v9 =	vor.u32 @!p0 $0x60, v12  }
0xf0: {  	[tilespmem:$0x8C0] =	vst @!p0 v8;
	v8 =	vnsel @!p0 vm3, $0x3500, v16;
	vm3 =	vgt.s32 @!p0 v11, v9;
	v9 =	vor.u32 @!p0 $0x70, v12  }
0xf1: {  	[tilespmem:$0x8D0] =	vst @!p0 v8;
	v8 =	vnsel @!p0 vm3, $0x3500, v14;
	vm3 =	vgt.s32 @!p0 v11, v9  }
0xf2: {  	[tilespmem:$0x8E0] =	vst @!p0 v8;
	v8 =	vnsel @!p0 vm3, $0x3500, v10  }
0xf3: {  	s5 =	simm.s32 @!p0 $0x80;
	s8 =	simm.s32 @!p0 $0x880;
	s9 =	simm.s32 @!p0 $0x900;
	[tilespmem:$0x8F0] =	vst @!p0 v8  }
0xf4: {  	[spmem:s3] =	stream.indirect.scatter.add.f32 @!p0 [tilespmem:s9], [sflag:$0x1], $0x80, s8, s5, $0xb8;
	[tilespmem:$0x1F500] =	vst v63  }
0xf5: {  	s5 =	simm.s32 @!p0 $0x1  }
0xf6: {  	_ =	swait.ge @!p0 [sflag:s5], $0x4000  }
0xf7: {  	s15 =	rddreg [dreg:$0x6]  }
0xf8: {  	[sflag:s5] =	ssyncset.done @!p0 $0x0;
	s8 =	sadd.s32 s15, s2  }
0xf9: {  	[sflag:s5] =	ssyncadd.s32 @!p0 $0xFFFFC000;
	s16 =	sshll.u32 s8, $0x4  }
0xfa: {  	s17 =	sshrl.u32 s19, $0x3;
	[bflag:$0x0] =	sbarrier.arrive $0xFFFF;
	s8 =	sadd.s32 s7, s16  }
0xfb: {  	[hbm:s8], [sflag:s1] =	dma.local [spmem:s17], $0x800  }
0xfc: {  	_ =	swait.ge [sflag:s4], $0x800  }
0xfd: {  	[sflag:s4] =	ssyncset.done $0x0;
	s11 =	rddreg [dreg:$0x7]  }
0xfe: {  	[sflag:s4] =	ssyncadd.s32 $0xFFFFF800;
	s8 =	sadd.s32 s16, s11  }
0xff: {  	[hbm:s8], [sflag:s1] =	dma.local [spmem:s25], $0x800  }
0x100: {  	_ =	swait.ge [sflag:s4], $0x800  }
0x101: {  	[sflag:s4] =	ssyncset.done $0x0;
	s12 =	rddreg [dreg:$0x8]  }
0x102: {  	[sflag:s4] =	ssyncadd.s32 $0xFFFFF800;
	s8 =	sadd.s32 s16, s12  }
0x103: {  	[hbm:s8], [sflag:s1] =	dma.local [spmem:s26], $0x800  }
0x104: {  	_ =	swait.ge [sflag:s4], $0x800  }
0x105: {  	[sflag:s4] =	ssyncset.done $0x0;
	s13 =	rddreg [dreg:$0xa]  }
0x106: {  	[sflag:s4] =	ssyncadd.s32 $0xFFFFF800;
	s8 =	sadd.s32 s16, s13  }
0x107: {  	[hbm:s8], [sflag:s1] =	dma.local [spmem:s28], $0x800  }
0x108: {  	_ =	swait.ge [sflag:s4], $0x800  }
0x109: {  	[sflag:s4] =	ssyncset.done $0x0;
	s14 =	rddreg [dreg:$0xb]  }
0x10a: {  	[sflag:s4] =	ssyncadd.s32 $0xFFFFF800;
	s8 =	sadd.s32 s16, s14  }
0x10b: {  	[hbm:s8], [sflag:s1] =	dma.local [spmem:s29], $0x800  }
0x10c: {  	_ =	swait.ge [sflag:s4], $0x800  }
0x10d: {  	[sflag:s4] =	ssyncset.done $0x0;
	s15 =	rddreg [dreg:$0xc]  }
0x10e: {  	[sflag:s4] =	ssyncadd.s32 $0xFFFFF800;
	s5 =	sadd.s32 s16, s15  }
0x10f: {  	[hbm:s5], [sflag:s1] =	dma.local [spmem:s30], $0x800  }
0x110: {  	_ =	swait.ge [sflag:s4], $0x800  }
0x111: {  	s16 =	rddreg [dreg:$0x9]  }
0x112: {  	s17 =	sadd.s32 s16, s2  }
0x113: {  	s18 =	sadd.s32 $0x1, s18;
	[sflag:s4] =	ssyncset.done $0x0;
	s2 =	sshll.u32 s17, $0x4  }
0x114: {  	p0 =	sne.s32 s18, $0x4;
	[sflag:s4] =	ssyncadd.s32 $0xFFFFF800;
	s2 =	sadd.s32 s7, s2  }
0x115: {  	[hbm:s2], [sflag:s1] =	dma.local [spmem:s31], $0x500  }
.Ltmp2:
0x116: {  	_ =	swait.ge [sflag:s4], $0x500;
	(pc) =	sbr.rel @p0 .LBB2_2-.Ltmp2, $3  }
0x117: {  	[sflag:s4] =	ssyncset.done $0x0  }
0x118: {  	[sflag:s4] =	ssyncadd.s32 $0xFFFFFB00  }
0x119: {  	[bflag:$0x0] =	sbarrier.arrive $0xFFFF;
	_ =	sdelay $0x1  }
0x11a: {  	s2 =	rddreg [dreg:$0xf]  }
0x11b: {  	s1 =	rddreg [dreg:$0xd];
	s2 =	sadd.s32 $0x1, s2  }
0x11c: {  	p0 =	sne.s32 s2, s1  }
.Ltmp3:
0x11d: {  	_ = 	snop;
	(pc) =	sbr.rel @p0 .LBB2_1-.Ltmp3, $1  }
0x11e: {  	_ =	sdelay $0x3  }
0x11f: {  	_ =	sfence.sel $0x180000  }
0x120: {  	[bflag:$0x0] =	sbarrier.arrive $0xFFFF  }
0x121: {  	_ =	strace $0x90000047  }
0x122: {  	s0 =	stileid.u32;
	[bflag:$0x2] =	sbarrier.arrive $0xFFFF  }
0x123: {  	p0 =	sne.s32 s0, $0x0;
	s0 =	rddreg [dreg:$0x3]  }
0x124: {  	s0 =	sadd.s32 @!p0 $0x100000, s0  }
0x125: {  	[sflag:s0] =	ssyncadd.tile.s32 @!p0 $0x1;
	_ =	shalt  }
.Lfunc_end2:
_tile_overlayer_lowered:
.L_overlay_start_2:
0x126: {  	(tag) =	ssettag $0x2  }
0x127: {  	s0 =	rddreg [dreg:$0x0];
	s2 =	stileid.u32  }
0x128: {  	s1 =	rddreg [dreg:$0x1];
	p0 =	sne.s32 s2, $0x0  }
0x129: {  	s3 =	rddreg [dreg:$0x2];
	[bflag:$0x3] =	sbarrier.arrive $0xFFFF;
	s2 =	simm.s32 @!p0 $0x1C01  }
0x12a: {  	[timem:s3], [sflag:s2] =	dma.local @!p0 [hbm:s0], s1  }
0x12b: {  	s0 =	simm.s32 @!p0 $0x1  }
0x12c: {  	_ =	swait.ge @!p0 [sflag:s0], s1  }
0x12d: {  	s1 =	ssub.s32 @!p0 $0x0, s1;
	[sflag:s0] =	ssyncset.done @!p0 $0x0  }
0x12e: {  	[sflag:s0] =	ssyncadd.s32 @!p0 s1  }
0x12f: {  	[bflag:$0x3] =	sbarrier.arrive $0xFFFF  }
0x130: {  	_ =	shalt  }

</sc_bundles>
